<compile_context>
chip_gen: v7x
topology: tpu7x:2x2x1
jax: 0.10.2.dev20260603
libtpu: 0.0.44.dev20260713+nightly
codegen_flags: <defaults>
</compile_context>

<pallas_src>
import functools

import jax
import jax.numpy as jnp
from jax import lax
from jax.experimental import pallas as pl
from jax.experimental.pallas import tpu as pltpu
from jax.experimental.pallas import tpu_sc as plsc

NC = 2
NS = 16
L = 16

_SC_PARAMS = pltpu.CompilerParams(use_tc_tiling_on_sc=False)


def _gatherv(vec, idx):
  dnums = lax.GatherDimensionNumbers(
      offset_dims=(), collapsed_slice_dims=(0,), start_index_map=(0,))
  return lax.gather(vec, idx.reshape(L, 1), dnums, slice_sizes=(1,),
                    mode=lax.GatherScatterMode.PROMISE_IN_BOUNDS)


def _bcast(vec, l):
  return _gatherv(vec, jnp.full((L,), l, jnp.int32))


def _allsum(vec):
  iota = lax.iota(jnp.int32, L)
  for step in (8, 4, 2, 1):
    vec = vec + _gatherv(vec, (iota + step) & (L - 1))
  return vec


def _chunks(total, ch):
  out = []
  off = 0
  while off < total:
    sz = min(ch, total - off)
    out.append((off, sz))
    off += sz
  return out



def _pipeline(w, nwin, wid, nwin_per_worker, src_ref, dst_ref,
              tables, bufs, accs, compute):
  def issue_idx(k, P):
    srcv, dstv = bufs[P][0], bufs[P][1]
    isem = bufs[P][5]
    off = (wid * nwin_per_worker + k) * w
    pltpu.async_copy(src_ref.at[pl.ds(off, w)], srcv, isem)
    pltpu.async_copy(dst_ref.at[pl.ds(off, w)], dstv, isem)

  def wait_idx(P):
    srcv, dstv = bufs[P][0], bufs[P][1]
    isem = bufs[P][5]
    pltpu.make_async_copy(src_ref.at[pl.ds(0, w)], srcv, isem).wait()
    pltpu.make_async_copy(dst_ref.at[pl.ds(0, w)], dstv, isem).wait()

  def issue_gathers(P):
    srcv, dstv, gat, gsem = bufs[P][0], bufs[P][1], bufs[P][3], bufs[P][6]
    for table, which, gbuf in zip(tables[0], tables[1], gat):
      idx = srcv if which == "s" else dstv
      pltpu.async_copy(table.at[idx], gbuf, gsem)

  def wait_gathers(P):
    srcv, dstv, gat, gsem = bufs[P][0], bufs[P][1], bufs[P][3], bufs[P][6]
    for table, which, gbuf in zip(tables[0], tables[1], gat):
      idx = srcv if which == "s" else dstv
      pltpu.make_async_copy(table.at[idx], gbuf, gsem).wait()

  def copy_dst(P):
    dstv, sdstv = bufs[P][1], bufs[P][2]
    def _cp(g, _):
      d = pl.ds(g * L, L)
      sdstv[d] = dstv[d]
      return 0
    lax.fori_loop(0, w // L, _cp, 0)

  def issue_scatters(P):
    sdstv, stats, ssem = bufs[P][2], bufs[P][4], bufs[P][7]
    for sbuf, acc in zip(stats, accs):
      pltpu.async_copy(sbuf, acc.at[sdstv], ssem, add=True)

  def wait_scatters(P):
    sdstv, stats, ssem = bufs[P][2], bufs[P][4], bufs[P][7]
    for sbuf, acc in zip(stats, accs):
      pltpu.make_async_copy(sbuf, acc.at[sdstv], ssem).wait()

  issue_idx(0, 0)
  wait_idx(0)
  issue_gathers(0)
  if nwin > 1:
    issue_idx(1, 1)

  def _slot(k, P):
    Q = 1 - P

    @pl.when(k + 1 < nwin)
    def _():
      wait_idx(Q)
      issue_gathers(Q)

    @pl.when(k >= 2)
    def _():
      wait_scatters(P)

    wait_gathers(P)
    copy_dst(P)

    @pl.when(k + 2 < nwin)
    def _():
      issue_idx(k + 2, P)

    compute(P)
    issue_scatters(P)

  assert nwin % 2 == 0 and nwin >= 4
  def _pair(i, _):
    _slot(2 * i, 0)
    _slot(2 * i + 1, 1)
    return 0
  lax.fori_loop(0, nwin // 2, _pair, 0)

  wait_scatters(0)
  wait_scatters(1)



def _sck1_body(n_pad, nsl, w, nwin_per_worker,
               src_ref, dst_ref, h0_ref, h1_ref,
               wa0_ref, wb0_ref, al0_ref, ar0_ref,
               wa1_ref, wb1_ref, al1_ref, ar1_ref,
               d0c0_ref, a0c0_ref, b0c0_ref, d1c0_ref, a1c0_ref, b1c0_ref,
               d0c1_ref, a0c1_ref, b0c1_ref, d1c1_ref, a1c1_ref, b1c1_ref,
               h0_s, h1_s, d0_s, a0_s, b0_s, d1_s, a1_s, b1_s,
               srcv0, dstv0, sdstv0, h0sg0, h1sg0, h0dg0, h1dg0,
               e0v0, x0v0, y0v0, e1v0, x1v0, y1v0,
               srcv1, dstv1, sdstv1, h0sg1, h1sg1, h0dg1, h1dg1,
               e0v1, x0v1, y0v1, e1v1, x1v1, y1v1,
               wbuf, isem0, gsem0, ssem0, isem1, gsem1, ssem1):
  c = lax.axis_index("c")
  s = lax.axis_index("s")
  g_cnt = w // L

  pltpu.sync_copy(wa0_ref, wbuf.at[0])
  pltpu.sync_copy(wb0_ref, wbuf.at[1])
  pltpu.sync_copy(al0_ref, wbuf.at[2])
  pltpu.sync_copy(ar0_ref, wbuf.at[3])
  pltpu.sync_copy(wa1_ref, wbuf.at[4])
  pltpu.sync_copy(wb1_ref, wbuf.at[5])
  pltpu.sync_copy(al1_ref, wbuf.at[6])
  pltpu.sync_copy(ar1_ref, wbuf.at[7])

  def _z1(g, _):
    e0v0[pl.ds(g * L, L)] = jnp.zeros((L,), jnp.float32)
    return 0
  lax.fori_loop(0, g_cnt, _z1, 0)

  accs = (d0_s, a0_s, b0_s, d1_s, a1_s, b1_s)

  base = s * nsl
  sl = pl.ds(base, nsl)
  pltpu.async_copy(h0_ref.at[sl], h0_s.at[sl], gsem0)
  pltpu.async_copy(h1_ref.at[sl], h1_s.at[sl], gsem0)
  for off, sz in _chunks(nsl, w):
    for acc in accs:
      pltpu.async_copy(e0v0.at[pl.ds(0, sz)], acc.at[pl.ds(base + off, sz)],
                       isem0)
  pltpu.make_async_copy(h0_ref.at[sl], h0_s.at[sl], gsem0).wait()
  pltpu.make_async_copy(h1_ref.at[sl], h1_s.at[sl], gsem0).wait()
  for off, sz in _chunks(nsl, w):
    for acc in accs:
      pltpu.make_async_copy(e0v0.at[pl.ds(0, sz)],
                            acc.at[pl.ds(base + off, sz)], isem0).wait()

  plsc.subcore_barrier()

  p00 = _allsum(wbuf[0] * wbuf[2])
  p01 = _allsum(wbuf[1] * wbuf[2])
  q00 = _allsum(wbuf[0] * wbuf[3])
  q01 = _allsum(wbuf[1] * wbuf[3])
  p10 = _allsum(wbuf[4] * wbuf[6])
  p11 = _allsum(wbuf[5] * wbuf[6])
  q10 = _allsum(wbuf[4] * wbuf[7])
  q11 = _allsum(wbuf[5] * wbuf[7])

  wid = s * NC + c

  tables = ((h0_s, h1_s, h0_s, h1_s), ("s", "s", "d", "d"))
  bufs = (
      (srcv0, dstv0, sdstv0, (h0sg0, h1sg0, h0dg0, h1dg0),
       (e0v0, x0v0, y0v0, e1v0, x1v0, y1v0), isem0, gsem0, ssem0),
      (srcv1, dstv1, sdstv1, (h0sg1, h1sg1, h0dg1, h1dg1),
       (e0v1, x0v1, y0v1, e1v1, x1v1, y1v1), isem1, gsem1, ssem1),
  )

  def compute(P):
    (h0sg, h1sg, h0dg, h1dg) = bufs[P][3]
    stats = bufs[P][4]
    e0v, x0v, y0v, e1v, x1v, y1v = stats

    def _grp(g, _):
      d = pl.ds(g * L, L)
      h0s = h0sg[d]
      h1s = h1sg[d]
      h0d = h0dg[d]
      h1d = h1dg[d]
      ev0 = (h0s * p00 + h1s * p01) + (h0d * q00 + h1d * q01)
      ev0 = jnp.where(ev0 > 0.0, ev0, ev0 * 0.01)
      ex0 = jnp.exp(ev0)
      e0v[d] = ex0
      x0v[d] = ex0 * h0s
      y0v[d] = ex0 * h1s
      ev1 = (h0s * p10 + h1s * p11) + (h0d * q10 + h1d * q11)
      ev1 = jnp.where(ev1 > 0.0, ev1, ev1 * 0.01)
      ex1 = jnp.exp(ev1)
      e1v[d] = ex1
      x1v[d] = ex1 * h0s
      y1v[d] = ex1 * h1s
      return 0
    lax.fori_loop(0, g_cnt, _grp, 0)

  _pipeline(w, nwin_per_worker, wid, nwin_per_worker, src_ref, dst_ref,
            tables, bufs, accs, compute)

  plsc.subcore_barrier()

  outs_c0 = (d0c0_ref, a0c0_ref, b0c0_ref, d1c0_ref, a1c0_ref, b1c0_ref)
  outs_c1 = (d0c1_ref, a0c1_ref, b0c1_ref, d1c1_ref, a1c1_ref, b1c1_ref)
  @pl.when(c == 0)
  def _():
    for i, acc in enumerate(accs):
      pltpu.async_copy(acc.at[sl], outs_c0[i].at[sl], gsem0)
    for i, acc in enumerate(accs):
      pltpu.make_async_copy(acc.at[sl], outs_c0[i].at[sl], gsem0).wait()
  @pl.when(c == 1)
  def _():
    for i, acc in enumerate(accs):
      pltpu.async_copy(acc.at[sl], outs_c1[i].at[sl], gsem0)
    for i, acc in enumerate(accs):
      pltpu.make_async_copy(acc.at[sl], outs_c1[i].at[sl], gsem0).wait()


def _sck1(src, dst, h0, h1, wa0, wb0, al0, ar0, wa1, wb1, al1, ar1,
          n_pad, w):
  e = src.shape[0]
  nwin = e // w
  assert nwin % (NC * NS) == 0
  nwin_per_worker = nwin // (NC * NS)
  nsl = n_pad // NS
  mesh = plsc.VectorSubcoreMesh(core_axis_name="c", subcore_axis_name="s",
                                num_cores=NC, num_subcores=NS)
  body = functools.partial(_sck1_body, n_pad, nsl, w, nwin_per_worker)
  f = pl.kernel(
      body,
      out_type=[jax.ShapeDtypeStruct((n_pad,), jnp.float32)] * 12,
      mesh=mesh,
      compiler_params=_SC_PARAMS,
      scratch_types=(
          [pltpu.VMEM_SHARED((n_pad,), jnp.float32)] * 8 +
          ([pltpu.VMEM((w,), jnp.int32)] * 3 +
           [pltpu.VMEM((w,), jnp.float32)] * 10) * 2 +
          [pltpu.VMEM((8, 16), jnp.float32)] +
          [pltpu.SemaphoreType.DMA] * 6
      ),
  )
  return f(src, dst, h0, h1, wa0, wb0, al0, ar0, wa1, wb1, al1, ar1)



def _tck2_body(w10_ref, w11_ref, w2_ref, a2_ref,
               d0a, a0a, b0a, d1a, a1a, b1a,
               d0b, a0b, b0b, d1b, a1b, b1b,
               z2a_ref, z2b_ref, ed2_ref):
  den0 = d0a[...] + d0b[...]
  den1 = d1a[...] + d1b[...]
  inv0 = 1.0 / jnp.where(den0 > 0.0, den0, 1.0)
  inv1 = 1.0 / jnp.where(den1 > 0.0, den1, 1.0)
  a0 = a0a[...] + a0b[...]
  b0 = b0a[...] + b0b[...]
  a1 = a1a[...] + a1b[...]
  b1 = b1a[...] + b1b[...]
  z2a = jnp.zeros_like(den0)
  z2b = jnp.zeros_like(den0)
  for j in range(16):
    h1 = (a0 * w10_ref[j, 0] + b0 * w10_ref[j, 1]) * inv0
    h1 = jnp.where(h1 > 0.0, h1, jnp.exp(h1) - 1.0)
    z2a += w2_ref[0, j] * h1
    z2b += w2_ref[1, j] * h1
  for j in range(16):
    h1 = (a1 * w11_ref[j, 0] + b1 * w11_ref[j, 1]) * inv1
    h1 = jnp.where(h1 > 0.0, h1, jnp.exp(h1) - 1.0)
    z2a += w2_ref[0, 16 + j] * h1
    z2b += w2_ref[1, 16 + j] * h1
  z2a_ref[...] = z2a
  z2b_ref[...] = z2b
  ed2_ref[...] = a2_ref[0, 2] * z2a + a2_ref[0, 3] * z2b


def _tck2(parts, W1_0, W1_1, W2, a2, rb):
  full = lambda shp: pl.BlockSpec(shp, lambda: (0,) * len(shp))
  return pl.pallas_call(
      _tck2_body,
      in_specs=(
          [full((16, 2)), full((16, 2)), full((2, 32)), full((1, 4))] +
          [full((rb, 128))] * 12
      ),
      out_specs=[full((rb, 128))] * 3,
      out_shape=[jax.ShapeDtypeStruct((rb, 128), jnp.float32)] * 3,
  )(W1_0, W1_1, W2, a2, *parts)



def _sck2_body(n_pad, nsl, w, nwin_per_worker,
               src_ref, dst_ref, za_ref, zb_ref, ed_ref, a2v_ref,
               pd0_ref, pa0_ref, pb0_ref, pd1_ref, pa1_ref, pb1_ref,
               za_s, zb_s, ed_s, den_s, na_s, nb_s,
               srcv0, dstv0, sdstv0, zag0, zbg0, edg0, exv0, nav0, nbv0,
               srcv1, dstv1, sdstv1, zag1, zbg1, edg1, exv1, nav1, nbv1,
               wbuf, isem0, gsem0, ssem0, isem1, gsem1, ssem1):
  c = lax.axis_index("c")
  s = lax.axis_index("s")
  g_cnt = w // L

  pltpu.sync_copy(a2v_ref, wbuf.at[0])

  def _z1(g, _):
    exv0[pl.ds(g * L, L)] = jnp.zeros((L,), jnp.float32)
    return 0
  lax.fori_loop(0, g_cnt, _z1, 0)

  accs = (den_s, na_s, nb_s)

  base = s * nsl
  sl = pl.ds(base, nsl)
  pltpu.async_copy(za_ref.at[sl], za_s.at[sl], gsem0)
  pltpu.async_copy(zb_ref.at[sl], zb_s.at[sl], gsem0)
  pltpu.async_copy(ed_ref.at[sl], ed_s.at[sl], gsem0)
  for off, sz in _chunks(nsl, w):
    for acc in accs:
      pltpu.async_copy(exv0.at[pl.ds(0, sz)], acc.at[pl.ds(base + off, sz)],
                       isem0)
  pltpu.make_async_copy(za_ref.at[sl], za_s.at[sl], gsem0).wait()
  pltpu.make_async_copy(zb_ref.at[sl], zb_s.at[sl], gsem0).wait()
  pltpu.make_async_copy(ed_ref.at[sl], ed_s.at[sl], gsem0).wait()
  for off, sz in _chunks(nsl, w):
    for acc in accs:
      pltpu.make_async_copy(exv0.at[pl.ds(0, sz)],
                            acc.at[pl.ds(base + off, sz)], isem0).wait()

  plsc.subcore_barrier()

  a2l0 = _bcast(wbuf[0], 0)
  a2l1 = _bcast(wbuf[0], 1)

  wid = s * NC + c

  tables = ((za_s, zb_s, ed_s), ("s", "s", "d"))
  bufs = (
      (srcv0, dstv0, sdstv0, (zag0, zbg0, edg0), (exv0, nav0, nbv0),
       isem0, gsem0, ssem0),
      (srcv1, dstv1, sdstv1, (zag1, zbg1, edg1), (exv1, nav1, nbv1),
       isem1, gsem1, ssem1),
  )

  def compute(P):
    (zag, zbg, edg) = bufs[P][3]
    (exv, nav, nbv) = bufs[P][4]

    def _grp(g, _):
      d = pl.ds(g * L, L)
      za = zag[d]
      zb = zbg[d]
      ev = za * a2l0 + zb * a2l1 + edg[d]
      ev = jnp.where(ev > 0.0, ev, ev * 0.01)
      ex = jnp.exp(ev)
      exv[d] = ex
      nav[d] = ex * za
      nbv[d] = ex * zb
      return 0
    lax.fori_loop(0, g_cnt, _grp, 0)

  _pipeline(w, nwin_per_worker, wid, nwin_per_worker, src_ref, dst_ref,
            tables, bufs, accs, compute)

  plsc.subcore_barrier()

  outs_c0 = (pd0_ref, pa0_ref, pb0_ref)
  outs_c1 = (pd1_ref, pa1_ref, pb1_ref)
  @pl.when(c == 0)
  def _():
    for i, acc in enumerate(accs):
      pltpu.async_copy(acc.at[sl], outs_c0[i].at[sl], gsem0)
    for i, acc in enumerate(accs):
      pltpu.make_async_copy(acc.at[sl], outs_c0[i].at[sl], gsem0).wait()
  @pl.when(c == 1)
  def _():
    for i, acc in enumerate(accs):
      pltpu.async_copy(acc.at[sl], outs_c1[i].at[sl], gsem0)
    for i, acc in enumerate(accs):
      pltpu.make_async_copy(acc.at[sl], outs_c1[i].at[sl], gsem0).wait()


def _sck2(src, dst, z2a, z2b, ed2, a2v, n_pad, w):
  e = src.shape[0]
  nwin = e // w
  assert nwin % (NC * NS) == 0
  nwin_per_worker = nwin // (NC * NS)
  nsl = n_pad // NS
  mesh = plsc.VectorSubcoreMesh(core_axis_name="c", subcore_axis_name="s",
                                num_cores=NC, num_subcores=NS)
  body = functools.partial(_sck2_body, n_pad, nsl, w, nwin_per_worker)
  f = pl.kernel(
      body,
      out_type=[jax.ShapeDtypeStruct((n_pad,), jnp.float32)] * 6,
      mesh=mesh,
      compiler_params=_SC_PARAMS,
      scratch_types=(
          [pltpu.VMEM_SHARED((n_pad,), jnp.float32)] * 6 +
          ([pltpu.VMEM((w,), jnp.int32)] * 3 +
           [pltpu.VMEM((w,), jnp.float32)] * 6) * 2 +
          [pltpu.VMEM((8, 16), jnp.float32)] +
          [pltpu.SemaphoreType.DMA] * 6
      ),
  )
  return f(src, dst, z2a, z2b, ed2, a2v)



def _tck3_body(pd0, pd1, pa0, pa1, pb0, pb1, wm0_ref, wm1_ref, bm_ref,
               o_ref):
  den = pd0[...] + pd1[...]
  den = jnp.where(den > 0.0, den, 1.0)
  h2a = (pa0[...] + pa1[...]) / den
  h2b = (pb0[...] + pb1[...]) / den
  acc = jnp.sum(h2a * wm0_ref[...] + h2b * wm1_ref[...])
  o_ref[...] = jax.nn.sigmoid(acc + bm_ref[...])


def _tck3(parts, wm0, wm1, bm2, rb):
  full = lambda shp: pl.BlockSpec(shp, lambda: (0,) * len(shp))
  return pl.pallas_call(
      _tck3_body,
      in_specs=[full((rb, 128))] * 8 + [full((1, 1))],
      out_specs=full((1, 1)),
      out_shape=jax.ShapeDtypeStruct((1, 1), jnp.float32),
  )(*parts, wm0, wm1, bm2)



def _pick_w(e, workers, cands):
  for w in cands:
    if e % (w * workers) == 0 and w % L == 0 and (e // (w * workers)) % 2 == 0:
      return w
  raise ValueError(f"no window size for E={e}")


@jax.jit
def kernel(h, edge_index, W1_0, a1_0, W1_1, a1_1, W2, a2, Wm, bm):
  n = h.shape[0]
  e = edge_index.shape[1]
  src = edge_index[0].astype(jnp.int32)
  dst = edge_index[1].astype(jnp.int32)
  w = _pick_w(e, NC * NS, (2000, 1600, 1024, 800, 640, 512, 320, 160, 64,
                           32, 16))

  nsl = -(-n // NS)
  nsl = -(-nsl // 8) * 8
  n_pad = nsl * NS
  rb = n_pad // 128

  padn = lambda x: jnp.pad(x, (0, n_pad - n))
  resh = lambda x: x.reshape(rb, 128)

  parts1 = _sck1(
      src, dst, padn(h[:, 0]), padn(h[:, 1]),
      W1_0[:, 0], W1_0[:, 1], a1_0[0, :16], a1_0[0, 16:],
      W1_1[:, 0], W1_1[:, 1], a1_1[0, :16], a1_1[0, 16:],
      n_pad, w)

  z2a2, z2b2, ed22 = _tck2([resh(p) for p in parts1], W1_0, W1_1, W2, a2, rb)
  a2v = jnp.pad(a2[0], (0, 12))
  parts2 = _sck2(src, dst, z2a2.reshape(n_pad), z2b2.reshape(n_pad),
                 ed22.reshape(n_pad), a2v, n_pad, w)

  wmr = Wm[0].reshape(n, 2)
  wm0 = resh(padn(wmr[:, 0]))
  wm1 = resh(padn(wmr[:, 1]))
  pd0, pa0, pb0, pd1, pa1, pb1 = parts2
  out = _tck3([resh(p) for p in (pd0, pd1, pa0, pa1, pb0, pb1)],
              wm0, wm1, bm.reshape(1, 1), rb)
  return out

# --- scband reference (transcript-rebuilt; emitter-appended) ---
"""Pipeline reference for scband-ppimodel2-6957847020277 (READ-ONLY COPY).

The authoritative reference and input builder live on the scoring server;
editing this copy changes nothing except your own understanding.
"""

import jax, jax.numpy as jnp
import numpy as np

N = 100000
E = 3200000


def _xavier(key, shape, gain=1.4142135623730951):
    fan_out, fan_in = shape
    std = gain * (2.0 / (fan_in + fan_out)) ** 0.5
    return (jax.random.normal(key, shape, dtype=jnp.float32) * std).astype(jnp.float32)


def setup_inputs(seed: int = 0) -> dict:
    key = jax.random.key(seed)
    ks = jax.random.split(key, 12)
    h = jax.random.normal(ks[0], (N, 2), dtype=jnp.float32)
    edge_index = jax.random.randint(ks[1], (2, E), 0, N)
    # layer1: 2 heads of GATLayer(in_dim=2, out_dim=16)
    W1_0 = _xavier(ks[2], (16, 2))
    a1_0 = _xavier(ks[3], (1, 32))
    W1_1 = _xavier(ks[4], (16, 2))
    a1_1 = _xavier(ks[5], (1, 32))
    # layer2: 1 head of GATLayer(in_dim=32, out_dim=2)
    W2 = _xavier(ks[6], (2, 32))
    a2 = _xavier(ks[7], (1, 4))
    # mlp: Linear(2 * num_nodes, 1)
    Wm = jax.random.normal(ks[8], (1, 2 * N), dtype=jnp.float32) * (1.0 / (2 * N)) ** 0.5
    bm = jnp.zeros((1,), dtype=jnp.float32)
    return {"h": h, "edge_index": edge_index, "W1_0": W1_0, "a1_0": a1_0,
            "W1_1": W1_1, "a1_1": a1_1, "W2": W2, "a2": a2, "Wm": Wm, "bm": bm}


def _gat_head(x, src, dst, W, a):
    # z = fc(h)
    z = x @ W.T  # [N, out_dim]
    zs = jnp.take(z, src, axis=0)  # edges.src['z']
    zd = jnp.take(z, dst, axis=0)  # edges.dst['z']
    e = jnp.concatenate([zs, zd], axis=1) @ a.T  # attn_fc -> [E, 1]
    e = jnp.where(e > 0, e, 0.01 * e)[:, 0]  # leaky_relu, default slope 0.01
    # softmax over incoming edges per destination node (DGL mailbox softmax)
    m = jax.ops.segment_max(e, dst, num_segments=N)
    m = jnp.where(jnp.isfinite(m), m, 0.0)
    ex = jnp.exp(e - jnp.take(m, dst))
    den = jax.ops.segment_sum(ex, dst, num_segments=N)
    alpha = ex / jnp.take(jnp.where(den > 0, den, 1.0), dst)
    # h = sum(alpha * z_src) per dst node
    return jax.ops.segment_sum(alpha[:, None] * zs, dst, num_segments=N)


def reference(h, edge_index, W1_0, a1_0, W1_1, a1_1, W2, a2, Wm, bm):
    src = edge_index[0]
    dst = edge_index[1]
    # layer1: MultiHeadGATLayer, merge='cat'
    h1 = jnp.concatenate([
        _gat_head(h, src, dst, W1_0, a1_0),
        _gat_head(h, src, dst, W1_1, a1_1),
    ], axis=1)  # [N, 32]
    h1 = jax.nn.elu(h1)
    # layer2: single head -> [N, 2]
    h2 = _gat_head(h1, src, dst, W2, a2)
    flat = h2.reshape(1, N * 2)
    out = flat @ Wm.T + bm
    return jax.nn.sigmoid(out)

if __name__ == "__main__":
    import jax
    _d = setup_inputs()
    print(jax.jit(kernel)(*tuple(_d.values())))

</pallas_src>

<mosaic_0001>
#map = affine_map<(d0, d1) -> (0)>
module attributes {stable_mosaic.version = 14 : i64} {
  func.func @_sck1_body(%arg0: i32, %arg1: i32, %arg2: memref<3200000xi32, #tpu.memory_space<hbm>>, %arg3: memref<3200000xi32, #tpu.memory_space<hbm>>, %arg4: memref<100096xf32, #tpu.memory_space<hbm>>, %arg5: memref<100096xf32, #tpu.memory_space<hbm>>, %arg6: memref<16xf32, #tpu.memory_space<hbm>>, %arg7: memref<16xf32, #tpu.memory_space<hbm>>, %arg8: memref<16xf32, #tpu.memory_space<hbm>>, %arg9: memref<16xf32, #tpu.memory_space<hbm>>, %arg10: memref<16xf32, #tpu.memory_space<hbm>>, %arg11: memref<16xf32, #tpu.memory_space<hbm>>, %arg12: memref<16xf32, #tpu.memory_space<hbm>>, %arg13: memref<16xf32, #tpu.memory_space<hbm>>, %arg14: memref<100096xf32, #tpu.memory_space<hbm>>, %arg15: memref<100096xf32, #tpu.memory_space<hbm>>, %arg16: memref<100096xf32, #tpu.memory_space<hbm>>, %arg17: memref<100096xf32, #tpu.memory_space<hbm>>, %arg18: memref<100096xf32, #tpu.memory_space<hbm>>, %arg19: memref<100096xf32, #tpu.memory_space<hbm>>, %arg20: memref<100096xf32, #tpu.memory_space<hbm>>, %arg21: memref<100096xf32, #tpu.memory_space<hbm>>, %arg22: memref<100096xf32, #tpu.memory_space<hbm>>, %arg23: memref<100096xf32, #tpu.memory_space<hbm>>, %arg24: memref<100096xf32, #tpu.memory_space<hbm>>, %arg25: memref<100096xf32, #tpu.memory_space<hbm>>, %arg26: memref<100096xf32, #tpu.memory_space<vmem_shared>>, %arg27: memref<100096xf32, #tpu.memory_space<vmem_shared>>, %arg28: memref<100096xf32, #tpu.memory_space<vmem_shared>>, %arg29: memref<100096xf32, #tpu.memory_space<vmem_shared>>, %arg30: memref<100096xf32, #tpu.memory_space<vmem_shared>>, %arg31: memref<100096xf32, #tpu.memory_space<vmem_shared>>, %arg32: memref<100096xf32, #tpu.memory_space<vmem_shared>>, %arg33: memref<100096xf32, #tpu.memory_space<vmem_shared>>, %arg34: memref<2000xi32, #tpu.memory_space<vmem>>, %arg35: memref<2000xi32, #tpu.memory_space<vmem>>, %arg36: memref<2000xi32, #tpu.memory_space<vmem>>, %arg37: memref<2000xf32, #tpu.memory_space<vmem>>, %arg38: memref<2000xf32, #tpu.memory_space<vmem>>, %arg39: memref<2000xf32, #tpu.memory_space<vmem>>, %arg40: memref<2000xf32, #tpu.memory_space<vmem>>, %arg41: memref<2000xf32, #tpu.memory_space<vmem>>, %arg42: memref<2000xf32, #tpu.memory_space<vmem>>, %arg43: memref<2000xf32, #tpu.memory_space<vmem>>, %arg44: memref<2000xf32, #tpu.memory_space<vmem>>, %arg45: memref<2000xf32, #tpu.memory_space<vmem>>, %arg46: memref<2000xf32, #tpu.memory_space<vmem>>, %arg47: memref<2000xi32, #tpu.memory_space<vmem>>, %arg48: memref<2000xi32, #tpu.memory_space<vmem>>, %arg49: memref<2000xi32, #tpu.memory_space<vmem>>, %arg50: memref<2000xf32, #tpu.memory_space<vmem>>, %arg51: memref<2000xf32, #tpu.memory_space<vmem>>, %arg52: memref<2000xf32, #tpu.memory_space<vmem>>, %arg53: memref<2000xf32, #tpu.memory_space<vmem>>, %arg54: memref<2000xf32, #tpu.memory_space<vmem>>, %arg55: memref<2000xf32, #tpu.memory_space<vmem>>, %arg56: memref<2000xf32, #tpu.memory_space<vmem>>, %arg57: memref<2000xf32, #tpu.memory_space<vmem>>, %arg58: memref<2000xf32, #tpu.memory_space<vmem>>, %arg59: memref<2000xf32, #tpu.memory_space<vmem>>, %arg60: memref<8x16xf32, #tpu.memory_space<vmem>>, %arg61: memref<!tpu.dma_semaphore, #tpu.memory_space<semaphore_mem>>, %arg62: memref<!tpu.dma_semaphore, #tpu.memory_space<semaphore_mem>>, %arg63: memref<!tpu.dma_semaphore, #tpu.memory_space<semaphore_mem>>, %arg64: memref<!tpu.dma_semaphore, #tpu.memory_space<semaphore_mem>>, %arg65: memref<!tpu.dma_semaphore, #tpu.memory_space<semaphore_mem>>, %arg66: memref<!tpu.dma_semaphore, #tpu.memory_space<semaphore_mem>>) attributes {dimension_semantics = [#tpu.dimension_semantics<core_parallel>, #tpu.dimension_semantics<subcore_parallel>], iteration_bounds = array<i64: 2, 16>, scalar_prefetch = 0 : i64, scratch_operands = 41 : i64, tpu.core_type = #tpu.core_type<sc_vector_subcore>, window_params = [{transform_indices = #map}, {transform_indices = #map}, {transform_indices = #map}, {transform_indices = #map}, {transform_indices = #map}, {transform_indices = #map}, {transform_indices = #map}, {transform_indices = #map}, {transform_indices = #map}, {transform_indices = #map}, {transform_indices = #map}, {transform_indices = #map}, {transform_indices = #map}, {transform_indices = #map}, {transform_indices = #map}, {transform_indices = #map}, {transform_indices = #map}, {transform_indices = #map}, {transform_indices = #map}, {transform_indices = #map}, {transform_indices = #map}, {transform_indices = #map}, {transform_indices = #map}, {transform_indices = #map}]} {
    %run_scoped3A = arith.constant 0 : i32
    "tpu.region"() ({
      %run_scoped3A_892 = tpu.sem_alloc : memref<!tpu.dma_semaphore, #tpu.memory_space<semaphore_mem>>
      %dma_start3A_893 = arith.constant 0 : i32
      %dma_start3A_894 = tpu.memref_slice %arg60[%run_scoped3A, %dma_start3A_893] : memref<8x16xf32, #tpu.memory_space<vmem>> -> memref<1x16xf32, #tpu.memory_space<vmem>>
      %dma_start3A_895 = tpu.memref_squeeze %dma_start3A_894 : memref<1x16xf32, #tpu.memory_space<vmem>> -> memref<16xf32, #tpu.memory_space<vmem>>
      %dma_start3A_896 = arith.constant 0 : i32
      %dma_start3A_897 = tpu.memref_slice %arg60[%run_scoped3A, %dma_start3A_896] : memref<8x16xf32, #tpu.memory_space<vmem>> -> memref<1x16xf32, #tpu.memory_space<vmem>>
      %dma_start3A_898 = tpu.memref_squeeze %dma_start3A_897 : memref<1x16xf32, #tpu.memory_space<vmem>> -> memref<16xf32, #tpu.memory_space<vmem>>
      tpu.enqueue_dma source(%arg6 : memref<16xf32, #tpu.memory_space<hbm>>) target(%dma_start3A_898 : memref<16xf32, #tpu.memory_space<vmem>>) target_semaphore(%run_scoped3A_892 : memref<!tpu.dma_semaphore, #tpu.memory_space<semaphore_mem>>)
      %dma_wait3A_899 = arith.constant 0 : i32
      %dma_wait3A_900 = tpu.memref_slice %arg60[%run_scoped3A, %dma_wait3A_899] : memref<8x16xf32, #tpu.memory_space<vmem>> -> memref<1x16xf32, #tpu.memory_space<vmem>>
      %dma_wait3A_901 = tpu.memref_squeeze %dma_wait3A_900 : memref<1x16xf32, #tpu.memory_space<vmem>> -> memref<16xf32, #tpu.memory_space<vmem>>
      %dma_wait3A_902 = arith.constant 0 : i32
      %dma_wait3A_903 = tpu.memref_slice %arg60[%run_scoped3A, %dma_wait3A_902] : memref<8x16xf32, #tpu.memory_space<vmem>> -> memref<1x16xf32, #tpu.memory_space<vmem>>
      %dma_wait3A_904 = tpu.memref_squeeze %dma_wait3A_903 : memref<1x16xf32, #tpu.memory_space<vmem>> -> memref<16xf32, #tpu.memory_space<vmem>>
      tpu.wait_dma2 semaphore(%run_scoped3A_892 : memref<!tpu.dma_semaphore, #tpu.memory_space<semaphore_mem>>) src(%arg6 : memref<16xf32, #tpu.memory_space<hbm>>) dst(%dma_wait3A_904 : memref<16xf32, #tpu.memory_space<vmem>>)
      tpu.yield
    }) : () -> ()
    %run_scoped3A_0 = arith.constant 1 : i32
    "tpu.region"() ({
      %run_scoped3A_892 = tpu.sem_alloc : memref<!tpu.dma_semaphore, #tpu.memory_space<semaphore_mem>>
      %dma_start3A_893 = arith.constant 0 : i32
      %dma_start3A_894 = tpu.memref_slice %arg60[%run_scoped3A_0, %dma_start3A_893] : memref<8x16xf32, #tpu.memory_space<vmem>> -> memref<1x16xf32, #tpu.memory_space<vmem>>
      %dma_start3A_895 = tpu.memref_squeeze %dma_start3A_894 : memref<1x16xf32, #tpu.memory_space<vmem>> -> memref<16xf32, #tpu.memory_space<vmem>>
      %dma_start3A_896 = arith.constant 0 : i32
      %dma_start3A_897 = tpu.memref_slice %arg60[%run_scoped3A_0, %dma_start3A_896] : memref<8x16xf32, #tpu.memory_space<vmem>> -> memref<1x16xf32, #tpu.memory_space<vmem>>
      %dma_start3A_898 = tpu.memref_squeeze %dma_start3A_897 : memref<1x16xf32, #tpu.memory_space<vmem>> -> memref<16xf32, #tpu.memory_space<vmem>>
      tpu.enqueue_dma source(%arg7 : memref<16xf32, #tpu.memory_space<hbm>>) target(%dma_start3A_898 : memref<16xf32, #tpu.memory_space<vmem>>) target_semaphore(%run_scoped3A_892 : memref<!tpu.dma_semaphore, #tpu.memory_space<semaphore_mem>>)
      %dma_wait3A_899 = arith.constant 0 : i32
      %dma_wait3A_900 = tpu.memref_slice %arg60[%run_scoped3A_0, %dma_wait3A_899] : memref<8x16xf32, #tpu.memory_space<vmem>> -> memref<1x16xf32, #tpu.memory_space<vmem>>
      %dma_wait3A_901 = tpu.memref_squeeze %dma_wait3A_900 : memref<1x16xf32, #tpu.memory_space<vmem>> -> memref<16xf32, #tpu.memory_space<vmem>>
      %dma_wait3A_902 = arith.constant 0 : i32
      %dma_wait3A_903 = tpu.memref_slice %arg60[%run_scoped3A_0, %dma_wait3A_902] : memref<8x16xf32, #tpu.memory_space<vmem>> -> memref<1x16xf32, #tpu.memory_space<vmem>>
      %dma_wait3A_904 = tpu.memref_squeeze %dma_wait3A_903 : memref<1x16xf32, #tpu.memory_space<vmem>> -> memref<16xf32, #tpu.memory_space<vmem>>
      tpu.wait_dma2 semaphore(%run_scoped3A_892 : memref<!tpu.dma_semaphore, #tpu.memory_space<semaphore_mem>>) src(%arg7 : memref<16xf32, #tpu.memory_space<hbm>>) dst(%dma_wait3A_904 : memref<16xf32, #tpu.memory_space<vmem>>)
      tpu.yield
    }) : () -> ()
    %run_scoped3A_1 = arith.constant 2 : i32
    "tpu.region"() ({
      %run_scoped3A_892 = tpu.sem_alloc : memref<!tpu.dma_semaphore, #tpu.memory_space<semaphore_mem>>
      %dma_start3A_893 = arith.constant 0 : i32
      %dma_start3A_894 = tpu.memref_slice %arg60[%run_scoped3A_1, %dma_start3A_893] : memref<8x16xf32, #tpu.memory_space<vmem>> -> memref<1x16xf32, #tpu.memory_space<vmem>>
      %dma_start3A_895 = tpu.memref_squeeze %dma_start3A_894 : memref<1x16xf32, #tpu.memory_space<vmem>> -> memref<16xf32, #tpu.memory_space<vmem>>
      %dma_start3A_896 = arith.constant 0 : i32
      %dma_start3A_897 = tpu.memref_slice %arg60[%run_scoped3A_1, %dma_start3A_896] : memref<8x16xf32, #tpu.memory_space<vmem>> -> memref<1x16xf32, #tpu.memory_space<vmem>>
      %dma_start3A_898 = tpu.memref_squeeze %dma_start3A_897 : memref<1x16xf32, #tpu.memory_space<vmem>> -> memref<16xf32, #tpu.memory_space<vmem>>
      tpu.enqueue_dma source(%arg8 : memref<16xf32, #tpu.memory_space<hbm>>) target(%dma_start3A_898 : memref<16xf32, #tpu.memory_space<vmem>>) target_semaphore(%run_scoped3A_892 : memref<!tpu.dma_semaphore, #tpu.memory_space<semaphore_mem>>)
      %dma_wait3A_899 = arith.constant 0 : i32
      %dma_wait3A_900 = tpu.memref_slice %arg60[%run_scoped3A_1, %dma_wait3A_899] : memref<8x16xf32, #tpu.memory_space<vmem>> -> memref<1x16xf32, #tpu.memory_space<vmem>>
      %dma_wait3A_901 = tpu.memref_squeeze %dma_wait3A_900 : memref<1x16xf32, #tpu.memory_space<vmem>> -> memref<16xf32, #tpu.memory_space<vmem>>
      %dma_wait3A_902 = arith.constant 0 : i32
      %dma_wait3A_903 = tpu.memref_slice %arg60[%run_scoped3A_1, %dma_wait3A_902] : memref<8x16xf32, #tpu.memory_space<vmem>> -> memref<1x16xf32, #tpu.memory_space<vmem>>
      %dma_wait3A_904 = tpu.memref_squeeze %dma_wait3A_903 : memref<1x16xf32, #tpu.memory_space<vmem>> -> memref<16xf32, #tpu.memory_space<vmem>>
      tpu.wait_dma2 semaphore(%run_scoped3A_892 : memref<!tpu.dma_semaphore, #tpu.memory_space<semaphore_mem>>) src(%arg8 : memref<16xf32, #tpu.memory_space<hbm>>) dst(%dma_wait3A_904 : memref<16xf32, #tpu.memory_space<vmem>>)
      tpu.yield
    }) : () -> ()
    %run_scoped3A_2 = arith.constant 3 : i32
    "tpu.region"() ({
      %run_scoped3A_892 = tpu.sem_alloc : memref<!tpu.dma_semaphore, #tpu.memory_space<semaphore_mem>>
      %dma_start3A_893 = arith.constant 0 : i32
      %dma_start3A_894 = tpu.memref_slice %arg60[%run_scoped3A_2, %dma_start3A_893] : memref<8x16xf32, #tpu.memory_space<vmem>> -> memref<1x16xf32, #tpu.memory_space<vmem>>
      %dma_start3A_895 = tpu.memref_squeeze %dma_start3A_894 : memref<1x16xf32, #tpu.memory_space<vmem>> -> memref<16xf32, #tpu.memory_space<vmem>>
      %dma_start3A_896 = arith.constant 0 : i32
      %dma_start3A_897 = tpu.memref_slice %arg60[%run_scoped3A_2, %dma_start3A_896] : memref<8x16xf32, #tpu.memory_space<vmem>> -> memref<1x16xf32, #tpu.memory_space<vmem>>
      %dma_start3A_898 = tpu.memref_squeeze %dma_start3A_897 : memref<1x16xf32, #tpu.memory_space<vmem>> -> memref<16xf32, #tpu.memory_space<vmem>>
      tpu.enqueue_dma source(%arg9 : memref<16xf32, #tpu.memory_space<hbm>>) target(%dma_start3A_898 : memref<16xf32, #tpu.memory_space<vmem>>) target_semaphore(%run_scoped3A_892 : memref<!tpu.dma_semaphore, #tpu.memory_space<semaphore_mem>>)
      %dma_wait3A_899 = arith.constant 0 : i32
      %dma_wait3A_900 = tpu.memref_slice %arg60[%run_scoped3A_2, %dma_wait3A_899] : memref<8x16xf32, #tpu.memory_space<vmem>> -> memref<1x16xf32, #tpu.memory_space<vmem>>
      %dma_wait3A_901 = tpu.memref_squeeze %dma_wait3A_900 : memref<1x16xf32, #tpu.memory_space<vmem>> -> memref<16xf32, #tpu.memory_space<vmem>>
      %dma_wait3A_902 = arith.constant 0 : i32
      %dma_wait3A_903 = tpu.memref_slice %arg60[%run_scoped3A_2, %dma_wait3A_902] : memref<8x16xf32, #tpu.memory_space<vmem>> -> memref<1x16xf32, #tpu.memory_space<vmem>>
      %dma_wait3A_904 = tpu.memref_squeeze %dma_wait3A_903 : memref<1x16xf32, #tpu.memory_space<vmem>> -> memref<16xf32, #tpu.memory_space<vmem>>
      tpu.wait_dma2 semaphore(%run_scoped3A_892 : memref<!tpu.dma_semaphore, #tpu.memory_space<semaphore_mem>>) src(%arg9 : memref<16xf32, #tpu.memory_space<hbm>>) dst(%dma_wait3A_904 : memref<16xf32, #tpu.memory_space<vmem>>)
      tpu.yield
    }) : () -> ()
    %run_scoped3A_3 = arith.constant 4 : i32
    "tpu.region"() ({
      %run_scoped3A_892 = tpu.sem_alloc : memref<!tpu.dma_semaphore, #tpu.memory_space<semaphore_mem>>
      %dma_start3A_893 = arith.constant 0 : i32
      %dma_start3A_894 = tpu.memref_slice %arg60[%run_scoped3A_3, %dma_start3A_893] : memref<8x16xf32, #tpu.memory_space<vmem>> -> memref<1x16xf32, #tpu.memory_space<vmem>>
      %dma_start3A_895 = tpu.memref_squeeze %dma_start3A_894 : memref<1x16xf32, #tpu.memory_space<vmem>> -> memref<16xf32, #tpu.memory_space<vmem>>
      %dma_start3A_896 = arith.constant 0 : i32
      %dma_start3A_897 = tpu.memref_slice %arg60[%run_scoped3A_3, %dma_start3A_896] : memref<8x16xf32, #tpu.memory_space<vmem>> -> memref<1x16xf32, #tpu.memory_space<vmem>>
      %dma_start3A_898 = tpu.memref_squeeze %dma_start3A_897 : memref<1x16xf32, #tpu.memory_space<vmem>> -> memref<16xf32, #tpu.memory_space<vmem>>
      tpu.enqueue_dma source(%arg10 : memref<16xf32, #tpu.memory_space<hbm>>) target(%dma_start3A_898 : memref<16xf32, #tpu.memory_space<vmem>>) target_semaphore(%run_scoped3A_892 : memref<!tpu.dma_semaphore, #tpu.memory_space<semaphore_mem>>)
      %dma_wait3A_899 = arith.constant 0 : i32
      %dma_wait3A_900 = tpu.memref_slice %arg60[%run_scoped3A_3, %dma_wait3A_899] : memref<8x16xf32, #tpu.memory_space<vmem>> -> memref<1x16xf32, #tpu.memory_space<vmem>>
      %dma_wait3A_901 = tpu.memref_squeeze %dma_wait3A_900 : memref<1x16xf32, #tpu.memory_space<vmem>> -> memref<16xf32, #tpu.memory_space<vmem>>
      %dma_wait3A_902 = arith.constant 0 : i32
      %dma_wait3A_903 = tpu.memref_slice %arg60[%run_scoped3A_3, %dma_wait3A_902] : memref<8x16xf32, #tpu.memory_space<vmem>> -> memref<1x16xf32, #tpu.memory_space<vmem>>
      %dma_wait3A_904 = tpu.memref_squeeze %dma_wait3A_903 : memref<1x16xf32, #tpu.memory_space<vmem>> -> memref<16xf32, #tpu.memory_space<vmem>>
      tpu.wait_dma2 semaphore(%run_scoped3A_892 : memref<!tpu.dma_semaphore, #tpu.memory_space<semaphore_mem>>) src(%arg10 : memref<16xf32, #tpu.memory_space<hbm>>) dst(%dma_wait3A_904 : memref<16xf32, #tpu.memory_space<vmem>>)
      tpu.yield
    }) : () -> ()
    %run_scoped3A_4 = arith.constant 5 : i32
    "tpu.region"() ({
      %run_scoped3A_892 = tpu.sem_alloc : memref<!tpu.dma_semaphore, #tpu.memory_space<semaphore_mem>>
      %dma_start3A_893 = arith.constant 0 : i32
      %dma_start3A_894 = tpu.memref_slice %arg60[%run_scoped3A_4, %dma_start3A_893] : memref<8x16xf32, #tpu.memory_space<vmem>> -> memref<1x16xf32, #tpu.memory_space<vmem>>
      %dma_start3A_895 = tpu.memref_squeeze %dma_start3A_894 : memref<1x16xf32, #tpu.memory_space<vmem>> -> memref<16xf32, #tpu.memory_space<vmem>>
      %dma_start3A_896 = arith.constant 0 : i32
      %dma_start3A_897 = tpu.memref_slice %arg60[%run_scoped3A_4, %dma_start3A_896] : memref<8x16xf32, #tpu.memory_space<vmem>> -> memref<1x16xf32, #tpu.memory_space<vmem>>
      %dma_start3A_898 = tpu.memref_squeeze %dma_start3A_897 : memref<1x16xf32, #tpu.memory_space<vmem>> -> memref<16xf32, #tpu.memory_space<vmem>>
      tpu.enqueue_dma source(%arg11 : memref<16xf32, #tpu.memory_space<hbm>>) target(%dma_start3A_898 : memref<16xf32, #tpu.memory_space<vmem>>) target_semaphore(%run_scoped3A_892 : memref<!tpu.dma_semaphore, #tpu.memory_space<semaphore_mem>>)
      %dma_wait3A_899 = arith.constant 0 : i32
      %dma_wait3A_900 = tpu.memref_slice %arg60[%run_scoped3A_4, %dma_wait3A_899] : memref<8x16xf32, #tpu.memory_space<vmem>> -> memref<1x16xf32, #tpu.memory_space<vmem>>
      %dma_wait3A_901 = tpu.memref_squeeze %dma_wait3A_900 : memref<1x16xf32, #tpu.memory_space<vmem>> -> memref<16xf32, #tpu.memory_space<vmem>>
      %dma_wait3A_902 = arith.constant 0 : i32
      %dma_wait3A_903 = tpu.memref_slice %arg60[%run_scoped3A_4, %dma_wait3A_902] : memref<8x16xf32, #tpu.memory_space<vmem>> -> memref<1x16xf32, #tpu.memory_space<vmem>>
      %dma_wait3A_904 = tpu.memref_squeeze %dma_wait3A_903 : memref<1x16xf32, #tpu.memory_space<vmem>> -> memref<16xf32, #tpu.memory_space<vmem>>
      tpu.wait_dma2 semaphore(%run_scoped3A_892 : memref<!tpu.dma_semaphore, #tpu.memory_space<semaphore_mem>>) src(%arg11 : memref<16xf32, #tpu.memory_space<hbm>>) dst(%dma_wait3A_904 : memref<16xf32, #tpu.memory_space<vmem>>)
      tpu.yield
    }) : () -> ()
    %run_scoped3A_5 = arith.constant 6 : i32
    "tpu.region"() ({
      %run_scoped3A_892 = tpu.sem_alloc : memref<!tpu.dma_semaphore, #tpu.memory_space<semaphore_mem>>
      %dma_start3A_893 = arith.constant 0 : i32
      %dma_start3A_894 = tpu.memref_slice %arg60[%run_scoped3A_5, %dma_start3A_893] : memref<8x16xf32, #tpu.memory_space<vmem>> -> memref<1x16xf32, #tpu.memory_space<vmem>>
      %dma_start3A_895 = tpu.memref_squeeze %dma_start3A_894 : memref<1x16xf32, #tpu.memory_space<vmem>> -> memref<16xf32, #tpu.memory_space<vmem>>
      %dma_start3A_896 = arith.constant 0 : i32
      %dma_start3A_897 = tpu.memref_slice %arg60[%run_scoped3A_5, %dma_start3A_896] : memref<8x16xf32, #tpu.memory_space<vmem>> -> memref<1x16xf32, #tpu.memory_space<vmem>>
      %dma_start3A_898 = tpu.memref_squeeze %dma_start3A_897 : memref<1x16xf32, #tpu.memory_space<vmem>> -> memref<16xf32, #tpu.memory_space<vmem>>
      tpu.enqueue_dma source(%arg12 : memref<16xf32, #tpu.memory_space<hbm>>) target(%dma_start3A_898 : memref<16xf32, #tpu.memory_space<vmem>>) target_semaphore(%run_scoped3A_892 : memref<!tpu.dma_semaphore, #tpu.memory_space<semaphore_mem>>)
      %dma_wait3A_899 = arith.constant 0 : i32
      %dma_wait3A_900 = tpu.memref_slice %arg60[%run_scoped3A_5, %dma_wait3A_899] : memref<8x16xf32, #tpu.memory_space<vmem>> -> memref<1x16xf32, #tpu.memory_space<vmem>>
      %dma_wait3A_901 = tpu.memref_squeeze %dma_wait3A_900 : memref<1x16xf32, #tpu.memory_space<vmem>> -> memref<16xf32, #tpu.memory_space<vmem>>
      %dma_wait3A_902 = arith.constant 0 : i32
      %dma_wait3A_903 = tpu.memref_slice %arg60[%run_scoped3A_5, %dma_wait3A_902] : memref<8x16xf32, #tpu.memory_space<vmem>> -> memref<1x16xf32, #tpu.memory_space<vmem>>
      %dma_wait3A_904 = tpu.memref_squeeze %dma_wait3A_903 : memref<1x16xf32, #tpu.memory_space<vmem>> -> memref<16xf32, #tpu.memory_space<vmem>>
      tpu.wait_dma2 semaphore(%run_scoped3A_892 : memref<!tpu.dma_semaphore, #tpu.memory_space<semaphore_mem>>) src(%arg12 : memref<16xf32, #tpu.memory_space<hbm>>) dst(%dma_wait3A_904 : memref<16xf32, #tpu.memory_space<vmem>>)
      tpu.yield
    }) : () -> ()
    %run_scoped3A_6 = arith.constant 7 : i32
    "tpu.region"() ({
      %run_scoped3A_892 = tpu.sem_alloc : memref<!tpu.dma_semaphore, #tpu.memory_space<semaphore_mem>>
      %dma_start3A_893 = arith.constant 0 : i32
      %dma_start3A_894 = tpu.memref_slice %arg60[%run_scoped3A_6, %dma_start3A_893] : memref<8x16xf32, #tpu.memory_space<vmem>> -> memref<1x16xf32, #tpu.memory_space<vmem>>
      %dma_start3A_895 = tpu.memref_squeeze %dma_start3A_894 : memref<1x16xf32, #tpu.memory_space<vmem>> -> memref<16xf32, #tpu.memory_space<vmem>>
      %dma_start3A_896 = arith.constant 0 : i32
      %dma_start3A_897 = tpu.memref_slice %arg60[%run_scoped3A_6, %dma_start3A_896] : memref<8x16xf32, #tpu.memory_space<vmem>> -> memref<1x16xf32, #tpu.memory_space<vmem>>
      %dma_start3A_898 = tpu.memref_squeeze %dma_start3A_897 : memref<1x16xf32, #tpu.memory_space<vmem>> -> memref<16xf32, #tpu.memory_space<vmem>>
      tpu.enqueue_dma source(%arg13 : memref<16xf32, #tpu.memory_space<hbm>>) target(%dma_start3A_898 : memref<16xf32, #tpu.memory_space<vmem>>) target_semaphore(%run_scoped3A_892 : memref<!tpu.dma_semaphore, #tpu.memory_space<semaphore_mem>>)
      %dma_wait3A_899 = arith.constant 0 : i32
      %dma_wait3A_900 = tpu.memref_slice %arg60[%run_scoped3A_6, %dma_wait3A_899] : memref<8x16xf32, #tpu.memory_space<vmem>> -> memref<1x16xf32, #tpu.memory_space<vmem>>
      %dma_wait3A_901 = tpu.memref_squeeze %dma_wait3A_900 : memref<1x16xf32, #tpu.memory_space<vmem>> -> memref<16xf32, #tpu.memory_space<vmem>>
      %dma_wait3A_902 = arith.constant 0 : i32
      %dma_wait3A_903 = tpu.memref_slice %arg60[%run_scoped3A_6, %dma_wait3A_902] : memref<8x16xf32, #tpu.memory_space<vmem>> -> memref<1x16xf32, #tpu.memory_space<vmem>>
      %dma_wait3A_904 = tpu.memref_squeeze %dma_wait3A_903 : memref<1x16xf32, #tpu.memory_space<vmem>> -> memref<16xf32, #tpu.memory_space<vmem>>
      tpu.wait_dma2 semaphore(%run_scoped3A_892 : memref<!tpu.dma_semaphore, #tpu.memory_space<semaphore_mem>>) src(%arg13 : memref<16xf32, #tpu.memory_space<hbm>>) dst(%dma_wait3A_904 : memref<16xf32, #tpu.memory_space<vmem>>)
      tpu.yield
    }) : () -> ()
    %scan3A = arith.constant 0 : i32
    %scan3A_7 = arith.constant 0 : i32
    %scan3A_8 = arith.constant 125 : i32
    %scan3A_9 = arith.addi %scan3A_7, %scan3A_8 : i32
    %scan3A_10 = arith.constant 1 : i32
    %scan3A_11 = scf.for %scan3A_892 = %scan3A_7 to %scan3A_9 step %scan3A_10 iter_args(%scan3A_893 = %scan3A) -> (i32)  : i32 {
      %broadcast_in_dim3A = arith.constant 0.000000e+00 : f32
      %broadcast_in_dim3A_894 = vector.broadcast %broadcast_in_dim3A : f32 to vector<16xf32>
      %mul3A_895 = arith.constant 16 : i32
      %mul3A_896 = arith.muli %scan3A_892, %mul3A_895 : i32
      %swap3A = arith.index_cast %mul3A_896 : i32 to index
      %swap3A_897 = tpu.vector_load %arg41[%swap3A] {strides = array<i32>} : memref<2000xf32, #tpu.memory_space<vmem>>, vector<16xf32>,
      %swap3A_898 = vector.shape_cast %swap3A_897 : vector<16xf32> to vector<16xf32>
      %swap3A_899 = vector.shape_cast %broadcast_in_dim3A_894 : vector<16xf32> to vector<16xf32>
      tpu.vector_store %arg41[%swap3A], %swap3A_899 {strides = array<i32>} : memref<2000xf32, #tpu.memory_space<vmem>>, vector<16xf32>,
      %scan3A_900 = arith.constant 0 : i32
      scf.yield %scan3A_900 : i32
    }
    %scan3A_12 = arith.constant 125 : i32
    %mul3A = arith.constant 6256 : i32
    %mul3A_13 = arith.muli %arg1, %mul3A : i32
    %dma_start3A = tpu.memref_slice %arg26[%mul3A_13] : memref<100096xf32, #tpu.memory_space<vmem_shared>> -> memref<6256xf32, #tpu.memory_space<vmem_shared>>
    %dma_start3A_14 = tpu.memref_slice %arg4[%mul3A_13] : memref<100096xf32, #tpu.memory_space<hbm>> -> memref<6256xf32, #tpu.memory_space<hbm>>
    tpu.enqueue_dma source(%dma_start3A_14 : memref<6256xf32, #tpu.memory_space<hbm>>) target(%dma_start3A : memref<6256xf32, #tpu.memory_space<vmem_shared>>) target_semaphore(%arg62 : memref<!tpu.dma_semaphore, #tpu.memory_space<semaphore_mem>>)
    %dma_start3A_15 = tpu.memref_slice %arg27[%mul3A_13] : memref<100096xf32, #tpu.memory_space<vmem_shared>> -> memref<6256xf32, #tpu.memory_space<vmem_shared>>
    %dma_start3A_16 = tpu.memref_slice %arg5[%mul3A_13] : memref<100096xf32, #tpu.memory_space<hbm>> -> memref<6256xf32, #tpu.memory_space<hbm>>
    tpu.enqueue_dma source(%dma_start3A_16 : memref<6256xf32, #tpu.memory_space<hbm>>) target(%dma_start3A_15 : memref<6256xf32, #tpu.memory_space<vmem_shared>>) target_semaphore(%arg62 : memref<!tpu.dma_semaphore, #tpu.memory_space<semaphore_mem>>)
    %add3A = arith.constant 0 : i32
    %add3A_17 = arith.addi %mul3A_13, %add3A : i32
    %dma_start3A_18 = arith.constant 0 : i32
    %dma_start3A_19 = tpu.memref_slice %arg41[%dma_start3A_18] : memref<2000xf32, #tpu.memory_space<vmem>> -> memref<2000xf32, #tpu.memory_space<vmem>>
    %dma_start3A_20 = tpu.memref_slice %arg28[%add3A_17] : memref<100096xf32, #tpu.memory_space<vmem_shared>> -> memref<2000xf32, #tpu.memory_space<vmem_shared>>
    %dma_start3A_21 = tpu.memref_slice %arg28[%add3A_17] : memref<100096xf32, #tpu.memory_space<vmem_shared>> -> memref<2000xf32, #tpu.memory_space<vmem_shared>>
    %dma_start3A_22 = arith.constant 0 : i32
    %dma_start3A_23 = tpu.memref_slice %arg41[%dma_start3A_22] : memref<2000xf32, #tpu.memory_space<vmem>> -> memref<2000xf32, #tpu.memory_space<vmem>>
    tpu.enqueue_dma source(%dma_start3A_23 : memref<2000xf32, #tpu.memory_space<vmem>>) target(%dma_start3A_21 : memref<2000xf32, #tpu.memory_space<vmem_shared>>) target_semaphore(%arg61 : memref<!tpu.dma_semaphore, #tpu.memory_space<semaphore_mem>>)
    %add3A_24 = arith.constant 0 : i32
    %add3A_25 = arith.addi %mul3A_13, %add3A_24 : i32
    %dma_start3A_26 = arith.constant 0 : i32
    %dma_start3A_27 = tpu.memref_slice %arg41[%dma_start3A_26] : memref<2000xf32, #tpu.memory_space<vmem>> -> memref<2000xf32, #tpu.memory_space<vmem>>
    %dma_start3A_28 = tpu.memref_slice %arg29[%add3A_25] : memref<100096xf32, #tpu.memory_space<vmem_shared>> -> memref<2000xf32, #tpu.memory_space<vmem_shared>>
    %dma_start3A_29 = tpu.memref_slice %arg29[%add3A_25] : memref<100096xf32, #tpu.memory_space<vmem_shared>> -> memref<2000xf32, #tpu.memory_space<vmem_shared>>
    %dma_start3A_30 = arith.constant 0 : i32
    %dma_start3A_31 = tpu.memref_slice %arg41[%dma_start3A_30] : memref<2000xf32, #tpu.memory_space<vmem>> -> memref<2000xf32, #tpu.memory_space<vmem>>
    tpu.enqueue_dma source(%dma_start3A_31 : memref<2000xf32, #tpu.memory_space<vmem>>) target(%dma_start3A_29 : memref<2000xf32, #tpu.memory_space<vmem_shared>>) target_semaphore(%arg61 : memref<!tpu.dma_semaphore, #tpu.memory_space<semaphore_mem>>)
    %add3A_32 = arith.constant 0 : i32
    %add3A_33 = arith.addi %mul3A_13, %add3A_32 : i32
    %dma_start3A_34 = arith.constant 0 : i32
    %dma_start3A_35 = tpu.memref_slice %arg41[%dma_start3A_34] : memref<2000xf32, #tpu.memory_space<vmem>> -> memref<2000xf32, #tpu.memory_space<vmem>>
    %dma_start3A_36 = tpu.memref_slice %arg30[%add3A_33] : memref<100096xf32, #tpu.memory_space<vmem_shared>> -> memref<2000xf32, #tpu.memory_space<vmem_shared>>
    %dma_start3A_37 = tpu.memref_slice %arg30[%add3A_33] : memref<100096xf32, #tpu.memory_space<vmem_shared>> -> memref<2000xf32, #tpu.memory_space<vmem_shared>>
    %dma_start3A_38 = arith.constant 0 : i32
    %dma_start3A_39 = tpu.memref_slice %arg41[%dma_start3A_38] : memref<2000xf32, #tpu.memory_space<vmem>> -> memref<2000xf32, #tpu.memory_space<vmem>>
    tpu.enqueue_dma source(%dma_start3A_39 : memref<2000xf32, #tpu.memory_space<vmem>>) target(%dma_start3A_37 : memref<2000xf32, #tpu.memory_space<vmem_shared>>) target_semaphore(%arg61 : memref<!tpu.dma_semaphore, #tpu.memory_space<semaphore_mem>>)
    %add3A_40 = arith.constant 0 : i32
    %add3A_41 = arith.addi %mul3A_13, %add3A_40 : i32
    %dma_start3A_42 = arith.constant 0 : i32
    %dma_start3A_43 = tpu.memref_slice %arg41[%dma_start3A_42] : memref<2000xf32, #tpu.memory_space<vmem>> -> memref<2000xf32, #tpu.memory_space<vmem>>
    %dma_start3A_44 = tpu.memref_slice %arg31[%add3A_41] : memref<100096xf32, #tpu.memory_space<vmem_shared>> -> memref<2000xf32, #tpu.memory_space<vmem_shared>>
    %dma_start3A_45 = tpu.memref_slice %arg31[%add3A_41] : memref<100096xf32, #tpu.memory_space<vmem_shared>> -> memref<2000xf32, #tpu.memory_space<vmem_shared>>
    %dma_start3A_46 = arith.constant 0 : i32
    %dma_start3A_47 = tpu.memref_slice %arg41[%dma_start3A_46] : memref<2000xf32, #tpu.memory_space<vmem>> -> memref<2000xf32, #tpu.memory_space<vmem>>
    tpu.enqueue_dma source(%dma_start3A_47 : memref<2000xf32, #tpu.memory_space<vmem>>) target(%dma_start3A_45 : memref<2000xf32, #tpu.memory_space<vmem_shared>>) target_semaphore(%arg61 : memref<!tpu.dma_semaphore, #tpu.memory_space<semaphore_mem>>)
    %add3A_48 = arith.constant 0 : i32
    %add3A_49 = arith.addi %mul3A_13, %add3A_48 : i32
    %dma_start3A_50 = arith.constant 0 : i32
    %dma_start3A_51 = tpu.memref_slice %arg41[%dma_start3A_50] : memref<2000xf32, #tpu.memory_space<vmem>> -> memref<2000xf32, #tpu.memory_space<vmem>>
    %dma_start3A_52 = tpu.memref_slice %arg32[%add3A_49] : memref<100096xf32, #tpu.memory_space<vmem_shared>> -> memref<2000xf32, #tpu.memory_space<vmem_shared>>
    %dma_start3A_53 = tpu.memref_slice %arg32[%add3A_49] : memref<100096xf32, #tpu.memory_space<vmem_shared>> -> memref<2000xf32, #tpu.memory_space<vmem_shared>>
    %dma_start3A_54 = arith.constant 0 : i32
    %dma_start3A_55 = tpu.memref_slice %arg41[%dma_start3A_54] : memref<2000xf32, #tpu.memory_space<vmem>> -> memref<2000xf32, #tpu.memory_space<vmem>>
    tpu.enqueue_dma source(%dma_start3A_55 : memref<2000xf32, #tpu.memory_space<vmem>>) target(%dma_start3A_53 : memref<2000xf32, #tpu.memory_space<vmem_shared>>) target_semaphore(%arg61 : memref<!tpu.dma_semaphore, #tpu.memory_space<semaphore_mem>>)
    %add3A_56 = arith.constant 0 : i32
    %add3A_57 = arith.addi %mul3A_13, %add3A_56 : i32
    %dma_start3A_58 = arith.constant 0 : i32
    %dma_start3A_59 = tpu.memref_slice %arg41[%dma_start3A_58] : memref<2000xf32, #tpu.memory_space<vmem>> -> memref<2000xf32, #tpu.memory_space<vmem>>
    %dma_start3A_60 = tpu.memref_slice %arg33[%add3A_57] : memref<100096xf32, #tpu.memory_space<vmem_shared>> -> memref<2000xf32, #tpu.memory_space<vmem_shared>>
    %dma_start3A_61 = tpu.memref_slice %arg33[%add3A_57] : memref<100096xf32, #tpu.memory_space<vmem_shared>> -> memref<2000xf32, #tpu.memory_space<vmem_shared>>
    %dma_start3A_62 = arith.constant 0 : i32
    %dma_start3A_63 = tpu.memref_slice %arg41[%dma_start3A_62] : memref<2000xf32, #tpu.memory_space<vmem>> -> memref<2000xf32, #tpu.memory_space<vmem>>
    tpu.enqueue_dma source(%dma_start3A_63 : memref<2000xf32, #tpu.memory_space<vmem>>) target(%dma_start3A_61 : memref<2000xf32, #tpu.memory_space<vmem_shared>>) target_semaphore(%arg61 : memref<!tpu.dma_semaphore, #tpu.memory_space<semaphore_mem>>)
    %add3A_64 = arith.constant 2000 : i32
    %add3A_65 = arith.addi %mul3A_13, %add3A_64 : i32
    %dma_start3A_66 = arith.constant 0 : i32
    %dma_start3A_67 = tpu.memref_slice %arg41[%dma_start3A_66] : memref<2000xf32, #tpu.memory_space<vmem>> -> memref<2000xf32, #tpu.memory_space<vmem>>
    %dma_start3A_68 = tpu.memref_slice %arg28[%add3A_65] : memref<100096xf32, #tpu.memory_space<vmem_shared>> -> memref<2000xf32, #tpu.memory_space<vmem_shared>>
    %dma_start3A_69 = tpu.memref_slice %arg28[%add3A_65] : memref<100096xf32, #tpu.memory_space<vmem_shared>> -> memref<2000xf32, #tpu.memory_space<vmem_shared>>
    %dma_start3A_70 = arith.constant 0 : i32
    %dma_start3A_71 = tpu.memref_slice %arg41[%dma_start3A_70] : memref<2000xf32, #tpu.memory_space<vmem>> -> memref<2000xf32, #tpu.memory_space<vmem>>
    tpu.enqueue_dma source(%dma_start3A_71 : memref<2000xf32, #tpu.memory_space<vmem>>) target(%dma_start3A_69 : memref<2000xf32, #tpu.memory_space<vmem_shared>>) target_semaphore(%arg61 : memref<!tpu.dma_semaphore, #tpu.memory_space<semaphore_mem>>)
    %add3A_72 = arith.constant 2000 : i32
    %add3A_73 = arith.addi %mul3A_13, %add3A_72 : i32
    %dma_start3A_74 = arith.constant 0 : i32
    %dma_start3A_75 = tpu.memref_slice %arg41[%dma_start3A_74] : memref<2000xf32, #tpu.memory_space<vmem>> -> memref<2000xf32, #tpu.memory_space<vmem>>
    %dma_start3A_76 = tpu.memref_slice %arg29[%add3A_73] : memref<100096xf32, #tpu.memory_space<vmem_shared>> -> memref<2000xf32, #tpu.memory_space<vmem_shared>>
    %dma_start3A_77 = tpu.memref_slice %arg29[%add3A_73] : memref<100096xf32, #tpu.memory_space<vmem_shared>> -> memref<2000xf32, #tpu.memory_space<vmem_shared>>
    %dma_start3A_78 = arith.constant 0 : i32
    %dma_start3A_79 = tpu.memref_slice %arg41[%dma_start3A_78] : memref<2000xf32, #tpu.memory_space<vmem>> -> memref<2000xf32, #tpu.memory_space<vmem>>
    tpu.enqueue_dma source(%dma_start3A_79 : memref<2000xf32, #tpu.memory_space<vmem>>) target(%dma_start3A_77 : memref<2000xf32, #tpu.memory_space<vmem_shared>>) target_semaphore(%arg61 : memref<!tpu.dma_semaphore, #tpu.memory_space<semaphore_mem>>)
    %add3A_80 = arith.constant 2000 : i32
    %add3A_81 = arith.addi %mul3A_13, %add3A_80 : i32
    %dma_start3A_82 = arith.constant 0 : i32
    %dma_start3A_83 = tpu.memref_slice %arg41[%dma_start3A_82] : memref<2000xf32, #tpu.memory_space<vmem>> -> memref<2000xf32, #tpu.memory_space<vmem>>
    %dma_start3A_84 = tpu.memref_slice %arg30[%add3A_81] : memref<100096xf32, #tpu.memory_space<vmem_shared>> -> memref<2000xf32, #tpu.memory_space<vmem_shared>>
    %dma_start3A_85 = tpu.memref_slice %arg30[%add3A_81] : memref<100096xf32, #tpu.memory_space<vmem_shared>> -> memref<2000xf32, #tpu.memory_space<vmem_shared>>
    %dma_start3A_86 = arith.constant 0 : i32
    %dma_start3A_87 = tpu.memref_slice %arg41[%dma_start3A_86] : memref<2000xf32, #tpu.memory_space<vmem>> -> memref<2000xf32, #tpu.memory_space<vmem>>
    tpu.enqueue_dma source(%dma_start3A_87 : memref<2000xf32, #tpu.memory_space<vmem>>) target(%dma_start3A_85 : memref<2000xf32, #tpu.memory_space<vmem_shared>>) target_semaphore(%arg61 : memref<!tpu.dma_semaphore, #tpu.memory_space<semaphore_mem>>)
    %add3A_88 = arith.constant 2000 : i32
    %add3A_89 = arith.addi %mul3A_13, %add3A_88 : i32
    %dma_start3A_90 = arith.constant 0 : i32
    %dma_start3A_91 = tpu.memref_slice %arg41[%dma_start3A_90] : memref<2000xf32, #tpu.memory_space<vmem>> -> memref<2000xf32, #tpu.memory_space<vmem>>
    %dma_start3A_92 = tpu.memref_slice %arg31[%add3A_89] : memref<100096xf32, #tpu.memory_space<vmem_shared>> -> memref<2000xf32, #tpu.memory_space<vmem_shared>>
    %dma_start3A_93 = tpu.memref_slice %arg31[%add3A_89] : memref<100096xf32, #tpu.memory_space<vmem_shared>> -> memref<2000xf32, #tpu.memory_space<vmem_shared>>
    %dma_start3A_94 = arith.constant 0 : i32
    %dma_start3A_95 = tpu.memref_slice %arg41[%dma_start3A_94] : memref<2000xf32, #tpu.memory_space<vmem>> -> memref<2000xf32, #tpu.memory_space<vmem>>
    tpu.enqueue_dma source(%dma_start3A_95 : memref<2000xf32, #tpu.memory_space<vmem>>) target(%dma_start3A_93 : memref<2000xf32, #tpu.memory_space<vmem_shared>>) target_semaphore(%arg61 : memref<!tpu.dma_semaphore, #tpu.memory_space<semaphore_mem>>)
    %add3A_96 = arith.constant 2000 : i32
    %add3A_97 = arith.addi %mul3A_13, %add3A_96 : i32
    %dma_start3A_98 = arith.constant 0 : i32
    %dma_start3A_99 = tpu.memref_slice %arg41[%dma_start3A_98] : memref<2000xf32, #tpu.memory_space<vmem>> -> memref<2000xf32, #tpu.memory_space<vmem>>
    %dma_start3A_100 = tpu.memref_slice %arg32[%add3A_97] : memref<100096xf32, #tpu.memory_space<vmem_shared>> -> memref<2000xf32, #tpu.memory_space<vmem_shared>>
    %dma_start3A_101 = tpu.memref_slice %arg32[%add3A_97] : memref<100096xf32, #tpu.memory_space<vmem_shared>> -> memref<2000xf32, #tpu.memory_space<vmem_shared>>
    %dma_start3A_102 = arith.constant 0 : i32
    %dma_start3A_103 = tpu.memref_slice %arg41[%dma_start3A_102] : memref<2000xf32, #tpu.memory_space<vmem>> -> memref<2000xf32, #tpu.memory_space<vmem>>
    tpu.enqueue_dma source(%dma_start3A_103 : memref<2000xf32, #tpu.memory_space<vmem>>) target(%dma_start3A_101 : memref<2000xf32, #tpu.memory_space<vmem_shared>>) target_semaphore(%arg61 : memref<!tpu.dma_semaphore, #tpu.memory_space<semaphore_mem>>)
    %add3A_104 = arith.constant 2000 : i32
    %add3A_105 = arith.addi %mul3A_13, %add3A_104 : i32
    %dma_start3A_106 = arith.constant 0 : i32
    %dma_start3A_107 = tpu.memref_slice %arg41[%dma_start3A_106] : memref<2000xf32, #tpu.memory_space<vmem>> -> memref<2000xf32, #tpu.memory_space<vmem>>
    %dma_start3A_108 = tpu.memref_slice %arg33[%add3A_105] : memref<100096xf32, #tpu.memory_space<vmem_shared>> -> memref<2000xf32, #tpu.memory_space<vmem_shared>>
    %dma_start3A_109 = tpu.memref_slice %arg33[%add3A_105] : memref<100096xf32, #tpu.memory_space<vmem_shared>> -> memref<2000xf32, #tpu.memory_space<vmem_shared>>
    %dma_start3A_110 = arith.constant 0 : i32
    %dma_start3A_111 = tpu.memref_slice %arg41[%dma_start3A_110] : memref<2000xf32, #tpu.memory_space<vmem>> -> memref<2000xf32, #tpu.memory_space<vmem>>
    tpu.enqueue_dma source(%dma_start3A_111 : memref<2000xf32, #tpu.memory_space<vmem>>) target(%dma_start3A_109 : memref<2000xf32, #tpu.memory_space<vmem_shared>>) target_semaphore(%arg61 : memref<!tpu.dma_semaphore, #tpu.memory_space<semaphore_mem>>)
    %add3A_112 = arith.constant 4000 : i32
    %add3A_113 = arith.addi %mul3A_13, %add3A_112 : i32
    %dma_start3A_114 = arith.constant 0 : i32
    %dma_start3A_115 = tpu.memref_slice %arg41[%dma_start3A_114] : memref<2000xf32, #tpu.memory_space<vmem>> -> memref<2000xf32, #tpu.memory_space<vmem>>
    %dma_start3A_116 = tpu.memref_slice %arg28[%add3A_113] : memref<100096xf32, #tpu.memory_space<vmem_shared>> -> memref<2000xf32, #tpu.memory_space<vmem_shared>>
    %dma_start3A_117 = tpu.memref_slice %arg28[%add3A_113] : memref<100096xf32, #tpu.memory_space<vmem_shared>> -> memref<2000xf32, #tpu.memory_space<vmem_shared>>
    %dma_start3A_118 = arith.constant 0 : i32
    %dma_start3A_119 = tpu.memref_slice %arg41[%dma_start3A_118] : memref<2000xf32, #tpu.memory_space<vmem>> -> memref<2000xf32, #tpu.memory_space<vmem>>
    tpu.enqueue_dma source(%dma_start3A_119 : memref<2000xf32, #tpu.memory_space<vmem>>) target(%dma_start3A_117 : memref<2000xf32, #tpu.memory_space<vmem_shared>>) target_semaphore(%arg61 : memref<!tpu.dma_semaphore, #tpu.memory_space<semaphore_mem>>)
    %add3A_120 = arith.constant 4000 : i32
    %add3A_121 = arith.addi %mul3A_13, %add3A_120 : i32
    %dma_start3A_122 = arith.constant 0 : i32
    %dma_start3A_123 = tpu.memref_slice %arg41[%dma_start3A_122] : memref<2000xf32, #tpu.memory_space<vmem>> -> memref<2000xf32, #tpu.memory_space<vmem>>
    %dma_start3A_124 = tpu.memref_slice %arg29[%add3A_121] : memref<100096xf32, #tpu.memory_space<vmem_shared>> -> memref<2000xf32, #tpu.memory_space<vmem_shared>>
    %dma_start3A_125 = tpu.memref_slice %arg29[%add3A_121] : memref<100096xf32, #tpu.memory_space<vmem_shared>> -> memref<2000xf32, #tpu.memory_space<vmem_shared>>
    %dma_start3A_126 = arith.constant 0 : i32
    %dma_start3A_127 = tpu.memref_slice %arg41[%dma_start3A_126] : memref<2000xf32, #tpu.memory_space<vmem>> -> memref<2000xf32, #tpu.memory_space<vmem>>
    tpu.enqueue_dma source(%dma_start3A_127 : memref<2000xf32, #tpu.memory_space<vmem>>) target(%dma_start3A_125 : memref<2000xf32, #tpu.memory_space<vmem_shared>>) target_semaphore(%arg61 : memref<!tpu.dma_semaphore, #tpu.memory_space<semaphore_mem>>)
    %add3A_128 = arith.constant 4000 : i32
    %add3A_129 = arith.addi %mul3A_13, %add3A_128 : i32
    %dma_start3A_130 = arith.constant 0 : i32
    %dma_start3A_131 = tpu.memref_slice %arg41[%dma_start3A_130] : memref<2000xf32, #tpu.memory_space<vmem>> -> memref<2000xf32, #tpu.memory_space<vmem>>
    %dma_start3A_132 = tpu.memref_slice %arg30[%add3A_129] : memref<100096xf32, #tpu.memory_space<vmem_shared>> -> memref<2000xf32, #tpu.memory_space<vmem_shared>>
    %dma_start3A_133 = tpu.memref_slice %arg30[%add3A_129] : memref<100096xf32, #tpu.memory_space<vmem_shared>> -> memref<2000xf32, #tpu.memory_space<vmem_shared>>
    %dma_start3A_134 = arith.constant 0 : i32
    %dma_start3A_135 = tpu.memref_slice %arg41[%dma_start3A_134] : memref<2000xf32, #tpu.memory_space<vmem>> -> memref<2000xf32, #tpu.memory_space<vmem>>
    tpu.enqueue_dma source(%dma_start3A_135 : memref<2000xf32, #tpu.memory_space<vmem>>) target(%dma_start3A_133 : memref<2000xf32, #tpu.memory_space<vmem_shared>>) target_semaphore(%arg61 : memref<!tpu.dma_semaphore, #tpu.memory_space<semaphore_mem>>)
    %add3A_136 = arith.constant 4000 : i32
    %add3A_137 = arith.addi %mul3A_13, %add3A_136 : i32
    %dma_start3A_138 = arith.constant 0 : i32
    %dma_start3A_139 = tpu.memref_slice %arg41[%dma_start3A_138] : memref<2000xf32, #tpu.memory_space<vmem>> -> memref<2000xf32, #tpu.memory_space<vmem>>
    %dma_start3A_140 = tpu.memref_slice %arg31[%add3A_137] : memref<100096xf32, #tpu.memory_space<vmem_shared>> -> memref<2000xf32, #tpu.memory_space<vmem_shared>>
    %dma_start3A_141 = tpu.memref_slice %arg31[%add3A_137] : memref<100096xf32, #tpu.memory_space<vmem_shared>> -> memref<2000xf32, #tpu.memory_space<vmem_shared>>
    %dma_start3A_142 = arith.constant 0 : i32
    %dma_start3A_143 = tpu.memref_slice %arg41[%dma_start3A_142] : memref<2000xf32, #tpu.memory_space<vmem>> -> memref<2000xf32, #tpu.memory_space<vmem>>
    tpu.enqueue_dma source(%dma_start3A_143 : memref<2000xf32, #tpu.memory_space<vmem>>) target(%dma_start3A_141 : memref<2000xf32, #tpu.memory_space<vmem_shared>>) target_semaphore(%arg61 : memref<!tpu.dma_semaphore, #tpu.memory_space<semaphore_mem>>)
    %add3A_144 = arith.constant 4000 : i32
    %add3A_145 = arith.addi %mul3A_13, %add3A_144 : i32
    %dma_start3A_146 = arith.constant 0 : i32
    %dma_start3A_147 = tpu.memref_slice %arg41[%dma_start3A_146] : memref<2000xf32, #tpu.memory_space<vmem>> -> memref<2000xf32, #tpu.memory_space<vmem>>
    %dma_start3A_148 = tpu.memref_slice %arg32[%add3A_145] : memref<100096xf32, #tpu.memory_space<vmem_shared>> -> memref<2000xf32, #tpu.memory_space<vmem_shared>>
    %dma_start3A_149 = tpu.memref_slice %arg32[%add3A_145] : memref<100096xf32, #tpu.memory_space<vmem_shared>> -> memref<2000xf32, #tpu.memory_space<vmem_shared>>
    %dma_start3A_150 = arith.constant 0 : i32
    %dma_start3A_151 = tpu.memref_slice %arg41[%dma_start3A_150] : memref<2000xf32, #tpu.memory_space<vmem>> -> memref<2000xf32, #tpu.memory_space<vmem>>
    tpu.enqueue_dma source(%dma_start3A_151 : memref<2000xf32, #tpu.memory_space<vmem>>) target(%dma_start3A_149 : memref<2000xf32, #tpu.memory_space<vmem_shared>>) target_semaphore(%arg61 : memref<!tpu.dma_semaphore, #tpu.memory_space<semaphore_mem>>)
    %add3A_152 = arith.constant 4000 : i32
    %add3A_153 = arith.addi %mul3A_13, %add3A_152 : i32
    %dma_start3A_154 = arith.constant 0 : i32
    %dma_start3A_155 = tpu.memref_slice %arg41[%dma_start3A_154] : memref<2000xf32, #tpu.memory_space<vmem>> -> memref<2000xf32, #tpu.memory_space<vmem>>
    %dma_start3A_156 = tpu.memref_slice %arg33[%add3A_153] : memref<100096xf32, #tpu.memory_space<vmem_shared>> -> memref<2000xf32, #tpu.memory_space<vmem_shared>>
    %dma_start3A_157 = tpu.memref_slice %arg33[%add3A_153] : memref<100096xf32, #tpu.memory_space<vmem_shared>> -> memref<2000xf32, #tpu.memory_space<vmem_shared>>
    %dma_start3A_158 = arith.constant 0 : i32
    %dma_start3A_159 = tpu.memref_slice %arg41[%dma_start3A_158] : memref<2000xf32, #tpu.memory_space<vmem>> -> memref<2000xf32, #tpu.memory_space<vmem>>
    tpu.enqueue_dma source(%dma_start3A_159 : memref<2000xf32, #tpu.memory_space<vmem>>) target(%dma_start3A_157 : memref<2000xf32, #tpu.memory_space<vmem_shared>>) target_semaphore(%arg61 : memref<!tpu.dma_semaphore, #tpu.memory_space<semaphore_mem>>)
    %add3A_160 = arith.constant 6000 : i32
    %add3A_161 = arith.addi %mul3A_13, %add3A_160 : i32
    %dma_start3A_162 = arith.constant 0 : i32
    %dma_start3A_163 = tpu.memref_slice %arg41[%dma_start3A_162] : memref<2000xf32, #tpu.memory_space<vmem>> -> memref<256xf32, #tpu.memory_space<vmem>>
    %dma_start3A_164 = tpu.memref_slice %arg28[%add3A_161] : memref<100096xf32, #tpu.memory_space<vmem_shared>> -> memref<256xf32, #tpu.memory_space<vmem_shared>>
    %dma_start3A_165 = tpu.memref_slice %arg28[%add3A_161] : memref<100096xf32, #tpu.memory_space<vmem_shared>> -> memref<256xf32, #tpu.memory_space<vmem_shared>>
    %dma_start3A_166 = arith.constant 0 : i32
    %dma_start3A_167 = tpu.memref_slice %arg41[%dma_start3A_166] : memref<2000xf32, #tpu.memory_space<vmem>> -> memref<256xf32, #tpu.memory_space<vmem>>
    tpu.enqueue_dma source(%dma_start3A_167 : memref<256xf32, #tpu.memory_space<vmem>>) target(%dma_start3A_165 : memref<256xf32, #tpu.memory_space<vmem_shared>>) target_semaphore(%arg61 : memref<!tpu.dma_semaphore, #tpu.memory_space<semaphore_mem>>)
    %add3A_168 = arith.constant 6000 : i32
    %add3A_169 = arith.addi %mul3A_13, %add3A_168 : i32
    %dma_start3A_170 = arith.constant 0 : i32
    %dma_start3A_171 = tpu.memref_slice %arg41[%dma_start3A_170] : memref<2000xf32, #tpu.memory_space<vmem>> -> memref<256xf32, #tpu.memory_space<vmem>>
    %dma_start3A_172 = tpu.memref_slice %arg29[%add3A_169] : memref<100096xf32, #tpu.memory_space<vmem_shared>> -> memref<256xf32, #tpu.memory_space<vmem_shared>>
    %dma_start3A_173 = tpu.memref_slice %arg29[%add3A_169] : memref<100096xf32, #tpu.memory_space<vmem_shared>> -> memref<256xf32, #tpu.memory_space<vmem_shared>>
    %dma_start3A_174 = arith.constant 0 : i32
    %dma_start3A_175 = tpu.memref_slice %arg41[%dma_start3A_174] : memref<2000xf32, #tpu.memory_space<vmem>> -> memref<256xf32, #tpu.memory_space<vmem>>
    tpu.enqueue_dma source(%dma_start3A_175 : memref<256xf32, #tpu.memory_space<vmem>>) target(%dma_start3A_173 : memref<256xf32, #tpu.memory_space<vmem_shared>>) target_semaphore(%arg61 : memref<!tpu.dma_semaphore, #tpu.memory_space<semaphore_mem>>)
    %add3A_176 = arith.constant 6000 : i32
    %add3A_177 = arith.addi %mul3A_13, %add3A_176 : i32
    %dma_start3A_178 = arith.constant 0 : i32
    %dma_start3A_179 = tpu.memref_slice %arg41[%dma_start3A_178] : memref<2000xf32, #tpu.memory_space<vmem>> -> memref<256xf32, #tpu.memory_space<vmem>>
    %dma_start3A_180 = tpu.memref_slice %arg30[%add3A_177] : memref<100096xf32, #tpu.memory_space<vmem_shared>> -> memref<256xf32, #tpu.memory_space<vmem_shared>>
    %dma_start3A_181 = tpu.memref_slice %arg30[%add3A_177] : memref<100096xf32, #tpu.memory_space<vmem_shared>> -> memref<256xf32, #tpu.memory_space<vmem_shared>>
    %dma_start3A_182 = arith.constant 0 : i32
    %dma_start3A_183 = tpu.memref_slice %arg41[%dma_start3A_182] : memref<2000xf32, #tpu.memory_space<vmem>> -> memref<256xf32, #tpu.memory_space<vmem>>
    tpu.enqueue_dma source(%dma_start3A_183 : memref<256xf32, #tpu.memory_space<vmem>>) target(%dma_start3A_181 : memref<256xf32, #tpu.memory_space<vmem_shared>>) target_semaphore(%arg61 : memref<!tpu.dma_semaphore, #tpu.memory_space<semaphore_mem>>)
    %add3A_184 = arith.constant 6000 : i32
    %add3A_185 = arith.addi %mul3A_13, %add3A_184 : i32
    %dma_start3A_186 = arith.constant 0 : i32
    %dma_start3A_187 = tpu.memref_slice %arg41[%dma_start3A_186] : memref<2000xf32, #tpu.memory_space<vmem>> -> memref<256xf32, #tpu.memory_space<vmem>>
    %dma_start3A_188 = tpu.memref_slice %arg31[%add3A_185] : memref<100096xf32, #tpu.memory_space<vmem_shared>> -> memref<256xf32, #tpu.memory_space<vmem_shared>>
    %dma_start3A_189 = tpu.memref_slice %arg31[%add3A_185] : memref<100096xf32, #tpu.memory_space<vmem_shared>> -> memref<256xf32, #tpu.memory_space<vmem_shared>>
    %dma_start3A_190 = arith.constant 0 : i32
    %dma_start3A_191 = tpu.memref_slice %arg41[%dma_start3A_190] : memref<2000xf32, #tpu.memory_space<vmem>> -> memref<256xf32, #tpu.memory_space<vmem>>
    tpu.enqueue_dma source(%dma_start3A_191 : memref<256xf32, #tpu.memory_space<vmem>>) target(%dma_start3A_189 : memref<256xf32, #tpu.memory_space<vmem_shared>>) target_semaphore(%arg61 : memref<!tpu.dma_semaphore, #tpu.memory_space<semaphore_mem>>)
    %add3A_192 = arith.constant 6000 : i32
    %add3A_193 = arith.addi %mul3A_13, %add3A_192 : i32
    %dma_start3A_194 = arith.constant 0 : i32
    %dma_start3A_195 = tpu.memref_slice %arg41[%dma_start3A_194] : memref<2000xf32, #tpu.memory_space<vmem>> -> memref<256xf32, #tpu.memory_space<vmem>>
    %dma_start3A_196 = tpu.memref_slice %arg32[%add3A_193] : memref<100096xf32, #tpu.memory_space<vmem_shared>> -> memref<256xf32, #tpu.memory_space<vmem_shared>>
    %dma_start3A_197 = tpu.memref_slice %arg32[%add3A_193] : memref<100096xf32, #tpu.memory_space<vmem_shared>> -> memref<256xf32, #tpu.memory_space<vmem_shared>>
    %dma_start3A_198 = arith.constant 0 : i32
    %dma_start3A_199 = tpu.memref_slice %arg41[%dma_start3A_198] : memref<2000xf32, #tpu.memory_space<vmem>> -> memref<256xf32, #tpu.memory_space<vmem>>
    tpu.enqueue_dma source(%dma_start3A_199 : memref<256xf32, #tpu.memory_space<vmem>>) target(%dma_start3A_197 : memref<256xf32, #tpu.memory_space<vmem_shared>>) target_semaphore(%arg61 : memref<!tpu.dma_semaphore, #tpu.memory_space<semaphore_mem>>)
    %add3A_200 = arith.constant 6000 : i32
    %add3A_201 = arith.addi %mul3A_13, %add3A_200 : i32
    %dma_start3A_202 = arith.constant 0 : i32
    %dma_start3A_203 = tpu.memref_slice %arg41[%dma_start3A_202] : memref<2000xf32, #tpu.memory_space<vmem>> -> memref<256xf32, #tpu.memory_space<vmem>>
    %dma_start3A_204 = tpu.memref_slice %arg33[%add3A_201] : memref<100096xf32, #tpu.memory_space<vmem_shared>> -> memref<256xf32, #tpu.memory_space<vmem_shared>>
    %dma_start3A_205 = tpu.memref_slice %arg33[%add3A_201] : memref<100096xf32, #tpu.memory_space<vmem_shared>> -> memref<256xf32, #tpu.memory_space<vmem_shared>>
    %dma_start3A_206 = arith.constant 0 : i32
    %dma_start3A_207 = tpu.memref_slice %arg41[%dma_start3A_206] : memref<2000xf32, #tpu.memory_space<vmem>> -> memref<256xf32, #tpu.memory_space<vmem>>
    tpu.enqueue_dma source(%dma_start3A_207 : memref<256xf32, #tpu.memory_space<vmem>>) target(%dma_start3A_205 : memref<256xf32, #tpu.memory_space<vmem_shared>>) target_semaphore(%arg61 : memref<!tpu.dma_semaphore, #tpu.memory_space<semaphore_mem>>)
    %dma_wait3A = tpu.memref_slice %arg26[%mul3A_13] : memref<100096xf32, #tpu.memory_space<vmem_shared>> -> memref<6256xf32, #tpu.memory_space<vmem_shared>>
    %dma_wait3A_208 = tpu.memref_slice %arg4[%mul3A_13] : memref<100096xf32, #tpu.memory_space<hbm>> -> memref<6256xf32, #tpu.memory_space<hbm>>
    tpu.wait_dma2 semaphore(%arg62 : memref<!tpu.dma_semaphore, #tpu.memory_space<semaphore_mem>>) src(%dma_wait3A_208 : memref<6256xf32, #tpu.memory_space<hbm>>) dst(%dma_wait3A : memref<6256xf32, #tpu.memory_space<vmem_shared>>)
    %dma_wait3A_209 = tpu.memref_slice %arg27[%mul3A_13] : memref<100096xf32, #tpu.memory_space<vmem_shared>> -> memref<6256xf32, #tpu.memory_space<vmem_shared>>
    %dma_wait3A_210 = tpu.memref_slice %arg5[%mul3A_13] : memref<100096xf32, #tpu.memory_space<hbm>> -> memref<6256xf32, #tpu.memory_space<hbm>>
    tpu.wait_dma2 semaphore(%arg62 : memref<!tpu.dma_semaphore, #tpu.memory_space<semaphore_mem>>) src(%dma_wait3A_210 : memref<6256xf32, #tpu.memory_space<hbm>>) dst(%dma_wait3A_209 : memref<6256xf32, #tpu.memory_space<vmem_shared>>)
    %add3A_211 = arith.constant 0 : i32
    %add3A_212 = arith.addi %mul3A_13, %add3A_211 : i32
    %dma_wait3A_213 = arith.constant 0 : i32
    %dma_wait3A_214 = tpu.memref_slice %arg41[%dma_wait3A_213] : memref<2000xf32, #tpu.memory_space<vmem>> -> memref<2000xf32, #tpu.memory_space<vmem>>
    %dma_wait3A_215 = tpu.memref_slice %arg28[%add3A_212] : memref<100096xf32, #tpu.memory_space<vmem_shared>> -> memref<2000xf32, #tpu.memory_space<vmem_shared>>
    %dma_wait3A_216 = tpu.memref_slice %arg28[%add3A_212] : memref<100096xf32, #tpu.memory_space<vmem_shared>> -> memref<2000xf32, #tpu.memory_space<vmem_shared>>
    %dma_wait3A_217 = arith.constant 0 : i32
    %dma_wait3A_218 = tpu.memref_slice %arg41[%dma_wait3A_217] : memref<2000xf32, #tpu.memory_space<vmem>> -> memref<2000xf32, #tpu.memory_space<vmem>>
    tpu.wait_dma2 semaphore(%arg61 : memref<!tpu.dma_semaphore, #tpu.memory_space<semaphore_mem>>) src(%dma_wait3A_218 : memref<2000xf32, #tpu.memory_space<vmem>>) dst(%dma_wait3A_216 : memref<2000xf32, #tpu.memory_space<vmem_shared>>)
    %add3A_219 = arith.constant 0 : i32
    %add3A_220 = arith.addi %mul3A_13, %add3A_219 : i32
    %dma_wait3A_221 = arith.constant 0 : i32
    %dma_wait3A_222 = tpu.memref_slice %arg41[%dma_wait3A_221] : memref<2000xf32, #tpu.memory_space<vmem>> -> memref<2000xf32, #tpu.memory_space<vmem>>
    %dma_wait3A_223 = tpu.memref_slice %arg29[%add3A_220] : memref<100096xf32, #tpu.memory_space<vmem_shared>> -> memref<2000xf32, #tpu.memory_space<vmem_shared>>
    %dma_wait3A_224 = tpu.memref_slice %arg29[%add3A_220] : memref<100096xf32, #tpu.memory_space<vmem_shared>> -> memref<2000xf32, #tpu.memory_space<vmem_shared>>
    %dma_wait3A_225 = arith.constant 0 : i32
    %dma_wait3A_226 = tpu.memref_slice %arg41[%dma_wait3A_225] : memref<2000xf32, #tpu.memory_space<vmem>> -> memref<2000xf32, #tpu.memory_space<vmem>>
    tpu.wait_dma2 semaphore(%arg61 : memref<!tpu.dma_semaphore, #tpu.memory_space<semaphore_mem>>) src(%dma_wait3A_226 : memref<2000xf32, #tpu.memory_space<vmem>>) dst(%dma_wait3A_224 : memref<2000xf32, #tpu.memory_space<vmem_shared>>)
    %add3A_227 = arith.constant 0 : i32
    %add3A_228 = arith.addi %mul3A_13, %add3A_227 : i32
    %dma_wait3A_229 = arith.constant 0 : i32
    %dma_wait3A_230 = tpu.memref_slice %arg41[%dma_wait3A_229] : memref<2000xf32, #tpu.memory_space<vmem>> -> memref<2000xf32, #tpu.memory_space<vmem>>
    %dma_wait3A_231 = tpu.memref_slice %arg30[%add3A_228] : memref<100096xf32, #tpu.memory_space<vmem_shared>> -> memref<2000xf32, #tpu.memory_space<vmem_shared>>
    %dma_wait3A_232 = tpu.memref_slice %arg30[%add3A_228] : memref<100096xf32, #tpu.memory_space<vmem_shared>> -> memref<2000xf32, #tpu.memory_space<vmem_shared>>
    %dma_wait3A_233 = arith.constant 0 : i32
    %dma_wait3A_234 = tpu.memref_slice %arg41[%dma_wait3A_233] : memref<2000xf32, #tpu.memory_space<vmem>> -> memref<2000xf32, #tpu.memory_space<vmem>>
    tpu.wait_dma2 semaphore(%arg61 : memref<!tpu.dma_semaphore, #tpu.memory_space<semaphore_mem>>) src(%dma_wait3A_234 : memref<2000xf32, #tpu.memory_space<vmem>>) dst(%dma_wait3A_232 : memref<2000xf32, #tpu.memory_space<vmem_shared>>)
    %add3A_235 = arith.constant 0 : i32
    %add3A_236 = arith.addi %mul3A_13, %add3A_235 : i32
    %dma_wait3A_237 = arith.constant 0 : i32
    %dma_wait3A_238 = tpu.memref_slice %arg41[%dma_wait3A_237] : memref<2000xf32, #tpu.memory_space<vmem>> -> memref<2000xf32, #tpu.memory_space<vmem>>
    %dma_wait3A_239 = tpu.memref_slice %arg31[%add3A_236] : memref<100096xf32, #tpu.memory_space<vmem_shared>> -> memref<2000xf32, #tpu.memory_space<vmem_shared>>
    %dma_wait3A_240 = tpu.memref_slice %arg31[%add3A_236] : memref<100096xf32, #tpu.memory_space<vmem_shared>> -> memref<2000xf32, #tpu.memory_space<vmem_shared>>
    %dma_wait3A_241 = arith.constant 0 : i32
    %dma_wait3A_242 = tpu.memref_slice %arg41[%dma_wait3A_241] : memref<2000xf32, #tpu.memory_space<vmem>> -> memref<2000xf32, #tpu.memory_space<vmem>>
    tpu.wait_dma2 semaphore(%arg61 : memref<!tpu.dma_semaphore, #tpu.memory_space<semaphore_mem>>) src(%dma_wait3A_242 : memref<2000xf32, #tpu.memory_space<vmem>>) dst(%dma_wait3A_240 : memref<2000xf32, #tpu.memory_space<vmem_shared>>)
    %add3A_243 = arith.constant 0 : i32
    %add3A_244 = arith.addi %mul3A_13, %add3A_243 : i32
    %dma_wait3A_245 = arith.constant 0 : i32
    %dma_wait3A_246 = tpu.memref_slice %arg41[%dma_wait3A_245] : memref<2000xf32, #tpu.memory_space<vmem>> -> memref<2000xf32, #tpu.memory_space<vmem>>
    %dma_wait3A_247 = tpu.memref_slice %arg32[%add3A_244] : memref<100096xf32, #tpu.memory_space<vmem_shared>> -> memref<2000xf32, #tpu.memory_space<vmem_shared>>
    %dma_wait3A_248 = tpu.memref_slice %arg32[%add3A_244] : memref<100096xf32, #tpu.memory_space<vmem_shared>> -> memref<2000xf32, #tpu.memory_space<vmem_shared>>
    %dma_wait3A_249 = arith.constant 0 : i32
    %dma_wait3A_250 = tpu.memref_slice %arg41[%dma_wait3A_249] : memref<2000xf32, #tpu.memory_space<vmem>> -> memref<2000xf32, #tpu.memory_space<vmem>>
    tpu.wait_dma2 semaphore(%arg61 : memref<!tpu.dma_semaphore, #tpu.memory_space<semaphore_mem>>) src(%dma_wait3A_250 : memref<2000xf32, #tpu.memory_space<vmem>>) dst(%dma_wait3A_248 : memref<2000xf32, #tpu.memory_space<vmem_shared>>)
    %add3A_251 = arith.constant 0 : i32
    %add3A_252 = arith.addi %mul3A_13, %add3A_251 : i32
    %dma_wait3A_253 = arith.constant 0 : i32
    %dma_wait3A_254 = tpu.memref_slice %arg41[%dma_wait3A_253] : memref<2000xf32, #tpu.memory_space<vmem>> -> memref<2000xf32, #tpu.memory_space<vmem>>
    %dma_wait3A_255 = tpu.memref_slice %arg33[%add3A_252] : memref<100096xf32, #tpu.memory_space<vmem_shared>> -> memref<2000xf32, #tpu.memory_space<vmem_shared>>
    %dma_wait3A_256 = tpu.memref_slice %arg33[%add3A_252] : memref<100096xf32, #tpu.memory_space<vmem_shared>> -> memref<2000xf32, #tpu.memory_space<vmem_shared>>
    %dma_wait3A_257 = arith.constant 0 : i32
    %dma_wait3A_258 = tpu.memref_slice %arg41[%dma_wait3A_257] : memref<2000xf32, #tpu.memory_space<vmem>> -> memref<2000xf32, #tpu.memory_space<vmem>>
    tpu.wait_dma2 semaphore(%arg61 : memref<!tpu.dma_semaphore, #tpu.memory_space<semaphore_mem>>) src(%dma_wait3A_258 : memref<2000xf32, #tpu.memory_space<vmem>>) dst(%dma_wait3A_256 : memref<2000xf32, #tpu.memory_space<vmem_shared>>)
    %add3A_259 = arith.constant 2000 : i32
    %add3A_260 = arith.addi %mul3A_13, %add3A_259 : i32
    %dma_wait3A_261 = arith.constant 0 : i32
    %dma_wait3A_262 = tpu.memref_slice %arg41[%dma_wait3A_261] : memref<2000xf32, #tpu.memory_space<vmem>> -> memref<2000xf32, #tpu.memory_space<vmem>>
    %dma_wait3A_263 = tpu.memref_slice %arg28[%add3A_260] : memref<100096xf32, #tpu.memory_space<vmem_shared>> -> memref<2000xf32, #tpu.memory_space<vmem_shared>>
    %dma_wait3A_264 = tpu.memref_slice %arg28[%add3A_260] : memref<100096xf32, #tpu.memory_space<vmem_shared>> -> memref<2000xf32, #tpu.memory_space<vmem_shared>>
    %dma_wait3A_265 = arith.constant 0 : i32
    %dma_wait3A_266 = tpu.memref_slice %arg41[%dma_wait3A_265] : memref<2000xf32, #tpu.memory_space<vmem>> -> memref<2000xf32, #tpu.memory_space<vmem>>
    tpu.wait_dma2 semaphore(%arg61 : memref<!tpu.dma_semaphore, #tpu.memory_space<semaphore_mem>>) src(%dma_wait3A_266 : memref<2000xf32, #tpu.memory_space<vmem>>) dst(%dma_wait3A_264 : memref<2000xf32, #tpu.memory_space<vmem_shared>>)
    %add3A_267 = arith.constant 2000 : i32
    %add3A_268 = arith.addi %mul3A_13, %add3A_267 : i32
    %dma_wait3A_269 = arith.constant 0 : i32
    %dma_wait3A_270 = tpu.memref_slice %arg41[%dma_wait3A_269] : memref<2000xf32, #tpu.memory_space<vmem>> -> memref<2000xf32, #tpu.memory_space<vmem>>
    %dma_wait3A_271 = tpu.memref_slice %arg29[%add3A_268] : memref<100096xf32, #tpu.memory_space<vmem_shared>> -> memref<2000xf32, #tpu.memory_space<vmem_shared>>
    %dma_wait3A_272 = tpu.memref_slice %arg29[%add3A_268] : memref<100096xf32, #tpu.memory_space<vmem_shared>> -> memref<2000xf32, #tpu.memory_space<vmem_shared>>
    %dma_wait3A_273 = arith.constant 0 : i32
    %dma_wait3A_274 = tpu.memref_slice %arg41[%dma_wait3A_273] : memref<2000xf32, #tpu.memory_space<vmem>> -> memref<2000xf32, #tpu.memory_space<vmem>>
    tpu.wait_dma2 semaphore(%arg61 : memref<!tpu.dma_semaphore, #tpu.memory_space<semaphore_mem>>) src(%dma_wait3A_274 : memref<2000xf32, #tpu.memory_space<vmem>>) dst(%dma_wait3A_272 : memref<2000xf32, #tpu.memory_space<vmem_shared>>)
    %add3A_275 = arith.constant 2000 : i32
    %add3A_276 = arith.addi %mul3A_13, %add3A_275 : i32
    %dma_wait3A_277 = arith.constant 0 : i32
    %dma_wait3A_278 = tpu.memref_slice %arg41[%dma_wait3A_277] : memref<2000xf32, #tpu.memory_space<vmem>> -> memref<2000xf32, #tpu.memory_space<vmem>>
    %dma_wait3A_279 = tpu.memref_slice %arg30[%add3A_276] : memref<100096xf32, #tpu.memory_space<vmem_shared>> -> memref<2000xf32, #tpu.memory_space<vmem_shared>>
    %dma_wait3A_280 = tpu.memref_slice %arg30[%add3A_276] : memref<100096xf32, #tpu.memory_space<vmem_shared>> -> memref<2000xf32, #tpu.memory_space<vmem_shared>>
    %dma_wait3A_281 = arith.constant 0 : i32
    %dma_wait3A_282 = tpu.memref_slice %arg41[%dma_wait3A_281] : memref<2000xf32, #tpu.memory_space<vmem>> -> memref<2000xf32, #tpu.memory_space<vmem>>
    tpu.wait_dma2 semaphore(%arg61 : memref<!tpu.dma_semaphore, #tpu.memory_space<semaphore_mem>>) src(%dma_wait3A_282 : memref<2000xf32, #tpu.memory_space<vmem>>) dst(%dma_wait3A_280 : memref<2000xf32, #tpu.memory_space<vmem_shared>>)
    %add3A_283 = arith.constant 2000 : i32
    %add3A_284 = arith.addi %mul3A_13, %add3A_283 : i32
    %dma_wait3A_285 = arith.constant 0 : i32
    %dma_wait3A_286 = tpu.memref_slice %arg41[%dma_wait3A_285] : memref<2000xf32, #tpu.memory_space<vmem>> -> memref<2000xf32, #tpu.memory_space<vmem>>
    %dma_wait3A_287 = tpu.memref_slice %arg31[%add3A_284] : memref<100096xf32, #tpu.memory_space<vmem_shared>> -> memref<2000xf32, #tpu.memory_space<vmem_shared>>
    %dma_wait3A_288 = tpu.memref_slice %arg31[%add3A_284] : memref<100096xf32, #tpu.memory_space<vmem_shared>> -> memref<2000xf32, #tpu.memory_space<vmem_shared>>
    %dma_wait3A_289 = arith.constant 0 : i32
    %dma_wait3A_290 = tpu.memref_slice %arg41[%dma_wait3A_289] : memref<2000xf32, #tpu.memory_space<vmem>> -> memref<2000xf32, #tpu.memory_space<vmem>>
    tpu.wait_dma2 semaphore(%arg61 : memref<!tpu.dma_semaphore, #tpu.memory_space<semaphore_mem>>) src(%dma_wait3A_290 : memref<2000xf32, #tpu.memory_space<vmem>>) dst(%dma_wait3A_288 : memref<2000xf32, #tpu.memory_space<vmem_shared>>)
    %add3A_291 = arith.constant 2000 : i32
    %add3A_292 = arith.addi %mul3A_13, %add3A_291 : i32
    %dma_wait3A_293 = arith.constant 0 : i32
    %dma_wait3A_294 = tpu.memref_slice %arg41[%dma_wait3A_293] : memref<2000xf32, #tpu.memory_space<vmem>> -> memref<2000xf32, #tpu.memory_space<vmem>>
    %dma_wait3A_295 = tpu.memref_slice %arg32[%add3A_292] : memref<100096xf32, #tpu.memory_space<vmem_shared>> -> memref<2000xf32, #tpu.memory_space<vmem_shared>>
    %dma_wait3A_296 = tpu.memref_slice %arg32[%add3A_292] : memref<100096xf32, #tpu.memory_space<vmem_shared>> -> memref<2000xf32, #tpu.memory_space<vmem_shared>>
    %dma_wait3A_297 = arith.constant 0 : i32
    %dma_wait3A_298 = tpu.memref_slice %arg41[%dma_wait3A_297] : memref<2000xf32, #tpu.memory_space<vmem>> -> memref<2000xf32, #tpu.memory_space<vmem>>
    tpu.wait_dma2 semaphore(%arg61 : memref<!tpu.dma_semaphore, #tpu.memory_space<semaphore_mem>>) src(%dma_wait3A_298 : memref<2000xf32, #tpu.memory_space<vmem>>) dst(%dma_wait3A_296 : memref<2000xf32, #tpu.memory_space<vmem_shared>>)
    %add3A_299 = arith.constant 2000 : i32
    %add3A_300 = arith.addi %mul3A_13, %add3A_299 : i32
    %dma_wait3A_301 = arith.constant 0 : i32
    %dma_wait3A_302 = tpu.memref_slice %arg41[%dma_wait3A_301] : memref<2000xf32, #tpu.memory_space<vmem>> -> memref<2000xf32, #tpu.memory_space<vmem>>
    %dma_wait3A_303 = tpu.memref_slice %arg33[%add3A_300] : memref<100096xf32, #tpu.memory_space<vmem_shared>> -> memref<2000xf32, #tpu.memory_space<vmem_shared>>
    %dma_wait3A_304 = tpu.memref_slice %arg33[%add3A_300] : memref<100096xf32, #tpu.memory_space<vmem_shared>> -> memref<2000xf32, #tpu.memory_space<vmem_shared>>
    %dma_wait3A_305 = arith.constant 0 : i32
    %dma_wait3A_306 = tpu.memref_slice %arg41[%dma_wait3A_305] : memref<2000xf32, #tpu.memory_space<vmem>> -> memref<2000xf32, #tpu.memory_space<vmem>>
    tpu.wait_dma2 semaphore(%arg61 : memref<!tpu.dma_semaphore, #tpu.memory_space<semaphore_mem>>) src(%dma_wait3A_306 : memref<2000xf32, #tpu.memory_space<vmem>>) dst(%dma_wait3A_304 : memref<2000xf32, #tpu.memory_space<vmem_shared>>)
    %add3A_307 = arith.constant 4000 : i32
    %add3A_308 = arith.addi %mul3A_13, %add3A_307 : i32
    %dma_wait3A_309 = arith.constant 0 : i32
    %dma_wait3A_310 = tpu.memref_slice %arg41[%dma_wait3A_309] : memref<2000xf32, #tpu.memory_space<vmem>> -> memref<2000xf32, #tpu.memory_space<vmem>>
    %dma_wait3A_311 = tpu.memref_slice %arg28[%add3A_308] : memref<100096xf32, #tpu.memory_space<vmem_shared>> -> memref<2000xf32, #tpu.memory_space<vmem_shared>>
    %dma_wait3A_312 = tpu.memref_slice %arg28[%add3A_308] : memref<100096xf32, #tpu.memory_space<vmem_shared>> -> memref<2000xf32, #tpu.memory_space<vmem_shared>>
    %dma_wait3A_313 = arith.constant 0 : i32
    %dma_wait3A_314 = tpu.memref_slice %arg41[%dma_wait3A_313] : memref<2000xf32, #tpu.memory_space<vmem>> -> memref<2000xf32, #tpu.memory_space<vmem>>
    tpu.wait_dma2 semaphore(%arg61 : memref<!tpu.dma_semaphore, #tpu.memory_space<semaphore_mem>>) src(%dma_wait3A_314 : memref<2000xf32, #tpu.memory_space<vmem>>) dst(%dma_wait3A_312 : memref<2000xf32, #tpu.memory_space<vmem_shared>>)
    %add3A_315 = arith.constant 4000 : i32
    %add3A_316 = arith.addi %mul3A_13, %add3A_315 : i32
    %dma_wait3A_317 = arith.constant 0 : i32
    %dma_wait3A_318 = tpu.memref_slice %arg41[%dma_wait3A_317] : memref<2000xf32, #tpu.memory_space<vmem>> -> memref<2000xf32, #tpu.memory_space<vmem>>
    %dma_wait3A_319 = tpu.memref_slice %arg29[%add3A_316] : memref<100096xf32, #tpu.memory_space<vmem_shared>> -> memref<2000xf32, #tpu.memory_space<vmem_shared>>
    %dma_wait3A_320 = tpu.memref_slice %arg29[%add3A_316] : memref<100096xf32, #tpu.memory_space<vmem_shared>> -> memref<2000xf32, #tpu.memory_space<vmem_shared>>
    %dma_wait3A_321 = arith.constant 0 : i32
    %dma_wait3A_322 = tpu.memref_slice %arg41[%dma_wait3A_321] : memref<2000xf32, #tpu.memory_space<vmem>> -> memref<2000xf32, #tpu.memory_space<vmem>>
    tpu.wait_dma2 semaphore(%arg61 : memref<!tpu.dma_semaphore, #tpu.memory_space<semaphore_mem>>) src(%dma_wait3A_322 : memref<2000xf32, #tpu.memory_space<vmem>>) dst(%dma_wait3A_320 : memref<2000xf32, #tpu.memory_space<vmem_shared>>)
    %add3A_323 = arith.constant 4000 : i32
    %add3A_324 = arith.addi %mul3A_13, %add3A_323 : i32
    %dma_wait3A_325 = arith.constant 0 : i32
    %dma_wait3A_326 = tpu.memref_slice %arg41[%dma_wait3A_325] : memref<2000xf32, #tpu.memory_space<vmem>> -> memref<2000xf32, #tpu.memory_space<vmem>>
    %dma_wait3A_327 = tpu.memref_slice %arg30[%add3A_324] : memref<100096xf32, #tpu.memory_space<vmem_shared>> -> memref<2000xf32, #tpu.memory_space<vmem_shared>>
    %dma_wait3A_328 = tpu.memref_slice %arg30[%add3A_324] : memref<100096xf32, #tpu.memory_space<vmem_shared>> -> memref<2000xf32, #tpu.memory_space<vmem_shared>>
    %dma_wait3A_329 = arith.constant 0 : i32
    %dma_wait3A_330 = tpu.memref_slice %arg41[%dma_wait3A_329] : memref<2000xf32, #tpu.memory_space<vmem>> -> memref<2000xf32, #tpu.memory_space<vmem>>
    tpu.wait_dma2 semaphore(%arg61 : memref<!tpu.dma_semaphore, #tpu.memory_space<semaphore_mem>>) src(%dma_wait3A_330 : memref<2000xf32, #tpu.memory_space<vmem>>) dst(%dma_wait3A_328 : memref<2000xf32, #tpu.memory_space<vmem_shared>>)
    %add3A_331 = arith.constant 4000 : i32
    %add3A_332 = arith.addi %mul3A_13, %add3A_331 : i32
    %dma_wait3A_333 = arith.constant 0 : i32
    %dma_wait3A_334 = tpu.memref_slice %arg41[%dma_wait3A_333] : memref<2000xf32, #tpu.memory_space<vmem>> -> memref<2000xf32, #tpu.memory_space<vmem>>
    %dma_wait3A_335 = tpu.memref_slice %arg31[%add3A_332] : memref<100096xf32, #tpu.memory_space<vmem_shared>> -> memref<2000xf32, #tpu.memory_space<vmem_shared>>
    %dma_wait3A_336 = tpu.memref_slice %arg31[%add3A_332] : memref<100096xf32, #tpu.memory_space<vmem_shared>> -> memref<2000xf32, #tpu.memory_space<vmem_shared>>
    %dma_wait3A_337 = arith.constant 0 : i32
    %dma_wait3A_338 = tpu.memref_slice %arg41[%dma_wait3A_337] : memref<2000xf32, #tpu.memory_space<vmem>> -> memref<2000xf32, #tpu.memory_space<vmem>>
    tpu.wait_dma2 semaphore(%arg61 : memref<!tpu.dma_semaphore, #tpu.memory_space<semaphore_mem>>) src(%dma_wait3A_338 : memref<2000xf32, #tpu.memory_space<vmem>>) dst(%dma_wait3A_336 : memref<2000xf32, #tpu.memory_space<vmem_shared>>)
    %add3A_339 = arith.constant 4000 : i32
    %add3A_340 = arith.addi %mul3A_13, %add3A_339 : i32
    %dma_wait3A_341 = arith.constant 0 : i32
    %dma_wait3A_342 = tpu.memref_slice %arg41[%dma_wait3A_341] : memref<2000xf32, #tpu.memory_space<vmem>> -> memref<2000xf32, #tpu.memory_space<vmem>>
    %dma_wait3A_343 = tpu.memref_slice %arg32[%add3A_340] : memref<100096xf32, #tpu.memory_space<vmem_shared>> -> memref<2000xf32, #tpu.memory_space<vmem_shared>>
    %dma_wait3A_344 = tpu.memref_slice %arg32[%add3A_340] : memref<100096xf32, #tpu.memory_space<vmem_shared>> -> memref<2000xf32, #tpu.memory_space<vmem_shared>>
    %dma_wait3A_345 = arith.constant 0 : i32
    %dma_wait3A_346 = tpu.memref_slice %arg41[%dma_wait3A_345] : memref<2000xf32, #tpu.memory_space<vmem>> -> memref<2000xf32, #tpu.memory_space<vmem>>
    tpu.wait_dma2 semaphore(%arg61 : memref<!tpu.dma_semaphore, #tpu.memory_space<semaphore_mem>>) src(%dma_wait3A_346 : memref<2000xf32, #tpu.memory_space<vmem>>) dst(%dma_wait3A_344 : memref<2000xf32, #tpu.memory_space<vmem_shared>>)
    %add3A_347 = arith.constant 4000 : i32
    %add3A_348 = arith.addi %mul3A_13, %add3A_347 : i32
    %dma_wait3A_349 = arith.constant 0 : i32
    %dma_wait3A_350 = tpu.memref_slice %arg41[%dma_wait3A_349] : memref<2000xf32, #tpu.memory_space<vmem>> -> memref<2000xf32, #tpu.memory_space<vmem>>
    %dma_wait3A_351 = tpu.memref_slice %arg33[%add3A_348] : memref<100096xf32, #tpu.memory_space<vmem_shared>> -> memref<2000xf32, #tpu.memory_space<vmem_shared>>
    %dma_wait3A_352 = tpu.memref_slice %arg33[%add3A_348] : memref<100096xf32, #tpu.memory_space<vmem_shared>> -> memref<2000xf32, #tpu.memory_space<vmem_shared>>
    %dma_wait3A_353 = arith.constant 0 : i32
    %dma_wait3A_354 = tpu.memref_slice %arg41[%dma_wait3A_353] : memref<2000xf32, #tpu.memory_space<vmem>> -> memref<2000xf32, #tpu.memory_space<vmem>>
    tpu.wait_dma2 semaphore(%arg61 : memref<!tpu.dma_semaphore, #tpu.memory_space<semaphore_mem>>) src(%dma_wait3A_354 : memref<2000xf32, #tpu.memory_space<vmem>>) dst(%dma_wait3A_352 : memref<2000xf32, #tpu.memory_space<vmem_shared>>)
    %add3A_355 = arith.constant 6000 : i32
    %add3A_356 = arith.addi %mul3A_13, %add3A_355 : i32
    %dma_wait3A_357 = arith.constant 0 : i32
    %dma_wait3A_358 = tpu.memref_slice %arg41[%dma_wait3A_357] : memref<2000xf32, #tpu.memory_space<vmem>> -> memref<256xf32, #tpu.memory_space<vmem>>
    %dma_wait3A_359 = tpu.memref_slice %arg28[%add3A_356] : memref<100096xf32, #tpu.memory_space<vmem_shared>> -> memref<256xf32, #tpu.memory_space<vmem_shared>>
    %dma_wait3A_360 = tpu.memref_slice %arg28[%add3A_356] : memref<100096xf32, #tpu.memory_space<vmem_shared>> -> memref<256xf32, #tpu.memory_space<vmem_shared>>
    %dma_wait3A_361 = arith.constant 0 : i32
    %dma_wait3A_362 = tpu.memref_slice %arg41[%dma_wait3A_361] : memref<2000xf32, #tpu.memory_space<vmem>> -> memref<256xf32, #tpu.memory_space<vmem>>
    tpu.wait_dma2 semaphore(%arg61 : memref<!tpu.dma_semaphore, #tpu.memory_space<semaphore_mem>>) src(%dma_wait3A_362 : memref<256xf32, #tpu.memory_space<vmem>>) dst(%dma_wait3A_360 : memref<256xf32, #tpu.memory_space<vmem_shared>>)
    %add3A_363 = arith.constant 6000 : i32
    %add3A_364 = arith.addi %mul3A_13, %add3A_363 : i32
    %dma_wait3A_365 = arith.constant 0 : i32
    %dma_wait3A_366 = tpu.memref_slice %arg41[%dma_wait3A_365] : memref<2000xf32, #tpu.memory_space<vmem>> -> memref<256xf32, #tpu.memory_space<vmem>>
    %dma_wait3A_367 = tpu.memref_slice %arg29[%add3A_364] : memref<100096xf32, #tpu.memory_space<vmem_shared>> -> memref<256xf32, #tpu.memory_space<vmem_shared>>
    %dma_wait3A_368 = tpu.memref_slice %arg29[%add3A_364] : memref<100096xf32, #tpu.memory_space<vmem_shared>> -> memref<256xf32, #tpu.memory_space<vmem_shared>>
    %dma_wait3A_369 = arith.constant 0 : i32
    %dma_wait3A_370 = tpu.memref_slice %arg41[%dma_wait3A_369] : memref<2000xf32, #tpu.memory_space<vmem>> -> memref<256xf32, #tpu.memory_space<vmem>>
    tpu.wait_dma2 semaphore(%arg61 : memref<!tpu.dma_semaphore, #tpu.memory_space<semaphore_mem>>) src(%dma_wait3A_370 : memref<256xf32, #tpu.memory_space<vmem>>) dst(%dma_wait3A_368 : memref<256xf32, #tpu.memory_space<vmem_shared>>)
    %add3A_371 = arith.constant 6000 : i32
    %add3A_372 = arith.addi %mul3A_13, %add3A_371 : i32
    %dma_wait3A_373 = arith.constant 0 : i32
    %dma_wait3A_374 = tpu.memref_slice %arg41[%dma_wait3A_373] : memref<2000xf32, #tpu.memory_space<vmem>> -> memref<256xf32, #tpu.memory_space<vmem>>
    %dma_wait3A_375 = tpu.memref_slice %arg30[%add3A_372] : memref<100096xf32, #tpu.memory_space<vmem_shared>> -> memref<256xf32, #tpu.memory_space<vmem_shared>>
    %dma_wait3A_376 = tpu.memref_slice %arg30[%add3A_372] : memref<100096xf32, #tpu.memory_space<vmem_shared>> -> memref<256xf32, #tpu.memory_space<vmem_shared>>
    %dma_wait3A_377 = arith.constant 0 : i32
    %dma_wait3A_378 = tpu.memref_slice %arg41[%dma_wait3A_377] : memref<2000xf32, #tpu.memory_space<vmem>> -> memref<256xf32, #tpu.memory_space<vmem>>
    tpu.wait_dma2 semaphore(%arg61 : memref<!tpu.dma_semaphore, #tpu.memory_space<semaphore_mem>>) src(%dma_wait3A_378 : memref<256xf32, #tpu.memory_space<vmem>>) dst(%dma_wait3A_376 : memref<256xf32, #tpu.memory_space<vmem_shared>>)
    %add3A_379 = arith.constant 6000 : i32
    %add3A_380 = arith.addi %mul3A_13, %add3A_379 : i32
    %dma_wait3A_381 = arith.constant 0 : i32
    %dma_wait3A_382 = tpu.memref_slice %arg41[%dma_wait3A_381] : memref<2000xf32, #tpu.memory_space<vmem>> -> memref<256xf32, #tpu.memory_space<vmem>>
    %dma_wait3A_383 = tpu.memref_slice %arg31[%add3A_380] : memref<100096xf32, #tpu.memory_space<vmem_shared>> -> memref<256xf32, #tpu.memory_space<vmem_shared>>
    %dma_wait3A_384 = tpu.memref_slice %arg31[%add3A_380] : memref<100096xf32, #tpu.memory_space<vmem_shared>> -> memref<256xf32, #tpu.memory_space<vmem_shared>>
    %dma_wait3A_385 = arith.constant 0 : i32
    %dma_wait3A_386 = tpu.memref_slice %arg41[%dma_wait3A_385] : memref<2000xf32, #tpu.memory_space<vmem>> -> memref<256xf32, #tpu.memory_space<vmem>>
    tpu.wait_dma2 semaphore(%arg61 : memref<!tpu.dma_semaphore, #tpu.memory_space<semaphore_mem>>) src(%dma_wait3A_386 : memref<256xf32, #tpu.memory_space<vmem>>) dst(%dma_wait3A_384 : memref<256xf32, #tpu.memory_space<vmem_shared>>)
    %add3A_387 = arith.constant 6000 : i32
    %add3A_388 = arith.addi %mul3A_13, %add3A_387 : i32
    %dma_wait3A_389 = arith.constant 0 : i32
    %dma_wait3A_390 = tpu.memref_slice %arg41[%dma_wait3A_389] : memref<2000xf32, #tpu.memory_space<vmem>> -> memref<256xf32, #tpu.memory_space<vmem>>
    %dma_wait3A_391 = tpu.memref_slice %arg32[%add3A_388] : memref<100096xf32, #tpu.memory_space<vmem_shared>> -> memref<256xf32, #tpu.memory_space<vmem_shared>>
    %dma_wait3A_392 = tpu.memref_slice %arg32[%add3A_388] : memref<100096xf32, #tpu.memory_space<vmem_shared>> -> memref<256xf32, #tpu.memory_space<vmem_shared>>
    %dma_wait3A_393 = arith.constant 0 : i32
    %dma_wait3A_394 = tpu.memref_slice %arg41[%dma_wait3A_393] : memref<2000xf32, #tpu.memory_space<vmem>> -> memref<256xf32, #tpu.memory_space<vmem>>
    tpu.wait_dma2 semaphore(%arg61 : memref<!tpu.dma_semaphore, #tpu.memory_space<semaphore_mem>>) src(%dma_wait3A_394 : memref<256xf32, #tpu.memory_space<vmem>>) dst(%dma_wait3A_392 : memref<256xf32, #tpu.memory_space<vmem_shared>>)
    %add3A_395 = arith.constant 6000 : i32
    %add3A_396 = arith.addi %mul3A_13, %add3A_395 : i32
    %dma_wait3A_397 = arith.constant 0 : i32
    %dma_wait3A_398 = tpu.memref_slice %arg41[%dma_wait3A_397] : memref<2000xf32, #tpu.memory_space<vmem>> -> memref<256xf32, #tpu.memory_space<vmem>>
    %dma_wait3A_399 = tpu.memref_slice %arg33[%add3A_396] : memref<100096xf32, #tpu.memory_space<vmem_shared>> -> memref<256xf32, #tpu.memory_space<vmem_shared>>
    %dma_wait3A_400 = tpu.memref_slice %arg33[%add3A_396] : memref<100096xf32, #tpu.memory_space<vmem_shared>> -> memref<256xf32, #tpu.memory_space<vmem_shared>>
    %dma_wait3A_401 = arith.constant 0 : i32
    %dma_wait3A_402 = tpu.memref_slice %arg41[%dma_wait3A_401] : memref<2000xf32, #tpu.memory_space<vmem>> -> memref<256xf32, #tpu.memory_space<vmem>>
    tpu.wait_dma2 semaphore(%arg61 : memref<!tpu.dma_semaphore, #tpu.memory_space<semaphore_mem>>) src(%dma_wait3A_402 : memref<256xf32, #tpu.memory_space<vmem>>) dst(%dma_wait3A_400 : memref<256xf32, #tpu.memory_space<vmem_shared>>)
    %barrier3A = arith.constant 0 : index
    tpu.barrier barrier_id(%barrier3A)
    %get3A = arith.constant 0 : i32
    %get3A_403 = arith.index_cast %get3A : i32 to index
    %get3A_404 = arith.constant 0 : index
    %get3A_405 = tpu.vector_load %arg60[%get3A_403, %get3A_404] {strides = array<i32>} : memref<8x16xf32, #tpu.memory_space<vmem>>, vector<1x16xf32>,
    %get3A_406 = vector.shape_cast %get3A_405 : vector<1x16xf32> to vector<16xf32>
    %get3A_407 = arith.constant 2 : i32
    %get3A_408 = arith.index_cast %get3A_407 : i32 to index
    %get3A_409 = arith.constant 0 : index
    %get3A_410 = tpu.vector_load %arg60[%get3A_408, %get3A_409] {strides = array<i32>} : memref<8x16xf32, #tpu.memory_space<vmem>>, vector<1x16xf32>,
    %get3A_411 = vector.shape_cast %get3A_410 : vector<1x16xf32> to vector<16xf32>
    %mul3A_412 = arith.mulf %get3A_406, %get3A_411 : vector<16xf32>
    %iota3A = tpu.iota {dimensions = array<i32: 0>} : vector<16xi32>
    %add3A_413 = arith.constant 8 : i32
    %add3A_414 = vector.broadcast %add3A_413 : i32 to vector<16xi32>
    %add3A_415 = arith.addi %iota3A, %add3A_414 : vector<16xi32>
    %and3A = arith.constant 15 : i32
    %and3A_416 = vector.broadcast %and3A : i32 to vector<16xi32>
    %and3A_417 = arith.andi %add3A_415, %and3A_416 : vector<16xi32>
    %reshape3A = vector.shape_cast %and3A_417 : vector<16xi32> to vector<16x1xi32>
    %gather3A = vector.shape_cast %reshape3A : vector<16x1xi32> to vector<16xi32>
    %gather3A_418 = tpu.dynamic_gather %mul3A_412[%gather3A] in [0] : vector<16xf32>, vector<16xi32> -> vector<16xf32>
    %add3A_419 = arith.addf %mul3A_412, %gather3A_418 : vector<16xf32>
    %add3A_420 = arith.constant 4 : i32
    %add3A_421 = vector.broadcast %add3A_420 : i32 to vector<16xi32>
    %add3A_422 = arith.addi %iota3A, %add3A_421 : vector<16xi32>
    %and3A_423 = arith.constant 15 : i32
    %and3A_424 = vector.broadcast %and3A_423 : i32 to vector<16xi32>
    %and3A_425 = arith.andi %add3A_422, %and3A_424 : vector<16xi32>
    %reshape3A_426 = vector.shape_cast %and3A_425 : vector<16xi32> to vector<16x1xi32>
    %gather3A_427 = vector.shape_cast %reshape3A_426 : vector<16x1xi32> to vector<16xi32>
    %gather3A_428 = tpu.dynamic_gather %add3A_419[%gather3A_427] in [0] : vector<16xf32>, vector<16xi32> -> vector<16xf32>
    %add3A_429 = arith.addf %add3A_419, %gather3A_428 : vector<16xf32>
    %add3A_430 = arith.constant 2 : i32
    %add3A_431 = vector.broadcast %add3A_430 : i32 to vector<16xi32>
    %add3A_432 = arith.addi %iota3A, %add3A_431 : vector<16xi32>
    %and3A_433 = arith.constant 15 : i32
    %and3A_434 = vector.broadcast %and3A_433 : i32 to vector<16xi32>
    %and3A_435 = arith.andi %add3A_432, %and3A_434 : vector<16xi32>
    %reshape3A_436 = vector.shape_cast %and3A_435 : vector<16xi32> to vector<16x1xi32>
    %gather3A_437 = vector.shape_cast %reshape3A_436 : vector<16x1xi32> to vector<16xi32>
    %gather3A_438 = tpu.dynamic_gather %add3A_429[%gather3A_437] in [0] : vector<16xf32>, vector<16xi32> -> vector<16xf32>
    %add3A_439 = arith.addf %add3A_429, %gather3A_438 : vector<16xf32>
    %add3A_440 = arith.constant 1 : i32
    %add3A_441 = vector.broadcast %add3A_440 : i32 to vector<16xi32>
    %add3A_442 = arith.addi %iota3A, %add3A_441 : vector<16xi32>
    %and3A_443 = arith.constant 15 : i32
    %and3A_444 = vector.broadcast %and3A_443 : i32 to vector<16xi32>
    %and3A_445 = arith.andi %add3A_442, %and3A_444 : vector<16xi32>
    %reshape3A_446 = vector.shape_cast %and3A_445 : vector<16xi32> to vector<16x1xi32>
    %gather3A_447 = vector.shape_cast %reshape3A_446 : vector<16x1xi32> to vector<16xi32>
    %gather3A_448 = tpu.dynamic_gather %add3A_439[%gather3A_447] in [0] : vector<16xf32>, vector<16xi32> -> vector<16xf32>
    %add3A_449 = arith.addf %add3A_439, %gather3A_448 : vector<16xf32>
    %get3A_450 = arith.constant 1 : i32
    %get3A_451 = arith.index_cast %get3A_450 : i32 to index
    %get3A_452 = arith.constant 0 : index
    %get3A_453 = tpu.vector_load %arg60[%get3A_451, %get3A_452] {strides = array<i32>} : memref<8x16xf32, #tpu.memory_space<vmem>>, vector<1x16xf32>,
    %get3A_454 = vector.shape_cast %get3A_453 : vector<1x16xf32> to vector<16xf32>
    %get3A_455 = arith.constant 2 : i32
    %get3A_456 = arith.index_cast %get3A_455 : i32 to index
    %get3A_457 = arith.constant 0 : index
    %get3A_458 = tpu.vector_load %arg60[%get3A_456, %get3A_457] {strides = array<i32>} : memref<8x16xf32, #tpu.memory_space<vmem>>, vector<1x16xf32>,
    %get3A_459 = vector.shape_cast %get3A_458 : vector<1x16xf32> to vector<16xf32>
    %mul3A_460 = arith.mulf %get3A_454, %get3A_459 : vector<16xf32>
    %iota3A_461 = tpu.iota {dimensions = array<i32: 0>} : vector<16xi32>
    %add3A_462 = arith.constant 8 : i32
    %add3A_463 = vector.broadcast %add3A_462 : i32 to vector<16xi32>
    %add3A_464 = arith.addi %iota3A_461, %add3A_463 : vector<16xi32>
    %and3A_465 = arith.constant 15 : i32
    %and3A_466 = vector.broadcast %and3A_465 : i32 to vector<16xi32>
    %and3A_467 = arith.andi %add3A_464, %and3A_466 : vector<16xi32>
    %reshape3A_468 = vector.shape_cast %and3A_467 : vector<16xi32> to vector<16x1xi32>
    %gather3A_469 = vector.shape_cast %reshape3A_468 : vector<16x1xi32> to vector<16xi32>
    %gather3A_470 = tpu.dynamic_gather %mul3A_460[%gather3A_469] in [0] : vector<16xf32>, vector<16xi32> -> vector<16xf32>
    %add3A_471 = arith.addf %mul3A_460, %gather3A_470 : vector<16xf32>
    %add3A_472 = arith.constant 4 : i32
    %add3A_473 = vector.broadcast %add3A_472 : i32 to vector<16xi32>
    %add3A_474 = arith.addi %iota3A_461, %add3A_473 : vector<16xi32>
    %and3A_475 = arith.constant 15 : i32
    %and3A_476 = vector.broadcast %and3A_475 : i32 to vector<16xi32>
    %and3A_477 = arith.andi %add3A_474, %and3A_476 : vector<16xi32>
    %reshape3A_478 = vector.shape_cast %and3A_477 : vector<16xi32> to vector<16x1xi32>
    %gather3A_479 = vector.shape_cast %reshape3A_478 : vector<16x1xi32> to vector<16xi32>
    %gather3A_480 = tpu.dynamic_gather %add3A_471[%gather3A_479] in [0] : vector<16xf32>, vector<16xi32> -> vector<16xf32>
    %add3A_481 = arith.addf %add3A_471, %gather3A_480 : vector<16xf32>
    %add3A_482 = arith.constant 2 : i32
    %add3A_483 = vector.broadcast %add3A_482 : i32 to vector<16xi32>
    %add3A_484 = arith.addi %iota3A_461, %add3A_483 : vector<16xi32>
    %and3A_485 = arith.constant 15 : i32
    %and3A_486 = vector.broadcast %and3A_485 : i32 to vector<16xi32>
    %and3A_487 = arith.andi %add3A_484, %and3A_486 : vector<16xi32>
    %reshape3A_488 = vector.shape_cast %and3A_487 : vector<16xi32> to vector<16x1xi32>
    %gather3A_489 = vector.shape_cast %reshape3A_488 : vector<16x1xi32> to vector<16xi32>
    %gather3A_490 = tpu.dynamic_gather %add3A_481[%gather3A_489] in [0] : vector<16xf32>, vector<16xi32> -> vector<16xf32>
    %add3A_491 = arith.addf %add3A_481, %gather3A_490 : vector<16xf32>
    %add3A_492 = arith.constant 1 : i32
    %add3A_493 = vector.broadcast %add3A_492 : i32 to vector<16xi32>
    %add3A_494 = arith.addi %iota3A_461, %add3A_493 : vector<16xi32>
    %and3A_495 = arith.constant 15 : i32
    %and3A_496 = vector.broadcast %and3A_495 : i32 to vector<16xi32>
    %and3A_497 = arith.andi %add3A_494, %and3A_496 : vector<16xi32>
    %reshape3A_498 = vector.shape_cast %and3A_497 : vector<16xi32> to vector<16x1xi32>
    %gather3A_499 = vector.shape_cast %reshape3A_498 : vector<16x1xi32> to vector<16xi32>
    %gather3A_500 = tpu.dynamic_gather %add3A_491[%gather3A_499] in [0] : vector<16xf32>, vector<16xi32> -> vector<16xf32>
    %add3A_501 = arith.addf %add3A_491, %gather3A_500 : vector<16xf32>
    %get3A_502 = arith.constant 0 : i32
    %get3A_503 = arith.index_cast %get3A_502 : i32 to index
    %get3A_504 = arith.constant 0 : index
    %get3A_505 = tpu.vector_load %arg60[%get3A_503, %get3A_504] {strides = array<i32>} : memref<8x16xf32, #tpu.memory_space<vmem>>, vector<1x16xf32>,
    %get3A_506 = vector.shape_cast %get3A_505 : vector<1x16xf32> to vector<16xf32>
    %get3A_507 = arith.constant 3 : i32
    %get3A_508 = arith.index_cast %get3A_507 : i32 to index
    %get3A_509 = arith.constant 0 : index
    %get3A_510 = tpu.vector_load %arg60[%get3A_508, %get3A_509] {strides = array<i32>} : memref<8x16xf32, #tpu.memory_space<vmem>>, vector<1x16xf32>,
    %get3A_511 = vector.shape_cast %get3A_510 : vector<1x16xf32> to vector<16xf32>
    %mul3A_512 = arith.mulf %get3A_506, %get3A_511 : vector<16xf32>
    %iota3A_513 = tpu.iota {dimensions = array<i32: 0>} : vector<16xi32>
    %add3A_514 = arith.constant 8 : i32
    %add3A_515 = vector.broadcast %add3A_514 : i32 to vector<16xi32>
    %add3A_516 = arith.addi %iota3A_513, %add3A_515 : vector<16xi32>
    %and3A_517 = arith.constant 15 : i32
    %and3A_518 = vector.broadcast %and3A_517 : i32 to vector<16xi32>
    %and3A_519 = arith.andi %add3A_516, %and3A_518 : vector<16xi32>
    %reshape3A_520 = vector.shape_cast %and3A_519 : vector<16xi32> to vector<16x1xi32>
    %gather3A_521 = vector.shape_cast %reshape3A_520 : vector<16x1xi32> to vector<16xi32>
    %gather3A_522 = tpu.dynamic_gather %mul3A_512[%gather3A_521] in [0] : vector<16xf32>, vector<16xi32> -> vector<16xf32>
    %add3A_523 = arith.addf %mul3A_512, %gather3A_522 : vector<16xf32>
    %add3A_524 = arith.constant 4 : i32
    %add3A_525 = vector.broadcast %add3A_524 : i32 to vector<16xi32>
    %add3A_526 = arith.addi %iota3A_513, %add3A_525 : vector<16xi32>
    %and3A_527 = arith.constant 15 : i32
    %and3A_528 = vector.broadcast %and3A_527 : i32 to vector<16xi32>
    %and3A_529 = arith.andi %add3A_526, %and3A_528 : vector<16xi32>
    %reshape3A_530 = vector.shape_cast %and3A_529 : vector<16xi32> to vector<16x1xi32>
    %gather3A_531 = vector.shape_cast %reshape3A_530 : vector<16x1xi32> to vector<16xi32>
    %gather3A_532 = tpu.dynamic_gather %add3A_523[%gather3A_531] in [0] : vector<16xf32>, vector<16xi32> -> vector<16xf32>
    %add3A_533 = arith.addf %add3A_523, %gather3A_532 : vector<16xf32>
    %add3A_534 = arith.constant 2 : i32
    %add3A_535 = vector.broadcast %add3A_534 : i32 to vector<16xi32>
    %add3A_536 = arith.addi %iota3A_513, %add3A_535 : vector<16xi32>
    %and3A_537 = arith.constant 15 : i32
    %and3A_538 = vector.broadcast %and3A_537 : i32 to vector<16xi32>
    %and3A_539 = arith.andi %add3A_536, %and3A_538 : vector<16xi32>
    %reshape3A_540 = vector.shape_cast %and3A_539 : vector<16xi32> to vector<16x1xi32>
    %gather3A_541 = vector.shape_cast %reshape3A_540 : vector<16x1xi32> to vector<16xi32>
    %gather3A_542 = tpu.dynamic_gather %add3A_533[%gather3A_541] in [0] : vector<16xf32>, vector<16xi32> -> vector<16xf32>
    %add3A_543 = arith.addf %add3A_533, %gather3A_542 : vector<16xf32>
    %add3A_544 = arith.constant 1 : i32
    %add3A_545 = vector.broadcast %add3A_544 : i32 to vector<16xi32>
    %add3A_546 = arith.addi %iota3A_513, %add3A_545 : vector<16xi32>
    %and3A_547 = arith.constant 15 : i32
    %and3A_548 = vector.broadcast %and3A_547 : i32 to vector<16xi32>
    %and3A_549 = arith.andi %add3A_546, %and3A_548 : vector<16xi32>
    %reshape3A_550 = vector.shape_cast %and3A_549 : vector<16xi32> to vector<16x1xi32>
    %gather3A_551 = vector.shape_cast %reshape3A_550 : vector<16x1xi32> to vector<16xi32>
    %gather3A_552 = tpu.dynamic_gather %add3A_543[%gather3A_551] in [0] : vector<16xf32>, vector<16xi32> -> vector<16xf32>
    %add3A_553 = arith.addf %add3A_543, %gather3A_552 : vector<16xf32>
    %get3A_554 = arith.constant 1 : i32
    %get3A_555 = arith.index_cast %get3A_554 : i32 to index
    %get3A_556 = arith.constant 0 : index
    %get3A_557 = tpu.vector_load %arg60[%get3A_555, %get3A_556] {strides = array<i32>} : memref<8x16xf32, #tpu.memory_space<vmem>>, vector<1x16xf32>,
    %get3A_558 = vector.shape_cast %get3A_557 : vector<1x16xf32> to vector<16xf32>
    %get3A_559 = arith.constant 3 : i32
    %get3A_560 = arith.index_cast %get3A_559 : i32 to index
    %get3A_561 = arith.constant 0 : index
    %get3A_562 = tpu.vector_load %arg60[%get3A_560, %get3A_561] {strides = array<i32>} : memref<8x16xf32, #tpu.memory_space<vmem>>, vector<1x16xf32>,
    %get3A_563 = vector.shape_cast %get3A_562 : vector<1x16xf32> to vector<16xf32>
    %mul3A_564 = arith.mulf %get3A_558, %get3A_563 : vector<16xf32>
    %iota3A_565 = tpu.iota {dimensions = array<i32: 0>} : vector<16xi32>
    %add3A_566 = arith.constant 8 : i32
    %add3A_567 = vector.broadcast %add3A_566 : i32 to vector<16xi32>
    %add3A_568 = arith.addi %iota3A_565, %add3A_567 : vector<16xi32>
    %and3A_569 = arith.constant 15 : i32
    %and3A_570 = vector.broadcast %and3A_569 : i32 to vector<16xi32>
    %and3A_571 = arith.andi %add3A_568, %and3A_570 : vector<16xi32>
    %reshape3A_572 = vector.shape_cast %and3A_571 : vector<16xi32> to vector<16x1xi32>
    %gather3A_573 = vector.shape_cast %reshape3A_572 : vector<16x1xi32> to vector<16xi32>
    %gather3A_574 = tpu.dynamic_gather %mul3A_564[%gather3A_573] in [0] : vector<16xf32>, vector<16xi32> -> vector<16xf32>
    %add3A_575 = arith.addf %mul3A_564, %gather3A_574 : vector<16xf32>
    %add3A_576 = arith.constant 4 : i32
    %add3A_577 = vector.broadcast %add3A_576 : i32 to vector<16xi32>
    %add3A_578 = arith.addi %iota3A_565, %add3A_577 : vector<16xi32>
    %and3A_579 = arith.constant 15 : i32
    %and3A_580 = vector.broadcast %and3A_579 : i32 to vector<16xi32>
    %and3A_581 = arith.andi %add3A_578, %and3A_580 : vector<16xi32>
    %reshape3A_582 = vector.shape_cast %and3A_581 : vector<16xi32> to vector<16x1xi32>
    %gather3A_583 = vector.shape_cast %reshape3A_582 : vector<16x1xi32> to vector<16xi32>
    %gather3A_584 = tpu.dynamic_gather %add3A_575[%gather3A_583] in [0] : vector<16xf32>, vector<16xi32> -> vector<16xf32>
    %add3A_585 = arith.addf %add3A_575, %gather3A_584 : vector<16xf32>
    %add3A_586 = arith.constant 2 : i32
    %add3A_587 = vector.broadcast %add3A_586 : i32 to vector<16xi32>
    %add3A_588 = arith.addi %iota3A_565, %add3A_587 : vector<16xi32>
    %and3A_589 = arith.constant 15 : i32
    %and3A_590 = vector.broadcast %and3A_589 : i32 to vector<16xi32>
    %and3A_591 = arith.andi %add3A_588, %and3A_590 : vector<16xi32>
    %reshape3A_592 = vector.shape_cast %and3A_591 : vector<16xi32> to vector<16x1xi32>
    %gather3A_593 = vector.shape_cast %reshape3A_592 : vector<16x1xi32> to vector<16xi32>
    %gather3A_594 = tpu.dynamic_gather %add3A_585[%gather3A_593] in [0] : vector<16xf32>, vector<16xi32> -> vector<16xf32>
    %add3A_595 = arith.addf %add3A_585, %gather3A_594 : vector<16xf32>
    %add3A_596 = arith.constant 1 : i32
    %add3A_597 = vector.broadcast %add3A_596 : i32 to vector<16xi32>
    %add3A_598 = arith.addi %iota3A_565, %add3A_597 : vector<16xi32>
    %and3A_599 = arith.constant 15 : i32
    %and3A_600 = vector.broadcast %and3A_599 : i32 to vector<16xi32>
    %and3A_601 = arith.andi %add3A_598, %and3A_600 : vector<16xi32>
    %reshape3A_602 = vector.shape_cast %and3A_601 : vector<16xi32> to vector<16x1xi32>
    %gather3A_603 = vector.shape_cast %reshape3A_602 : vector<16x1xi32> to vector<16xi32>
    %gather3A_604 = tpu.dynamic_gather %add3A_595[%gather3A_603] in [0] : vector<16xf32>, vector<16xi32> -> vector<16xf32>
    %add3A_605 = arith.addf %add3A_595, %gather3A_604 : vector<16xf32>
    %get3A_606 = arith.constant 4 : i32
    %get3A_607 = arith.index_cast %get3A_606 : i32 to index
    %get3A_608 = arith.constant 0 : index
    %get3A_609 = tpu.vector_load %arg60[%get3A_607, %get3A_608] {strides = array<i32>} : memref<8x16xf32, #tpu.memory_space<vmem>>, vector<1x16xf32>,
    %get3A_610 = vector.shape_cast %get3A_609 : vector<1x16xf32> to vector<16xf32>
    %get3A_611 = arith.constant 6 : i32
    %get3A_612 = arith.index_cast %get3A_611 : i32 to index
    %get3A_613 = arith.constant 0 : index
    %get3A_614 = tpu.vector_load %arg60[%get3A_612, %get3A_613] {strides = array<i32>} : memref<8x16xf32, #tpu.memory_space<vmem>>, vector<1x16xf32>,
    %get3A_615 = vector.shape_cast %get3A_614 : vector<1x16xf32> to vector<16xf32>
    %mul3A_616 = arith.mulf %get3A_610, %get3A_615 : vector<16xf32>
    %iota3A_617 = tpu.iota {dimensions = array<i32: 0>} : vector<16xi32>
    %add3A_618 = arith.constant 8 : i32
    %add3A_619 = vector.broadcast %add3A_618 : i32 to vector<16xi32>
    %add3A_620 = arith.addi %iota3A_617, %add3A_619 : vector<16xi32>
    %and3A_621 = arith.constant 15 : i32
    %and3A_622 = vector.broadcast %and3A_621 : i32 to vector<16xi32>
    %and3A_623 = arith.andi %add3A_620, %and3A_622 : vector<16xi32>
    %reshape3A_624 = vector.shape_cast %and3A_623 : vector<16xi32> to vector<16x1xi32>
    %gather3A_625 = vector.shape_cast %reshape3A_624 : vector<16x1xi32> to vector<16xi32>
    %gather3A_626 = tpu.dynamic_gather %mul3A_616[%gather3A_625] in [0] : vector<16xf32>, vector<16xi32> -> vector<16xf32>
    %add3A_627 = arith.addf %mul3A_616, %gather3A_626 : vector<16xf32>
    %add3A_628 = arith.constant 4 : i32
    %add3A_629 = vector.broadcast %add3A_628 : i32 to vector<16xi32>
    %add3A_630 = arith.addi %iota3A_617, %add3A_629 : vector<16xi32>
    %and3A_631 = arith.constant 15 : i32
    %and3A_632 = vector.broadcast %and3A_631 : i32 to vector<16xi32>
    %and3A_633 = arith.andi %add3A_630, %and3A_632 : vector<16xi32>
    %reshape3A_634 = vector.shape_cast %and3A_633 : vector<16xi32> to vector<16x1xi32>
    %gather3A_635 = vector.shape_cast %reshape3A_634 : vector<16x1xi32> to vector<16xi32>
    %gather3A_636 = tpu.dynamic_gather %add3A_627[%gather3A_635] in [0] : vector<16xf32>, vector<16xi32> -> vector<16xf32>
    %add3A_637 = arith.addf %add3A_627, %gather3A_636 : vector<16xf32>
    %add3A_638 = arith.constant 2 : i32
    %add3A_639 = vector.broadcast %add3A_638 : i32 to vector<16xi32>
    %add3A_640 = arith.addi %iota3A_617, %add3A_639 : vector<16xi32>
    %and3A_641 = arith.constant 15 : i32
    %and3A_642 = vector.broadcast %and3A_641 : i32 to vector<16xi32>
    %and3A_643 = arith.andi %add3A_640, %and3A_642 : vector<16xi32>
    %reshape3A_644 = vector.shape_cast %and3A_643 : vector<16xi32> to vector<16x1xi32>
    %gather3A_645 = vector.shape_cast %reshape3A_644 : vector<16x1xi32> to vector<16xi32>
    %gather3A_646 = tpu.dynamic_gather %add3A_637[%gather3A_645] in [0] : vector<16xf32>, vector<16xi32> -> vector<16xf32>
    %add3A_647 = arith.addf %add3A_637, %gather3A_646 : vector<16xf32>
    %add3A_648 = arith.constant 1 : i32
    %add3A_649 = vector.broadcast %add3A_648 : i32 to vector<16xi32>
    %add3A_650 = arith.addi %iota3A_617, %add3A_649 : vector<16xi32>
    %and3A_651 = arith.constant 15 : i32
    %and3A_652 = vector.broadcast %and3A_651 : i32 to vector<16xi32>
    %and3A_653 = arith.andi %add3A_650, %and3A_652 : vector<16xi32>
    %reshape3A_654 = vector.shape_cast %and3A_653 : vector<16xi32> to vector<16x1xi32>
    %gather3A_655 = vector.shape_cast %reshape3A_654 : vector<16x1xi32> to vector<16xi32>
    %gather3A_656 = tpu.dynamic_gather %add3A_647[%gather3A_655] in [0] : vector<16xf32>, vector<16xi32> -> vector<16xf32>
    %add3A_657 = arith.addf %add3A_647, %gather3A_656 : vector<16xf32>
    %get3A_658 = arith.constant 5 : i32
    %get3A_659 = arith.index_cast %get3A_658 : i32 to index
    %get3A_660 = arith.constant 0 : index
    %get3A_661 = tpu.vector_load %arg60[%get3A_659, %get3A_660] {strides = array<i32>} : memref<8x16xf32, #tpu.memory_space<vmem>>, vector<1x16xf32>,
    %get3A_662 = vector.shape_cast %get3A_661 : vector<1x16xf32> to vector<16xf32>
    %get3A_663 = arith.constant 6 : i32
    %get3A_664 = arith.index_cast %get3A_663 : i32 to index
    %get3A_665 = arith.constant 0 : index
    %get3A_666 = tpu.vector_load %arg60[%get3A_664, %get3A_665] {strides = array<i32>} : memref<8x16xf32, #tpu.memory_space<vmem>>, vector<1x16xf32>,
    %get3A_667 = vector.shape_cast %get3A_666 : vector<1x16xf32> to vector<16xf32>
    %mul3A_668 = arith.mulf %get3A_662, %get3A_667 : vector<16xf32>
    %iota3A_669 = tpu.iota {dimensions = array<i32: 0>} : vector<16xi32>
    %add3A_670 = arith.constant 8 : i32
    %add3A_671 = vector.broadcast %add3A_670 : i32 to vector<16xi32>
    %add3A_672 = arith.addi %iota3A_669, %add3A_671 : vector<16xi32>
    %and3A_673 = arith.constant 15 : i32
    %and3A_674 = vector.broadcast %and3A_673 : i32 to vector<16xi32>
    %and3A_675 = arith.andi %add3A_672, %and3A_674 : vector<16xi32>
    %reshape3A_676 = vector.shape_cast %and3A_675 : vector<16xi32> to vector<16x1xi32>
    %gather3A_677 = vector.shape_cast %reshape3A_676 : vector<16x1xi32> to vector<16xi32>
    %gather3A_678 = tpu.dynamic_gather %mul3A_668[%gather3A_677] in [0] : vector<16xf32>, vector<16xi32> -> vector<16xf32>
    %add3A_679 = arith.addf %mul3A_668, %gather3A_678 : vector<16xf32>
    %add3A_680 = arith.constant 4 : i32
    %add3A_681 = vector.broadcast %add3A_680 : i32 to vector<16xi32>
    %add3A_682 = arith.addi %iota3A_669, %add3A_681 : vector<16xi32>
    %and3A_683 = arith.constant 15 : i32
    %and3A_684 = vector.broadcast %and3A_683 : i32 to vector<16xi32>
    %and3A_685 = arith.andi %add3A_682, %and3A_684 : vector<16xi32>
    %reshape3A_686 = vector.shape_cast %and3A_685 : vector<16xi32> to vector<16x1xi32>
    %gather3A_687 = vector.shape_cast %reshape3A_686 : vector<16x1xi32> to vector<16xi32>
    %gather3A_688 = tpu.dynamic_gather %add3A_679[%gather3A_687] in [0] : vector<16xf32>, vector<16xi32> -> vector<16xf32>
    %add3A_689 = arith.addf %add3A_679, %gather3A_688 : vector<16xf32>
    %add3A_690 = arith.constant 2 : i32
    %add3A_691 = vector.broadcast %add3A_690 : i32 to vector<16xi32>
    %add3A_692 = arith.addi %iota3A_669, %add3A_691 : vector<16xi32>
    %and3A_693 = arith.constant 15 : i32
    %and3A_694 = vector.broadcast %and3A_693 : i32 to vector<16xi32>
    %and3A_695 = arith.andi %add3A_692, %and3A_694 : vector<16xi32>
    %reshape3A_696 = vector.shape_cast %and3A_695 : vector<16xi32> to vector<16x1xi32>
    %gather3A_697 = vector.shape_cast %reshape3A_696 : vector<16x1xi32> to vector<16xi32>
    %gather3A_698 = tpu.dynamic_gather %add3A_689[%gather3A_697] in [0] : vector<16xf32>, vector<16xi32> -> vector<16xf32>
    %add3A_699 = arith.addf %add3A_689, %gather3A_698 : vector<16xf32>
    %add3A_700 = arith.constant 1 : i32
    %add3A_701 = vector.broadcast %add3A_700 : i32 to vector<16xi32>
    %add3A_702 = arith.addi %iota3A_669, %add3A_701 : vector<16xi32>
    %and3A_703 = arith.constant 15 : i32
    %and3A_704 = vector.broadcast %and3A_703 : i32 to vector<16xi32>
    %and3A_705 = arith.andi %add3A_702, %and3A_704 : vector<16xi32>
    %reshape3A_706 = vector.shape_cast %and3A_705 : vector<16xi32> to vector<16x1xi32>
    %gather3A_707 = vector.shape_cast %reshape3A_706 : vector<16x1xi32> to vector<16xi32>
    %gather3A_708 = tpu.dynamic_gather %add3A_699[%gather3A_707] in [0] : vector<16xf32>, vector<16xi32> -> vector<16xf32>
    %add3A_709 = arith.addf %add3A_699, %gather3A_708 : vector<16xf32>
    %get3A_710 = arith.constant 4 : i32
    %get3A_711 = arith.index_cast %get3A_710 : i32 to index
    %get3A_712 = arith.constant 0 : index
    %get3A_713 = tpu.vector_load %arg60[%get3A_711, %get3A_712] {strides = array<i32>} : memref<8x16xf32, #tpu.memory_space<vmem>>, vector<1x16xf32>,
    %get3A_714 = vector.shape_cast %get3A_713 : vector<1x16xf32> to vector<16xf32>
    %get3A_715 = arith.constant 7 : i32
    %get3A_716 = arith.index_cast %get3A_715 : i32 to index
    %get3A_717 = arith.constant 0 : index
    %get3A_718 = tpu.vector_load %arg60[%get3A_716, %get3A_717] {strides = array<i32>} : memref<8x16xf32, #tpu.memory_space<vmem>>, vector<1x16xf32>,
    %get3A_719 = vector.shape_cast %get3A_718 : vector<1x16xf32> to vector<16xf32>
    %mul3A_720 = arith.mulf %get3A_714, %get3A_719 : vector<16xf32>
    %iota3A_721 = tpu.iota {dimensions = array<i32: 0>} : vector<16xi32>
    %add3A_722 = arith.constant 8 : i32
    %add3A_723 = vector.broadcast %add3A_722 : i32 to vector<16xi32>
    %add3A_724 = arith.addi %iota3A_721, %add3A_723 : vector<16xi32>
    %and3A_725 = arith.constant 15 : i32
    %and3A_726 = vector.broadcast %and3A_725 : i32 to vector<16xi32>
    %and3A_727 = arith.andi %add3A_724, %and3A_726 : vector<16xi32>
    %reshape3A_728 = vector.shape_cast %and3A_727 : vector<16xi32> to vector<16x1xi32>
    %gather3A_729 = vector.shape_cast %reshape3A_728 : vector<16x1xi32> to vector<16xi32>
    %gather3A_730 = tpu.dynamic_gather %mul3A_720[%gather3A_729] in [0] : vector<16xf32>, vector<16xi32> -> vector<16xf32>
    %add3A_731 = arith.addf %mul3A_720, %gather3A_730 : vector<16xf32>
    %add3A_732 = arith.constant 4 : i32
    %add3A_733 = vector.broadcast %add3A_732 : i32 to vector<16xi32>
    %add3A_734 = arith.addi %iota3A_721, %add3A_733 : vector<16xi32>
    %and3A_735 = arith.constant 15 : i32
    %and3A_736 = vector.broadcast %and3A_735 : i32 to vector<16xi32>
    %and3A_737 = arith.andi %add3A_734, %and3A_736 : vector<16xi32>
    %reshape3A_738 = vector.shape_cast %and3A_737 : vector<16xi32> to vector<16x1xi32>
    %gather3A_739 = vector.shape_cast %reshape3A_738 : vector<16x1xi32> to vector<16xi32>
    %gather3A_740 = tpu.dynamic_gather %add3A_731[%gather3A_739] in [0] : vector<16xf32>, vector<16xi32> -> vector<16xf32>
    %add3A_741 = arith.addf %add3A_731, %gather3A_740 : vector<16xf32>
    %add3A_742 = arith.constant 2 : i32
    %add3A_743 = vector.broadcast %add3A_742 : i32 to vector<16xi32>
    %add3A_744 = arith.addi %iota3A_721, %add3A_743 : vector<16xi32>
    %and3A_745 = arith.constant 15 : i32
    %and3A_746 = vector.broadcast %and3A_745 : i32 to vector<16xi32>
    %and3A_747 = arith.andi %add3A_744, %and3A_746 : vector<16xi32>
    %reshape3A_748 = vector.shape_cast %and3A_747 : vector<16xi32> to vector<16x1xi32>
    %gather3A_749 = vector.shape_cast %reshape3A_748 : vector<16x1xi32> to vector<16xi32>
    %gather3A_750 = tpu.dynamic_gather %add3A_741[%gather3A_749] in [0] : vector<16xf32>, vector<16xi32> -> vector<16xf32>
    %add3A_751 = arith.addf %add3A_741, %gather3A_750 : vector<16xf32>
    %add3A_752 = arith.constant 1 : i32
    %add3A_753 = vector.broadcast %add3A_752 : i32 to vector<16xi32>
    %add3A_754 = arith.addi %iota3A_721, %add3A_753 : vector<16xi32>
    %and3A_755 = arith.constant 15 : i32
    %and3A_756 = vector.broadcast %and3A_755 : i32 to vector<16xi32>
    %and3A_757 = arith.andi %add3A_754, %and3A_756 : vector<16xi32>
    %reshape3A_758 = vector.shape_cast %and3A_757 : vector<16xi32> to vector<16x1xi32>
    %gather3A_759 = vector.shape_cast %reshape3A_758 : vector<16x1xi32> to vector<16xi32>
    %gather3A_760 = tpu.dynamic_gather %add3A_751[%gather3A_759] in [0] : vector<16xf32>, vector<16xi32> -> vector<16xf32>
    %add3A_761 = arith.addf %add3A_751, %gather3A_760 : vector<16xf32>
    %get3A_762 = arith.constant 5 : i32
    %get3A_763 = arith.index_cast %get3A_762 : i32 to index
    %get3A_764 = arith.constant 0 : index
    %get3A_765 = tpu.vector_load %arg60[%get3A_763, %get3A_764] {strides = array<i32>} : memref<8x16xf32, #tpu.memory_space<vmem>>, vector<1x16xf32>,
    %get3A_766 = vector.shape_cast %get3A_765 : vector<1x16xf32> to vector<16xf32>
    %get3A_767 = arith.constant 7 : i32
    %get3A_768 = arith.index_cast %get3A_767 : i32 to index
    %get3A_769 = arith.constant 0 : index
    %get3A_770 = tpu.vector_load %arg60[%get3A_768, %get3A_769] {strides = array<i32>} : memref<8x16xf32, #tpu.memory_space<vmem>>, vector<1x16xf32>,
    %get3A_771 = vector.shape_cast %get3A_770 : vector<1x16xf32> to vector<16xf32>
    %mul3A_772 = arith.mulf %get3A_766, %get3A_771 : vector<16xf32>
    %iota3A_773 = tpu.iota {dimensions = array<i32: 0>} : vector<16xi32>
    %add3A_774 = arith.constant 8 : i32
    %add3A_775 = vector.broadcast %add3A_774 : i32 to vector<16xi32>
    %add3A_776 = arith.addi %iota3A_773, %add3A_775 : vector<16xi32>
    %and3A_777 = arith.constant 15 : i32
    %and3A_778 = vector.broadcast %and3A_777 : i32 to vector<16xi32>
    %and3A_779 = arith.andi %add3A_776, %and3A_778 : vector<16xi32>
    %reshape3A_780 = vector.shape_cast %and3A_779 : vector<16xi32> to vector<16x1xi32>
    %gather3A_781 = vector.shape_cast %reshape3A_780 : vector<16x1xi32> to vector<16xi32>
    %gather3A_782 = tpu.dynamic_gather %mul3A_772[%gather3A_781] in [0] : vector<16xf32>, vector<16xi32> -> vector<16xf32>
    %add3A_783 = arith.addf %mul3A_772, %gather3A_782 : vector<16xf32>
    %add3A_784 = arith.constant 4 : i32
    %add3A_785 = vector.broadcast %add3A_784 : i32 to vector<16xi32>
    %add3A_786 = arith.addi %iota3A_773, %add3A_785 : vector<16xi32>
    %and3A_787 = arith.constant 15 : i32
    %and3A_788 = vector.broadcast %and3A_787 : i32 to vector<16xi32>
    %and3A_789 = arith.andi %add3A_786, %and3A_788 : vector<16xi32>
    %reshape3A_790 = vector.shape_cast %and3A_789 : vector<16xi32> to vector<16x1xi32>
    %gather3A_791 = vector.shape_cast %reshape3A_790 : vector<16x1xi32> to vector<16xi32>
    %gather3A_792 = tpu.dynamic_gather %add3A_783[%gather3A_791] in [0] : vector<16xf32>, vector<16xi32> -> vector<16xf32>
    %add3A_793 = arith.addf %add3A_783, %gather3A_792 : vector<16xf32>
    %add3A_794 = arith.constant 2 : i32
    %add3A_795 = vector.broadcast %add3A_794 : i32 to vector<16xi32>
    %add3A_796 = arith.addi %iota3A_773, %add3A_795 : vector<16xi32>
    %and3A_797 = arith.constant 15 : i32
    %and3A_798 = vector.broadcast %and3A_797 : i32 to vector<16xi32>
    %and3A_799 = arith.andi %add3A_796, %and3A_798 : vector<16xi32>
    %reshape3A_800 = vector.shape_cast %and3A_799 : vector<16xi32> to vector<16x1xi32>
    %gather3A_801 = vector.shape_cast %reshape3A_800 : vector<16x1xi32> to vector<16xi32>
    %gather3A_802 = tpu.dynamic_gather %add3A_793[%gather3A_801] in [0] : vector<16xf32>, vector<16xi32> -> vector<16xf32>
    %add3A_803 = arith.addf %add3A_793, %gather3A_802 : vector<16xf32>
    %add3A_804 = arith.constant 1 : i32
    %add3A_805 = vector.broadcast %add3A_804 : i32 to vector<16xi32>
    %add3A_806 = arith.addi %iota3A_773, %add3A_805 : vector<16xi32>
    %and3A_807 = arith.constant 15 : i32
    %and3A_808 = vector.broadcast %and3A_807 : i32 to vector<16xi32>
    %and3A_809 = arith.andi %add3A_806, %and3A_808 : vector<16xi32>
    %reshape3A_810 = vector.shape_cast %and3A_809 : vector<16xi32> to vector<16x1xi32>
    %gather3A_811 = vector.shape_cast %reshape3A_810 : vector<16x1xi32> to vector<16xi32>
    %gather3A_812 = tpu.dynamic_gather %add3A_803[%gather3A_811] in [0] : vector<16xf32>, vector<16xi32> -> vector<16xf32>
    %add3A_813 = arith.addf %add3A_803, %gather3A_812 : vector<16xf32>
    %mul3A_814 = arith.constant 2 : i32
    %mul3A_815 = arith.muli %arg1, %mul3A_814 : i32
    %add3A_816 = arith.addi %mul3A_815, %arg0 : i32
    %mul3A_817 = arith.constant 50 : i32
    %mul3A_818 = arith.muli %add3A_816, %mul3A_817 : i32
    %add3A_819 = arith.constant 0 : i32
    %add3A_820 = arith.addi %mul3A_818, %add3A_819 : i32
    %mul3A_821 = arith.constant 2000 : i32
    %mul3A_822 = arith.muli %add3A_820, %mul3A_821 : i32
    %dma_start3A_823 = tpu.memref_slice %arg2[%mul3A_822] : memref<3200000xi32, #tpu.memory_space<hbm>> -> memref<2000xi32, #tpu.memory_space<hbm>>
    %dma_start3A_824 = tpu.memref_slice %arg2[%mul3A_822] : memref<3200000xi32, #tpu.memory_space<hbm>> -> memref<2000xi32, #tpu.memory_space<hbm>>
    tpu.enqueue_dma source(%dma_start3A_824 : memref<2000xi32, #tpu.memory_space<hbm>>) target(%arg34 : memref<2000xi32, #tpu.memory_space<vmem>>) target_semaphore(%arg61 : memref<!tpu.dma_semaphore, #tpu.memory_space<semaphore_mem>>)
    %dma_start3A_825 = tpu.memref_slice %arg3[%mul3A_822] : memref<3200000xi32, #tpu.memory_space<hbm>> -> memref<2000xi32, #tpu.memory_space<hbm>>
    %dma_start3A_826 = tpu.memref_slice %arg3[%mul3A_822] : memref<3200000xi32, #tpu.memory_space<hbm>> -> memref<2000xi32, #tpu.memory_space<hbm>>
    tpu.enqueue_dma source(%dma_start3A_826 : memref<2000xi32, #tpu.memory_space<hbm>>) target(%arg35 : memref<2000xi32, #tpu.memory_space<vmem>>) target_semaphore(%arg61 : memref<!tpu.dma_semaphore, #tpu.memory_space<semaphore_mem>>)
    %dma_wait3A_827 = arith.constant 0 : i32
    %dma_wait3A_828 = tpu.memref_slice %arg2[%dma_wait3A_827] : memref<3200000xi32, #tpu.memory_space<hbm>> -> memref<2000xi32, #tpu.memory_space<hbm>>
    %dma_wait3A_829 = arith.constant 0 : i32
    %dma_wait3A_830 = tpu.memref_slice %arg2[%dma_wait3A_829] : memref<3200000xi32, #tpu.memory_space<hbm>> -> memref<2000xi32, #tpu.memory_space<hbm>>
    tpu.wait_dma2 semaphore(%arg61 : memref<!tpu.dma_semaphore, #tpu.memory_space<semaphore_mem>>) src(%dma_wait3A_830 : memref<2000xi32, #tpu.memory_space<hbm>>) dst(%arg34 : memref<2000xi32, #tpu.memory_space<vmem>>)
    %dma_wait3A_831 = arith.constant 0 : i32
    %dma_wait3A_832 = tpu.memref_slice %arg3[%dma_wait3A_831] : memref<3200000xi32, #tpu.memory_space<hbm>> -> memref<2000xi32, #tpu.memory_space<hbm>>
    %dma_wait3A_833 = arith.constant 0 : i32
    %dma_wait3A_834 = tpu.memref_slice %arg3[%dma_wait3A_833] : memref<3200000xi32, #tpu.memory_space<hbm>> -> memref<2000xi32, #tpu.memory_space<hbm>>
    tpu.wait_dma2 semaphore(%arg61 : memref<!tpu.dma_semaphore, #tpu.memory_space<semaphore_mem>>) src(%dma_wait3A_834 : memref<2000xi32, #tpu.memory_space<hbm>>) dst(%arg35 : memref<2000xi32, #tpu.memory_space<vmem>>)
    %dma_start3A_835 = arith.constant 0 : i32
    %dma_start3A_836 = tpu.memref_slice %arg26[%dma_start3A_835] : memref<100096xf32, #tpu.memory_space<vmem_shared>> -> memref<100096xf32, #tpu.memory_space<vmem_shared>>
    tpu.enqueue_indirect_dma source(%dma_start3A_836 : memref<100096xf32, #tpu.memory_space<vmem_shared>>) target(%arg37 : memref<2000xf32, #tpu.memory_space<vmem>>) offsets(%arg34 : memref<2000xi32, #tpu.memory_space<vmem>>) semaphore(%arg62 : memref<!tpu.dma_semaphore, #tpu.memory_space<semaphore_mem>>)
    %dma_start3A_837 = arith.constant 0 : i32
    %dma_start3A_838 = tpu.memref_slice %arg27[%dma_start3A_837] : memref<100096xf32, #tpu.memory_space<vmem_shared>> -> memref<100096xf32, #tpu.memory_space<vmem_shared>>
    tpu.enqueue_indirect_dma source(%dma_start3A_838 : memref<100096xf32, #tpu.memory_space<vmem_shared>>) target(%arg38 : memref<2000xf32, #tpu.memory_space<vmem>>) offsets(%arg34 : memref<2000xi32, #tpu.memory_space<vmem>>) semaphore(%arg62 : memref<!tpu.dma_semaphore, #tpu.memory_space<semaphore_mem>>)
    %dma_start3A_839 = arith.constant 0 : i32
    %dma_start3A_840 = tpu.memref_slice %arg26[%dma_start3A_839] : memref<100096xf32, #tpu.memory_space<vmem_shared>> -> memref<100096xf32, #tpu.memory_space<vmem_shared>>
    tpu.enqueue_indirect_dma source(%dma_start3A_840 : memref<100096xf32, #tpu.memory_space<vmem_shared>>) target(%arg39 : memref<2000xf32, #tpu.memory_space<vmem>>) offsets(%arg35 : memref<2000xi32, #tpu.memory_space<vmem>>) semaphore(%arg62 : memref<!tpu.dma_semaphore, #tpu.memory_space<semaphore_mem>>)
    %dma_start3A_841 = arith.constant 0 : i32
    %dma_start3A_842 = tpu.memref_slice %arg27[%dma_start3A_841] : memref<100096xf32, #tpu.memory_space<vmem_shared>> -> memref<100096xf32, #tpu.memory_space<vmem_shared>>
    tpu.enqueue_indirect_dma source(%dma_start3A_842 : memref<100096xf32, #tpu.memory_space<vmem_shared>>) target(%arg40 : memref<2000xf32, #tpu.memory_space<vmem>>) offsets(%arg35 : memref<2000xi32, #tpu.memory_space<vmem>>) semaphore(%arg62 : memref<!tpu.dma_semaphore, #tpu.memory_space<semaphore_mem>>)
    %mul3A_843 = arith.constant 50 : i32
    %mul3A_844 = arith.muli %add3A_816, %mul3A_843 : i32
    %add3A_845 = arith.constant 1 : i32
    %add3A_846 = arith.addi %mul3A_844, %add3A_845 : i32
    %mul3A_847 = arith.constant 2000 : i32
    %mul3A_848 = arith.muli %add3A_846, %mul3A_847 : i32
    %dma_start3A_849 = tpu.memref_slice %arg2[%mul3A_848] : memref<3200000xi32, #tpu.memory_space<hbm>> -> memref<2000xi32, #tpu.memory_space<hbm>>
    %dma_start3A_850 = tpu.memref_slice %arg2[%mul3A_848] : memref<3200000xi32, #tpu.memory_space<hbm>> -> memref<2000xi32, #tpu.memory_space<hbm>>
    tpu.enqueue_dma source(%dma_start3A_850 : memref<2000xi32, #tpu.memory_space<hbm>>) target(%arg47 : memref<2000xi32, #tpu.memory_space<vmem>>) target_semaphore(%arg64 : memref<!tpu.dma_semaphore, #tpu.memory_space<semaphore_mem>>)
    %dma_start3A_851 = tpu.memref_slice %arg3[%mul3A_848] : memref<3200000xi32, #tpu.memory_space<hbm>> -> memref<2000xi32, #tpu.memory_space<hbm>>
    %dma_start3A_852 = tpu.memref_slice %arg3[%mul3A_848] : memref<3200000xi32, #tpu.memory_space<hbm>> -> memref<2000xi32, #tpu.memory_space<hbm>>
    tpu.enqueue_dma source(%dma_start3A_852 : memref<2000xi32, #tpu.memory_space<hbm>>) target(%arg48 : memref<2000xi32, #tpu.memory_space<vmem>>) target_semaphore(%arg64 : memref<!tpu.dma_semaphore, #tpu.memory_space<semaphore_mem>>)
    %scan3A_853 = arith.constant 0 : i32
    %scan3A_854 = arith.constant 0 : i32
    %scan3A_855 = arith.constant 25 : i32
    %scan3A_856 = arith.addi %scan3A_854, %scan3A_855 : i32
    %scan3A_857 = arith.constant 1 : i32
    %scan3A_858 = scf.for %scan3A_892 = %scan3A_854 to %scan3A_856 step %scan3A_857 iter_args(%scan3A_893 = %scan3A_853) -> (i32)  : i32 {
      %mul3A_894 = arith.constant 2 : i32
      %mul3A_895 = arith.muli %mul3A_894, %scan3A_892 : i32
      %add3A_896 = arith.constant 1 : i32
      %add3A_897 = arith.addi %mul3A_895, %add3A_896 : i32
      %lt3A = arith.constant 50 : i32
      %lt3A_898 = arith.cmpi slt, %add3A_897, %lt3A : i32
      %convert_element_type3A_899 = arith.extui %lt3A_898 : i1 to i32
      %cond3A_900 = arith.constant 0 : i32
      %cond3A_901 = arith.cmpi ne, %convert_element_type3A_899, %cond3A_900 : i32
      scf.if %cond3A_901 {
        %dma_wait3A_1005 = arith.constant 0 : i32
        %dma_wait3A_1006 = tpu.memref_slice %arg2[%dma_wait3A_1005] : memref<3200000xi32, #tpu.memory_space<hbm>> -> memref<2000xi32, #tpu.memory_space<hbm>>
        %dma_wait3A_1007 = arith.constant 0 : i32
        %dma_wait3A_1008 = tpu.memref_slice %arg2[%dma_wait3A_1007] : memref<3200000xi32, #tpu.memory_space<hbm>> -> memref<2000xi32, #tpu.memory_space<hbm>>
        tpu.wait_dma2 semaphore(%arg64 : memref<!tpu.dma_semaphore, #tpu.memory_space<semaphore_mem>>) src(%dma_wait3A_1008 : memref<2000xi32, #tpu.memory_space<hbm>>) dst(%arg47 : memref<2000xi32, #tpu.memory_space<vmem>>)
        %dma_wait3A_1009 = arith.constant 0 : i32
        %dma_wait3A_1010 = tpu.memref_slice %arg3[%dma_wait3A_1009] : memref<3200000xi32, #tpu.memory_space<hbm>> -> memref<2000xi32, #tpu.memory_space<hbm>>
        %dma_wait3A_1011 = arith.constant 0 : i32
        %dma_wait3A_1012 = tpu.memref_slice %arg3[%dma_wait3A_1011] : memref<3200000xi32, #tpu.memory_space<hbm>> -> memref<2000xi32, #tpu.memory_space<hbm>>
        tpu.wait_dma2 semaphore(%arg64 : memref<!tpu.dma_semaphore, #tpu.memory_space<semaphore_mem>>) src(%dma_wait3A_1012 : memref<2000xi32, #tpu.memory_space<hbm>>) dst(%arg48 : memref<2000xi32, #tpu.memory_space<vmem>>)
        %dma_start3A_1013 = arith.constant 0 : i32
        %dma_start3A_1014 = tpu.memref_slice %arg26[%dma_start3A_1013] : memref<100096xf32, #tpu.memory_space<vmem_shared>> -> memref<100096xf32, #tpu.memory_space<vmem_shared>>
        tpu.enqueue_indirect_dma source(%dma_start3A_1014 : memref<100096xf32, #tpu.memory_space<vmem_shared>>) target(%arg50 : memref<2000xf32, #tpu.memory_space<vmem>>) offsets(%arg47 : memref<2000xi32, #tpu.memory_space<vmem>>) semaphore(%arg65 : memref<!tpu.dma_semaphore, #tpu.memory_space<semaphore_mem>>)
        %dma_start3A_1015 = arith.constant 0 : i32
        %dma_start3A_1016 = tpu.memref_slice %arg27[%dma_start3A_1015] : memref<100096xf32, #tpu.memory_space<vmem_shared>> -> memref<100096xf32, #tpu.memory_space<vmem_shared>>
        tpu.enqueue_indirect_dma source(%dma_start3A_1016 : memref<100096xf32, #tpu.memory_space<vmem_shared>>) target(%arg51 : memref<2000xf32, #tpu.memory_space<vmem>>) offsets(%arg47 : memref<2000xi32, #tpu.memory_space<vmem>>) semaphore(%arg65 : memref<!tpu.dma_semaphore, #tpu.memory_space<semaphore_mem>>)
        %dma_start3A_1017 = arith.constant 0 : i32
        %dma_start3A_1018 = tpu.memref_slice %arg26[%dma_start3A_1017] : memref<100096xf32, #tpu.memory_space<vmem_shared>> -> memref<100096xf32, #tpu.memory_space<vmem_shared>>
        tpu.enqueue_indirect_dma source(%dma_start3A_1018 : memref<100096xf32, #tpu.memory_space<vmem_shared>>) target(%arg52 : memref<2000xf32, #tpu.memory_space<vmem>>) offsets(%arg48 : memref<2000xi32, #tpu.memory_space<vmem>>) semaphore(%arg65 : memref<!tpu.dma_semaphore, #tpu.memory_space<semaphore_mem>>)
        %dma_start3A_1019 = arith.constant 0 : i32
        %dma_start3A_1020 = tpu.memref_slice %arg27[%dma_start3A_1019] : memref<100096xf32, #tpu.memory_space<vmem_shared>> -> memref<100096xf32, #tpu.memory_space<vmem_shared>>
        tpu.enqueue_indirect_dma source(%dma_start3A_1020 : memref<100096xf32, #tpu.memory_space<vmem_shared>>) target(%arg53 : memref<2000xf32, #tpu.memory_space<vmem>>) offsets(%arg48 : memref<2000xi32, #tpu.memory_space<vmem>>) semaphore(%arg65 : memref<!tpu.dma_semaphore, #tpu.memory_space<semaphore_mem>>)
      } else {
      }
      %ge3A = arith.constant 2 : i32
      %ge3A_902 = arith.cmpi sge, %mul3A_895, %ge3A : i32
      %convert_element_type3A_903 = arith.extui %ge3A_902 : i1 to i32
      %cond3A_904 = arith.constant 0 : i32
      %cond3A_905 = arith.cmpi ne, %convert_element_type3A_903, %cond3A_904 : i32
      scf.if %cond3A_905 {
        %dma_wait3A_1005 = arith.constant 0 : i32
        %dma_wait3A_1006 = tpu.memref_slice %arg28[%dma_wait3A_1005] : memref<100096xf32, #tpu.memory_space<vmem_shared>> -> memref<100096xf32, #tpu.memory_space<vmem_shared>>
        tpu.wait_indirect_dma semaphore(%arg63 : memref<!tpu.dma_semaphore, #tpu.memory_space<semaphore_mem>>) src(%arg41 : memref<2000xf32, #tpu.memory_space<vmem>>) dst(%dma_wait3A_1006 : memref<100096xf32, #tpu.memory_space<vmem_shared>>)
        %dma_wait3A_1007 = arith.constant 0 : i32
        %dma_wait3A_1008 = tpu.memref_slice %arg29[%dma_wait3A_1007] : memref<100096xf32, #tpu.memory_space<vmem_shared>> -> memref<100096xf32, #tpu.memory_space<vmem_shared>>
        tpu.wait_indirect_dma semaphore(%arg63 : memref<!tpu.dma_semaphore, #tpu.memory_space<semaphore_mem>>) src(%arg42 : memref<2000xf32, #tpu.memory_space<vmem>>) dst(%dma_wait3A_1008 : memref<100096xf32, #tpu.memory_space<vmem_shared>>)
        %dma_wait3A_1009 = arith.constant 0 : i32
        %dma_wait3A_1010 = tpu.memref_slice %arg30[%dma_wait3A_1009] : memref<100096xf32, #tpu.memory_space<vmem_shared>> -> memref<100096xf32, #tpu.memory_space<vmem_shared>>
        tpu.wait_indirect_dma semaphore(%arg63 : memref<!tpu.dma_semaphore, #tpu.memory_space<semaphore_mem>>) src(%arg43 : memref<2000xf32, #tpu.memory_space<vmem>>) dst(%dma_wait3A_1010 : memref<100096xf32, #tpu.memory_space<vmem_shared>>)
        %dma_wait3A_1011 = arith.constant 0 : i32
        %dma_wait3A_1012 = tpu.memref_slice %arg31[%dma_wait3A_1011] : memref<100096xf32, #tpu.memory_space<vmem_shared>> -> memref<100096xf32, #tpu.memory_space<vmem_shared>>
        tpu.wait_indirect_dma semaphore(%arg63 : memref<!tpu.dma_semaphore, #tpu.memory_space<semaphore_mem>>) src(%arg44 : memref<2000xf32, #tpu.memory_space<vmem>>) dst(%dma_wait3A_1012 : memref<100096xf32, #tpu.memory_space<vmem_shared>>)
        %dma_wait3A_1013 = arith.constant 0 : i32
        %dma_wait3A_1014 = tpu.memref_slice %arg32[%dma_wait3A_1013] : memref<100096xf32, #tpu.memory_space<vmem_shared>> -> memref<100096xf32, #tpu.memory_space<vmem_shared>>
        tpu.wait_indirect_dma semaphore(%arg63 : memref<!tpu.dma_semaphore, #tpu.memory_space<semaphore_mem>>) src(%arg45 : memref<2000xf32, #tpu.memory_space<vmem>>) dst(%dma_wait3A_1014 : memref<100096xf32, #tpu.memory_space<vmem_shared>>)
        %dma_wait3A_1015 = arith.constant 0 : i32
        %dma_wait3A_1016 = tpu.memref_slice %arg33[%dma_wait3A_1015] : memref<100096xf32, #tpu.memory_space<vmem_shared>> -> memref<100096xf32, #tpu.memory_space<vmem_shared>>
        tpu.wait_indirect_dma semaphore(%arg63 : memref<!tpu.dma_semaphore, #tpu.memory_space<semaphore_mem>>) src(%arg46 : memref<2000xf32, #tpu.memory_space<vmem>>) dst(%dma_wait3A_1016 : memref<100096xf32, #tpu.memory_space<vmem_shared>>)
      } else {
      }
      %dma_wait3A_906 = arith.constant 0 : i32
      %dma_wait3A_907 = tpu.memref_slice %arg26[%dma_wait3A_906] : memref<100096xf32, #tpu.memory_space<vmem_shared>> -> memref<100096xf32, #tpu.memory_space<vmem_shared>>
      tpu.wait_indirect_dma semaphore(%arg62 : memref<!tpu.dma_semaphore, #tpu.memory_space<semaphore_mem>>) src(%dma_wait3A_907 : memref<100096xf32, #tpu.memory_space<vmem_shared>>) dst(%arg37 : memref<2000xf32, #tpu.memory_space<vmem>>)
      %dma_wait3A_908 = arith.constant 0 : i32
      %dma_wait3A_909 = tpu.memref_slice %arg27[%dma_wait3A_908] : memref<100096xf32, #tpu.memory_space<vmem_shared>> -> memref<100096xf32, #tpu.memory_space<vmem_shared>>
      tpu.wait_indirect_dma semaphore(%arg62 : memref<!tpu.dma_semaphore, #tpu.memory_space<semaphore_mem>>) src(%dma_wait3A_909 : memref<100096xf32, #tpu.memory_space<vmem_shared>>) dst(%arg38 : memref<2000xf32, #tpu.memory_space<vmem>>)
      %dma_wait3A_910 = arith.constant 0 : i32
      %dma_wait3A_911 = tpu.memref_slice %arg26[%dma_wait3A_910] : memref<100096xf32, #tpu.memory_space<vmem_shared>> -> memref<100096xf32, #tpu.memory_space<vmem_shared>>
      tpu.wait_indirect_dma semaphore(%arg62 : memref<!tpu.dma_semaphore, #tpu.memory_space<semaphore_mem>>) src(%dma_wait3A_911 : memref<100096xf32, #tpu.memory_space<vmem_shared>>) dst(%arg39 : memref<2000xf32, #tpu.memory_space<vmem>>)
      %dma_wait3A_912 = arith.constant 0 : i32
      %dma_wait3A_913 = tpu.memref_slice %arg27[%dma_wait3A_912] : memref<100096xf32, #tpu.memory_space<vmem_shared>> -> memref<100096xf32, #tpu.memory_space<vmem_shared>>
      tpu.wait_indirect_dma semaphore(%arg62 : memref<!tpu.dma_semaphore, #tpu.memory_space<semaphore_mem>>) src(%dma_wait3A_913 : memref<100096xf32, #tpu.memory_space<vmem_shared>>) dst(%arg40 : memref<2000xf32, #tpu.memory_space<vmem>>)
      %scan3A_914 = arith.constant 0 : i32
      %scan3A_915 = arith.constant 0 : i32
      %scan3A_916 = arith.constant 125 : i32
      %scan3A_917 = arith.addi %scan3A_915, %scan3A_916 : i32
      %scan3A_918 = arith.constant 1 : i32
      %scan3A_919 = scf.for %scan3A_1005 = %scan3A_915 to %scan3A_917 step %scan3A_918 iter_args(%scan3A_1006 = %scan3A_914) -> (i32)  : i32 {
        %mul3A_1007 = arith.constant 16 : i32
        %mul3A_1008 = arith.muli %scan3A_1005, %mul3A_1007 : i32
        %get3A_1009 = arith.index_cast %mul3A_1008 : i32 to index
        %get3A_1010 = tpu.vector_load %arg35[%get3A_1009] {strides = array<i32>} : memref<2000xi32, #tpu.memory_space<vmem>>, vector<16xi32>,
        %get3A_1011 = vector.shape_cast %get3A_1010 : vector<16xi32> to vector<16xi32>
        %swap3A = arith.index_cast %mul3A_1008 : i32 to index
        %swap3A_1012 = tpu.vector_load %arg36[%swap3A] {strides = array<i32>} : memref<2000xi32, #tpu.memory_space<vmem>>, vector<16xi32>,
        %swap3A_1013 = vector.shape_cast %swap3A_1012 : vector<16xi32> to vector<16xi32>
        %swap3A_1014 = vector.shape_cast %get3A_1011 : vector<16xi32> to vector<16xi32>
        tpu.vector_store %arg36[%swap3A], %swap3A_1014 {strides = array<i32>} : memref<2000xi32, #tpu.memory_space<vmem>>, vector<16xi32>,
        %scan3A_1015 = arith.constant 0 : i32
        scf.yield %scan3A_1015 : i32
      }
      %scan3A_920 = arith.constant 125 : i32
      %add3A_921 = arith.constant 2 : i32
      %add3A_922 = arith.addi %mul3A_895, %add3A_921 : i32
      %lt3A_923 = arith.constant 50 : i32
      %lt3A_924 = arith.cmpi slt, %add3A_922, %lt3A_923 : i32
      %convert_element_type3A_925 = arith.extui %lt3A_924 : i1 to i32
      %cond3A_926 = arith.constant 0 : i32
      %cond3A_927 = arith.cmpi ne, %convert_element_type3A_925, %cond3A_926 : i32
      scf.if %cond3A_927 {
        %add3A_1005 = arith.constant 2 : i32
        %add3A_1006 = arith.addi %mul3A_895, %add3A_1005 : i32
        %mul3A_1007 = arith.constant 50 : i32
        %mul3A_1008 = arith.muli %add3A_816, %mul3A_1007 : i32
        %add3A_1009 = arith.addi %mul3A_1008, %add3A_1006 : i32
        %mul3A_1010 = arith.constant 2000 : i32
        %mul3A_1011 = arith.muli %add3A_1009, %mul3A_1010 : i32
        %dma_start3A_1012 = tpu.memref_slice %arg2[%mul3A_1011] : memref<3200000xi32, #tpu.memory_space<hbm>> -> memref<2000xi32, #tpu.memory_space<hbm>>
        %dma_start3A_1013 = tpu.memref_slice %arg2[%mul3A_1011] : memref<3200000xi32, #tpu.memory_space<hbm>> -> memref<2000xi32, #tpu.memory_space<hbm>>
        tpu.enqueue_dma source(%dma_start3A_1013 : memref<2000xi32, #tpu.memory_space<hbm>>) target(%arg34 : memref<2000xi32, #tpu.memory_space<vmem>>) target_semaphore(%arg61 : memref<!tpu.dma_semaphore, #tpu.memory_space<semaphore_mem>>)
        %dma_start3A_1014 = tpu.memref_slice %arg3[%mul3A_1011] : memref<3200000xi32, #tpu.memory_space<hbm>> -> memref<2000xi32, #tpu.memory_space<hbm>>
        %dma_start3A_1015 = tpu.memref_slice %arg3[%mul3A_1011] : memref<3200000xi32, #tpu.memory_space<hbm>> -> memref<2000xi32, #tpu.memory_space<hbm>>
        tpu.enqueue_dma source(%dma_start3A_1015 : memref<2000xi32, #tpu.memory_space<hbm>>) target(%arg35 : memref<2000xi32, #tpu.memory_space<vmem>>) target_semaphore(%arg61 : memref<!tpu.dma_semaphore, #tpu.memory_space<semaphore_mem>>)
      } else {
      }
      %scan3A_928 = arith.constant 0 : i32
      %scan3A_929 = arith.constant 0 : i32
      %scan3A_930 = arith.constant 125 : i32
      %scan3A_931 = arith.addi %scan3A_929, %scan3A_930 : i32
      %scan3A_932 = arith.constant 1 : i32
      %scan3A_933 = scf.for %scan3A_1005 = %scan3A_929 to %scan3A_931 step %scan3A_932 iter_args(%scan3A_1006 = %scan3A_928) -> (i32)  : i32 {
        %mul3A_1007 = arith.constant 16 : i32
        %mul3A_1008 = arith.muli %scan3A_1005, %mul3A_1007 : i32
        %get3A_1009 = arith.index_cast %mul3A_1008 : i32 to index
        %get3A_1010 = tpu.vector_load %arg37[%get3A_1009] {strides = array<i32>} : memref<2000xf32, #tpu.memory_space<vmem>>, vector<16xf32>,
        %get3A_1011 = vector.shape_cast %get3A_1010 : vector<16xf32> to vector<16xf32>
        %get3A_1012 = arith.index_cast %mul3A_1008 : i32 to index
        %get3A_1013 = tpu.vector_load %arg38[%get3A_1012] {strides = array<i32>} : memref<2000xf32, #tpu.memory_space<vmem>>, vector<16xf32>,
        %get3A_1014 = vector.shape_cast %get3A_1013 : vector<16xf32> to vector<16xf32>
        %get3A_1015 = arith.index_cast %mul3A_1008 : i32 to index
        %get3A_1016 = tpu.vector_load %arg39[%get3A_1015] {strides = array<i32>} : memref<2000xf32, #tpu.memory_space<vmem>>, vector<16xf32>,
        %get3A_1017 = vector.shape_cast %get3A_1016 : vector<16xf32> to vector<16xf32>
        %get3A_1018 = arith.index_cast %mul3A_1008 : i32 to index
        %get3A_1019 = tpu.vector_load %arg40[%get3A_1018] {strides = array<i32>} : memref<2000xf32, #tpu.memory_space<vmem>>, vector<16xf32>,
        %get3A_1020 = vector.shape_cast %get3A_1019 : vector<16xf32> to vector<16xf32>
        %mul3A_1021 = arith.mulf %get3A_1011, %add3A_449 : vector<16xf32>
        %mul3A_1022 = arith.mulf %get3A_1014, %add3A_501 : vector<16xf32>
        %add3A_1023 = arith.addf %mul3A_1021, %mul3A_1022 : vector<16xf32>
        %mul3A_1024 = arith.mulf %get3A_1017, %add3A_553 : vector<16xf32>
        %mul3A_1025 = arith.mulf %get3A_1020, %add3A_605 : vector<16xf32>
        %add3A_1026 = arith.addf %mul3A_1024, %mul3A_1025 : vector<16xf32>
        %add3A_1027 = arith.addf %add3A_1023, %add3A_1026 : vector<16xf32>
        %gt3A = arith.constant 0.000000e+00 : f32
        %gt3A_1028 = vector.broadcast %gt3A : f32 to vector<16xf32>
        %gt3A_1029 = arith.cmpf ogt, %add3A_1027, %gt3A_1028 : vector<16xf32>
        %mul3A_1030 = arith.constant 0.00999999977 : f32
        %mul3A_1031 = vector.broadcast %mul3A_1030 : f32 to vector<16xf32>
        %mul3A_1032 = arith.mulf %add3A_1027, %mul3A_1031 : vector<16xf32>
        %select_n3A = arith.select %gt3A_1029, %add3A_1027, %mul3A_1032 : vector<16xi1>, vector<16xf32>
        %exp3A = math.exp %select_n3A : vector<16xf32>
        %swap3A = arith.index_cast %mul3A_1008 : i32 to index
        %swap3A_1033 = tpu.vector_load %arg41[%swap3A] {strides = array<i32>} : memref<2000xf32, #tpu.memory_space<vmem>>, vector<16xf32>,
        %swap3A_1034 = vector.shape_cast %swap3A_1033 : vector<16xf32> to vector<16xf32>
        %swap3A_1035 = vector.shape_cast %exp3A : vector<16xf32> to vector<16xf32>
        tpu.vector_store %arg41[%swap3A], %swap3A_1035 {strides = array<i32>} : memref<2000xf32, #tpu.memory_space<vmem>>, vector<16xf32>,
        %mul3A_1036 = arith.mulf %exp3A, %get3A_1011 : vector<16xf32>
        %swap3A_1037 = arith.index_cast %mul3A_1008 : i32 to index
        %swap3A_1038 = tpu.vector_load %arg42[%swap3A_1037] {strides = array<i32>} : memref<2000xf32, #tpu.memory_space<vmem>>, vector<16xf32>,
        %swap3A_1039 = vector.shape_cast %swap3A_1038 : vector<16xf32> to vector<16xf32>
        %swap3A_1040 = vector.shape_cast %mul3A_1036 : vector<16xf32> to vector<16xf32>
        tpu.vector_store %arg42[%swap3A_1037], %swap3A_1040 {strides = array<i32>} : memref<2000xf32, #tpu.memory_space<vmem>>, vector<16xf32>,
        %mul3A_1041 = arith.mulf %exp3A, %get3A_1014 : vector<16xf32>
        %swap3A_1042 = arith.index_cast %mul3A_1008 : i32 to index
        %swap3A_1043 = tpu.vector_load %arg43[%swap3A_1042] {strides = array<i32>} : memref<2000xf32, #tpu.memory_space<vmem>>, vector<16xf32>,
        %swap3A_1044 = vector.shape_cast %swap3A_1043 : vector<16xf32> to vector<16xf32>
        %swap3A_1045 = vector.shape_cast %mul3A_1041 : vector<16xf32> to vector<16xf32>
        tpu.vector_store %arg43[%swap3A_1042], %swap3A_1045 {strides = array<i32>} : memref<2000xf32, #tpu.memory_space<vmem>>, vector<16xf32>,
        %mul3A_1046 = arith.mulf %get3A_1011, %add3A_657 : vector<16xf32>
        %mul3A_1047 = arith.mulf %get3A_1014, %add3A_709 : vector<16xf32>
        %add3A_1048 = arith.addf %mul3A_1046, %mul3A_1047 : vector<16xf32>
        %mul3A_1049 = arith.mulf %get3A_1017, %add3A_761 : vector<16xf32>
        %mul3A_1050 = arith.mulf %get3A_1020, %add3A_813 : vector<16xf32>
        %add3A_1051 = arith.addf %mul3A_1049, %mul3A_1050 : vector<16xf32>
        %add3A_1052 = arith.addf %add3A_1048, %add3A_1051 : vector<16xf32>
        %gt3A_1053 = arith.constant 0.000000e+00 : f32
        %gt3A_1054 = vector.broadcast %gt3A_1053 : f32 to vector<16xf32>
        %gt3A_1055 = arith.cmpf ogt, %add3A_1052, %gt3A_1054 : vector<16xf32>
        %mul3A_1056 = arith.constant 0.00999999977 : f32
        %mul3A_1057 = vector.broadcast %mul3A_1056 : f32 to vector<16xf32>
        %mul3A_1058 = arith.mulf %add3A_1052, %mul3A_1057 : vector<16xf32>
        %select_n3A_1059 = arith.select %gt3A_1055, %add3A_1052, %mul3A_1058 : vector<16xi1>, vector<16xf32>
        %exp3A_1060 = math.exp %select_n3A_1059 : vector<16xf32>
        %swap3A_1061 = arith.index_cast %mul3A_1008 : i32 to index
        %swap3A_1062 = tpu.vector_load %arg44[%swap3A_1061] {strides = array<i32>} : memref<2000xf32, #tpu.memory_space<vmem>>, vector<16xf32>,
        %swap3A_1063 = vector.shape_cast %swap3A_1062 : vector<16xf32> to vector<16xf32>
        %swap3A_1064 = vector.shape_cast %exp3A_1060 : vector<16xf32> to vector<16xf32>
        tpu.vector_store %arg44[%swap3A_1061], %swap3A_1064 {strides = array<i32>} : memref<2000xf32, #tpu.memory_space<vmem>>, vector<16xf32>,
        %mul3A_1065 = arith.mulf %exp3A_1060, %get3A_1011 : vector<16xf32>
        %swap3A_1066 = arith.index_cast %mul3A_1008 : i32 to index
        %swap3A_1067 = tpu.vector_load %arg45[%swap3A_1066] {strides = array<i32>} : memref<2000xf32, #tpu.memory_space<vmem>>, vector<16xf32>,
        %swap3A_1068 = vector.shape_cast %swap3A_1067 : vector<16xf32> to vector<16xf32>
        %swap3A_1069 = vector.shape_cast %mul3A_1065 : vector<16xf32> to vector<16xf32>
        tpu.vector_store %arg45[%swap3A_1066], %swap3A_1069 {strides = array<i32>} : memref<2000xf32, #tpu.memory_space<vmem>>, vector<16xf32>,
        %mul3A_1070 = arith.mulf %exp3A_1060, %get3A_1014 : vector<16xf32>
        %swap3A_1071 = arith.index_cast %mul3A_1008 : i32 to index
        %swap3A_1072 = tpu.vector_load %arg46[%swap3A_1071] {strides = array<i32>} : memref<2000xf32, #tpu.memory_space<vmem>>, vector<16xf32>,
        %swap3A_1073 = vector.shape_cast %swap3A_1072 : vector<16xf32> to vector<16xf32>
        %swap3A_1074 = vector.shape_cast %mul3A_1070 : vector<16xf32> to vector<16xf32>
        tpu.vector_store %arg46[%swap3A_1071], %swap3A_1074 {strides = array<i32>} : memref<2000xf32, #tpu.memory_space<vmem>>, vector<16xf32>,
        %scan3A_1075 = arith.constant 0 : i32
        scf.yield %scan3A_1075 : i32
      }
      %scan3A_934 = arith.constant 125 : i32
      %dma_start3A_935 = arith.constant 0 : i32
      %dma_start3A_936 = tpu.memref_slice %arg28[%dma_start3A_935] : memref<100096xf32, #tpu.memory_space<vmem_shared>> -> memref<100096xf32, #tpu.memory_space<vmem_shared>>
      tpu.enqueue_indirect_dma source(%arg41 : memref<2000xf32, #tpu.memory_space<vmem>>) target(%dma_start3A_936 : memref<100096xf32, #tpu.memory_space<vmem_shared>>) offsets(%arg36 : memref<2000xi32, #tpu.memory_space<vmem>>) semaphore(%arg63 : memref<!tpu.dma_semaphore, #tpu.memory_space<semaphore_mem>>) {add = true}
      %dma_start3A_937 = arith.constant 0 : i32
      %dma_start3A_938 = tpu.memref_slice %arg29[%dma_start3A_937] : memref<100096xf32, #tpu.memory_space<vmem_shared>> -> memref<100096xf32, #tpu.memory_space<vmem_shared>>
      tpu.enqueue_indirect_dma source(%arg42 : memref<2000xf32, #tpu.memory_space<vmem>>) target(%dma_start3A_938 : memref<100096xf32, #tpu.memory_space<vmem_shared>>) offsets(%arg36 : memref<2000xi32, #tpu.memory_space<vmem>>) semaphore(%arg63 : memref<!tpu.dma_semaphore, #tpu.memory_space<semaphore_mem>>) {add = true}
      %dma_start3A_939 = arith.constant 0 : i32
      %dma_start3A_940 = tpu.memref_slice %arg30[%dma_start3A_939] : memref<100096xf32, #tpu.memory_space<vmem_shared>> -> memref<100096xf32, #tpu.memory_space<vmem_shared>>
      tpu.enqueue_indirect_dma source(%arg43 : memref<2000xf32, #tpu.memory_space<vmem>>) target(%dma_start3A_940 : memref<100096xf32, #tpu.memory_space<vmem_shared>>) offsets(%arg36 : memref<2000xi32, #tpu.memory_space<vmem>>) semaphore(%arg63 : memref<!tpu.dma_semaphore, #tpu.memory_space<semaphore_mem>>) {add = true}
      %dma_start3A_941 = arith.constant 0 : i32
      %dma_start3A_942 = tpu.memref_slice %arg31[%dma_start3A_941] : memref<100096xf32, #tpu.memory_space<vmem_shared>> -> memref<100096xf32, #tpu.memory_space<vmem_shared>>
      tpu.enqueue_indirect_dma source(%arg44 : memref<2000xf32, #tpu.memory_space<vmem>>) target(%dma_start3A_942 : memref<100096xf32, #tpu.memory_space<vmem_shared>>) offsets(%arg36 : memref<2000xi32, #tpu.memory_space<vmem>>) semaphore(%arg63 : memref<!tpu.dma_semaphore, #tpu.memory_space<semaphore_mem>>) {add = true}
      %dma_start3A_943 = arith.constant 0 : i32
      %dma_start3A_944 = tpu.memref_slice %arg32[%dma_start3A_943] : memref<100096xf32, #tpu.memory_space<vmem_shared>> -> memref<100096xf32, #tpu.memory_space<vmem_shared>>
      tpu.enqueue_indirect_dma source(%arg45 : memref<2000xf32, #tpu.memory_space<vmem>>) target(%dma_start3A_944 : memref<100096xf32, #tpu.memory_space<vmem_shared>>) offsets(%arg36 : memref<2000xi32, #tpu.memory_space<vmem>>) semaphore(%arg63 : memref<!tpu.dma_semaphore, #tpu.memory_space<semaphore_mem>>) {add = true}
      %dma_start3A_945 = arith.constant 0 : i32
      %dma_start3A_946 = tpu.memref_slice %arg33[%dma_start3A_945] : memref<100096xf32, #tpu.memory_space<vmem_shared>> -> memref<100096xf32, #tpu.memory_space<vmem_shared>>
      tpu.enqueue_indirect_dma source(%arg46 : memref<2000xf32, #tpu.memory_space<vmem>>) target(%dma_start3A_946 : memref<100096xf32, #tpu.memory_space<vmem_shared>>) offsets(%arg36 : memref<2000xi32, #tpu.memory_space<vmem>>) semaphore(%arg63 : memref<!tpu.dma_semaphore, #tpu.memory_space<semaphore_mem>>) {add = true}
      %mul3A_947 = arith.constant 2 : i32
      %mul3A_948 = arith.muli %mul3A_947, %scan3A_892 : i32
      %add3A_949 = arith.constant 1 : i32
      %add3A_950 = arith.addi %mul3A_948, %add3A_949 : i32
      %add3A_951 = arith.constant 1 : i32
      %add3A_952 = arith.addi %add3A_950, %add3A_951 : i32
      %lt3A_953 = arith.constant 50 : i32
      %lt3A_954 = arith.cmpi slt, %add3A_952, %lt3A_953 : i32
      %convert_element_type3A_955 = arith.extui %lt3A_954 : i1 to i32
      %cond3A_956 = arith.constant 0 : i32
      %cond3A_957 = arith.cmpi ne, %convert_element_type3A_955, %cond3A_956 : i32
      scf.if %cond3A_957 {
        %dma_wait3A_1005 = arith.constant 0 : i32
        %dma_wait3A_1006 = tpu.memref_slice %arg2[%dma_wait3A_1005] : memref<3200000xi32, #tpu.memory_space<hbm>> -> memref<2000xi32, #tpu.memory_space<hbm>>
        %dma_wait3A_1007 = arith.constant 0 : i32
        %dma_wait3A_1008 = tpu.memref_slice %arg2[%dma_wait3A_1007] : memref<3200000xi32, #tpu.memory_space<hbm>> -> memref<2000xi32, #tpu.memory_space<hbm>>
        tpu.wait_dma2 semaphore(%arg61 : memref<!tpu.dma_semaphore, #tpu.memory_space<semaphore_mem>>) src(%dma_wait3A_1008 : memref<2000xi32, #tpu.memory_space<hbm>>) dst(%arg34 : memref<2000xi32, #tpu.memory_space<vmem>>)
        %dma_wait3A_1009 = arith.constant 0 : i32
        %dma_wait3A_1010 = tpu.memref_slice %arg3[%dma_wait3A_1009] : memref<3200000xi32, #tpu.memory_space<hbm>> -> memref<2000xi32, #tpu.memory_space<hbm>>
        %dma_wait3A_1011 = arith.constant 0 : i32
        %dma_wait3A_1012 = tpu.memref_slice %arg3[%dma_wait3A_1011] : memref<3200000xi32, #tpu.memory_space<hbm>> -> memref<2000xi32, #tpu.memory_space<hbm>>
        tpu.wait_dma2 semaphore(%arg61 : memref<!tpu.dma_semaphore, #tpu.memory_space<semaphore_mem>>) src(%dma_wait3A_1012 : memref<2000xi32, #tpu.memory_space<hbm>>) dst(%arg35 : memref<2000xi32, #tpu.memory_space<vmem>>)
        %dma_start3A_1013 = arith.constant 0 : i32
        %dma_start3A_1014 = tpu.memref_slice %arg26[%dma_start3A_1013] : memref<100096xf32, #tpu.memory_space<vmem_shared>> -> memref<100096xf32, #tpu.memory_space<vmem_shared>>
        tpu.enqueue_indirect_dma source(%dma_start3A_1014 : memref<100096xf32, #tpu.memory_space<vmem_shared>>) target(%arg37 : memref<2000xf32, #tpu.memory_space<vmem>>) offsets(%arg34 : memref<2000xi32, #tpu.memory_space<vmem>>) semaphore(%arg62 : memref<!tpu.dma_semaphore, #tpu.memory_space<semaphore_mem>>)
        %dma_start3A_1015 = arith.constant 0 : i32
        %dma_start3A_1016 = tpu.memref_slice %arg27[%dma_start3A_1015] : memref<100096xf32, #tpu.memory_space<vmem_shared>> -> memref<100096xf32, #tpu.memory_space<vmem_shared>>
        tpu.enqueue_indirect_dma source(%dma_start3A_1016 : memref<100096xf32, #tpu.memory_space<vmem_shared>>) target(%arg38 : memref<2000xf32, #tpu.memory_space<vmem>>) offsets(%arg34 : memref<2000xi32, #tpu.memory_space<vmem>>) semaphore(%arg62 : memref<!tpu.dma_semaphore, #tpu.memory_space<semaphore_mem>>)
        %dma_start3A_1017 = arith.constant 0 : i32
        %dma_start3A_1018 = tpu.memref_slice %arg26[%dma_start3A_1017] : memref<100096xf32, #tpu.memory_space<vmem_shared>> -> memref<100096xf32, #tpu.memory_space<vmem_shared>>
        tpu.enqueue_indirect_dma source(%dma_start3A_1018 : memref<100096xf32, #tpu.memory_space<vmem_shared>>) target(%arg39 : memref<2000xf32, #tpu.memory_space<vmem>>) offsets(%arg35 : memref<2000xi32, #tpu.memory_space<vmem>>) semaphore(%arg62 : memref<!tpu.dma_semaphore, #tpu.memory_space<semaphore_mem>>)
        %dma_start3A_1019 = arith.constant 0 : i32
        %dma_start3A_1020 = tpu.memref_slice %arg27[%dma_start3A_1019] : memref<100096xf32, #tpu.memory_space<vmem_shared>> -> memref<100096xf32, #tpu.memory_space<vmem_shared>>
        tpu.enqueue_indirect_dma source(%dma_start3A_1020 : memref<100096xf32, #tpu.memory_space<vmem_shared>>) target(%arg40 : memref<2000xf32, #tpu.memory_space<vmem>>) offsets(%arg35 : memref<2000xi32, #tpu.memory_space<vmem>>) semaphore(%arg62 : memref<!tpu.dma_semaphore, #tpu.memory_space<semaphore_mem>>)
      } else {
      }
      %ge3A_958 = arith.constant 2 : i32
      %ge3A_959 = arith.cmpi sge, %add3A_950, %ge3A_958 : i32
      %convert_element_type3A_960 = arith.extui %ge3A_959 : i1 to i32
      %cond3A_961 = arith.constant 0 : i32
      %cond3A_962 = arith.cmpi ne, %convert_element_type3A_960, %cond3A_961 : i32
      scf.if %cond3A_962 {
        %dma_wait3A_1005 = arith.constant 0 : i32
        %dma_wait3A_1006 = tpu.memref_slice %arg28[%dma_wait3A_1005] : memref<100096xf32, #tpu.memory_space<vmem_shared>> -> memref<100096xf32, #tpu.memory_space<vmem_shared>>
        tpu.wait_indirect_dma semaphore(%arg66 : memref<!tpu.dma_semaphore, #tpu.memory_space<semaphore_mem>>) src(%arg54 : memref<2000xf32, #tpu.memory_space<vmem>>) dst(%dma_wait3A_1006 : memref<100096xf32, #tpu.memory_space<vmem_shared>>)
        %dma_wait3A_1007 = arith.constant 0 : i32
        %dma_wait3A_1008 = tpu.memref_slice %arg29[%dma_wait3A_1007] : memref<100096xf32, #tpu.memory_space<vmem_shared>> -> memref<100096xf32, #tpu.memory_space<vmem_shared>>
        tpu.wait_indirect_dma semaphore(%arg66 : memref<!tpu.dma_semaphore, #tpu.memory_space<semaphore_mem>>) src(%arg55 : memref<2000xf32, #tpu.memory_space<vmem>>) dst(%dma_wait3A_1008 : memref<100096xf32, #tpu.memory_space<vmem_shared>>)
        %dma_wait3A_1009 = arith.constant 0 : i32
        %dma_wait3A_1010 = tpu.memref_slice %arg30[%dma_wait3A_1009] : memref<100096xf32, #tpu.memory_space<vmem_shared>> -> memref<100096xf32, #tpu.memory_space<vmem_shared>>
        tpu.wait_indirect_dma semaphore(%arg66 : memref<!tpu.dma_semaphore, #tpu.memory_space<semaphore_mem>>) src(%arg56 : memref<2000xf32, #tpu.memory_space<vmem>>) dst(%dma_wait3A_1010 : memref<100096xf32, #tpu.memory_space<vmem_shared>>)
        %dma_wait3A_1011 = arith.constant 0 : i32
        %dma_wait3A_1012 = tpu.memref_slice %arg31[%dma_wait3A_1011] : memref<100096xf32, #tpu.memory_space<vmem_shared>> -> memref<100096xf32, #tpu.memory_space<vmem_shared>>
        tpu.wait_indirect_dma semaphore(%arg66 : memref<!tpu.dma_semaphore, #tpu.memory_space<semaphore_mem>>) src(%arg57 : memref<2000xf32, #tpu.memory_space<vmem>>) dst(%dma_wait3A_1012 : memref<100096xf32, #tpu.memory_space<vmem_shared>>)
        %dma_wait3A_1013 = arith.constant 0 : i32
        %dma_wait3A_1014 = tpu.memref_slice %arg32[%dma_wait3A_1013] : memref<100096xf32, #tpu.memory_space<vmem_shared>> -> memref<100096xf32, #tpu.memory_space<vmem_shared>>
        tpu.wait_indirect_dma semaphore(%arg66 : memref<!tpu.dma_semaphore, #tpu.memory_space<semaphore_mem>>) src(%arg58 : memref<2000xf32, #tpu.memory_space<vmem>>) dst(%dma_wait3A_1014 : memref<100096xf32, #tpu.memory_space<vmem_shared>>)
        %dma_wait3A_1015 = arith.constant 0 : i32
        %dma_wait3A_1016 = tpu.memref_slice %arg33[%dma_wait3A_1015] : memref<100096xf32, #tpu.memory_space<vmem_shared>> -> memref<100096xf32, #tpu.memory_space<vmem_shared>>
        tpu.wait_indirect_dma semaphore(%arg66 : memref<!tpu.dma_semaphore, #tpu.memory_space<semaphore_mem>>) src(%arg59 : memref<2000xf32, #tpu.memory_space<vmem>>) dst(%dma_wait3A_1016 : memref<100096xf32, #tpu.memory_space<vmem_shared>>)
      } else {
      }
      %dma_wait3A_963 = arith.constant 0 : i32
      %dma_wait3A_964 = tpu.memref_slice %arg26[%dma_wait3A_963] : memref<100096xf32, #tpu.memory_space<vmem_shared>> -> memref<100096xf32, #tpu.memory_space<vmem_shared>>
      tpu.wait_indirect_dma semaphore(%arg65 : memref<!tpu.dma_semaphore, #tpu.memory_space<semaphore_mem>>) src(%dma_wait3A_964 : memref<100096xf32, #tpu.memory_space<vmem_shared>>) dst(%arg50 : memref<2000xf32, #tpu.memory_space<vmem>>)
      %dma_wait3A_965 = arith.constant 0 : i32
      %dma_wait3A_966 = tpu.memref_slice %arg27[%dma_wait3A_965] : memref<100096xf32, #tpu.memory_space<vmem_shared>> -> memref<100096xf32, #tpu.memory_space<vmem_shared>>
      tpu.wait_indirect_dma semaphore(%arg65 : memref<!tpu.dma_semaphore, #tpu.memory_space<semaphore_mem>>) src(%dma_wait3A_966 : memref<100096xf32, #tpu.memory_space<vmem_shared>>) dst(%arg51 : memref<2000xf32, #tpu.memory_space<vmem>>)
      %dma_wait3A_967 = arith.constant 0 : i32
      %dma_wait3A_968 = tpu.memref_slice %arg26[%dma_wait3A_967] : memref<100096xf32, #tpu.memory_space<vmem_shared>> -> memref<100096xf32, #tpu.memory_space<vmem_shared>>
      tpu.wait_indirect_dma semaphore(%arg65 : memref<!tpu.dma_semaphore, #tpu.memory_space<semaphore_mem>>) src(%dma_wait3A_968 : memref<100096xf32, #tpu.memory_space<vmem_shared>>) dst(%arg52 : memref<2000xf32, #tpu.memory_space<vmem>>)
      %dma_wait3A_969 = arith.constant 0 : i32
      %dma_wait3A_970 = tpu.memref_slice %arg27[%dma_wait3A_969] : memref<100096xf32, #tpu.memory_space<vmem_shared>> -> memref<100096xf32, #tpu.memory_space<vmem_shared>>
      tpu.wait_indirect_dma semaphore(%arg65 : memref<!tpu.dma_semaphore, #tpu.memory_space<semaphore_mem>>) src(%dma_wait3A_970 : memref<100096xf32, #tpu.memory_space<vmem_shared>>) dst(%arg53 : memref<2000xf32, #tpu.memory_space<vmem>>)
      %scan3A_971 = arith.constant 0 : i32
      %scan3A_972 = arith.constant 0 : i32
      %scan3A_973 = arith.constant 125 : i32
      %scan3A_974 = arith.addi %scan3A_972, %scan3A_973 : i32
      %scan3A_975 = arith.constant 1 : i32
      %scan3A_976 = scf.for %scan3A_1005 = %scan3A_972 to %scan3A_974 step %scan3A_975 iter_args(%scan3A_1006 = %scan3A_971) -> (i32)  : i32 {
        %mul3A_1007 = arith.constant 16 : i32
        %mul3A_1008 = arith.muli %scan3A_1005, %mul3A_1007 : i32
        %get3A_1009 = arith.index_cast %mul3A_1008 : i32 to index
        %get3A_1010 = tpu.vector_load %arg48[%get3A_1009] {strides = array<i32>} : memref<2000xi32, #tpu.memory_space<vmem>>, vector<16xi32>,
        %get3A_1011 = vector.shape_cast %get3A_1010 : vector<16xi32> to vector<16xi32>
        %swap3A = arith.index_cast %mul3A_1008 : i32 to index
        %swap3A_1012 = tpu.vector_load %arg49[%swap3A] {strides = array<i32>} : memref<2000xi32, #tpu.memory_space<vmem>>, vector<16xi32>,
        %swap3A_1013 = vector.shape_cast %swap3A_1012 : vector<16xi32> to vector<16xi32>
        %swap3A_1014 = vector.shape_cast %get3A_1011 : vector<16xi32> to vector<16xi32>
        tpu.vector_store %arg49[%swap3A], %swap3A_1014 {strides = array<i32>} : memref<2000xi32, #tpu.memory_space<vmem>>, vector<16xi32>,
        %scan3A_1015 = arith.constant 0 : i32
        scf.yield %scan3A_1015 : i32
      }
      %scan3A_977 = arith.constant 125 : i32
      %add3A_978 = arith.constant 2 : i32
      %add3A_979 = arith.addi %add3A_950, %add3A_978 : i32
      %lt3A_980 = arith.constant 50 : i32
      %lt3A_981 = arith.cmpi slt, %add3A_979, %lt3A_980 : i32
      %convert_element_type3A_982 = arith.extui %lt3A_981 : i1 to i32
      %cond3A_983 = arith.constant 0 : i32
      %cond3A_984 = arith.cmpi ne, %convert_element_type3A_982, %cond3A_983 : i32
      scf.if %cond3A_984 {
        %add3A_1005 = arith.constant 2 : i32
        %add3A_1006 = arith.addi %add3A_950, %add3A_1005 : i32
        %mul3A_1007 = arith.constant 50 : i32
        %mul3A_1008 = arith.muli %add3A_816, %mul3A_1007 : i32
        %add3A_1009 = arith.addi %mul3A_1008, %add3A_1006 : i32
        %mul3A_1010 = arith.constant 2000 : i32
        %mul3A_1011 = arith.muli %add3A_1009, %mul3A_1010 : i32
        %dma_start3A_1012 = tpu.memref_slice %arg2[%mul3A_1011] : memref<3200000xi32, #tpu.memory_space<hbm>> -> memref<2000xi32, #tpu.memory_space<hbm>>
        %dma_start3A_1013 = tpu.memref_slice %arg2[%mul3A_1011] : memref<3200000xi32, #tpu.memory_space<hbm>> -> memref<2000xi32, #tpu.memory_space<hbm>>
        tpu.enqueue_dma source(%dma_start3A_1013 : memref<2000xi32, #tpu.memory_space<hbm>>) target(%arg47 : memref<2000xi32, #tpu.memory_space<vmem>>) target_semaphore(%arg64 : memref<!tpu.dma_semaphore, #tpu.memory_space<semaphore_mem>>)
        %dma_start3A_1014 = tpu.memref_slice %arg3[%mul3A_1011] : memref<3200000xi32, #tpu.memory_space<hbm>> -> memref<2000xi32, #tpu.memory_space<hbm>>
        %dma_start3A_1015 = tpu.memref_slice %arg3[%mul3A_1011] : memref<3200000xi32, #tpu.memory_space<hbm>> -> memref<2000xi32, #tpu.memory_space<hbm>>
        tpu.enqueue_dma source(%dma_start3A_1015 : memref<2000xi32, #tpu.memory_space<hbm>>) target(%arg48 : memref<2000xi32, #tpu.memory_space<vmem>>) target_semaphore(%arg64 : memref<!tpu.dma_semaphore, #tpu.memory_space<semaphore_mem>>)
      } else {
      }
      %scan3A_985 = arith.constant 0 : i32
      %scan3A_986 = arith.constant 0 : i32
      %scan3A_987 = arith.constant 125 : i32
      %scan3A_988 = arith.addi %scan3A_986, %scan3A_987 : i32
      %scan3A_989 = arith.constant 1 : i32
      %scan3A_990 = scf.for %scan3A_1005 = %scan3A_986 to %scan3A_988 step %scan3A_989 iter_args(%scan3A_1006 = %scan3A_985) -> (i32)  : i32 {
        %mul3A_1007 = arith.constant 16 : i32
        %mul3A_1008 = arith.muli %scan3A_1005, %mul3A_1007 : i32
        %get3A_1009 = arith.index_cast %mul3A_1008 : i32 to index
        %get3A_1010 = tpu.vector_load %arg50[%get3A_1009] {strides = array<i32>} : memref<2000xf32, #tpu.memory_space<vmem>>, vector<16xf32>,
        %get3A_1011 = vector.shape_cast %get3A_1010 : vector<16xf32> to vector<16xf32>
        %get3A_1012 = arith.index_cast %mul3A_1008 : i32 to index
        %get3A_1013 = tpu.vector_load %arg51[%get3A_1012] {strides = array<i32>} : memref<2000xf32, #tpu.memory_space<vmem>>, vector<16xf32>,
        %get3A_1014 = vector.shape_cast %get3A_1013 : vector<16xf32> to vector<16xf32>
        %get3A_1015 = arith.index_cast %mul3A_1008 : i32 to index
        %get3A_1016 = tpu.vector_load %arg52[%get3A_1015] {strides = array<i32>} : memref<2000xf32, #tpu.memory_space<vmem>>, vector<16xf32>,
        %get3A_1017 = vector.shape_cast %get3A_1016 : vector<16xf32> to vector<16xf32>
        %get3A_1018 = arith.index_cast %mul3A_1008 : i32 to index
        %get3A_1019 = tpu.vector_load %arg53[%get3A_1018] {strides = array<i32>} : memref<2000xf32, #tpu.memory_space<vmem>>, vector<16xf32>,
        %get3A_1020 = vector.shape_cast %get3A_1019 : vector<16xf32> to vector<16xf32>
        %mul3A_1021 = arith.mulf %get3A_1011, %add3A_449 : vector<16xf32>
        %mul3A_1022 = arith.mulf %get3A_1014, %add3A_501 : vector<16xf32>
        %add3A_1023 = arith.addf %mul3A_1021, %mul3A_1022 : vector<16xf32>
        %mul3A_1024 = arith.mulf %get3A_1017, %add3A_553 : vector<16xf32>
        %mul3A_1025 = arith.mulf %get3A_1020, %add3A_605 : vector<16xf32>
        %add3A_1026 = arith.addf %mul3A_1024, %mul3A_1025 : vector<16xf32>
        %add3A_1027 = arith.addf %add3A_1023, %add3A_1026 : vector<16xf32>
        %gt3A = arith.constant 0.000000e+00 : f32
        %gt3A_1028 = vector.broadcast %gt3A : f32 to vector<16xf32>
        %gt3A_1029 = arith.cmpf ogt, %add3A_1027, %gt3A_1028 : vector<16xf32>
        %mul3A_1030 = arith.constant 0.00999999977 : f32
        %mul3A_1031 = vector.broadcast %mul3A_1030 : f32 to vector<16xf32>
        %mul3A_1032 = arith.mulf %add3A_1027, %mul3A_1031 : vector<16xf32>
        %select_n3A = arith.select %gt3A_1029, %add3A_1027, %mul3A_1032 : vector<16xi1>, vector<16xf32>
        %exp3A = math.exp %select_n3A : vector<16xf32>
        %swap3A = arith.index_cast %mul3A_1008 : i32 to index
        %swap3A_1033 = tpu.vector_load %arg54[%swap3A] {strides = array<i32>} : memref<2000xf32, #tpu.memory_space<vmem>>, vector<16xf32>,
        %swap3A_1034 = vector.shape_cast %swap3A_1033 : vector<16xf32> to vector<16xf32>
        %swap3A_1035 = vector.shape_cast %exp3A : vector<16xf32> to vector<16xf32>
        tpu.vector_store %arg54[%swap3A], %swap3A_1035 {strides = array<i32>} : memref<2000xf32, #tpu.memory_space<vmem>>, vector<16xf32>,
        %mul3A_1036 = arith.mulf %exp3A, %get3A_1011 : vector<16xf32>
        %swap3A_1037 = arith.index_cast %mul3A_1008 : i32 to index
        %swap3A_1038 = tpu.vector_load %arg55[%swap3A_1037] {strides = array<i32>} : memref<2000xf32, #tpu.memory_space<vmem>>, vector<16xf32>,
        %swap3A_1039 = vector.shape_cast %swap3A_1038 : vector<16xf32> to vector<16xf32>
        %swap3A_1040 = vector.shape_cast %mul3A_1036 : vector<16xf32> to vector<16xf32>
        tpu.vector_store %arg55[%swap3A_1037], %swap3A_1040 {strides = array<i32>} : memref<2000xf32, #tpu.memory_space<vmem>>, vector<16xf32>,
        %mul3A_1041 = arith.mulf %exp3A, %get3A_1014 : vector<16xf32>
        %swap3A_1042 = arith.index_cast %mul3A_1008 : i32 to index
        %swap3A_1043 = tpu.vector_load %arg56[%swap3A_1042] {strides = array<i32>} : memref<2000xf32, #tpu.memory_space<vmem>>, vector<16xf32>,
        %swap3A_1044 = vector.shape_cast %swap3A_1043 : vector<16xf32> to vector<16xf32>
        %swap3A_1045 = vector.shape_cast %mul3A_1041 : vector<16xf32> to vector<16xf32>
        tpu.vector_store %arg56[%swap3A_1042], %swap3A_1045 {strides = array<i32>} : memref<2000xf32, #tpu.memory_space<vmem>>, vector<16xf32>,
        %mul3A_1046 = arith.mulf %get3A_1011, %add3A_657 : vector<16xf32>
        %mul3A_1047 = arith.mulf %get3A_1014, %add3A_709 : vector<16xf32>
        %add3A_1048 = arith.addf %mul3A_1046, %mul3A_1047 : vector<16xf32>
        %mul3A_1049 = arith.mulf %get3A_1017, %add3A_761 : vector<16xf32>
        %mul3A_1050 = arith.mulf %get3A_1020, %add3A_813 : vector<16xf32>
        %add3A_1051 = arith.addf %mul3A_1049, %mul3A_1050 : vector<16xf32>
        %add3A_1052 = arith.addf %add3A_1048, %add3A_1051 : vector<16xf32>
        %gt3A_1053 = arith.constant 0.000000e+00 : f32
        %gt3A_1054 = vector.broadcast %gt3A_1053 : f32 to vector<16xf32>
        %gt3A_1055 = arith.cmpf ogt, %add3A_1052, %gt3A_1054 : vector<16xf32>
        %mul3A_1056 = arith.constant 0.00999999977 : f32
        %mul3A_1057 = vector.broadcast %mul3A_1056 : f32 to vector<16xf32>
        %mul3A_1058 = arith.mulf %add3A_1052, %mul3A_1057 : vector<16xf32>
        %select_n3A_1059 = arith.select %gt3A_1055, %add3A_1052, %mul3A_1058 : vector<16xi1>, vector<16xf32>
        %exp3A_1060 = math.exp %select_n3A_1059 : vector<16xf32>
        %swap3A_1061 = arith.index_cast %mul3A_1008 : i32 to index
        %swap3A_1062 = tpu.vector_load %arg57[%swap3A_1061] {strides = array<i32>} : memref<2000xf32, #tpu.memory_space<vmem>>, vector<16xf32>,
        %swap3A_1063 = vector.shape_cast %swap3A_1062 : vector<16xf32> to vector<16xf32>
        %swap3A_1064 = vector.shape_cast %exp3A_1060 : vector<16xf32> to vector<16xf32>
        tpu.vector_store %arg57[%swap3A_1061], %swap3A_1064 {strides = array<i32>} : memref<2000xf32, #tpu.memory_space<vmem>>, vector<16xf32>,
        %mul3A_1065 = arith.mulf %exp3A_1060, %get3A_1011 : vector<16xf32>
        %swap3A_1066 = arith.index_cast %mul3A_1008 : i32 to index
        %swap3A_1067 = tpu.vector_load %arg58[%swap3A_1066] {strides = array<i32>} : memref<2000xf32, #tpu.memory_space<vmem>>, vector<16xf32>,
        %swap3A_1068 = vector.shape_cast %swap3A_1067 : vector<16xf32> to vector<16xf32>
        %swap3A_1069 = vector.shape_cast %mul3A_1065 : vector<16xf32> to vector<16xf32>
        tpu.vector_store %arg58[%swap3A_1066], %swap3A_1069 {strides = array<i32>} : memref<2000xf32, #tpu.memory_space<vmem>>, vector<16xf32>,
        %mul3A_1070 = arith.mulf %exp3A_1060, %get3A_1014 : vector<16xf32>
        %swap3A_1071 = arith.index_cast %mul3A_1008 : i32 to index
        %swap3A_1072 = tpu.vector_load %arg59[%swap3A_1071] {strides = array<i32>} : memref<2000xf32, #tpu.memory_space<vmem>>, vector<16xf32>,
        %swap3A_1073 = vector.shape_cast %swap3A_1072 : vector<16xf32> to vector<16xf32>
        %swap3A_1074 = vector.shape_cast %mul3A_1070 : vector<16xf32> to vector<16xf32>
        tpu.vector_store %arg59[%swap3A_1071], %swap3A_1074 {strides = array<i32>} : memref<2000xf32, #tpu.memory_space<vmem>>, vector<16xf32>,
        %scan3A_1075 = arith.constant 0 : i32
        scf.yield %scan3A_1075 : i32
      }
      %scan3A_991 = arith.constant 125 : i32
      %dma_start3A_992 = arith.constant 0 : i32
      %dma_start3A_993 = tpu.memref_slice %arg28[%dma_start3A_992] : memref<100096xf32, #tpu.memory_space<vmem_shared>> -> memref<100096xf32, #tpu.memory_space<vmem_shared>>
      tpu.enqueue_indirect_dma source(%arg54 : memref<2000xf32, #tpu.memory_space<vmem>>) target(%dma_start3A_993 : memref<100096xf32, #tpu.memory_space<vmem_shared>>) offsets(%arg49 : memref<2000xi32, #tpu.memory_space<vmem>>) semaphore(%arg66 : memref<!tpu.dma_semaphore, #tpu.memory_space<semaphore_mem>>) {add = true}
      %dma_start3A_994 = arith.constant 0 : i32
      %dma_start3A_995 = tpu.memref_slice %arg29[%dma_start3A_994] : memref<100096xf32, #tpu.memory_space<vmem_shared>> -> memref<100096xf32, #tpu.memory_space<vmem_shared>>
      tpu.enqueue_indirect_dma source(%arg55 : memref<2000xf32, #tpu.memory_space<vmem>>) target(%dma_start3A_995 : memref<100096xf32, #tpu.memory_space<vmem_shared>>) offsets(%arg49 : memref<2000xi32, #tpu.memory_space<vmem>>) semaphore(%arg66 : memref<!tpu.dma_semaphore, #tpu.memory_space<semaphore_mem>>) {add = true}
      %dma_start3A_996 = arith.constant 0 : i32
      %dma_start3A_997 = tpu.memref_slice %arg30[%dma_start3A_996] : memref<100096xf32, #tpu.memory_space<vmem_shared>> -> memref<100096xf32, #tpu.memory_space<vmem_shared>>
      tpu.enqueue_indirect_dma source(%arg56 : memref<2000xf32, #tpu.memory_space<vmem>>) target(%dma_start3A_997 : memref<100096xf32, #tpu.memory_space<vmem_shared>>) offsets(%arg49 : memref<2000xi32, #tpu.memory_space<vmem>>) semaphore(%arg66 : memref<!tpu.dma_semaphore, #tpu.memory_space<semaphore_mem>>) {add = true}
      %dma_start3A_998 = arith.constant 0 : i32
      %dma_start3A_999 = tpu.memref_slice %arg31[%dma_start3A_998] : memref<100096xf32, #tpu.memory_space<vmem_shared>> -> memref<100096xf32, #tpu.memory_space<vmem_shared>>
      tpu.enqueue_indirect_dma source(%arg57 : memref<2000xf32, #tpu.memory_space<vmem>>) target(%dma_start3A_999 : memref<100096xf32, #tpu.memory_space<vmem_shared>>) offsets(%arg49 : memref<2000xi32, #tpu.memory_space<vmem>>) semaphore(%arg66 : memref<!tpu.dma_semaphore, #tpu.memory_space<semaphore_mem>>) {add = true}
      %dma_start3A_1000 = arith.constant 0 : i32
      %dma_start3A_1001 = tpu.memref_slice %arg32[%dma_start3A_1000] : memref<100096xf32, #tpu.memory_space<vmem_shared>> -> memref<100096xf32, #tpu.memory_space<vmem_shared>>
      tpu.enqueue_indirect_dma source(%arg58 : memref<2000xf32, #tpu.memory_space<vmem>>) target(%dma_start3A_1001 : memref<100096xf32, #tpu.memory_space<vmem_shared>>) offsets(%arg49 : memref<2000xi32, #tpu.memory_space<vmem>>) semaphore(%arg66 : memref<!tpu.dma_semaphore, #tpu.memory_space<semaphore_mem>>) {add = true}
      %dma_start3A_1002 = arith.constant 0 : i32
      %dma_start3A_1003 = tpu.memref_slice %arg33[%dma_start3A_1002] : memref<100096xf32, #tpu.memory_space<vmem_shared>> -> memref<100096xf32, #tpu.memory_space<vmem_shared>>
      tpu.enqueue_indirect_dma source(%arg59 : memref<2000xf32, #tpu.memory_space<vmem>>) target(%dma_start3A_1003 : memref<100096xf32, #tpu.memory_space<vmem_shared>>) offsets(%arg49 : memref<2000xi32, #tpu.memory_space<vmem>>) semaphore(%arg66 : memref<!tpu.dma_semaphore, #tpu.memory_space<semaphore_mem>>) {add = true}
      %scan3A_1004 = arith.constant 0 : i32
      scf.yield %scan3A_1004 : i32
    }
    %scan3A_859 = arith.constant 25 : i32
    %dma_wait3A_860 = arith.constant 0 : i32
    %dma_wait3A_861 = tpu.memref_slice %arg28[%dma_wait3A_860] : memref<100096xf32, #tpu.memory_space<vmem_shared>> -> memref<100096xf32, #tpu.memory_space<vmem_shared>>
    tpu.wait_indirect_dma semaphore(%arg63 : memref<!tpu.dma_semaphore, #tpu.memory_space<semaphore_mem>>) src(%arg41 : memref<2000xf32, #tpu.memory_space<vmem>>) dst(%dma_wait3A_861 : memref<100096xf32, #tpu.memory_space<vmem_shared>>)
    %dma_wait3A_862 = arith.constant 0 : i32
    %dma_wait3A_863 = tpu.memref_slice %arg29[%dma_wait3A_862] : memref<100096xf32, #tpu.memory_space<vmem_shared>> -> memref<100096xf32, #tpu.memory_space<vmem_shared>>
    tpu.wait_indirect_dma semaphore(%arg63 : memref<!tpu.dma_semaphore, #tpu.memory_space<semaphore_mem>>) src(%arg42 : memref<2000xf32, #tpu.memory_space<vmem>>) dst(%dma_wait3A_863 : memref<100096xf32, #tpu.memory_space<vmem_shared>>)
    %dma_wait3A_864 = arith.constant 0 : i32
    %dma_wait3A_865 = tpu.memref_slice %arg30[%dma_wait3A_864] : memref<100096xf32, #tpu.memory_space<vmem_shared>> -> memref<100096xf32, #tpu.memory_space<vmem_shared>>
    tpu.wait_indirect_dma semaphore(%arg63 : memref<!tpu.dma_semaphore, #tpu.memory_space<semaphore_mem>>) src(%arg43 : memref<2000xf32, #tpu.memory_space<vmem>>) dst(%dma_wait3A_865 : memref<100096xf32, #tpu.memory_space<vmem_shared>>)
    %dma_wait3A_866 = arith.constant 0 : i32
    %dma_wait3A_867 = tpu.memref_slice %arg31[%dma_wait3A_866] : memref<100096xf32, #tpu.memory_space<vmem_shared>> -> memref<100096xf32, #tpu.memory_space<vmem_shared>>
    tpu.wait_indirect_dma semaphore(%arg63 : memref<!tpu.dma_semaphore, #tpu.memory_space<semaphore_mem>>) src(%arg44 : memref<2000xf32, #tpu.memory_space<vmem>>) dst(%dma_wait3A_867 : memref<100096xf32, #tpu.memory_space<vmem_shared>>)
    %dma_wait3A_868 = arith.constant 0 : i32
    %dma_wait3A_869 = tpu.memref_slice %arg32[%dma_wait3A_868] : memref<100096xf32, #tpu.memory_space<vmem_shared>> -> memref<100096xf32, #tpu.memory_space<vmem_shared>>
    tpu.wait_indirect_dma semaphore(%arg63 : memref<!tpu.dma_semaphore, #tpu.memory_space<semaphore_mem>>) src(%arg45 : memref<2000xf32, #tpu.memory_space<vmem>>) dst(%dma_wait3A_869 : memref<100096xf32, #tpu.memory_space<vmem_shared>>)
    %dma_wait3A_870 = arith.constant 0 : i32
    %dma_wait3A_871 = tpu.memref_slice %arg33[%dma_wait3A_870] : memref<100096xf32, #tpu.memory_space<vmem_shared>> -> memref<100096xf32, #tpu.memory_space<vmem_shared>>
    tpu.wait_indirect_dma semaphore(%arg63 : memref<!tpu.dma_semaphore, #tpu.memory_space<semaphore_mem>>) src(%arg46 : memref<2000xf32, #tpu.memory_space<vmem>>) dst(%dma_wait3A_871 : memref<100096xf32, #tpu.memory_space<vmem_shared>>)
    %dma_wait3A_872 = arith.constant 0 : i32
    %dma_wait3A_873 = tpu.memref_slice %arg28[%dma_wait3A_872] : memref<100096xf32, #tpu.memory_space<vmem_shared>> -> memref<100096xf32, #tpu.memory_space<vmem_shared>>
    tpu.wait_indirect_dma semaphore(%arg66 : memref<!tpu.dma_semaphore, #tpu.memory_space<semaphore_mem>>) src(%arg54 : memref<2000xf32, #tpu.memory_space<vmem>>) dst(%dma_wait3A_873 : memref<100096xf32, #tpu.memory_space<vmem_shared>>)
    %dma_wait3A_874 = arith.constant 0 : i32
    %dma_wait3A_875 = tpu.memref_slice %arg29[%dma_wait3A_874] : memref<100096xf32, #tpu.memory_space<vmem_shared>> -> memref<100096xf32, #tpu.memory_space<vmem_shared>>
    tpu.wait_indirect_dma semaphore(%arg66 : memref<!tpu.dma_semaphore, #tpu.memory_space<semaphore_mem>>) src(%arg55 : memref<2000xf32, #tpu.memory_space<vmem>>) dst(%dma_wait3A_875 : memref<100096xf32, #tpu.memory_space<vmem_shared>>)
    %dma_wait3A_876 = arith.constant 0 : i32
    %dma_wait3A_877 = tpu.memref_slice %arg30[%dma_wait3A_876] : memref<100096xf32, #tpu.memory_space<vmem_shared>> -> memref<100096xf32, #tpu.memory_space<vmem_shared>>
    tpu.wait_indirect_dma semaphore(%arg66 : memref<!tpu.dma_semaphore, #tpu.memory_space<semaphore_mem>>) src(%arg56 : memref<2000xf32, #tpu.memory_space<vmem>>) dst(%dma_wait3A_877 : memref<100096xf32, #tpu.memory_space<vmem_shared>>)
    %dma_wait3A_878 = arith.constant 0 : i32
    %dma_wait3A_879 = tpu.memref_slice %arg31[%dma_wait3A_878] : memref<100096xf32, #tpu.memory_space<vmem_shared>> -> memref<100096xf32, #tpu.memory_space<vmem_shared>>
    tpu.wait_indirect_dma semaphore(%arg66 : memref<!tpu.dma_semaphore, #tpu.memory_space<semaphore_mem>>) src(%arg57 : memref<2000xf32, #tpu.memory_space<vmem>>) dst(%dma_wait3A_879 : memref<100096xf32, #tpu.memory_space<vmem_shared>>)
    %dma_wait3A_880 = arith.constant 0 : i32
    %dma_wait3A_881 = tpu.memref_slice %arg32[%dma_wait3A_880] : memref<100096xf32, #tpu.memory_space<vmem_shared>> -> memref<100096xf32, #tpu.memory_space<vmem_shared>>
    tpu.wait_indirect_dma semaphore(%arg66 : memref<!tpu.dma_semaphore, #tpu.memory_space<semaphore_mem>>) src(%arg58 : memref<2000xf32, #tpu.memory_space<vmem>>) dst(%dma_wait3A_881 : memref<100096xf32, #tpu.memory_space<vmem_shared>>)
    %dma_wait3A_882 = arith.constant 0 : i32
    %dma_wait3A_883 = tpu.memref_slice %arg33[%dma_wait3A_882] : memref<100096xf32, #tpu.memory_space<vmem_shared>> -> memref<100096xf32, #tpu.memory_space<vmem_shared>>
    tpu.wait_indirect_dma semaphore(%arg66 : memref<!tpu.dma_semaphore, #tpu.memory_space<semaphore_mem>>) src(%arg59 : memref<2000xf32, #tpu.memory_space<vmem>>) dst(%dma_wait3A_883 : memref<100096xf32, #tpu.memory_space<vmem_shared>>)
    %barrier3A_884 = arith.constant 0 : index
    tpu.barrier barrier_id(%barrier3A_884)
    %eq3A = arith.constant 0 : i32
    %eq3A_885 = arith.cmpi eq, %arg0, %eq3A : i32
    %convert_element_type3A = arith.extui %eq3A_885 : i1 to i32
    %cond3A = arith.constant 0 : i32
    %cond3A_886 = arith.cmpi ne, %convert_element_type3A, %cond3A : i32
    scf.if %cond3A_886 {
      %dma_start3A_892 = tpu.memref_slice %arg14[%mul3A_13] : memref<100096xf32, #tpu.memory_space<hbm>> -> memref<6256xf32, #tpu.memory_space<hbm>>
      %dma_start3A_893 = tpu.memref_slice %arg28[%mul3A_13] : memref<100096xf32, #tpu.memory_space<vmem_shared>> -> memref<6256xf32, #tpu.memory_space<vmem_shared>>
      tpu.enqueue_dma source(%dma_start3A_893 : memref<6256xf32, #tpu.memory_space<vmem_shared>>) target(%dma_start3A_892 : memref<6256xf32, #tpu.memory_space<hbm>>) target_semaphore(%arg62 : memref<!tpu.dma_semaphore, #tpu.memory_space<semaphore_mem>>)
      %dma_start3A_894 = tpu.memref_slice %arg15[%mul3A_13] : memref<100096xf32, #tpu.memory_space<hbm>> -> memref<6256xf32, #tpu.memory_space<hbm>>
      %dma_start3A_895 = tpu.memref_slice %arg29[%mul3A_13] : memref<100096xf32, #tpu.memory_space<vmem_shared>> -> memref<6256xf32, #tpu.memory_space<vmem_shared>>
      tpu.enqueue_dma source(%dma_start3A_895 : memref<6256xf32, #tpu.memory_space<vmem_shared>>) target(%dma_start3A_894 : memref<6256xf32, #tpu.memory_space<hbm>>) target_semaphore(%arg62 : memref<!tpu.dma_semaphore, #tpu.memory_space<semaphore_mem>>)
      %dma_start3A_896 = tpu.memref_slice %arg16[%mul3A_13] : memref<100096xf32, #tpu.memory_space<hbm>> -> memref<6256xf32, #tpu.memory_space<hbm>>
      %dma_start3A_897 = tpu.memref_slice %arg30[%mul3A_13] : memref<100096xf32, #tpu.memory_space<vmem_shared>> -> memref<6256xf32, #tpu.memory_space<vmem_shared>>
      tpu.enqueue_dma source(%dma_start3A_897 : memref<6256xf32, #tpu.memory_space<vmem_shared>>) target(%dma_start3A_896 : memref<6256xf32, #tpu.memory_space<hbm>>) target_semaphore(%arg62 : memref<!tpu.dma_semaphore, #tpu.memory_space<semaphore_mem>>)
      %dma_start3A_898 = tpu.memref_slice %arg17[%mul3A_13] : memref<100096xf32, #tpu.memory_space<hbm>> -> memref<6256xf32, #tpu.memory_space<hbm>>
      %dma_start3A_899 = tpu.memref_slice %arg31[%mul3A_13] : memref<100096xf32, #tpu.memory_space<vmem_shared>> -> memref<6256xf32, #tpu.memory_space<vmem_shared>>
      tpu.enqueue_dma source(%dma_start3A_899 : memref<6256xf32, #tpu.memory_space<vmem_shared>>) target(%dma_start3A_898 : memref<6256xf32, #tpu.memory_space<hbm>>) target_semaphore(%arg62 : memref<!tpu.dma_semaphore, #tpu.memory_space<semaphore_mem>>)
      %dma_start3A_900 = tpu.memref_slice %arg18[%mul3A_13] : memref<100096xf32, #tpu.memory_space<hbm>> -> memref<6256xf32, #tpu.memory_space<hbm>>
      %dma_start3A_901 = tpu.memref_slice %arg32[%mul3A_13] : memref<100096xf32, #tpu.memory_space<vmem_shared>> -> memref<6256xf32, #tpu.memory_space<vmem_shared>>
      tpu.enqueue_dma source(%dma_start3A_901 : memref<6256xf32, #tpu.memory_space<vmem_shared>>) target(%dma_start3A_900 : memref<6256xf32, #tpu.memory_space<hbm>>) target_semaphore(%arg62 : memref<!tpu.dma_semaphore, #tpu.memory_space<semaphore_mem>>)
      %dma_start3A_902 = tpu.memref_slice %arg19[%mul3A_13] : memref<100096xf32, #tpu.memory_space<hbm>> -> memref<6256xf32, #tpu.memory_space<hbm>>
      %dma_start3A_903 = tpu.memref_slice %arg33[%mul3A_13] : memref<100096xf32, #tpu.memory_space<vmem_shared>> -> memref<6256xf32, #tpu.memory_space<vmem_shared>>
      tpu.enqueue_dma source(%dma_start3A_903 : memref<6256xf32, #tpu.memory_space<vmem_shared>>) target(%dma_start3A_902 : memref<6256xf32, #tpu.memory_space<hbm>>) target_semaphore(%arg62 : memref<!tpu.dma_semaphore, #tpu.memory_space<semaphore_mem>>)
      %dma_wait3A_904 = tpu.memref_slice %arg14[%mul3A_13] : memref<100096xf32, #tpu.memory_space<hbm>> -> memref<6256xf32, #tpu.memory_space<hbm>>
      %dma_wait3A_905 = tpu.memref_slice %arg28[%mul3A_13] : memref<100096xf32, #tpu.memory_space<vmem_shared>> -> memref<6256xf32, #tpu.memory_space<vmem_shared>>
      tpu.wait_dma2 semaphore(%arg62 : memref<!tpu.dma_semaphore, #tpu.memory_space<semaphore_mem>>) src(%dma_wait3A_905 : memref<6256xf32, #tpu.memory_space<vmem_shared>>) dst(%dma_wait3A_904 : memref<6256xf32, #tpu.memory_space<hbm>>)
      %dma_wait3A_906 = tpu.memref_slice %arg15[%mul3A_13] : memref<100096xf32, #tpu.memory_space<hbm>> -> memref<6256xf32, #tpu.memory_space<hbm>>
      %dma_wait3A_907 = tpu.memref_slice %arg29[%mul3A_13] : memref<100096xf32, #tpu.memory_space<vmem_shared>> -> memref<6256xf32, #tpu.memory_space<vmem_shared>>
      tpu.wait_dma2 semaphore(%arg62 : memref<!tpu.dma_semaphore, #tpu.memory_space<semaphore_mem>>) src(%dma_wait3A_907 : memref<6256xf32, #tpu.memory_space<vmem_shared>>) dst(%dma_wait3A_906 : memref<6256xf32, #tpu.memory_space<hbm>>)
      %dma_wait3A_908 = tpu.memref_slice %arg16[%mul3A_13] : memref<100096xf32, #tpu.memory_space<hbm>> -> memref<6256xf32, #tpu.memory_space<hbm>>
      %dma_wait3A_909 = tpu.memref_slice %arg30[%mul3A_13] : memref<100096xf32, #tpu.memory_space<vmem_shared>> -> memref<6256xf32, #tpu.memory_space<vmem_shared>>
      tpu.wait_dma2 semaphore(%arg62 : memref<!tpu.dma_semaphore, #tpu.memory_space<semaphore_mem>>) src(%dma_wait3A_909 : memref<6256xf32, #tpu.memory_space<vmem_shared>>) dst(%dma_wait3A_908 : memref<6256xf32, #tpu.memory_space<hbm>>)
      %dma_wait3A_910 = tpu.memref_slice %arg17[%mul3A_13] : memref<100096xf32, #tpu.memory_space<hbm>> -> memref<6256xf32, #tpu.memory_space<hbm>>
      %dma_wait3A_911 = tpu.memref_slice %arg31[%mul3A_13] : memref<100096xf32, #tpu.memory_space<vmem_shared>> -> memref<6256xf32, #tpu.memory_space<vmem_shared>>
      tpu.wait_dma2 semaphore(%arg62 : memref<!tpu.dma_semaphore, #tpu.memory_space<semaphore_mem>>) src(%dma_wait3A_911 : memref<6256xf32, #tpu.memory_space<vmem_shared>>) dst(%dma_wait3A_910 : memref<6256xf32, #tpu.memory_space<hbm>>)
      %dma_wait3A_912 = tpu.memref_slice %arg18[%mul3A_13] : memref<100096xf32, #tpu.memory_space<hbm>> -> memref<6256xf32, #tpu.memory_space<hbm>>
      %dma_wait3A_913 = tpu.memref_slice %arg32[%mul3A_13] : memref<100096xf32, #tpu.memory_space<vmem_shared>> -> memref<6256xf32, #tpu.memory_space<vmem_shared>>
      tpu.wait_dma2 semaphore(%arg62 : memref<!tpu.dma_semaphore, #tpu.memory_space<semaphore_mem>>) src(%dma_wait3A_913 : memref<6256xf32, #tpu.memory_space<vmem_shared>>) dst(%dma_wait3A_912 : memref<6256xf32, #tpu.memory_space<hbm>>)
      %dma_wait3A_914 = tpu.memref_slice %arg19[%mul3A_13] : memref<100096xf32, #tpu.memory_space<hbm>> -> memref<6256xf32, #tpu.memory_space<hbm>>
      %dma_wait3A_915 = tpu.memref_slice %arg33[%mul3A_13] : memref<100096xf32, #tpu.memory_space<vmem_shared>> -> memref<6256xf32, #tpu.memory_space<vmem_shared>>
      tpu.wait_dma2 semaphore(%arg62 : memref<!tpu.dma_semaphore, #tpu.memory_space<semaphore_mem>>) src(%dma_wait3A_915 : memref<6256xf32, #tpu.memory_space<vmem_shared>>) dst(%dma_wait3A_914 : memref<6256xf32, #tpu.memory_space<hbm>>)
    } else {
    }
    %eq3A_887 = arith.constant 1 : i32
    %eq3A_888 = arith.cmpi eq, %arg0, %eq3A_887 : i32
    %convert_element_type3A_889 = arith.extui %eq3A_888 : i1 to i32
    %cond3A_890 = arith.constant 0 : i32
    %cond3A_891 = arith.cmpi ne, %convert_element_type3A_889, %cond3A_890 : i32
    scf.if %cond3A_891 {
      %dma_start3A_892 = tpu.memref_slice %arg20[%mul3A_13] : memref<100096xf32, #tpu.memory_space<hbm>> -> memref<6256xf32, #tpu.memory_space<hbm>>
      %dma_start3A_893 = tpu.memref_slice %arg28[%mul3A_13] : memref<100096xf32, #tpu.memory_space<vmem_shared>> -> memref<6256xf32, #tpu.memory_space<vmem_shared>>
      tpu.enqueue_dma source(%dma_start3A_893 : memref<6256xf32, #tpu.memory_space<vmem_shared>>) target(%dma_start3A_892 : memref<6256xf32, #tpu.memory_space<hbm>>) target_semaphore(%arg62 : memref<!tpu.dma_semaphore, #tpu.memory_space<semaphore_mem>>)
      %dma_start3A_894 = tpu.memref_slice %arg21[%mul3A_13] : memref<100096xf32, #tpu.memory_space<hbm>> -> memref<6256xf32, #tpu.memory_space<hbm>>
      %dma_start3A_895 = tpu.memref_slice %arg29[%mul3A_13] : memref<100096xf32, #tpu.memory_space<vmem_shared>> -> memref<6256xf32, #tpu.memory_space<vmem_shared>>
      tpu.enqueue_dma source(%dma_start3A_895 : memref<6256xf32, #tpu.memory_space<vmem_shared>>) target(%dma_start3A_894 : memref<6256xf32, #tpu.memory_space<hbm>>) target_semaphore(%arg62 : memref<!tpu.dma_semaphore, #tpu.memory_space<semaphore_mem>>)
      %dma_start3A_896 = tpu.memref_slice %arg22[%mul3A_13] : memref<100096xf32, #tpu.memory_space<hbm>> -> memref<6256xf32, #tpu.memory_space<hbm>>
      %dma_start3A_897 = tpu.memref_slice %arg30[%mul3A_13] : memref<100096xf32, #tpu.memory_space<vmem_shared>> -> memref<6256xf32, #tpu.memory_space<vmem_shared>>
      tpu.enqueue_dma source(%dma_start3A_897 : memref<6256xf32, #tpu.memory_space<vmem_shared>>) target(%dma_start3A_896 : memref<6256xf32, #tpu.memory_space<hbm>>) target_semaphore(%arg62 : memref<!tpu.dma_semaphore, #tpu.memory_space<semaphore_mem>>)
      %dma_start3A_898 = tpu.memref_slice %arg23[%mul3A_13] : memref<100096xf32, #tpu.memory_space<hbm>> -> memref<6256xf32, #tpu.memory_space<hbm>>
      %dma_start3A_899 = tpu.memref_slice %arg31[%mul3A_13] : memref<100096xf32, #tpu.memory_space<vmem_shared>> -> memref<6256xf32, #tpu.memory_space<vmem_shared>>
      tpu.enqueue_dma source(%dma_start3A_899 : memref<6256xf32, #tpu.memory_space<vmem_shared>>) target(%dma_start3A_898 : memref<6256xf32, #tpu.memory_space<hbm>>) target_semaphore(%arg62 : memref<!tpu.dma_semaphore, #tpu.memory_space<semaphore_mem>>)
      %dma_start3A_900 = tpu.memref_slice %arg24[%mul3A_13] : memref<100096xf32, #tpu.memory_space<hbm>> -> memref<6256xf32, #tpu.memory_space<hbm>>
      %dma_start3A_901 = tpu.memref_slice %arg32[%mul3A_13] : memref<100096xf32, #tpu.memory_space<vmem_shared>> -> memref<6256xf32, #tpu.memory_space<vmem_shared>>
      tpu.enqueue_dma source(%dma_start3A_901 : memref<6256xf32, #tpu.memory_space<vmem_shared>>) target(%dma_start3A_900 : memref<6256xf32, #tpu.memory_space<hbm>>) target_semaphore(%arg62 : memref<!tpu.dma_semaphore, #tpu.memory_space<semaphore_mem>>)
      %dma_start3A_902 = tpu.memref_slice %arg25[%mul3A_13] : memref<100096xf32, #tpu.memory_space<hbm>> -> memref<6256xf32, #tpu.memory_space<hbm>>
      %dma_start3A_903 = tpu.memref_slice %arg33[%mul3A_13] : memref<100096xf32, #tpu.memory_space<vmem_shared>> -> memref<6256xf32, #tpu.memory_space<vmem_shared>>
      tpu.enqueue_dma source(%dma_start3A_903 : memref<6256xf32, #tpu.memory_space<vmem_shared>>) target(%dma_start3A_902 : memref<6256xf32, #tpu.memory_space<hbm>>) target_semaphore(%arg62 : memref<!tpu.dma_semaphore, #tpu.memory_space<semaphore_mem>>)
      %dma_wait3A_904 = tpu.memref_slice %arg20[%mul3A_13] : memref<100096xf32, #tpu.memory_space<hbm>> -> memref<6256xf32, #tpu.memory_space<hbm>>
      %dma_wait3A_905 = tpu.memref_slice %arg28[%mul3A_13] : memref<100096xf32, #tpu.memory_space<vmem_shared>> -> memref<6256xf32, #tpu.memory_space<vmem_shared>>
      tpu.wait_dma2 semaphore(%arg62 : memref<!tpu.dma_semaphore, #tpu.memory_space<semaphore_mem>>) src(%dma_wait3A_905 : memref<6256xf32, #tpu.memory_space<vmem_shared>>) dst(%dma_wait3A_904 : memref<6256xf32, #tpu.memory_space<hbm>>)
      %dma_wait3A_906 = tpu.memref_slice %arg21[%mul3A_13] : memref<100096xf32, #tpu.memory_space<hbm>> -> memref<6256xf32, #tpu.memory_space<hbm>>
      %dma_wait3A_907 = tpu.memref_slice %arg29[%mul3A_13] : memref<100096xf32, #tpu.memory_space<vmem_shared>> -> memref<6256xf32, #tpu.memory_space<vmem_shared>>
      tpu.wait_dma2 semaphore(%arg62 : memref<!tpu.dma_semaphore, #tpu.memory_space<semaphore_mem>>) src(%dma_wait3A_907 : memref<6256xf32, #tpu.memory_space<vmem_shared>>) dst(%dma_wait3A_906 : memref<6256xf32, #tpu.memory_space<hbm>>)
      %dma_wait3A_908 = tpu.memref_slice %arg22[%mul3A_13] : memref<100096xf32, #tpu.memory_space<hbm>> -> memref<6256xf32, #tpu.memory_space<hbm>>
      %dma_wait3A_909 = tpu.memref_slice %arg30[%mul3A_13] : memref<100096xf32, #tpu.memory_space<vmem_shared>> -> memref<6256xf32, #tpu.memory_space<vmem_shared>>
      tpu.wait_dma2 semaphore(%arg62 : memref<!tpu.dma_semaphore, #tpu.memory_space<semaphore_mem>>) src(%dma_wait3A_909 : memref<6256xf32, #tpu.memory_space<vmem_shared>>) dst(%dma_wait3A_908 : memref<6256xf32, #tpu.memory_space<hbm>>)
      %dma_wait3A_910 = tpu.memref_slice %arg23[%mul3A_13] : memref<100096xf32, #tpu.memory_space<hbm>> -> memref<6256xf32, #tpu.memory_space<hbm>>
      %dma_wait3A_911 = tpu.memref_slice %arg31[%mul3A_13] : memref<100096xf32, #tpu.memory_space<vmem_shared>> -> memref<6256xf32, #tpu.memory_space<vmem_shared>>
      tpu.wait_dma2 semaphore(%arg62 : memref<!tpu.dma_semaphore, #tpu.memory_space<semaphore_mem>>) src(%dma_wait3A_911 : memref<6256xf32, #tpu.memory_space<vmem_shared>>) dst(%dma_wait3A_910 : memref<6256xf32, #tpu.memory_space<hbm>>)
      %dma_wait3A_912 = tpu.memref_slice %arg24[%mul3A_13] : memref<100096xf32, #tpu.memory_space<hbm>> -> memref<6256xf32, #tpu.memory_space<hbm>>
      %dma_wait3A_913 = tpu.memref_slice %arg32[%mul3A_13] : memref<100096xf32, #tpu.memory_space<vmem_shared>> -> memref<6256xf32, #tpu.memory_space<vmem_shared>>
      tpu.wait_dma2 semaphore(%arg62 : memref<!tpu.dma_semaphore, #tpu.memory_space<semaphore_mem>>) src(%dma_wait3A_913 : memref<6256xf32, #tpu.memory_space<vmem_shared>>) dst(%dma_wait3A_912 : memref<6256xf32, #tpu.memory_space<hbm>>)
      %dma_wait3A_914 = tpu.memref_slice %arg25[%mul3A_13] : memref<100096xf32, #tpu.memory_space<hbm>> -> memref<6256xf32, #tpu.memory_space<hbm>>
      %dma_wait3A_915 = tpu.memref_slice %arg33[%mul3A_13] : memref<100096xf32, #tpu.memory_space<vmem_shared>> -> memref<6256xf32, #tpu.memory_space<vmem_shared>>
      tpu.wait_dma2 semaphore(%arg62 : memref<!tpu.dma_semaphore, #tpu.memory_space<semaphore_mem>>) src(%dma_wait3A_915 : memref<6256xf32, #tpu.memory_space<vmem_shared>>) dst(%dma_wait3A_914 : memref<6256xf32, #tpu.memory_space<hbm>>)
    } else {
    }
    return
  }
}

#map = affine_map<(d0, d1) -> (0)>
module attributes {stable_mosaic.version = 14 : i64} {
  func.func @_sck2_body(%arg0: i32, %arg1: i32, %arg2: memref<3200000xi32, #tpu.memory_space<hbm>>, %arg3: memref<3200000xi32, #tpu.memory_space<hbm>>, %arg4: memref<100096xf32, #tpu.memory_space<hbm>>, %arg5: memref<100096xf32, #tpu.memory_space<hbm>>, %arg6: memref<100096xf32, #tpu.memory_space<hbm>>, %arg7: memref<16xf32, #tpu.memory_space<hbm>>, %arg8: memref<100096xf32, #tpu.memory_space<hbm>>, %arg9: memref<100096xf32, #tpu.memory_space<hbm>>, %arg10: memref<100096xf32, #tpu.memory_space<hbm>>, %arg11: memref<100096xf32, #tpu.memory_space<hbm>>, %arg12: memref<100096xf32, #tpu.memory_space<hbm>>, %arg13: memref<100096xf32, #tpu.memory_space<hbm>>, %arg14: memref<100096xf32, #tpu.memory_space<vmem_shared>>, %arg15: memref<100096xf32, #tpu.memory_space<vmem_shared>>, %arg16: memref<100096xf32, #tpu.memory_space<vmem_shared>>, %arg17: memref<100096xf32, #tpu.memory_space<vmem_shared>>, %arg18: memref<100096xf32, #tpu.memory_space<vmem_shared>>, %arg19: memref<100096xf32, #tpu.memory_space<vmem_shared>>, %arg20: memref<2000xi32, #tpu.memory_space<vmem>>, %arg21: memref<2000xi32, #tpu.memory_space<vmem>>, %arg22: memref<2000xi32, #tpu.memory_space<vmem>>, %arg23: memref<2000xf32, #tpu.memory_space<vmem>>, %arg24: memref<2000xf32, #tpu.memory_space<vmem>>, %arg25: memref<2000xf32, #tpu.memory_space<vmem>>, %arg26: memref<2000xf32, #tpu.memory_space<vmem>>, %arg27: memref<2000xf32, #tpu.memory_space<vmem>>, %arg28: memref<2000xf32, #tpu.memory_space<vmem>>, %arg29: memref<2000xi32, #tpu.memory_space<vmem>>, %arg30: memref<2000xi32, #tpu.memory_space<vmem>>, %arg31: memref<2000xi32, #tpu.memory_space<vmem>>, %arg32: memref<2000xf32, #tpu.memory_space<vmem>>, %arg33: memref<2000xf32, #tpu.memory_space<vmem>>, %arg34: memref<2000xf32, #tpu.memory_space<vmem>>, %arg35: memref<2000xf32, #tpu.memory_space<vmem>>, %arg36: memref<2000xf32, #tpu.memory_space<vmem>>, %arg37: memref<2000xf32, #tpu.memory_space<vmem>>, %arg38: memref<8x16xf32, #tpu.memory_space<vmem>>, %arg39: memref<!tpu.dma_semaphore, #tpu.memory_space<semaphore_mem>>, %arg40: memref<!tpu.dma_semaphore, #tpu.memory_space<semaphore_mem>>, %arg41: memref<!tpu.dma_semaphore, #tpu.memory_space<semaphore_mem>>, %arg42: memref<!tpu.dma_semaphore, #tpu.memory_space<semaphore_mem>>, %arg43: memref<!tpu.dma_semaphore, #tpu.memory_space<semaphore_mem>>, %arg44: memref<!tpu.dma_semaphore, #tpu.memory_space<semaphore_mem>>) attributes {dimension_semantics = [#tpu.dimension_semantics<core_parallel>, #tpu.dimension_semantics<subcore_parallel>], iteration_bounds = array<i64: 2, 16>, scalar_prefetch = 0 : i64, scratch_operands = 31 : i64, tpu.core_type = #tpu.core_type<sc_vector_subcore>, window_params = [{transform_indices = #map}, {transform_indices = #map}, {transform_indices = #map}, {transform_indices = #map}, {transform_indices = #map}, {transform_indices = #map}, {transform_indices = #map}, {transform_indices = #map}, {transform_indices = #map}, {transform_indices = #map}, {transform_indices = #map}, {transform_indices = #map}]} {
    %run_scoped3A = arith.constant 0 : i32
    "tpu.region"() ({
      %run_scoped3A_288 = tpu.sem_alloc : memref<!tpu.dma_semaphore, #tpu.memory_space<semaphore_mem>>
      %dma_start3A_289 = arith.constant 0 : i32
      %dma_start3A_290 = tpu.memref_slice %arg38[%run_scoped3A, %dma_start3A_289] : memref<8x16xf32, #tpu.memory_space<vmem>> -> memref<1x16xf32, #tpu.memory_space<vmem>>
      %dma_start3A_291 = tpu.memref_squeeze %dma_start3A_290 : memref<1x16xf32, #tpu.memory_space<vmem>> -> memref<16xf32, #tpu.memory_space<vmem>>
      %dma_start3A_292 = arith.constant 0 : i32
      %dma_start3A_293 = tpu.memref_slice %arg38[%run_scoped3A, %dma_start3A_292] : memref<8x16xf32, #tpu.memory_space<vmem>> -> memref<1x16xf32, #tpu.memory_space<vmem>>
      %dma_start3A_294 = tpu.memref_squeeze %dma_start3A_293 : memref<1x16xf32, #tpu.memory_space<vmem>> -> memref<16xf32, #tpu.memory_space<vmem>>
      tpu.enqueue_dma source(%arg7 : memref<16xf32, #tpu.memory_space<hbm>>) target(%dma_start3A_294 : memref<16xf32, #tpu.memory_space<vmem>>) target_semaphore(%run_scoped3A_288 : memref<!tpu.dma_semaphore, #tpu.memory_space<semaphore_mem>>)
      %dma_wait3A_295 = arith.constant 0 : i32
      %dma_wait3A_296 = tpu.memref_slice %arg38[%run_scoped3A, %dma_wait3A_295] : memref<8x16xf32, #tpu.memory_space<vmem>> -> memref<1x16xf32, #tpu.memory_space<vmem>>
      %dma_wait3A_297 = tpu.memref_squeeze %dma_wait3A_296 : memref<1x16xf32, #tpu.memory_space<vmem>> -> memref<16xf32, #tpu.memory_space<vmem>>
      %dma_wait3A_298 = arith.constant 0 : i32
      %dma_wait3A_299 = tpu.memref_slice %arg38[%run_scoped3A, %dma_wait3A_298] : memref<8x16xf32, #tpu.memory_space<vmem>> -> memref<1x16xf32, #tpu.memory_space<vmem>>
      %dma_wait3A_300 = tpu.memref_squeeze %dma_wait3A_299 : memref<1x16xf32, #tpu.memory_space<vmem>> -> memref<16xf32, #tpu.memory_space<vmem>>
      tpu.wait_dma2 semaphore(%run_scoped3A_288 : memref<!tpu.dma_semaphore, #tpu.memory_space<semaphore_mem>>) src(%arg7 : memref<16xf32, #tpu.memory_space<hbm>>) dst(%dma_wait3A_300 : memref<16xf32, #tpu.memory_space<vmem>>)
      tpu.yield
    }) : () -> ()
    %scan3A = arith.constant 0 : i32
    %scan3A_0 = arith.constant 0 : i32
    %scan3A_1 = arith.constant 125 : i32
    %scan3A_2 = arith.addi %scan3A_0, %scan3A_1 : i32
    %scan3A_3 = arith.constant 1 : i32
    %scan3A_4 = scf.for %scan3A_288 = %scan3A_0 to %scan3A_2 step %scan3A_3 iter_args(%scan3A_289 = %scan3A) -> (i32)  : i32 {
      %broadcast_in_dim3A_290 = arith.constant 0.000000e+00 : f32
      %broadcast_in_dim3A_291 = vector.broadcast %broadcast_in_dim3A_290 : f32 to vector<16xf32>
      %mul3A_292 = arith.constant 16 : i32
      %mul3A_293 = arith.muli %scan3A_288, %mul3A_292 : i32
      %swap3A = arith.index_cast %mul3A_293 : i32 to index
      %swap3A_294 = tpu.vector_load %arg26[%swap3A] {strides = array<i32>} : memref<2000xf32, #tpu.memory_space<vmem>>, vector<16xf32>,
      %swap3A_295 = vector.shape_cast %swap3A_294 : vector<16xf32> to vector<16xf32>
      %swap3A_296 = vector.shape_cast %broadcast_in_dim3A_291 : vector<16xf32> to vector<16xf32>
      tpu.vector_store %arg26[%swap3A], %swap3A_296 {strides = array<i32>} : memref<2000xf32, #tpu.memory_space<vmem>>, vector<16xf32>,
      %scan3A_297 = arith.constant 0 : i32
      scf.yield %scan3A_297 : i32
    }
    %scan3A_5 = arith.constant 125 : i32
    %mul3A = arith.constant 6256 : i32
    %mul3A_6 = arith.muli %arg1, %mul3A : i32
    %dma_start3A = tpu.memref_slice %arg14[%mul3A_6] : memref<100096xf32, #tpu.memory_space<vmem_shared>> -> memref<6256xf32, #tpu.memory_space<vmem_shared>>
    %dma_start3A_7 = tpu.memref_slice %arg4[%mul3A_6] : memref<100096xf32, #tpu.memory_space<hbm>> -> memref<6256xf32, #tpu.memory_space<hbm>>
    tpu.enqueue_dma source(%dma_start3A_7 : memref<6256xf32, #tpu.memory_space<hbm>>) target(%dma_start3A : memref<6256xf32, #tpu.memory_space<vmem_shared>>) target_semaphore(%arg40 : memref<!tpu.dma_semaphore, #tpu.memory_space<semaphore_mem>>)
    %dma_start3A_8 = tpu.memref_slice %arg15[%mul3A_6] : memref<100096xf32, #tpu.memory_space<vmem_shared>> -> memref<6256xf32, #tpu.memory_space<vmem_shared>>
    %dma_start3A_9 = tpu.memref_slice %arg5[%mul3A_6] : memref<100096xf32, #tpu.memory_space<hbm>> -> memref<6256xf32, #tpu.memory_space<hbm>>
    tpu.enqueue_dma source(%dma_start3A_9 : memref<6256xf32, #tpu.memory_space<hbm>>) target(%dma_start3A_8 : memref<6256xf32, #tpu.memory_space<vmem_shared>>) target_semaphore(%arg40 : memref<!tpu.dma_semaphore, #tpu.memory_space<semaphore_mem>>)
    %dma_start3A_10 = tpu.memref_slice %arg16[%mul3A_6] : memref<100096xf32, #tpu.memory_space<vmem_shared>> -> memref<6256xf32, #tpu.memory_space<vmem_shared>>
    %dma_start3A_11 = tpu.memref_slice %arg6[%mul3A_6] : memref<100096xf32, #tpu.memory_space<hbm>> -> memref<6256xf32, #tpu.memory_space<hbm>>
    tpu.enqueue_dma source(%dma_start3A_11 : memref<6256xf32, #tpu.memory_space<hbm>>) target(%dma_start3A_10 : memref<6256xf32, #tpu.memory_space<vmem_shared>>) target_semaphore(%arg40 : memref<!tpu.dma_semaphore, #tpu.memory_space<semaphore_mem>>)
    %add3A = arith.constant 0 : i32
    %add3A_12 = arith.addi %mul3A_6, %add3A : i32
    %dma_start3A_13 = arith.constant 0 : i32
    %dma_start3A_14 = tpu.memref_slice %arg26[%dma_start3A_13] : memref<2000xf32, #tpu.memory_space<vmem>> -> memref<2000xf32, #tpu.memory_space<vmem>>
    %dma_start3A_15 = tpu.memref_slice %arg17[%add3A_12] : memref<100096xf32, #tpu.memory_space<vmem_shared>> -> memref<2000xf32, #tpu.memory_space<vmem_shared>>
    %dma_start3A_16 = tpu.memref_slice %arg17[%add3A_12] : memref<100096xf32, #tpu.memory_space<vmem_shared>> -> memref<2000xf32, #tpu.memory_space<vmem_shared>>
    %dma_start3A_17 = arith.constant 0 : i32
    %dma_start3A_18 = tpu.memref_slice %arg26[%dma_start3A_17] : memref<2000xf32, #tpu.memory_space<vmem>> -> memref<2000xf32, #tpu.memory_space<vmem>>
    tpu.enqueue_dma source(%dma_start3A_18 : memref<2000xf32, #tpu.memory_space<vmem>>) target(%dma_start3A_16 : memref<2000xf32, #tpu.memory_space<vmem_shared>>) target_semaphore(%arg39 : memref<!tpu.dma_semaphore, #tpu.memory_space<semaphore_mem>>)
    %add3A_19 = arith.constant 0 : i32
    %add3A_20 = arith.addi %mul3A_6, %add3A_19 : i32
    %dma_start3A_21 = arith.constant 0 : i32
    %dma_start3A_22 = tpu.memref_slice %arg26[%dma_start3A_21] : memref<2000xf32, #tpu.memory_space<vmem>> -> memref<2000xf32, #tpu.memory_space<vmem>>
    %dma_start3A_23 = tpu.memref_slice %arg18[%add3A_20] : memref<100096xf32, #tpu.memory_space<vmem_shared>> -> memref<2000xf32, #tpu.memory_space<vmem_shared>>
    %dma_start3A_24 = tpu.memref_slice %arg18[%add3A_20] : memref<100096xf32, #tpu.memory_space<vmem_shared>> -> memref<2000xf32, #tpu.memory_space<vmem_shared>>
    %dma_start3A_25 = arith.constant 0 : i32
    %dma_start3A_26 = tpu.memref_slice %arg26[%dma_start3A_25] : memref<2000xf32, #tpu.memory_space<vmem>> -> memref<2000xf32, #tpu.memory_space<vmem>>
    tpu.enqueue_dma source(%dma_start3A_26 : memref<2000xf32, #tpu.memory_space<vmem>>) target(%dma_start3A_24 : memref<2000xf32, #tpu.memory_space<vmem_shared>>) target_semaphore(%arg39 : memref<!tpu.dma_semaphore, #tpu.memory_space<semaphore_mem>>)
    %add3A_27 = arith.constant 0 : i32
    %add3A_28 = arith.addi %mul3A_6, %add3A_27 : i32
    %dma_start3A_29 = arith.constant 0 : i32
    %dma_start3A_30 = tpu.memref_slice %arg26[%dma_start3A_29] : memref<2000xf32, #tpu.memory_space<vmem>> -> memref<2000xf32, #tpu.memory_space<vmem>>
    %dma_start3A_31 = tpu.memref_slice %arg19[%add3A_28] : memref<100096xf32, #tpu.memory_space<vmem_shared>> -> memref<2000xf32, #tpu.memory_space<vmem_shared>>
    %dma_start3A_32 = tpu.memref_slice %arg19[%add3A_28] : memref<100096xf32, #tpu.memory_space<vmem_shared>> -> memref<2000xf32, #tpu.memory_space<vmem_shared>>
    %dma_start3A_33 = arith.constant 0 : i32
    %dma_start3A_34 = tpu.memref_slice %arg26[%dma_start3A_33] : memref<2000xf32, #tpu.memory_space<vmem>> -> memref<2000xf32, #tpu.memory_space<vmem>>
    tpu.enqueue_dma source(%dma_start3A_34 : memref<2000xf32, #tpu.memory_space<vmem>>) target(%dma_start3A_32 : memref<2000xf32, #tpu.memory_space<vmem_shared>>) target_semaphore(%arg39 : memref<!tpu.dma_semaphore, #tpu.memory_space<semaphore_mem>>)
    %add3A_35 = arith.constant 2000 : i32
    %add3A_36 = arith.addi %mul3A_6, %add3A_35 : i32
    %dma_start3A_37 = arith.constant 0 : i32
    %dma_start3A_38 = tpu.memref_slice %arg26[%dma_start3A_37] : memref<2000xf32, #tpu.memory_space<vmem>> -> memref<2000xf32, #tpu.memory_space<vmem>>
    %dma_start3A_39 = tpu.memref_slice %arg17[%add3A_36] : memref<100096xf32, #tpu.memory_space<vmem_shared>> -> memref<2000xf32, #tpu.memory_space<vmem_shared>>
    %dma_start3A_40 = tpu.memref_slice %arg17[%add3A_36] : memref<100096xf32, #tpu.memory_space<vmem_shared>> -> memref<2000xf32, #tpu.memory_space<vmem_shared>>
    %dma_start3A_41 = arith.constant 0 : i32
    %dma_start3A_42 = tpu.memref_slice %arg26[%dma_start3A_41] : memref<2000xf32, #tpu.memory_space<vmem>> -> memref<2000xf32, #tpu.memory_space<vmem>>
    tpu.enqueue_dma source(%dma_start3A_42 : memref<2000xf32, #tpu.memory_space<vmem>>) target(%dma_start3A_40 : memref<2000xf32, #tpu.memory_space<vmem_shared>>) target_semaphore(%arg39 : memref<!tpu.dma_semaphore, #tpu.memory_space<semaphore_mem>>)
    %add3A_43 = arith.constant 2000 : i32
    %add3A_44 = arith.addi %mul3A_6, %add3A_43 : i32
    %dma_start3A_45 = arith.constant 0 : i32
    %dma_start3A_46 = tpu.memref_slice %arg26[%dma_start3A_45] : memref<2000xf32, #tpu.memory_space<vmem>> -> memref<2000xf32, #tpu.memory_space<vmem>>
    %dma_start3A_47 = tpu.memref_slice %arg18[%add3A_44] : memref<100096xf32, #tpu.memory_space<vmem_shared>> -> memref<2000xf32, #tpu.memory_space<vmem_shared>>
    %dma_start3A_48 = tpu.memref_slice %arg18[%add3A_44] : memref<100096xf32, #tpu.memory_space<vmem_shared>> -> memref<2000xf32, #tpu.memory_space<vmem_shared>>
    %dma_start3A_49 = arith.constant 0 : i32
    %dma_start3A_50 = tpu.memref_slice %arg26[%dma_start3A_49] : memref<2000xf32, #tpu.memory_space<vmem>> -> memref<2000xf32, #tpu.memory_space<vmem>>
    tpu.enqueue_dma source(%dma_start3A_50 : memref<2000xf32, #tpu.memory_space<vmem>>) target(%dma_start3A_48 : memref<2000xf32, #tpu.memory_space<vmem_shared>>) target_semaphore(%arg39 : memref<!tpu.dma_semaphore, #tpu.memory_space<semaphore_mem>>)
    %add3A_51 = arith.constant 2000 : i32
    %add3A_52 = arith.addi %mul3A_6, %add3A_51 : i32
    %dma_start3A_53 = arith.constant 0 : i32
    %dma_start3A_54 = tpu.memref_slice %arg26[%dma_start3A_53] : memref<2000xf32, #tpu.memory_space<vmem>> -> memref<2000xf32, #tpu.memory_space<vmem>>
    %dma_start3A_55 = tpu.memref_slice %arg19[%add3A_52] : memref<100096xf32, #tpu.memory_space<vmem_shared>> -> memref<2000xf32, #tpu.memory_space<vmem_shared>>
    %dma_start3A_56 = tpu.memref_slice %arg19[%add3A_52] : memref<100096xf32, #tpu.memory_space<vmem_shared>> -> memref<2000xf32, #tpu.memory_space<vmem_shared>>
    %dma_start3A_57 = arith.constant 0 : i32
    %dma_start3A_58 = tpu.memref_slice %arg26[%dma_start3A_57] : memref<2000xf32, #tpu.memory_space<vmem>> -> memref<2000xf32, #tpu.memory_space<vmem>>
    tpu.enqueue_dma source(%dma_start3A_58 : memref<2000xf32, #tpu.memory_space<vmem>>) target(%dma_start3A_56 : memref<2000xf32, #tpu.memory_space<vmem_shared>>) target_semaphore(%arg39 : memref<!tpu.dma_semaphore, #tpu.memory_space<semaphore_mem>>)
    %add3A_59 = arith.constant 4000 : i32
    %add3A_60 = arith.addi %mul3A_6, %add3A_59 : i32
    %dma_start3A_61 = arith.constant 0 : i32
    %dma_start3A_62 = tpu.memref_slice %arg26[%dma_start3A_61] : memref<2000xf32, #tpu.memory_space<vmem>> -> memref<2000xf32, #tpu.memory_space<vmem>>
    %dma_start3A_63 = tpu.memref_slice %arg17[%add3A_60] : memref<100096xf32, #tpu.memory_space<vmem_shared>> -> memref<2000xf32, #tpu.memory_space<vmem_shared>>
    %dma_start3A_64 = tpu.memref_slice %arg17[%add3A_60] : memref<100096xf32, #tpu.memory_space<vmem_shared>> -> memref<2000xf32, #tpu.memory_space<vmem_shared>>
    %dma_start3A_65 = arith.constant 0 : i32
    %dma_start3A_66 = tpu.memref_slice %arg26[%dma_start3A_65] : memref<2000xf32, #tpu.memory_space<vmem>> -> memref<2000xf32, #tpu.memory_space<vmem>>
    tpu.enqueue_dma source(%dma_start3A_66 : memref<2000xf32, #tpu.memory_space<vmem>>) target(%dma_start3A_64 : memref<2000xf32, #tpu.memory_space<vmem_shared>>) target_semaphore(%arg39 : memref<!tpu.dma_semaphore, #tpu.memory_space<semaphore_mem>>)
    %add3A_67 = arith.constant 4000 : i32
    %add3A_68 = arith.addi %mul3A_6, %add3A_67 : i32
    %dma_start3A_69 = arith.constant 0 : i32
    %dma_start3A_70 = tpu.memref_slice %arg26[%dma_start3A_69] : memref<2000xf32, #tpu.memory_space<vmem>> -> memref<2000xf32, #tpu.memory_space<vmem>>
    %dma_start3A_71 = tpu.memref_slice %arg18[%add3A_68] : memref<100096xf32, #tpu.memory_space<vmem_shared>> -> memref<2000xf32, #tpu.memory_space<vmem_shared>>
    %dma_start3A_72 = tpu.memref_slice %arg18[%add3A_68] : memref<100096xf32, #tpu.memory_space<vmem_shared>> -> memref<2000xf32, #tpu.memory_space<vmem_shared>>
    %dma_start3A_73 = arith.constant 0 : i32
    %dma_start3A_74 = tpu.memref_slice %arg26[%dma_start3A_73] : memref<2000xf32, #tpu.memory_space<vmem>> -> memref<2000xf32, #tpu.memory_space<vmem>>
    tpu.enqueue_dma source(%dma_start3A_74 : memref<2000xf32, #tpu.memory_space<vmem>>) target(%dma_start3A_72 : memref<2000xf32, #tpu.memory_space<vmem_shared>>) target_semaphore(%arg39 : memref<!tpu.dma_semaphore, #tpu.memory_space<semaphore_mem>>)
    %add3A_75 = arith.constant 4000 : i32
    %add3A_76 = arith.addi %mul3A_6, %add3A_75 : i32
    %dma_start3A_77 = arith.constant 0 : i32
    %dma_start3A_78 = tpu.memref_slice %arg26[%dma_start3A_77] : memref<2000xf32, #tpu.memory_space<vmem>> -> memref<2000xf32, #tpu.memory_space<vmem>>
    %dma_start3A_79 = tpu.memref_slice %arg19[%add3A_76] : memref<100096xf32, #tpu.memory_space<vmem_shared>> -> memref<2000xf32, #tpu.memory_space<vmem_shared>>
    %dma_start3A_80 = tpu.memref_slice %arg19[%add3A_76] : memref<100096xf32, #tpu.memory_space<vmem_shared>> -> memref<2000xf32, #tpu.memory_space<vmem_shared>>
    %dma_start3A_81 = arith.constant 0 : i32
    %dma_start3A_82 = tpu.memref_slice %arg26[%dma_start3A_81] : memref<2000xf32, #tpu.memory_space<vmem>> -> memref<2000xf32, #tpu.memory_space<vmem>>
    tpu.enqueue_dma source(%dma_start3A_82 : memref<2000xf32, #tpu.memory_space<vmem>>) target(%dma_start3A_80 : memref<2000xf32, #tpu.memory_space<vmem_shared>>) target_semaphore(%arg39 : memref<!tpu.dma_semaphore, #tpu.memory_space<semaphore_mem>>)
    %add3A_83 = arith.constant 6000 : i32
    %add3A_84 = arith.addi %mul3A_6, %add3A_83 : i32
    %dma_start3A_85 = arith.constant 0 : i32
    %dma_start3A_86 = tpu.memref_slice %arg26[%dma_start3A_85] : memref<2000xf32, #tpu.memory_space<vmem>> -> memref<256xf32, #tpu.memory_space<vmem>>
    %dma_start3A_87 = tpu.memref_slice %arg17[%add3A_84] : memref<100096xf32, #tpu.memory_space<vmem_shared>> -> memref<256xf32, #tpu.memory_space<vmem_shared>>
    %dma_start3A_88 = tpu.memref_slice %arg17[%add3A_84] : memref<100096xf32, #tpu.memory_space<vmem_shared>> -> memref<256xf32, #tpu.memory_space<vmem_shared>>
    %dma_start3A_89 = arith.constant 0 : i32
    %dma_start3A_90 = tpu.memref_slice %arg26[%dma_start3A_89] : memref<2000xf32, #tpu.memory_space<vmem>> -> memref<256xf32, #tpu.memory_space<vmem>>
    tpu.enqueue_dma source(%dma_start3A_90 : memref<256xf32, #tpu.memory_space<vmem>>) target(%dma_start3A_88 : memref<256xf32, #tpu.memory_space<vmem_shared>>) target_semaphore(%arg39 : memref<!tpu.dma_semaphore, #tpu.memory_space<semaphore_mem>>)
    %add3A_91 = arith.constant 6000 : i32
    %add3A_92 = arith.addi %mul3A_6, %add3A_91 : i32
    %dma_start3A_93 = arith.constant 0 : i32
    %dma_start3A_94 = tpu.memref_slice %arg26[%dma_start3A_93] : memref<2000xf32, #tpu.memory_space<vmem>> -> memref<256xf32, #tpu.memory_space<vmem>>
    %dma_start3A_95 = tpu.memref_slice %arg18[%add3A_92] : memref<100096xf32, #tpu.memory_space<vmem_shared>> -> memref<256xf32, #tpu.memory_space<vmem_shared>>
    %dma_start3A_96 = tpu.memref_slice %arg18[%add3A_92] : memref<100096xf32, #tpu.memory_space<vmem_shared>> -> memref<256xf32, #tpu.memory_space<vmem_shared>>
    %dma_start3A_97 = arith.constant 0 : i32
    %dma_start3A_98 = tpu.memref_slice %arg26[%dma_start3A_97] : memref<2000xf32, #tpu.memory_space<vmem>> -> memref<256xf32, #tpu.memory_space<vmem>>
    tpu.enqueue_dma source(%dma_start3A_98 : memref<256xf32, #tpu.memory_space<vmem>>) target(%dma_start3A_96 : memref<256xf32, #tpu.memory_space<vmem_shared>>) target_semaphore(%arg39 : memref<!tpu.dma_semaphore, #tpu.memory_space<semaphore_mem>>)
    %add3A_99 = arith.constant 6000 : i32
    %add3A_100 = arith.addi %mul3A_6, %add3A_99 : i32
    %dma_start3A_101 = arith.constant 0 : i32
    %dma_start3A_102 = tpu.memref_slice %arg26[%dma_start3A_101] : memref<2000xf32, #tpu.memory_space<vmem>> -> memref<256xf32, #tpu.memory_space<vmem>>
    %dma_start3A_103 = tpu.memref_slice %arg19[%add3A_100] : memref<100096xf32, #tpu.memory_space<vmem_shared>> -> memref<256xf32, #tpu.memory_space<vmem_shared>>
    %dma_start3A_104 = tpu.memref_slice %arg19[%add3A_100] : memref<100096xf32, #tpu.memory_space<vmem_shared>> -> memref<256xf32, #tpu.memory_space<vmem_shared>>
    %dma_start3A_105 = arith.constant 0 : i32
    %dma_start3A_106 = tpu.memref_slice %arg26[%dma_start3A_105] : memref<2000xf32, #tpu.memory_space<vmem>> -> memref<256xf32, #tpu.memory_space<vmem>>
    tpu.enqueue_dma source(%dma_start3A_106 : memref<256xf32, #tpu.memory_space<vmem>>) target(%dma_start3A_104 : memref<256xf32, #tpu.memory_space<vmem_shared>>) target_semaphore(%arg39 : memref<!tpu.dma_semaphore, #tpu.memory_space<semaphore_mem>>)
    %dma_wait3A = tpu.memref_slice %arg14[%mul3A_6] : memref<100096xf32, #tpu.memory_space<vmem_shared>> -> memref<6256xf32, #tpu.memory_space<vmem_shared>>
    %dma_wait3A_107 = tpu.memref_slice %arg4[%mul3A_6] : memref<100096xf32, #tpu.memory_space<hbm>> -> memref<6256xf32, #tpu.memory_space<hbm>>
    tpu.wait_dma2 semaphore(%arg40 : memref<!tpu.dma_semaphore, #tpu.memory_space<semaphore_mem>>) src(%dma_wait3A_107 : memref<6256xf32, #tpu.memory_space<hbm>>) dst(%dma_wait3A : memref<6256xf32, #tpu.memory_space<vmem_shared>>)
    %dma_wait3A_108 = tpu.memref_slice %arg15[%mul3A_6] : memref<100096xf32, #tpu.memory_space<vmem_shared>> -> memref<6256xf32, #tpu.memory_space<vmem_shared>>
    %dma_wait3A_109 = tpu.memref_slice %arg5[%mul3A_6] : memref<100096xf32, #tpu.memory_space<hbm>> -> memref<6256xf32, #tpu.memory_space<hbm>>
    tpu.wait_dma2 semaphore(%arg40 : memref<!tpu.dma_semaphore, #tpu.memory_space<semaphore_mem>>) src(%dma_wait3A_109 : memref<6256xf32, #tpu.memory_space<hbm>>) dst(%dma_wait3A_108 : memref<6256xf32, #tpu.memory_space<vmem_shared>>)
    %dma_wait3A_110 = tpu.memref_slice %arg16[%mul3A_6] : memref<100096xf32, #tpu.memory_space<vmem_shared>> -> memref<6256xf32, #tpu.memory_space<vmem_shared>>
    %dma_wait3A_111 = tpu.memref_slice %arg6[%mul3A_6] : memref<100096xf32, #tpu.memory_space<hbm>> -> memref<6256xf32, #tpu.memory_space<hbm>>
    tpu.wait_dma2 semaphore(%arg40 : memref<!tpu.dma_semaphore, #tpu.memory_space<semaphore_mem>>) src(%dma_wait3A_111 : memref<6256xf32, #tpu.memory_space<hbm>>) dst(%dma_wait3A_110 : memref<6256xf32, #tpu.memory_space<vmem_shared>>)
    %add3A_112 = arith.constant 0 : i32
    %add3A_113 = arith.addi %mul3A_6, %add3A_112 : i32
    %dma_wait3A_114 = arith.constant 0 : i32
    %dma_wait3A_115 = tpu.memref_slice %arg26[%dma_wait3A_114] : memref<2000xf32, #tpu.memory_space<vmem>> -> memref<2000xf32, #tpu.memory_space<vmem>>
    %dma_wait3A_116 = tpu.memref_slice %arg17[%add3A_113] : memref<100096xf32, #tpu.memory_space<vmem_shared>> -> memref<2000xf32, #tpu.memory_space<vmem_shared>>
    %dma_wait3A_117 = tpu.memref_slice %arg17[%add3A_113] : memref<100096xf32, #tpu.memory_space<vmem_shared>> -> memref<2000xf32, #tpu.memory_space<vmem_shared>>
    %dma_wait3A_118 = arith.constant 0 : i32
    %dma_wait3A_119 = tpu.memref_slice %arg26[%dma_wait3A_118] : memref<2000xf32, #tpu.memory_space<vmem>> -> memref<2000xf32, #tpu.memory_space<vmem>>
    tpu.wait_dma2 semaphore(%arg39 : memref<!tpu.dma_semaphore, #tpu.memory_space<semaphore_mem>>) src(%dma_wait3A_119 : memref<2000xf32, #tpu.memory_space<vmem>>) dst(%dma_wait3A_117 : memref<2000xf32, #tpu.memory_space<vmem_shared>>)
    %add3A_120 = arith.constant 0 : i32
    %add3A_121 = arith.addi %mul3A_6, %add3A_120 : i32
    %dma_wait3A_122 = arith.constant 0 : i32
    %dma_wait3A_123 = tpu.memref_slice %arg26[%dma_wait3A_122] : memref<2000xf32, #tpu.memory_space<vmem>> -> memref<2000xf32, #tpu.memory_space<vmem>>
    %dma_wait3A_124 = tpu.memref_slice %arg18[%add3A_121] : memref<100096xf32, #tpu.memory_space<vmem_shared>> -> memref<2000xf32, #tpu.memory_space<vmem_shared>>
    %dma_wait3A_125 = tpu.memref_slice %arg18[%add3A_121] : memref<100096xf32, #tpu.memory_space<vmem_shared>> -> memref<2000xf32, #tpu.memory_space<vmem_shared>>
    %dma_wait3A_126 = arith.constant 0 : i32
    %dma_wait3A_127 = tpu.memref_slice %arg26[%dma_wait3A_126] : memref<2000xf32, #tpu.memory_space<vmem>> -> memref<2000xf32, #tpu.memory_space<vmem>>
    tpu.wait_dma2 semaphore(%arg39 : memref<!tpu.dma_semaphore, #tpu.memory_space<semaphore_mem>>) src(%dma_wait3A_127 : memref<2000xf32, #tpu.memory_space<vmem>>) dst(%dma_wait3A_125 : memref<2000xf32, #tpu.memory_space<vmem_shared>>)
    %add3A_128 = arith.constant 0 : i32
    %add3A_129 = arith.addi %mul3A_6, %add3A_128 : i32
    %dma_wait3A_130 = arith.constant 0 : i32
    %dma_wait3A_131 = tpu.memref_slice %arg26[%dma_wait3A_130] : memref<2000xf32, #tpu.memory_space<vmem>> -> memref<2000xf32, #tpu.memory_space<vmem>>
    %dma_wait3A_132 = tpu.memref_slice %arg19[%add3A_129] : memref<100096xf32, #tpu.memory_space<vmem_shared>> -> memref<2000xf32, #tpu.memory_space<vmem_shared>>
    %dma_wait3A_133 = tpu.memref_slice %arg19[%add3A_129] : memref<100096xf32, #tpu.memory_space<vmem_shared>> -> memref<2000xf32, #tpu.memory_space<vmem_shared>>
    %dma_wait3A_134 = arith.constant 0 : i32
    %dma_wait3A_135 = tpu.memref_slice %arg26[%dma_wait3A_134] : memref<2000xf32, #tpu.memory_space<vmem>> -> memref<2000xf32, #tpu.memory_space<vmem>>
    tpu.wait_dma2 semaphore(%arg39 : memref<!tpu.dma_semaphore, #tpu.memory_space<semaphore_mem>>) src(%dma_wait3A_135 : memref<2000xf32, #tpu.memory_space<vmem>>) dst(%dma_wait3A_133 : memref<2000xf32, #tpu.memory_space<vmem_shared>>)
    %add3A_136 = arith.constant 2000 : i32
    %add3A_137 = arith.addi %mul3A_6, %add3A_136 : i32
    %dma_wait3A_138 = arith.constant 0 : i32
    %dma_wait3A_139 = tpu.memref_slice %arg26[%dma_wait3A_138] : memref<2000xf32, #tpu.memory_space<vmem>> -> memref<2000xf32, #tpu.memory_space<vmem>>
    %dma_wait3A_140 = tpu.memref_slice %arg17[%add3A_137] : memref<100096xf32, #tpu.memory_space<vmem_shared>> -> memref<2000xf32, #tpu.memory_space<vmem_shared>>
    %dma_wait3A_141 = tpu.memref_slice %arg17[%add3A_137] : memref<100096xf32, #tpu.memory_space<vmem_shared>> -> memref<2000xf32, #tpu.memory_space<vmem_shared>>
    %dma_wait3A_142 = arith.constant 0 : i32
    %dma_wait3A_143 = tpu.memref_slice %arg26[%dma_wait3A_142] : memref<2000xf32, #tpu.memory_space<vmem>> -> memref<2000xf32, #tpu.memory_space<vmem>>
    tpu.wait_dma2 semaphore(%arg39 : memref<!tpu.dma_semaphore, #tpu.memory_space<semaphore_mem>>) src(%dma_wait3A_143 : memref<2000xf32, #tpu.memory_space<vmem>>) dst(%dma_wait3A_141 : memref<2000xf32, #tpu.memory_space<vmem_shared>>)
    %add3A_144 = arith.constant 2000 : i32
    %add3A_145 = arith.addi %mul3A_6, %add3A_144 : i32
    %dma_wait3A_146 = arith.constant 0 : i32
    %dma_wait3A_147 = tpu.memref_slice %arg26[%dma_wait3A_146] : memref<2000xf32, #tpu.memory_space<vmem>> -> memref<2000xf32, #tpu.memory_space<vmem>>
    %dma_wait3A_148 = tpu.memref_slice %arg18[%add3A_145] : memref<100096xf32, #tpu.memory_space<vmem_shared>> -> memref<2000xf32, #tpu.memory_space<vmem_shared>>
    %dma_wait3A_149 = tpu.memref_slice %arg18[%add3A_145] : memref<100096xf32, #tpu.memory_space<vmem_shared>> -> memref<2000xf32, #tpu.memory_space<vmem_shared>>
    %dma_wait3A_150 = arith.constant 0 : i32
    %dma_wait3A_151 = tpu.memref_slice %arg26[%dma_wait3A_150] : memref<2000xf32, #tpu.memory_space<vmem>> -> memref<2000xf32, #tpu.memory_space<vmem>>
    tpu.wait_dma2 semaphore(%arg39 : memref<!tpu.dma_semaphore, #tpu.memory_space<semaphore_mem>>) src(%dma_wait3A_151 : memref<2000xf32, #tpu.memory_space<vmem>>) dst(%dma_wait3A_149 : memref<2000xf32, #tpu.memory_space<vmem_shared>>)
    %add3A_152 = arith.constant 2000 : i32
    %add3A_153 = arith.addi %mul3A_6, %add3A_152 : i32
    %dma_wait3A_154 = arith.constant 0 : i32
    %dma_wait3A_155 = tpu.memref_slice %arg26[%dma_wait3A_154] : memref<2000xf32, #tpu.memory_space<vmem>> -> memref<2000xf32, #tpu.memory_space<vmem>>
    %dma_wait3A_156 = tpu.memref_slice %arg19[%add3A_153] : memref<100096xf32, #tpu.memory_space<vmem_shared>> -> memref<2000xf32, #tpu.memory_space<vmem_shared>>
    %dma_wait3A_157 = tpu.memref_slice %arg19[%add3A_153] : memref<100096xf32, #tpu.memory_space<vmem_shared>> -> memref<2000xf32, #tpu.memory_space<vmem_shared>>
    %dma_wait3A_158 = arith.constant 0 : i32
    %dma_wait3A_159 = tpu.memref_slice %arg26[%dma_wait3A_158] : memref<2000xf32, #tpu.memory_space<vmem>> -> memref<2000xf32, #tpu.memory_space<vmem>>
    tpu.wait_dma2 semaphore(%arg39 : memref<!tpu.dma_semaphore, #tpu.memory_space<semaphore_mem>>) src(%dma_wait3A_159 : memref<2000xf32, #tpu.memory_space<vmem>>) dst(%dma_wait3A_157 : memref<2000xf32, #tpu.memory_space<vmem_shared>>)
    %add3A_160 = arith.constant 4000 : i32
    %add3A_161 = arith.addi %mul3A_6, %add3A_160 : i32
    %dma_wait3A_162 = arith.constant 0 : i32
    %dma_wait3A_163 = tpu.memref_slice %arg26[%dma_wait3A_162] : memref<2000xf32, #tpu.memory_space<vmem>> -> memref<2000xf32, #tpu.memory_space<vmem>>
    %dma_wait3A_164 = tpu.memref_slice %arg17[%add3A_161] : memref<100096xf32, #tpu.memory_space<vmem_shared>> -> memref<2000xf32, #tpu.memory_space<vmem_shared>>
    %dma_wait3A_165 = tpu.memref_slice %arg17[%add3A_161] : memref<100096xf32, #tpu.memory_space<vmem_shared>> -> memref<2000xf32, #tpu.memory_space<vmem_shared>>
    %dma_wait3A_166 = arith.constant 0 : i32
    %dma_wait3A_167 = tpu.memref_slice %arg26[%dma_wait3A_166] : memref<2000xf32, #tpu.memory_space<vmem>> -> memref<2000xf32, #tpu.memory_space<vmem>>
    tpu.wait_dma2 semaphore(%arg39 : memref<!tpu.dma_semaphore, #tpu.memory_space<semaphore_mem>>) src(%dma_wait3A_167 : memref<2000xf32, #tpu.memory_space<vmem>>) dst(%dma_wait3A_165 : memref<2000xf32, #tpu.memory_space<vmem_shared>>)
    %add3A_168 = arith.constant 4000 : i32
    %add3A_169 = arith.addi %mul3A_6, %add3A_168 : i32
    %dma_wait3A_170 = arith.constant 0 : i32
    %dma_wait3A_171 = tpu.memref_slice %arg26[%dma_wait3A_170] : memref<2000xf32, #tpu.memory_space<vmem>> -> memref<2000xf32, #tpu.memory_space<vmem>>
    %dma_wait3A_172 = tpu.memref_slice %arg18[%add3A_169] : memref<100096xf32, #tpu.memory_space<vmem_shared>> -> memref<2000xf32, #tpu.memory_space<vmem_shared>>
    %dma_wait3A_173 = tpu.memref_slice %arg18[%add3A_169] : memref<100096xf32, #tpu.memory_space<vmem_shared>> -> memref<2000xf32, #tpu.memory_space<vmem_shared>>
    %dma_wait3A_174 = arith.constant 0 : i32
    %dma_wait3A_175 = tpu.memref_slice %arg26[%dma_wait3A_174] : memref<2000xf32, #tpu.memory_space<vmem>> -> memref<2000xf32, #tpu.memory_space<vmem>>
    tpu.wait_dma2 semaphore(%arg39 : memref<!tpu.dma_semaphore, #tpu.memory_space<semaphore_mem>>) src(%dma_wait3A_175 : memref<2000xf32, #tpu.memory_space<vmem>>) dst(%dma_wait3A_173 : memref<2000xf32, #tpu.memory_space<vmem_shared>>)
    %add3A_176 = arith.constant 4000 : i32
    %add3A_177 = arith.addi %mul3A_6, %add3A_176 : i32
    %dma_wait3A_178 = arith.constant 0 : i32
    %dma_wait3A_179 = tpu.memref_slice %arg26[%dma_wait3A_178] : memref<2000xf32, #tpu.memory_space<vmem>> -> memref<2000xf32, #tpu.memory_space<vmem>>
    %dma_wait3A_180 = tpu.memref_slice %arg19[%add3A_177] : memref<100096xf32, #tpu.memory_space<vmem_shared>> -> memref<2000xf32, #tpu.memory_space<vmem_shared>>
    %dma_wait3A_181 = tpu.memref_slice %arg19[%add3A_177] : memref<100096xf32, #tpu.memory_space<vmem_shared>> -> memref<2000xf32, #tpu.memory_space<vmem_shared>>
    %dma_wait3A_182 = arith.constant 0 : i32
    %dma_wait3A_183 = tpu.memref_slice %arg26[%dma_wait3A_182] : memref<2000xf32, #tpu.memory_space<vmem>> -> memref<2000xf32, #tpu.memory_space<vmem>>
    tpu.wait_dma2 semaphore(%arg39 : memref<!tpu.dma_semaphore, #tpu.memory_space<semaphore_mem>>) src(%dma_wait3A_183 : memref<2000xf32, #tpu.memory_space<vmem>>) dst(%dma_wait3A_181 : memref<2000xf32, #tpu.memory_space<vmem_shared>>)
    %add3A_184 = arith.constant 6000 : i32
    %add3A_185 = arith.addi %mul3A_6, %add3A_184 : i32
    %dma_wait3A_186 = arith.constant 0 : i32
    %dma_wait3A_187 = tpu.memref_slice %arg26[%dma_wait3A_186] : memref<2000xf32, #tpu.memory_space<vmem>> -> memref<256xf32, #tpu.memory_space<vmem>>
    %dma_wait3A_188 = tpu.memref_slice %arg17[%add3A_185] : memref<100096xf32, #tpu.memory_space<vmem_shared>> -> memref<256xf32, #tpu.memory_space<vmem_shared>>
    %dma_wait3A_189 = tpu.memref_slice %arg17[%add3A_185] : memref<100096xf32, #tpu.memory_space<vmem_shared>> -> memref<256xf32, #tpu.memory_space<vmem_shared>>
    %dma_wait3A_190 = arith.constant 0 : i32
    %dma_wait3A_191 = tpu.memref_slice %arg26[%dma_wait3A_190] : memref<2000xf32, #tpu.memory_space<vmem>> -> memref<256xf32, #tpu.memory_space<vmem>>
    tpu.wait_dma2 semaphore(%arg39 : memref<!tpu.dma_semaphore, #tpu.memory_space<semaphore_mem>>) src(%dma_wait3A_191 : memref<256xf32, #tpu.memory_space<vmem>>) dst(%dma_wait3A_189 : memref<256xf32, #tpu.memory_space<vmem_shared>>)
    %add3A_192 = arith.constant 6000 : i32
    %add3A_193 = arith.addi %mul3A_6, %add3A_192 : i32
    %dma_wait3A_194 = arith.constant 0 : i32
    %dma_wait3A_195 = tpu.memref_slice %arg26[%dma_wait3A_194] : memref<2000xf32, #tpu.memory_space<vmem>> -> memref<256xf32, #tpu.memory_space<vmem>>
    %dma_wait3A_196 = tpu.memref_slice %arg18[%add3A_193] : memref<100096xf32, #tpu.memory_space<vmem_shared>> -> memref<256xf32, #tpu.memory_space<vmem_shared>>
    %dma_wait3A_197 = tpu.memref_slice %arg18[%add3A_193] : memref<100096xf32, #tpu.memory_space<vmem_shared>> -> memref<256xf32, #tpu.memory_space<vmem_shared>>
    %dma_wait3A_198 = arith.constant 0 : i32
    %dma_wait3A_199 = tpu.memref_slice %arg26[%dma_wait3A_198] : memref<2000xf32, #tpu.memory_space<vmem>> -> memref<256xf32, #tpu.memory_space<vmem>>
    tpu.wait_dma2 semaphore(%arg39 : memref<!tpu.dma_semaphore, #tpu.memory_space<semaphore_mem>>) src(%dma_wait3A_199 : memref<256xf32, #tpu.memory_space<vmem>>) dst(%dma_wait3A_197 : memref<256xf32, #tpu.memory_space<vmem_shared>>)
    %add3A_200 = arith.constant 6000 : i32
    %add3A_201 = arith.addi %mul3A_6, %add3A_200 : i32
    %dma_wait3A_202 = arith.constant 0 : i32
    %dma_wait3A_203 = tpu.memref_slice %arg26[%dma_wait3A_202] : memref<2000xf32, #tpu.memory_space<vmem>> -> memref<256xf32, #tpu.memory_space<vmem>>
    %dma_wait3A_204 = tpu.memref_slice %arg19[%add3A_201] : memref<100096xf32, #tpu.memory_space<vmem_shared>> -> memref<256xf32, #tpu.memory_space<vmem_shared>>
    %dma_wait3A_205 = tpu.memref_slice %arg19[%add3A_201] : memref<100096xf32, #tpu.memory_space<vmem_shared>> -> memref<256xf32, #tpu.memory_space<vmem_shared>>
    %dma_wait3A_206 = arith.constant 0 : i32
    %dma_wait3A_207 = tpu.memref_slice %arg26[%dma_wait3A_206] : memref<2000xf32, #tpu.memory_space<vmem>> -> memref<256xf32, #tpu.memory_space<vmem>>
    tpu.wait_dma2 semaphore(%arg39 : memref<!tpu.dma_semaphore, #tpu.memory_space<semaphore_mem>>) src(%dma_wait3A_207 : memref<256xf32, #tpu.memory_space<vmem>>) dst(%dma_wait3A_205 : memref<256xf32, #tpu.memory_space<vmem_shared>>)
    %barrier3A = arith.constant 0 : index
    tpu.barrier barrier_id(%barrier3A)
    %get3A = arith.constant 0 : i32
    %get3A_208 = arith.index_cast %get3A : i32 to index
    %get3A_209 = arith.constant 0 : index
    %get3A_210 = tpu.vector_load %arg38[%get3A_208, %get3A_209] {strides = array<i32>} : memref<8x16xf32, #tpu.memory_space<vmem>>, vector<1x16xf32>,
    %get3A_211 = vector.shape_cast %get3A_210 : vector<1x16xf32> to vector<16xf32>
    %broadcast_in_dim3A = arith.constant 0 : i32
    %broadcast_in_dim3A_212 = vector.broadcast %broadcast_in_dim3A : i32 to vector<16xi32>
    %reshape3A = vector.shape_cast %broadcast_in_dim3A_212 : vector<16xi32> to vector<16x1xi32>
    %gather3A = vector.shape_cast %reshape3A : vector<16x1xi32> to vector<16xi32>
    %gather3A_213 = tpu.dynamic_gather %get3A_211[%gather3A] in [0] : vector<16xf32>, vector<16xi32> -> vector<16xf32>
    %get3A_214 = arith.constant 0 : i32
    %get3A_215 = arith.index_cast %get3A_214 : i32 to index
    %get3A_216 = arith.constant 0 : index
    %get3A_217 = tpu.vector_load %arg38[%get3A_215, %get3A_216] {strides = array<i32>} : memref<8x16xf32, #tpu.memory_space<vmem>>, vector<1x16xf32>,
    %get3A_218 = vector.shape_cast %get3A_217 : vector<1x16xf32> to vector<16xf32>
    %broadcast_in_dim3A_219 = arith.constant 1 : i32
    %broadcast_in_dim3A_220 = vector.broadcast %broadcast_in_dim3A_219 : i32 to vector<16xi32>
    %reshape3A_221 = vector.shape_cast %broadcast_in_dim3A_220 : vector<16xi32> to vector<16x1xi32>
    %gather3A_222 = vector.shape_cast %reshape3A_221 : vector<16x1xi32> to vector<16xi32>
    %gather3A_223 = tpu.dynamic_gather %get3A_218[%gather3A_222] in [0] : vector<16xf32>, vector<16xi32> -> vector<16xf32>
    %mul3A_224 = arith.constant 2 : i32
    %mul3A_225 = arith.muli %arg1, %mul3A_224 : i32
    %add3A_226 = arith.addi %mul3A_225, %arg0 : i32
    %mul3A_227 = arith.constant 50 : i32
    %mul3A_228 = arith.muli %add3A_226, %mul3A_227 : i32
    %add3A_229 = arith.constant 0 : i32
    %add3A_230 = arith.addi %mul3A_228, %add3A_229 : i32
    %mul3A_231 = arith.constant 2000 : i32
    %mul3A_232 = arith.muli %add3A_230, %mul3A_231 : i32
    %dma_start3A_233 = tpu.memref_slice %arg2[%mul3A_232] : memref<3200000xi32, #tpu.memory_space<hbm>> -> memref<2000xi32, #tpu.memory_space<hbm>>
    %dma_start3A_234 = tpu.memref_slice %arg2[%mul3A_232] : memref<3200000xi32, #tpu.memory_space<hbm>> -> memref<2000xi32, #tpu.memory_space<hbm>>
    tpu.enqueue_dma source(%dma_start3A_234 : memref<2000xi32, #tpu.memory_space<hbm>>) target(%arg20 : memref<2000xi32, #tpu.memory_space<vmem>>) target_semaphore(%arg39 : memref<!tpu.dma_semaphore, #tpu.memory_space<semaphore_mem>>)
    %dma_start3A_235 = tpu.memref_slice %arg3[%mul3A_232] : memref<3200000xi32, #tpu.memory_space<hbm>> -> memref<2000xi32, #tpu.memory_space<hbm>>
    %dma_start3A_236 = tpu.memref_slice %arg3[%mul3A_232] : memref<3200000xi32, #tpu.memory_space<hbm>> -> memref<2000xi32, #tpu.memory_space<hbm>>
    tpu.enqueue_dma source(%dma_start3A_236 : memref<2000xi32, #tpu.memory_space<hbm>>) target(%arg21 : memref<2000xi32, #tpu.memory_space<vmem>>) target_semaphore(%arg39 : memref<!tpu.dma_semaphore, #tpu.memory_space<semaphore_mem>>)
    %dma_wait3A_237 = arith.constant 0 : i32
    %dma_wait3A_238 = tpu.memref_slice %arg2[%dma_wait3A_237] : memref<3200000xi32, #tpu.memory_space<hbm>> -> memref<2000xi32, #tpu.memory_space<hbm>>
    %dma_wait3A_239 = arith.constant 0 : i32
    %dma_wait3A_240 = tpu.memref_slice %arg2[%dma_wait3A_239] : memref<3200000xi32, #tpu.memory_space<hbm>> -> memref<2000xi32, #tpu.memory_space<hbm>>
    tpu.wait_dma2 semaphore(%arg39 : memref<!tpu.dma_semaphore, #tpu.memory_space<semaphore_mem>>) src(%dma_wait3A_240 : memref<2000xi32, #tpu.memory_space<hbm>>) dst(%arg20 : memref<2000xi32, #tpu.memory_space<vmem>>)
    %dma_wait3A_241 = arith.constant 0 : i32
    %dma_wait3A_242 = tpu.memref_slice %arg3[%dma_wait3A_241] : memref<3200000xi32, #tpu.memory_space<hbm>> -> memref<2000xi32, #tpu.memory_space<hbm>>
    %dma_wait3A_243 = arith.constant 0 : i32
    %dma_wait3A_244 = tpu.memref_slice %arg3[%dma_wait3A_243] : memref<3200000xi32, #tpu.memory_space<hbm>> -> memref<2000xi32, #tpu.memory_space<hbm>>
    tpu.wait_dma2 semaphore(%arg39 : memref<!tpu.dma_semaphore, #tpu.memory_space<semaphore_mem>>) src(%dma_wait3A_244 : memref<2000xi32, #tpu.memory_space<hbm>>) dst(%arg21 : memref<2000xi32, #tpu.memory_space<vmem>>)
    %dma_start3A_245 = arith.constant 0 : i32
    %dma_start3A_246 = tpu.memref_slice %arg14[%dma_start3A_245] : memref<100096xf32, #tpu.memory_space<vmem_shared>> -> memref<100096xf32, #tpu.memory_space<vmem_shared>>
    tpu.enqueue_indirect_dma source(%dma_start3A_246 : memref<100096xf32, #tpu.memory_space<vmem_shared>>) target(%arg23 : memref<2000xf32, #tpu.memory_space<vmem>>) offsets(%arg20 : memref<2000xi32, #tpu.memory_space<vmem>>) semaphore(%arg40 : memref<!tpu.dma_semaphore, #tpu.memory_space<semaphore_mem>>)
    %dma_start3A_247 = arith.constant 0 : i32
    %dma_start3A_248 = tpu.memref_slice %arg15[%dma_start3A_247] : memref<100096xf32, #tpu.memory_space<vmem_shared>> -> memref<100096xf32, #tpu.memory_space<vmem_shared>>
    tpu.enqueue_indirect_dma source(%dma_start3A_248 : memref<100096xf32, #tpu.memory_space<vmem_shared>>) target(%arg24 : memref<2000xf32, #tpu.memory_space<vmem>>) offsets(%arg20 : memref<2000xi32, #tpu.memory_space<vmem>>) semaphore(%arg40 : memref<!tpu.dma_semaphore, #tpu.memory_space<semaphore_mem>>)
    %dma_start3A_249 = arith.constant 0 : i32
    %dma_start3A_250 = tpu.memref_slice %arg16[%dma_start3A_249] : memref<100096xf32, #tpu.memory_space<vmem_shared>> -> memref<100096xf32, #tpu.memory_space<vmem_shared>>
    tpu.enqueue_indirect_dma source(%dma_start3A_250 : memref<100096xf32, #tpu.memory_space<vmem_shared>>) target(%arg25 : memref<2000xf32, #tpu.memory_space<vmem>>) offsets(%arg21 : memref<2000xi32, #tpu.memory_space<vmem>>) semaphore(%arg40 : memref<!tpu.dma_semaphore, #tpu.memory_space<semaphore_mem>>)
    %mul3A_251 = arith.constant 50 : i32
    %mul3A_252 = arith.muli %add3A_226, %mul3A_251 : i32
    %add3A_253 = arith.constant 1 : i32
    %add3A_254 = arith.addi %mul3A_252, %add3A_253 : i32
    %mul3A_255 = arith.constant 2000 : i32
    %mul3A_256 = arith.muli %add3A_254, %mul3A_255 : i32
    %dma_start3A_257 = tpu.memref_slice %arg2[%mul3A_256] : memref<3200000xi32, #tpu.memory_space<hbm>> -> memref<2000xi32, #tpu.memory_space<hbm>>
    %dma_start3A_258 = tpu.memref_slice %arg2[%mul3A_256] : memref<3200000xi32, #tpu.memory_space<hbm>> -> memref<2000xi32, #tpu.memory_space<hbm>>
    tpu.enqueue_dma source(%dma_start3A_258 : memref<2000xi32, #tpu.memory_space<hbm>>) target(%arg29 : memref<2000xi32, #tpu.memory_space<vmem>>) target_semaphore(%arg42 : memref<!tpu.dma_semaphore, #tpu.memory_space<semaphore_mem>>)
    %dma_start3A_259 = tpu.memref_slice %arg3[%mul3A_256] : memref<3200000xi32, #tpu.memory_space<hbm>> -> memref<2000xi32, #tpu.memory_space<hbm>>
    %dma_start3A_260 = tpu.memref_slice %arg3[%mul3A_256] : memref<3200000xi32, #tpu.memory_space<hbm>> -> memref<2000xi32, #tpu.memory_space<hbm>>
    tpu.enqueue_dma source(%dma_start3A_260 : memref<2000xi32, #tpu.memory_space<hbm>>) target(%arg30 : memref<2000xi32, #tpu.memory_space<vmem>>) target_semaphore(%arg42 : memref<!tpu.dma_semaphore, #tpu.memory_space<semaphore_mem>>)
    %scan3A_261 = arith.constant 0 : i32
    %scan3A_262 = arith.constant 0 : i32
    %scan3A_263 = arith.constant 25 : i32
    %scan3A_264 = arith.addi %scan3A_262, %scan3A_263 : i32
    %scan3A_265 = arith.constant 1 : i32
    %scan3A_266 = scf.for %scan3A_288 = %scan3A_262 to %scan3A_264 step %scan3A_265 iter_args(%scan3A_289 = %scan3A_261) -> (i32)  : i32 {
      %mul3A_290 = arith.constant 2 : i32
      %mul3A_291 = arith.muli %mul3A_290, %scan3A_288 : i32
      %add3A_292 = arith.constant 1 : i32
      %add3A_293 = arith.addi %mul3A_291, %add3A_292 : i32
      %lt3A = arith.constant 50 : i32
      %lt3A_294 = arith.cmpi slt, %add3A_293, %lt3A : i32
      %convert_element_type3A_295 = arith.extui %lt3A_294 : i1 to i32
      %cond3A_296 = arith.constant 0 : i32
      %cond3A_297 = arith.cmpi ne, %convert_element_type3A_295, %cond3A_296 : i32
      scf.if %cond3A_297 {
        %dma_wait3A_385 = arith.constant 0 : i32
        %dma_wait3A_386 = tpu.memref_slice %arg2[%dma_wait3A_385] : memref<3200000xi32, #tpu.memory_space<hbm>> -> memref<2000xi32, #tpu.memory_space<hbm>>
        %dma_wait3A_387 = arith.constant 0 : i32
        %dma_wait3A_388 = tpu.memref_slice %arg2[%dma_wait3A_387] : memref<3200000xi32, #tpu.memory_space<hbm>> -> memref<2000xi32, #tpu.memory_space<hbm>>
        tpu.wait_dma2 semaphore(%arg42 : memref<!tpu.dma_semaphore, #tpu.memory_space<semaphore_mem>>) src(%dma_wait3A_388 : memref<2000xi32, #tpu.memory_space<hbm>>) dst(%arg29 : memref<2000xi32, #tpu.memory_space<vmem>>)
        %dma_wait3A_389 = arith.constant 0 : i32
        %dma_wait3A_390 = tpu.memref_slice %arg3[%dma_wait3A_389] : memref<3200000xi32, #tpu.memory_space<hbm>> -> memref<2000xi32, #tpu.memory_space<hbm>>
        %dma_wait3A_391 = arith.constant 0 : i32
        %dma_wait3A_392 = tpu.memref_slice %arg3[%dma_wait3A_391] : memref<3200000xi32, #tpu.memory_space<hbm>> -> memref<2000xi32, #tpu.memory_space<hbm>>
        tpu.wait_dma2 semaphore(%arg42 : memref<!tpu.dma_semaphore, #tpu.memory_space<semaphore_mem>>) src(%dma_wait3A_392 : memref<2000xi32, #tpu.memory_space<hbm>>) dst(%arg30 : memref<2000xi32, #tpu.memory_space<vmem>>)
        %dma_start3A_393 = arith.constant 0 : i32
        %dma_start3A_394 = tpu.memref_slice %arg14[%dma_start3A_393] : memref<100096xf32, #tpu.memory_space<vmem_shared>> -> memref<100096xf32, #tpu.memory_space<vmem_shared>>
        tpu.enqueue_indirect_dma source(%dma_start3A_394 : memref<100096xf32, #tpu.memory_space<vmem_shared>>) target(%arg32 : memref<2000xf32, #tpu.memory_space<vmem>>) offsets(%arg29 : memref<2000xi32, #tpu.memory_space<vmem>>) semaphore(%arg43 : memref<!tpu.dma_semaphore, #tpu.memory_space<semaphore_mem>>)
        %dma_start3A_395 = arith.constant 0 : i32
        %dma_start3A_396 = tpu.memref_slice %arg15[%dma_start3A_395] : memref<100096xf32, #tpu.memory_space<vmem_shared>> -> memref<100096xf32, #tpu.memory_space<vmem_shared>>
        tpu.enqueue_indirect_dma source(%dma_start3A_396 : memref<100096xf32, #tpu.memory_space<vmem_shared>>) target(%arg33 : memref<2000xf32, #tpu.memory_space<vmem>>) offsets(%arg29 : memref<2000xi32, #tpu.memory_space<vmem>>) semaphore(%arg43 : memref<!tpu.dma_semaphore, #tpu.memory_space<semaphore_mem>>)
        %dma_start3A_397 = arith.constant 0 : i32
        %dma_start3A_398 = tpu.memref_slice %arg16[%dma_start3A_397] : memref<100096xf32, #tpu.memory_space<vmem_shared>> -> memref<100096xf32, #tpu.memory_space<vmem_shared>>
        tpu.enqueue_indirect_dma source(%dma_start3A_398 : memref<100096xf32, #tpu.memory_space<vmem_shared>>) target(%arg34 : memref<2000xf32, #tpu.memory_space<vmem>>) offsets(%arg30 : memref<2000xi32, #tpu.memory_space<vmem>>) semaphore(%arg43 : memref<!tpu.dma_semaphore, #tpu.memory_space<semaphore_mem>>)
      } else {
      }
      %ge3A = arith.constant 2 : i32
      %ge3A_298 = arith.cmpi sge, %mul3A_291, %ge3A : i32
      %convert_element_type3A_299 = arith.extui %ge3A_298 : i1 to i32
      %cond3A_300 = arith.constant 0 : i32
      %cond3A_301 = arith.cmpi ne, %convert_element_type3A_299, %cond3A_300 : i32
      scf.if %cond3A_301 {
        %dma_wait3A_385 = arith.constant 0 : i32
        %dma_wait3A_386 = tpu.memref_slice %arg17[%dma_wait3A_385] : memref<100096xf32, #tpu.memory_space<vmem_shared>> -> memref<100096xf32, #tpu.memory_space<vmem_shared>>
        tpu.wait_indirect_dma semaphore(%arg41 : memref<!tpu.dma_semaphore, #tpu.memory_space<semaphore_mem>>) src(%arg26 : memref<2000xf32, #tpu.memory_space<vmem>>) dst(%dma_wait3A_386 : memref<100096xf32, #tpu.memory_space<vmem_shared>>)
        %dma_wait3A_387 = arith.constant 0 : i32
        %dma_wait3A_388 = tpu.memref_slice %arg18[%dma_wait3A_387] : memref<100096xf32, #tpu.memory_space<vmem_shared>> -> memref<100096xf32, #tpu.memory_space<vmem_shared>>
        tpu.wait_indirect_dma semaphore(%arg41 : memref<!tpu.dma_semaphore, #tpu.memory_space<semaphore_mem>>) src(%arg27 : memref<2000xf32, #tpu.memory_space<vmem>>) dst(%dma_wait3A_388 : memref<100096xf32, #tpu.memory_space<vmem_shared>>)
        %dma_wait3A_389 = arith.constant 0 : i32
        %dma_wait3A_390 = tpu.memref_slice %arg19[%dma_wait3A_389] : memref<100096xf32, #tpu.memory_space<vmem_shared>> -> memref<100096xf32, #tpu.memory_space<vmem_shared>>
        tpu.wait_indirect_dma semaphore(%arg41 : memref<!tpu.dma_semaphore, #tpu.memory_space<semaphore_mem>>) src(%arg28 : memref<2000xf32, #tpu.memory_space<vmem>>) dst(%dma_wait3A_390 : memref<100096xf32, #tpu.memory_space<vmem_shared>>)
      } else {
      }
      %dma_wait3A_302 = arith.constant 0 : i32
      %dma_wait3A_303 = tpu.memref_slice %arg14[%dma_wait3A_302] : memref<100096xf32, #tpu.memory_space<vmem_shared>> -> memref<100096xf32, #tpu.memory_space<vmem_shared>>
      tpu.wait_indirect_dma semaphore(%arg40 : memref<!tpu.dma_semaphore, #tpu.memory_space<semaphore_mem>>) src(%dma_wait3A_303 : memref<100096xf32, #tpu.memory_space<vmem_shared>>) dst(%arg23 : memref<2000xf32, #tpu.memory_space<vmem>>)
      %dma_wait3A_304 = arith.constant 0 : i32
      %dma_wait3A_305 = tpu.memref_slice %arg15[%dma_wait3A_304] : memref<100096xf32, #tpu.memory_space<vmem_shared>> -> memref<100096xf32, #tpu.memory_space<vmem_shared>>
      tpu.wait_indirect_dma semaphore(%arg40 : memref<!tpu.dma_semaphore, #tpu.memory_space<semaphore_mem>>) src(%dma_wait3A_305 : memref<100096xf32, #tpu.memory_space<vmem_shared>>) dst(%arg24 : memref<2000xf32, #tpu.memory_space<vmem>>)
      %dma_wait3A_306 = arith.constant 0 : i32
      %dma_wait3A_307 = tpu.memref_slice %arg16[%dma_wait3A_306] : memref<100096xf32, #tpu.memory_space<vmem_shared>> -> memref<100096xf32, #tpu.memory_space<vmem_shared>>
      tpu.wait_indirect_dma semaphore(%arg40 : memref<!tpu.dma_semaphore, #tpu.memory_space<semaphore_mem>>) src(%dma_wait3A_307 : memref<100096xf32, #tpu.memory_space<vmem_shared>>) dst(%arg25 : memref<2000xf32, #tpu.memory_space<vmem>>)
      %scan3A_308 = arith.constant 0 : i32
      %scan3A_309 = arith.constant 0 : i32
      %scan3A_310 = arith.constant 125 : i32
      %scan3A_311 = arith.addi %scan3A_309, %scan3A_310 : i32
      %scan3A_312 = arith.constant 1 : i32
      %scan3A_313 = scf.for %scan3A_385 = %scan3A_309 to %scan3A_311 step %scan3A_312 iter_args(%scan3A_386 = %scan3A_308) -> (i32)  : i32 {
        %mul3A_387 = arith.constant 16 : i32
        %mul3A_388 = arith.muli %scan3A_385, %mul3A_387 : i32
        %get3A_389 = arith.index_cast %mul3A_388 : i32 to index
        %get3A_390 = tpu.vector_load %arg21[%get3A_389] {strides = array<i32>} : memref<2000xi32, #tpu.memory_space<vmem>>, vector<16xi32>,
        %get3A_391 = vector.shape_cast %get3A_390 : vector<16xi32> to vector<16xi32>
        %swap3A = arith.index_cast %mul3A_388 : i32 to index
        %swap3A_392 = tpu.vector_load %arg22[%swap3A] {strides = array<i32>} : memref<2000xi32, #tpu.memory_space<vmem>>, vector<16xi32>,
        %swap3A_393 = vector.shape_cast %swap3A_392 : vector<16xi32> to vector<16xi32>
        %swap3A_394 = vector.shape_cast %get3A_391 : vector<16xi32> to vector<16xi32>
        tpu.vector_store %arg22[%swap3A], %swap3A_394 {strides = array<i32>} : memref<2000xi32, #tpu.memory_space<vmem>>, vector<16xi32>,
        %scan3A_395 = arith.constant 0 : i32
        scf.yield %scan3A_395 : i32
      }
      %scan3A_314 = arith.constant 125 : i32
      %add3A_315 = arith.constant 2 : i32
      %add3A_316 = arith.addi %mul3A_291, %add3A_315 : i32
      %lt3A_317 = arith.constant 50 : i32
      %lt3A_318 = arith.cmpi slt, %add3A_316, %lt3A_317 : i32
      %convert_element_type3A_319 = arith.extui %lt3A_318 : i1 to i32
      %cond3A_320 = arith.constant 0 : i32
      %cond3A_321 = arith.cmpi ne, %convert_element_type3A_319, %cond3A_320 : i32
      scf.if %cond3A_321 {
        %add3A_385 = arith.constant 2 : i32
        %add3A_386 = arith.addi %mul3A_291, %add3A_385 : i32
        %mul3A_387 = arith.constant 50 : i32
        %mul3A_388 = arith.muli %add3A_226, %mul3A_387 : i32
        %add3A_389 = arith.addi %mul3A_388, %add3A_386 : i32
        %mul3A_390 = arith.constant 2000 : i32
        %mul3A_391 = arith.muli %add3A_389, %mul3A_390 : i32
        %dma_start3A_392 = tpu.memref_slice %arg2[%mul3A_391] : memref<3200000xi32, #tpu.memory_space<hbm>> -> memref<2000xi32, #tpu.memory_space<hbm>>
        %dma_start3A_393 = tpu.memref_slice %arg2[%mul3A_391] : memref<3200000xi32, #tpu.memory_space<hbm>> -> memref<2000xi32, #tpu.memory_space<hbm>>
        tpu.enqueue_dma source(%dma_start3A_393 : memref<2000xi32, #tpu.memory_space<hbm>>) target(%arg20 : memref<2000xi32, #tpu.memory_space<vmem>>) target_semaphore(%arg39 : memref<!tpu.dma_semaphore, #tpu.memory_space<semaphore_mem>>)
        %dma_start3A_394 = tpu.memref_slice %arg3[%mul3A_391] : memref<3200000xi32, #tpu.memory_space<hbm>> -> memref<2000xi32, #tpu.memory_space<hbm>>
        %dma_start3A_395 = tpu.memref_slice %arg3[%mul3A_391] : memref<3200000xi32, #tpu.memory_space<hbm>> -> memref<2000xi32, #tpu.memory_space<hbm>>
        tpu.enqueue_dma source(%dma_start3A_395 : memref<2000xi32, #tpu.memory_space<hbm>>) target(%arg21 : memref<2000xi32, #tpu.memory_space<vmem>>) target_semaphore(%arg39 : memref<!tpu.dma_semaphore, #tpu.memory_space<semaphore_mem>>)
      } else {
      }
      %scan3A_322 = arith.constant 0 : i32
      %scan3A_323 = arith.constant 0 : i32
      %scan3A_324 = arith.constant 125 : i32
      %scan3A_325 = arith.addi %scan3A_323, %scan3A_324 : i32
      %scan3A_326 = arith.constant 1 : i32
      %scan3A_327 = scf.for %scan3A_385 = %scan3A_323 to %scan3A_325 step %scan3A_326 iter_args(%scan3A_386 = %scan3A_322) -> (i32)  : i32 {
        %mul3A_387 = arith.constant 16 : i32
        %mul3A_388 = arith.muli %scan3A_385, %mul3A_387 : i32
        %get3A_389 = arith.index_cast %mul3A_388 : i32 to index
        %get3A_390 = tpu.vector_load %arg23[%get3A_389] {strides = array<i32>} : memref<2000xf32, #tpu.memory_space<vmem>>, vector<16xf32>,
        %get3A_391 = vector.shape_cast %get3A_390 : vector<16xf32> to vector<16xf32>
        %get3A_392 = arith.index_cast %mul3A_388 : i32 to index
        %get3A_393 = tpu.vector_load %arg24[%get3A_392] {strides = array<i32>} : memref<2000xf32, #tpu.memory_space<vmem>>, vector<16xf32>,
        %get3A_394 = vector.shape_cast %get3A_393 : vector<16xf32> to vector<16xf32>
        %mul3A_395 = arith.mulf %get3A_391, %gather3A_213 : vector<16xf32>
        %mul3A_396 = arith.mulf %get3A_394, %gather3A_223 : vector<16xf32>
        %add3A_397 = arith.addf %mul3A_395, %mul3A_396 : vector<16xf32>
        %get3A_398 = arith.index_cast %mul3A_388 : i32 to index
        %get3A_399 = tpu.vector_load %arg25[%get3A_398] {strides = array<i32>} : memref<2000xf32, #tpu.memory_space<vmem>>, vector<16xf32>,
        %get3A_400 = vector.shape_cast %get3A_399 : vector<16xf32> to vector<16xf32>
        %add3A_401 = arith.addf %add3A_397, %get3A_400 : vector<16xf32>
        %gt3A = arith.constant 0.000000e+00 : f32
        %gt3A_402 = vector.broadcast %gt3A : f32 to vector<16xf32>
        %gt3A_403 = arith.cmpf ogt, %add3A_401, %gt3A_402 : vector<16xf32>
        %mul3A_404 = arith.constant 0.00999999977 : f32
        %mul3A_405 = vector.broadcast %mul3A_404 : f32 to vector<16xf32>
        %mul3A_406 = arith.mulf %add3A_401, %mul3A_405 : vector<16xf32>
        %select_n3A = arith.select %gt3A_403, %add3A_401, %mul3A_406 : vector<16xi1>, vector<16xf32>
        %exp3A = math.exp %select_n3A : vector<16xf32>
        %swap3A = arith.index_cast %mul3A_388 : i32 to index
        %swap3A_407 = tpu.vector_load %arg26[%swap3A] {strides = array<i32>} : memref<2000xf32, #tpu.memory_space<vmem>>, vector<16xf32>,
        %swap3A_408 = vector.shape_cast %swap3A_407 : vector<16xf32> to vector<16xf32>
        %swap3A_409 = vector.shape_cast %exp3A : vector<16xf32> to vector<16xf32>
        tpu.vector_store %arg26[%swap3A], %swap3A_409 {strides = array<i32>} : memref<2000xf32, #tpu.memory_space<vmem>>, vector<16xf32>,
        %mul3A_410 = arith.mulf %exp3A, %get3A_391 : vector<16xf32>
        %swap3A_411 = arith.index_cast %mul3A_388 : i32 to index
        %swap3A_412 = tpu.vector_load %arg27[%swap3A_411] {strides = array<i32>} : memref<2000xf32, #tpu.memory_space<vmem>>, vector<16xf32>,
        %swap3A_413 = vector.shape_cast %swap3A_412 : vector<16xf32> to vector<16xf32>
        %swap3A_414 = vector.shape_cast %mul3A_410 : vector<16xf32> to vector<16xf32>
        tpu.vector_store %arg27[%swap3A_411], %swap3A_414 {strides = array<i32>} : memref<2000xf32, #tpu.memory_space<vmem>>, vector<16xf32>,
        %mul3A_415 = arith.mulf %exp3A, %get3A_394 : vector<16xf32>
        %swap3A_416 = arith.index_cast %mul3A_388 : i32 to index
        %swap3A_417 = tpu.vector_load %arg28[%swap3A_416] {strides = array<i32>} : memref<2000xf32, #tpu.memory_space<vmem>>, vector<16xf32>,
        %swap3A_418 = vector.shape_cast %swap3A_417 : vector<16xf32> to vector<16xf32>
        %swap3A_419 = vector.shape_cast %mul3A_415 : vector<16xf32> to vector<16xf32>
        tpu.vector_store %arg28[%swap3A_416], %swap3A_419 {strides = array<i32>} : memref<2000xf32, #tpu.memory_space<vmem>>, vector<16xf32>,
        %scan3A_420 = arith.constant 0 : i32
        scf.yield %scan3A_420 : i32
      }
      %scan3A_328 = arith.constant 125 : i32
      %dma_start3A_329 = arith.constant 0 : i32
      %dma_start3A_330 = tpu.memref_slice %arg17[%dma_start3A_329] : memref<100096xf32, #tpu.memory_space<vmem_shared>> -> memref<100096xf32, #tpu.memory_space<vmem_shared>>
      tpu.enqueue_indirect_dma source(%arg26 : memref<2000xf32, #tpu.memory_space<vmem>>) target(%dma_start3A_330 : memref<100096xf32, #tpu.memory_space<vmem_shared>>) offsets(%arg22 : memref<2000xi32, #tpu.memory_space<vmem>>) semaphore(%arg41 : memref<!tpu.dma_semaphore, #tpu.memory_space<semaphore_mem>>) {add = true}
      %dma_start3A_331 = arith.constant 0 : i32
      %dma_start3A_332 = tpu.memref_slice %arg18[%dma_start3A_331] : memref<100096xf32, #tpu.memory_space<vmem_shared>> -> memref<100096xf32, #tpu.memory_space<vmem_shared>>
      tpu.enqueue_indirect_dma source(%arg27 : memref<2000xf32, #tpu.memory_space<vmem>>) target(%dma_start3A_332 : memref<100096xf32, #tpu.memory_space<vmem_shared>>) offsets(%arg22 : memref<2000xi32, #tpu.memory_space<vmem>>) semaphore(%arg41 : memref<!tpu.dma_semaphore, #tpu.memory_space<semaphore_mem>>) {add = true}
      %dma_start3A_333 = arith.constant 0 : i32
      %dma_start3A_334 = tpu.memref_slice %arg19[%dma_start3A_333] : memref<100096xf32, #tpu.memory_space<vmem_shared>> -> memref<100096xf32, #tpu.memory_space<vmem_shared>>
      tpu.enqueue_indirect_dma source(%arg28 : memref<2000xf32, #tpu.memory_space<vmem>>) target(%dma_start3A_334 : memref<100096xf32, #tpu.memory_space<vmem_shared>>) offsets(%arg22 : memref<2000xi32, #tpu.memory_space<vmem>>) semaphore(%arg41 : memref<!tpu.dma_semaphore, #tpu.memory_space<semaphore_mem>>) {add = true}
      %mul3A_335 = arith.constant 2 : i32
      %mul3A_336 = arith.muli %mul3A_335, %scan3A_288 : i32
      %add3A_337 = arith.constant 1 : i32
      %add3A_338 = arith.addi %mul3A_336, %add3A_337 : i32
      %add3A_339 = arith.constant 1 : i32
      %add3A_340 = arith.addi %add3A_338, %add3A_339 : i32
      %lt3A_341 = arith.constant 50 : i32
      %lt3A_342 = arith.cmpi slt, %add3A_340, %lt3A_341 : i32
      %convert_element_type3A_343 = arith.extui %lt3A_342 : i1 to i32
      %cond3A_344 = arith.constant 0 : i32
      %cond3A_345 = arith.cmpi ne, %convert_element_type3A_343, %cond3A_344 : i32
      scf.if %cond3A_345 {
        %dma_wait3A_385 = arith.constant 0 : i32
        %dma_wait3A_386 = tpu.memref_slice %arg2[%dma_wait3A_385] : memref<3200000xi32, #tpu.memory_space<hbm>> -> memref<2000xi32, #tpu.memory_space<hbm>>
        %dma_wait3A_387 = arith.constant 0 : i32
        %dma_wait3A_388 = tpu.memref_slice %arg2[%dma_wait3A_387] : memref<3200000xi32, #tpu.memory_space<hbm>> -> memref<2000xi32, #tpu.memory_space<hbm>>
        tpu.wait_dma2 semaphore(%arg39 : memref<!tpu.dma_semaphore, #tpu.memory_space<semaphore_mem>>) src(%dma_wait3A_388 : memref<2000xi32, #tpu.memory_space<hbm>>) dst(%arg20 : memref<2000xi32, #tpu.memory_space<vmem>>)
        %dma_wait3A_389 = arith.constant 0 : i32
        %dma_wait3A_390 = tpu.memref_slice %arg3[%dma_wait3A_389] : memref<3200000xi32, #tpu.memory_space<hbm>> -> memref<2000xi32, #tpu.memory_space<hbm>>
        %dma_wait3A_391 = arith.constant 0 : i32
        %dma_wait3A_392 = tpu.memref_slice %arg3[%dma_wait3A_391] : memref<3200000xi32, #tpu.memory_space<hbm>> -> memref<2000xi32, #tpu.memory_space<hbm>>
        tpu.wait_dma2 semaphore(%arg39 : memref<!tpu.dma_semaphore, #tpu.memory_space<semaphore_mem>>) src(%dma_wait3A_392 : memref<2000xi32, #tpu.memory_space<hbm>>) dst(%arg21 : memref<2000xi32, #tpu.memory_space<vmem>>)
        %dma_start3A_393 = arith.constant 0 : i32
        %dma_start3A_394 = tpu.memref_slice %arg14[%dma_start3A_393] : memref<100096xf32, #tpu.memory_space<vmem_shared>> -> memref<100096xf32, #tpu.memory_space<vmem_shared>>
        tpu.enqueue_indirect_dma source(%dma_start3A_394 : memref<100096xf32, #tpu.memory_space<vmem_shared>>) target(%arg23 : memref<2000xf32, #tpu.memory_space<vmem>>) offsets(%arg20 : memref<2000xi32, #tpu.memory_space<vmem>>) semaphore(%arg40 : memref<!tpu.dma_semaphore, #tpu.memory_space<semaphore_mem>>)
        %dma_start3A_395 = arith.constant 0 : i32
        %dma_start3A_396 = tpu.memref_slice %arg15[%dma_start3A_395] : memref<100096xf32, #tpu.memory_space<vmem_shared>> -> memref<100096xf32, #tpu.memory_space<vmem_shared>>
        tpu.enqueue_indirect_dma source(%dma_start3A_396 : memref<100096xf32, #tpu.memory_space<vmem_shared>>) target(%arg24 : memref<2000xf32, #tpu.memory_space<vmem>>) offsets(%arg20 : memref<2000xi32, #tpu.memory_space<vmem>>) semaphore(%arg40 : memref<!tpu.dma_semaphore, #tpu.memory_space<semaphore_mem>>)
        %dma_start3A_397 = arith.constant 0 : i32
        %dma_start3A_398 = tpu.memref_slice %arg16[%dma_start3A_397] : memref<100096xf32, #tpu.memory_space<vmem_shared>> -> memref<100096xf32, #tpu.memory_space<vmem_shared>>
        tpu.enqueue_indirect_dma source(%dma_start3A_398 : memref<100096xf32, #tpu.memory_space<vmem_shared>>) target(%arg25 : memref<2000xf32, #tpu.memory_space<vmem>>) offsets(%arg21 : memref<2000xi32, #tpu.memory_space<vmem>>) semaphore(%arg40 : memref<!tpu.dma_semaphore, #tpu.memory_space<semaphore_mem>>)
      } else {
      }
      %ge3A_346 = arith.constant 2 : i32
      %ge3A_347 = arith.cmpi sge, %add3A_338, %ge3A_346 : i32
      %convert_element_type3A_348 = arith.extui %ge3A_347 : i1 to i32
      %cond3A_349 = arith.constant 0 : i32
      %cond3A_350 = arith.cmpi ne, %convert_element_type3A_348, %cond3A_349 : i32
      scf.if %cond3A_350 {
        %dma_wait3A_385 = arith.constant 0 : i32
        %dma_wait3A_386 = tpu.memref_slice %arg17[%dma_wait3A_385] : memref<100096xf32, #tpu.memory_space<vmem_shared>> -> memref<100096xf32, #tpu.memory_space<vmem_shared>>
        tpu.wait_indirect_dma semaphore(%arg44 : memref<!tpu.dma_semaphore, #tpu.memory_space<semaphore_mem>>) src(%arg35 : memref<2000xf32, #tpu.memory_space<vmem>>) dst(%dma_wait3A_386 : memref<100096xf32, #tpu.memory_space<vmem_shared>>)
        %dma_wait3A_387 = arith.constant 0 : i32
        %dma_wait3A_388 = tpu.memref_slice %arg18[%dma_wait3A_387] : memref<100096xf32, #tpu.memory_space<vmem_shared>> -> memref<100096xf32, #tpu.memory_space<vmem_shared>>
        tpu.wait_indirect_dma semaphore(%arg44 : memref<!tpu.dma_semaphore, #tpu.memory_space<semaphore_mem>>) src(%arg36 : memref<2000xf32, #tpu.memory_space<vmem>>) dst(%dma_wait3A_388 : memref<100096xf32, #tpu.memory_space<vmem_shared>>)
        %dma_wait3A_389 = arith.constant 0 : i32
        %dma_wait3A_390 = tpu.memref_slice %arg19[%dma_wait3A_389] : memref<100096xf32, #tpu.memory_space<vmem_shared>> -> memref<100096xf32, #tpu.memory_space<vmem_shared>>
        tpu.wait_indirect_dma semaphore(%arg44 : memref<!tpu.dma_semaphore, #tpu.memory_space<semaphore_mem>>) src(%arg37 : memref<2000xf32, #tpu.memory_space<vmem>>) dst(%dma_wait3A_390 : memref<100096xf32, #tpu.memory_space<vmem_shared>>)
      } else {
      }
      %dma_wait3A_351 = arith.constant 0 : i32
      %dma_wait3A_352 = tpu.memref_slice %arg14[%dma_wait3A_351] : memref<100096xf32, #tpu.memory_space<vmem_shared>> -> memref<100096xf32, #tpu.memory_space<vmem_shared>>
      tpu.wait_indirect_dma semaphore(%arg43 : memref<!tpu.dma_semaphore, #tpu.memory_space<semaphore_mem>>) src(%dma_wait3A_352 : memref<100096xf32, #tpu.memory_space<vmem_shared>>) dst(%arg32 : memref<2000xf32, #tpu.memory_space<vmem>>)
      %dma_wait3A_353 = arith.constant 0 : i32
      %dma_wait3A_354 = tpu.memref_slice %arg15[%dma_wait3A_353] : memref<100096xf32, #tpu.memory_space<vmem_shared>> -> memref<100096xf32, #tpu.memory_space<vmem_shared>>
      tpu.wait_indirect_dma semaphore(%arg43 : memref<!tpu.dma_semaphore, #tpu.memory_space<semaphore_mem>>) src(%dma_wait3A_354 : memref<100096xf32, #tpu.memory_space<vmem_shared>>) dst(%arg33 : memref<2000xf32, #tpu.memory_space<vmem>>)
      %dma_wait3A_355 = arith.constant 0 : i32
      %dma_wait3A_356 = tpu.memref_slice %arg16[%dma_wait3A_355] : memref<100096xf32, #tpu.memory_space<vmem_shared>> -> memref<100096xf32, #tpu.memory_space<vmem_shared>>
      tpu.wait_indirect_dma semaphore(%arg43 : memref<!tpu.dma_semaphore, #tpu.memory_space<semaphore_mem>>) src(%dma_wait3A_356 : memref<100096xf32, #tpu.memory_space<vmem_shared>>) dst(%arg34 : memref<2000xf32, #tpu.memory_space<vmem>>)
      %scan3A_357 = arith.constant 0 : i32
      %scan3A_358 = arith.constant 0 : i32
      %scan3A_359 = arith.constant 125 : i32
      %scan3A_360 = arith.addi %scan3A_358, %scan3A_359 : i32
      %scan3A_361 = arith.constant 1 : i32
      %scan3A_362 = scf.for %scan3A_385 = %scan3A_358 to %scan3A_360 step %scan3A_361 iter_args(%scan3A_386 = %scan3A_357) -> (i32)  : i32 {
        %mul3A_387 = arith.constant 16 : i32
        %mul3A_388 = arith.muli %scan3A_385, %mul3A_387 : i32
        %get3A_389 = arith.index_cast %mul3A_388 : i32 to index
        %get3A_390 = tpu.vector_load %arg30[%get3A_389] {strides = array<i32>} : memref<2000xi32, #tpu.memory_space<vmem>>, vector<16xi32>,
        %get3A_391 = vector.shape_cast %get3A_390 : vector<16xi32> to vector<16xi32>
        %swap3A = arith.index_cast %mul3A_388 : i32 to index
        %swap3A_392 = tpu.vector_load %arg31[%swap3A] {strides = array<i32>} : memref<2000xi32, #tpu.memory_space<vmem>>, vector<16xi32>,
        %swap3A_393 = vector.shape_cast %swap3A_392 : vector<16xi32> to vector<16xi32>
        %swap3A_394 = vector.shape_cast %get3A_391 : vector<16xi32> to vector<16xi32>
        tpu.vector_store %arg31[%swap3A], %swap3A_394 {strides = array<i32>} : memref<2000xi32, #tpu.memory_space<vmem>>, vector<16xi32>,
        %scan3A_395 = arith.constant 0 : i32
        scf.yield %scan3A_395 : i32
      }
      %scan3A_363 = arith.constant 125 : i32
      %add3A_364 = arith.constant 2 : i32
      %add3A_365 = arith.addi %add3A_338, %add3A_364 : i32
      %lt3A_366 = arith.constant 50 : i32
      %lt3A_367 = arith.cmpi slt, %add3A_365, %lt3A_366 : i32
      %convert_element_type3A_368 = arith.extui %lt3A_367 : i1 to i32
      %cond3A_369 = arith.constant 0 : i32
      %cond3A_370 = arith.cmpi ne, %convert_element_type3A_368, %cond3A_369 : i32
      scf.if %cond3A_370 {
        %add3A_385 = arith.constant 2 : i32
        %add3A_386 = arith.addi %add3A_338, %add3A_385 : i32
        %mul3A_387 = arith.constant 50 : i32
        %mul3A_388 = arith.muli %add3A_226, %mul3A_387 : i32
        %add3A_389 = arith.addi %mul3A_388, %add3A_386 : i32
        %mul3A_390 = arith.constant 2000 : i32
        %mul3A_391 = arith.muli %add3A_389, %mul3A_390 : i32
        %dma_start3A_392 = tpu.memref_slice %arg2[%mul3A_391] : memref<3200000xi32, #tpu.memory_space<hbm>> -> memref<2000xi32, #tpu.memory_space<hbm>>
        %dma_start3A_393 = tpu.memref_slice %arg2[%mul3A_391] : memref<3200000xi32, #tpu.memory_space<hbm>> -> memref<2000xi32, #tpu.memory_space<hbm>>
        tpu.enqueue_dma source(%dma_start3A_393 : memref<2000xi32, #tpu.memory_space<hbm>>) target(%arg29 : memref<2000xi32, #tpu.memory_space<vmem>>) target_semaphore(%arg42 : memref<!tpu.dma_semaphore, #tpu.memory_space<semaphore_mem>>)
        %dma_start3A_394 = tpu.memref_slice %arg3[%mul3A_391] : memref<3200000xi32, #tpu.memory_space<hbm>> -> memref<2000xi32, #tpu.memory_space<hbm>>
        %dma_start3A_395 = tpu.memref_slice %arg3[%mul3A_391] : memref<3200000xi32, #tpu.memory_space<hbm>> -> memref<2000xi32, #tpu.memory_space<hbm>>
        tpu.enqueue_dma source(%dma_start3A_395 : memref<2000xi32, #tpu.memory_space<hbm>>) target(%arg30 : memref<2000xi32, #tpu.memory_space<vmem>>) target_semaphore(%arg42 : memref<!tpu.dma_semaphore, #tpu.memory_space<semaphore_mem>>)
      } else {
      }
      %scan3A_371 = arith.constant 0 : i32
      %scan3A_372 = arith.constant 0 : i32
      %scan3A_373 = arith.constant 125 : i32
      %scan3A_374 = arith.addi %scan3A_372, %scan3A_373 : i32
      %scan3A_375 = arith.constant 1 : i32
      %scan3A_376 = scf.for %scan3A_385 = %scan3A_372 to %scan3A_374 step %scan3A_375 iter_args(%scan3A_386 = %scan3A_371) -> (i32)  : i32 {
        %mul3A_387 = arith.constant 16 : i32
        %mul3A_388 = arith.muli %scan3A_385, %mul3A_387 : i32
        %get3A_389 = arith.index_cast %mul3A_388 : i32 to index
        %get3A_390 = tpu.vector_load %arg32[%get3A_389] {strides = array<i32>} : memref<2000xf32, #tpu.memory_space<vmem>>, vector<16xf32>,
        %get3A_391 = vector.shape_cast %get3A_390 : vector<16xf32> to vector<16xf32>
        %get3A_392 = arith.index_cast %mul3A_388 : i32 to index
        %get3A_393 = tpu.vector_load %arg33[%get3A_392] {strides = array<i32>} : memref<2000xf32, #tpu.memory_space<vmem>>, vector<16xf32>,
        %get3A_394 = vector.shape_cast %get3A_393 : vector<16xf32> to vector<16xf32>
        %mul3A_395 = arith.mulf %get3A_391, %gather3A_213 : vector<16xf32>
        %mul3A_396 = arith.mulf %get3A_394, %gather3A_223 : vector<16xf32>
        %add3A_397 = arith.addf %mul3A_395, %mul3A_396 : vector<16xf32>
        %get3A_398 = arith.index_cast %mul3A_388 : i32 to index
        %get3A_399 = tpu.vector_load %arg34[%get3A_398] {strides = array<i32>} : memref<2000xf32, #tpu.memory_space<vmem>>, vector<16xf32>,
        %get3A_400 = vector.shape_cast %get3A_399 : vector<16xf32> to vector<16xf32>
        %add3A_401 = arith.addf %add3A_397, %get3A_400 : vector<16xf32>
        %gt3A = arith.constant 0.000000e+00 : f32
        %gt3A_402 = vector.broadcast %gt3A : f32 to vector<16xf32>
        %gt3A_403 = arith.cmpf ogt, %add3A_401, %gt3A_402 : vector<16xf32>
        %mul3A_404 = arith.constant 0.00999999977 : f32
        %mul3A_405 = vector.broadcast %mul3A_404 : f32 to vector<16xf32>
        %mul3A_406 = arith.mulf %add3A_401, %mul3A_405 : vector<16xf32>
        %select_n3A = arith.select %gt3A_403, %add3A_401, %mul3A_406 : vector<16xi1>, vector<16xf32>
        %exp3A = math.exp %select_n3A : vector<16xf32>
        %swap3A = arith.index_cast %mul3A_388 : i32 to index
        %swap3A_407 = tpu.vector_load %arg35[%swap3A] {strides = array<i32>} : memref<2000xf32, #tpu.memory_space<vmem>>, vector<16xf32>,
        %swap3A_408 = vector.shape_cast %swap3A_407 : vector<16xf32> to vector<16xf32>
        %swap3A_409 = vector.shape_cast %exp3A : vector<16xf32> to vector<16xf32>
        tpu.vector_store %arg35[%swap3A], %swap3A_409 {strides = array<i32>} : memref<2000xf32, #tpu.memory_space<vmem>>, vector<16xf32>,
        %mul3A_410 = arith.mulf %exp3A, %get3A_391 : vector<16xf32>
        %swap3A_411 = arith.index_cast %mul3A_388 : i32 to index
        %swap3A_412 = tpu.vector_load %arg36[%swap3A_411] {strides = array<i32>} : memref<2000xf32, #tpu.memory_space<vmem>>, vector<16xf32>,
        %swap3A_413 = vector.shape_cast %swap3A_412 : vector<16xf32> to vector<16xf32>
        %swap3A_414 = vector.shape_cast %mul3A_410 : vector<16xf32> to vector<16xf32>
        tpu.vector_store %arg36[%swap3A_411], %swap3A_414 {strides = array<i32>} : memref<2000xf32, #tpu.memory_space<vmem>>, vector<16xf32>,
        %mul3A_415 = arith.mulf %exp3A, %get3A_394 : vector<16xf32>
        %swap3A_416 = arith.index_cast %mul3A_388 : i32 to index
        %swap3A_417 = tpu.vector_load %arg37[%swap3A_416] {strides = array<i32>} : memref<2000xf32, #tpu.memory_space<vmem>>, vector<16xf32>,
        %swap3A_418 = vector.shape_cast %swap3A_417 : vector<16xf32> to vector<16xf32>
        %swap3A_419 = vector.shape_cast %mul3A_415 : vector<16xf32> to vector<16xf32>
        tpu.vector_store %arg37[%swap3A_416], %swap3A_419 {strides = array<i32>} : memref<2000xf32, #tpu.memory_space<vmem>>, vector<16xf32>,
        %scan3A_420 = arith.constant 0 : i32
        scf.yield %scan3A_420 : i32
      }
      %scan3A_377 = arith.constant 125 : i32
      %dma_start3A_378 = arith.constant 0 : i32
      %dma_start3A_379 = tpu.memref_slice %arg17[%dma_start3A_378] : memref<100096xf32, #tpu.memory_space<vmem_shared>> -> memref<100096xf32, #tpu.memory_space<vmem_shared>>
      tpu.enqueue_indirect_dma source(%arg35 : memref<2000xf32, #tpu.memory_space<vmem>>) target(%dma_start3A_379 : memref<100096xf32, #tpu.memory_space<vmem_shared>>) offsets(%arg31 : memref<2000xi32, #tpu.memory_space<vmem>>) semaphore(%arg44 : memref<!tpu.dma_semaphore, #tpu.memory_space<semaphore_mem>>) {add = true}
      %dma_start3A_380 = arith.constant 0 : i32
      %dma_start3A_381 = tpu.memref_slice %arg18[%dma_start3A_380] : memref<100096xf32, #tpu.memory_space<vmem_shared>> -> memref<100096xf32, #tpu.memory_space<vmem_shared>>
      tpu.enqueue_indirect_dma source(%arg36 : memref<2000xf32, #tpu.memory_space<vmem>>) target(%dma_start3A_381 : memref<100096xf32, #tpu.memory_space<vmem_shared>>) offsets(%arg31 : memref<2000xi32, #tpu.memory_space<vmem>>) semaphore(%arg44 : memref<!tpu.dma_semaphore, #tpu.memory_space<semaphore_mem>>) {add = true}
      %dma_start3A_382 = arith.constant 0 : i32
      %dma_start3A_383 = tpu.memref_slice %arg19[%dma_start3A_382] : memref<100096xf32, #tpu.memory_space<vmem_shared>> -> memref<100096xf32, #tpu.memory_space<vmem_shared>>
      tpu.enqueue_indirect_dma source(%arg37 : memref<2000xf32, #tpu.memory_space<vmem>>) target(%dma_start3A_383 : memref<100096xf32, #tpu.memory_space<vmem_shared>>) offsets(%arg31 : memref<2000xi32, #tpu.memory_space<vmem>>) semaphore(%arg44 : memref<!tpu.dma_semaphore, #tpu.memory_space<semaphore_mem>>) {add = true}
      %scan3A_384 = arith.constant 0 : i32
      scf.yield %scan3A_384 : i32
    }
    %scan3A_267 = arith.constant 25 : i32
    %dma_wait3A_268 = arith.constant 0 : i32
    %dma_wait3A_269 = tpu.memref_slice %arg17[%dma_wait3A_268] : memref<100096xf32, #tpu.memory_space<vmem_shared>> -> memref<100096xf32, #tpu.memory_space<vmem_shared>>
    tpu.wait_indirect_dma semaphore(%arg41 : memref<!tpu.dma_semaphore, #tpu.memory_space<semaphore_mem>>) src(%arg26 : memref<2000xf32, #tpu.memory_space<vmem>>) dst(%dma_wait3A_269 : memref<100096xf32, #tpu.memory_space<vmem_shared>>)
    %dma_wait3A_270 = arith.constant 0 : i32
    %dma_wait3A_271 = tpu.memref_slice %arg18[%dma_wait3A_270] : memref<100096xf32, #tpu.memory_space<vmem_shared>> -> memref<100096xf32, #tpu.memory_space<vmem_shared>>
    tpu.wait_indirect_dma semaphore(%arg41 : memref<!tpu.dma_semaphore, #tpu.memory_space<semaphore_mem>>) src(%arg27 : memref<2000xf32, #tpu.memory_space<vmem>>) dst(%dma_wait3A_271 : memref<100096xf32, #tpu.memory_space<vmem_shared>>)
    %dma_wait3A_272 = arith.constant 0 : i32
    %dma_wait3A_273 = tpu.memref_slice %arg19[%dma_wait3A_272] : memref<100096xf32, #tpu.memory_space<vmem_shared>> -> memref<100096xf32, #tpu.memory_space<vmem_shared>>
    tpu.wait_indirect_dma semaphore(%arg41 : memref<!tpu.dma_semaphore, #tpu.memory_space<semaphore_mem>>) src(%arg28 : memref<2000xf32, #tpu.memory_space<vmem>>) dst(%dma_wait3A_273 : memref<100096xf32, #tpu.memory_space<vmem_shared>>)
    %dma_wait3A_274 = arith.constant 0 : i32
    %dma_wait3A_275 = tpu.memref_slice %arg17[%dma_wait3A_274] : memref<100096xf32, #tpu.memory_space<vmem_shared>> -> memref<100096xf32, #tpu.memory_space<vmem_shared>>
    tpu.wait_indirect_dma semaphore(%arg44 : memref<!tpu.dma_semaphore, #tpu.memory_space<semaphore_mem>>) src(%arg35 : memref<2000xf32, #tpu.memory_space<vmem>>) dst(%dma_wait3A_275 : memref<100096xf32, #tpu.memory_space<vmem_shared>>)
    %dma_wait3A_276 = arith.constant 0 : i32
    %dma_wait3A_277 = tpu.memref_slice %arg18[%dma_wait3A_276] : memref<100096xf32, #tpu.memory_space<vmem_shared>> -> memref<100096xf32, #tpu.memory_space<vmem_shared>>
    tpu.wait_indirect_dma semaphore(%arg44 : memref<!tpu.dma_semaphore, #tpu.memory_space<semaphore_mem>>) src(%arg36 : memref<2000xf32, #tpu.memory_space<vmem>>) dst(%dma_wait3A_277 : memref<100096xf32, #tpu.memory_space<vmem_shared>>)
    %dma_wait3A_278 = arith.constant 0 : i32
    %dma_wait3A_279 = tpu.memref_slice %arg19[%dma_wait3A_278] : memref<100096xf32, #tpu.memory_space<vmem_shared>> -> memref<100096xf32, #tpu.memory_space<vmem_shared>>
    tpu.wait_indirect_dma semaphore(%arg44 : memref<!tpu.dma_semaphore, #tpu.memory_space<semaphore_mem>>) src(%arg37 : memref<2000xf32, #tpu.memory_space<vmem>>) dst(%dma_wait3A_279 : memref<100096xf32, #tpu.memory_space<vmem_shared>>)
    %barrier3A_280 = arith.constant 0 : index
    tpu.barrier barrier_id(%barrier3A_280)
    %eq3A = arith.constant 0 : i32
    %eq3A_281 = arith.cmpi eq, %arg0, %eq3A : i32
    %convert_element_type3A = arith.extui %eq3A_281 : i1 to i32
    %cond3A = arith.constant 0 : i32
    %cond3A_282 = arith.cmpi ne, %convert_element_type3A, %cond3A : i32
    scf.if %cond3A_282 {
      %dma_start3A_288 = tpu.memref_slice %arg8[%mul3A_6] : memref<100096xf32, #tpu.memory_space<hbm>> -> memref<6256xf32, #tpu.memory_space<hbm>>
      %dma_start3A_289 = tpu.memref_slice %arg17[%mul3A_6] : memref<100096xf32, #tpu.memory_space<vmem_shared>> -> memref<6256xf32, #tpu.memory_space<vmem_shared>>
      tpu.enqueue_dma source(%dma_start3A_289 : memref<6256xf32, #tpu.memory_space<vmem_shared>>) target(%dma_start3A_288 : memref<6256xf32, #tpu.memory_space<hbm>>) target_semaphore(%arg40 : memref<!tpu.dma_semaphore, #tpu.memory_space<semaphore_mem>>)
      %dma_start3A_290 = tpu.memref_slice %arg9[%mul3A_6] : memref<100096xf32, #tpu.memory_space<hbm>> -> memref<6256xf32, #tpu.memory_space<hbm>>
      %dma_start3A_291 = tpu.memref_slice %arg18[%mul3A_6] : memref<100096xf32, #tpu.memory_space<vmem_shared>> -> memref<6256xf32, #tpu.memory_space<vmem_shared>>
      tpu.enqueue_dma source(%dma_start3A_291 : memref<6256xf32, #tpu.memory_space<vmem_shared>>) target(%dma_start3A_290 : memref<6256xf32, #tpu.memory_space<hbm>>) target_semaphore(%arg40 : memref<!tpu.dma_semaphore, #tpu.memory_space<semaphore_mem>>)
      %dma_start3A_292 = tpu.memref_slice %arg10[%mul3A_6] : memref<100096xf32, #tpu.memory_space<hbm>> -> memref<6256xf32, #tpu.memory_space<hbm>>
      %dma_start3A_293 = tpu.memref_slice %arg19[%mul3A_6] : memref<100096xf32, #tpu.memory_space<vmem_shared>> -> memref<6256xf32, #tpu.memory_space<vmem_shared>>
      tpu.enqueue_dma source(%dma_start3A_293 : memref<6256xf32, #tpu.memory_space<vmem_shared>>) target(%dma_start3A_292 : memref<6256xf32, #tpu.memory_space<hbm>>) target_semaphore(%arg40 : memref<!tpu.dma_semaphore, #tpu.memory_space<semaphore_mem>>)
      %dma_wait3A_294 = tpu.memref_slice %arg8[%mul3A_6] : memref<100096xf32, #tpu.memory_space<hbm>> -> memref<6256xf32, #tpu.memory_space<hbm>>
      %dma_wait3A_295 = tpu.memref_slice %arg17[%mul3A_6] : memref<100096xf32, #tpu.memory_space<vmem_shared>> -> memref<6256xf32, #tpu.memory_space<vmem_shared>>
      tpu.wait_dma2 semaphore(%arg40 : memref<!tpu.dma_semaphore, #tpu.memory_space<semaphore_mem>>) src(%dma_wait3A_295 : memref<6256xf32, #tpu.memory_space<vmem_shared>>) dst(%dma_wait3A_294 : memref<6256xf32, #tpu.memory_space<hbm>>)
      %dma_wait3A_296 = tpu.memref_slice %arg9[%mul3A_6] : memref<100096xf32, #tpu.memory_space<hbm>> -> memref<6256xf32, #tpu.memory_space<hbm>>
      %dma_wait3A_297 = tpu.memref_slice %arg18[%mul3A_6] : memref<100096xf32, #tpu.memory_space<vmem_shared>> -> memref<6256xf32, #tpu.memory_space<vmem_shared>>
      tpu.wait_dma2 semaphore(%arg40 : memref<!tpu.dma_semaphore, #tpu.memory_space<semaphore_mem>>) src(%dma_wait3A_297 : memref<6256xf32, #tpu.memory_space<vmem_shared>>) dst(%dma_wait3A_296 : memref<6256xf32, #tpu.memory_space<hbm>>)
      %dma_wait3A_298 = tpu.memref_slice %arg10[%mul3A_6] : memref<100096xf32, #tpu.memory_space<hbm>> -> memref<6256xf32, #tpu.memory_space<hbm>>
      %dma_wait3A_299 = tpu.memref_slice %arg19[%mul3A_6] : memref<100096xf32, #tpu.memory_space<vmem_shared>> -> memref<6256xf32, #tpu.memory_space<vmem_shared>>
      tpu.wait_dma2 semaphore(%arg40 : memref<!tpu.dma_semaphore, #tpu.memory_space<semaphore_mem>>) src(%dma_wait3A_299 : memref<6256xf32, #tpu.memory_space<vmem_shared>>) dst(%dma_wait3A_298 : memref<6256xf32, #tpu.memory_space<hbm>>)
    } else {
    }
    %eq3A_283 = arith.constant 1 : i32
    %eq3A_284 = arith.cmpi eq, %arg0, %eq3A_283 : i32
    %convert_element_type3A_285 = arith.extui %eq3A_284 : i1 to i32
    %cond3A_286 = arith.constant 0 : i32
    %cond3A_287 = arith.cmpi ne, %convert_element_type3A_285, %cond3A_286 : i32
    scf.if %cond3A_287 {
      %dma_start3A_288 = tpu.memref_slice %arg11[%mul3A_6] : memref<100096xf32, #tpu.memory_space<hbm>> -> memref<6256xf32, #tpu.memory_space<hbm>>
      %dma_start3A_289 = tpu.memref_slice %arg17[%mul3A_6] : memref<100096xf32, #tpu.memory_space<vmem_shared>> -> memref<6256xf32, #tpu.memory_space<vmem_shared>>
      tpu.enqueue_dma source(%dma_start3A_289 : memref<6256xf32, #tpu.memory_space<vmem_shared>>) target(%dma_start3A_288 : memref<6256xf32, #tpu.memory_space<hbm>>) target_semaphore(%arg40 : memref<!tpu.dma_semaphore, #tpu.memory_space<semaphore_mem>>)
      %dma_start3A_290 = tpu.memref_slice %arg12[%mul3A_6] : memref<100096xf32, #tpu.memory_space<hbm>> -> memref<6256xf32, #tpu.memory_space<hbm>>
      %dma_start3A_291 = tpu.memref_slice %arg18[%mul3A_6] : memref<100096xf32, #tpu.memory_space<vmem_shared>> -> memref<6256xf32, #tpu.memory_space<vmem_shared>>
      tpu.enqueue_dma source(%dma_start3A_291 : memref<6256xf32, #tpu.memory_space<vmem_shared>>) target(%dma_start3A_290 : memref<6256xf32, #tpu.memory_space<hbm>>) target_semaphore(%arg40 : memref<!tpu.dma_semaphore, #tpu.memory_space<semaphore_mem>>)
      %dma_start3A_292 = tpu.memref_slice %arg13[%mul3A_6] : memref<100096xf32, #tpu.memory_space<hbm>> -> memref<6256xf32, #tpu.memory_space<hbm>>
      %dma_start3A_293 = tpu.memref_slice %arg19[%mul3A_6] : memref<100096xf32, #tpu.memory_space<vmem_shared>> -> memref<6256xf32, #tpu.memory_space<vmem_shared>>
      tpu.enqueue_dma source(%dma_start3A_293 : memref<6256xf32, #tpu.memory_space<vmem_shared>>) target(%dma_start3A_292 : memref<6256xf32, #tpu.memory_space<hbm>>) target_semaphore(%arg40 : memref<!tpu.dma_semaphore, #tpu.memory_space<semaphore_mem>>)
      %dma_wait3A_294 = tpu.memref_slice %arg11[%mul3A_6] : memref<100096xf32, #tpu.memory_space<hbm>> -> memref<6256xf32, #tpu.memory_space<hbm>>
      %dma_wait3A_295 = tpu.memref_slice %arg17[%mul3A_6] : memref<100096xf32, #tpu.memory_space<vmem_shared>> -> memref<6256xf32, #tpu.memory_space<vmem_shared>>
      tpu.wait_dma2 semaphore(%arg40 : memref<!tpu.dma_semaphore, #tpu.memory_space<semaphore_mem>>) src(%dma_wait3A_295 : memref<6256xf32, #tpu.memory_space<vmem_shared>>) dst(%dma_wait3A_294 : memref<6256xf32, #tpu.memory_space<hbm>>)
      %dma_wait3A_296 = tpu.memref_slice %arg12[%mul3A_6] : memref<100096xf32, #tpu.memory_space<hbm>> -> memref<6256xf32, #tpu.memory_space<hbm>>
      %dma_wait3A_297 = tpu.memref_slice %arg18[%mul3A_6] : memref<100096xf32, #tpu.memory_space<vmem_shared>> -> memref<6256xf32, #tpu.memory_space<vmem_shared>>
      tpu.wait_dma2 semaphore(%arg40 : memref<!tpu.dma_semaphore, #tpu.memory_space<semaphore_mem>>) src(%dma_wait3A_297 : memref<6256xf32, #tpu.memory_space<vmem_shared>>) dst(%dma_wait3A_296 : memref<6256xf32, #tpu.memory_space<hbm>>)
      %dma_wait3A_298 = tpu.memref_slice %arg13[%mul3A_6] : memref<100096xf32, #tpu.memory_space<hbm>> -> memref<6256xf32, #tpu.memory_space<hbm>>
      %dma_wait3A_299 = tpu.memref_slice %arg19[%mul3A_6] : memref<100096xf32, #tpu.memory_space<vmem_shared>> -> memref<6256xf32, #tpu.memory_space<vmem_shared>>
      tpu.wait_dma2 semaphore(%arg40 : memref<!tpu.dma_semaphore, #tpu.memory_space<semaphore_mem>>) src(%dma_wait3A_299 : memref<6256xf32, #tpu.memory_space<vmem_shared>>) dst(%dma_wait3A_298 : memref<6256xf32, #tpu.memory_space<hbm>>)
    } else {
    }
    return
  }
}

module attributes {stable_mosaic.version = 14 : i64} {
  func.func @_tck2_body(%arg0: memref<16x2xf32, #tpu.memory_space<vmem>>, %arg1: memref<16x2xf32, #tpu.memory_space<vmem>>, %arg2: memref<2x32xf32, #tpu.memory_space<vmem>>, %arg3: memref<1x4xf32, #tpu.memory_space<vmem>>, %arg4: memref<782x128xf32, #tpu.memory_space<vmem>>, %arg5: memref<782x128xf32, #tpu.memory_space<vmem>>, %arg6: memref<782x128xf32, #tpu.memory_space<vmem>>, %arg7: memref<782x128xf32, #tpu.memory_space<vmem>>, %arg8: memref<782x128xf32, #tpu.memory_space<vmem>>, %arg9: memref<782x128xf32, #tpu.memory_space<vmem>>, %arg10: memref<782x128xf32, #tpu.memory_space<vmem>>, %arg11: memref<782x128xf32, #tpu.memory_space<vmem>>, %arg12: memref<782x128xf32, #tpu.memory_space<vmem>>, %arg13: memref<782x128xf32, #tpu.memory_space<vmem>>, %arg14: memref<782x128xf32, #tpu.memory_space<vmem>>, %arg15: memref<782x128xf32, #tpu.memory_space<vmem>>, %arg16: memref<782x128xf32, #tpu.memory_space<vmem>>, %arg17: memref<782x128xf32, #tpu.memory_space<vmem>>, %arg18: memref<782x128xf32, #tpu.memory_space<vmem>>) attributes {dimension_semantics = [], scalar_prefetch = 0 : i64, scratch_operands = 0 : i64, tpu.core_type = #tpu.core_type<tc>} {
    %get3A = arith.constant 0 : index
    %get3A_0 = arith.constant 0 : index
    %get3A_1 = vector.load %arg4[%get3A, %get3A_0] : memref<782x128xf32, #tpu.memory_space<vmem>>, vector<782x128xf32>
    %get3A_2 = arith.constant 0 : index
    %get3A_3 = arith.constant 0 : index
    %get3A_4 = vector.load %arg10[%get3A_2, %get3A_3] : memref<782x128xf32, #tpu.memory_space<vmem>>, vector<782x128xf32>
    %add3A = arith.addf %get3A_1, %get3A_4 : vector<782x128xf32>
    %get3A_5 = arith.constant 0 : index
    %get3A_6 = arith.constant 0 : index
    %get3A_7 = vector.load %arg7[%get3A_5, %get3A_6] : memref<782x128xf32, #tpu.memory_space<vmem>>, vector<782x128xf32>
    %get3A_8 = arith.constant 0 : index
    %get3A_9 = arith.constant 0 : index
    %get3A_10 = vector.load %arg13[%get3A_8, %get3A_9] : memref<782x128xf32, #tpu.memory_space<vmem>>, vector<782x128xf32>
    %add3A_11 = arith.addf %get3A_7, %get3A_10 : vector<782x128xf32>
    %gt3A = arith.constant 0.000000e+00 : f32
    %gt3A_12 = vector.broadcast %gt3A : f32 to vector<782x128xf32>
    %gt3A_13 = arith.cmpf ogt, %add3A, %gt3A_12 : vector<782x128xf32>
    %jit3A = arith.constant 1.000000e+00 : f32
    %broadcast_in_dim3A = vector.broadcast %jit3A : f32 to vector<782x128xf32>
    %select_n3A = arith.select %gt3A_13, %add3A, %broadcast_in_dim3A : vector<782x128xi1>, vector<782x128xf32>
    %div3A = arith.constant 1.000000e+00 : f32
    %div3A_14 = vector.broadcast %div3A : f32 to vector<782x128xf32>
    %div3A_15 = arith.divf %div3A_14, %select_n3A : vector<782x128xf32>
    %gt3A_16 = arith.constant 0.000000e+00 : f32
    %gt3A_17 = vector.broadcast %gt3A_16 : f32 to vector<782x128xf32>
    %gt3A_18 = arith.cmpf ogt, %add3A_11, %gt3A_17 : vector<782x128xf32>
    %jit3A_19 = arith.constant 1.000000e+00 : f32
    %broadcast_in_dim3A_20 = vector.broadcast %jit3A_19 : f32 to vector<782x128xf32>
    %select_n3A_21 = arith.select %gt3A_18, %add3A_11, %broadcast_in_dim3A_20 : vector<782x128xi1>, vector<782x128xf32>
    %div3A_22 = arith.constant 1.000000e+00 : f32
    %div3A_23 = vector.broadcast %div3A_22 : f32 to vector<782x128xf32>
    %div3A_24 = arith.divf %div3A_23, %select_n3A_21 : vector<782x128xf32>
    %get3A_25 = arith.constant 0 : index
    %get3A_26 = arith.constant 0 : index
    %get3A_27 = vector.load %arg5[%get3A_25, %get3A_26] : memref<782x128xf32, #tpu.memory_space<vmem>>, vector<782x128xf32>
    %get3A_28 = arith.constant 0 : index
    %get3A_29 = arith.constant 0 : index
    %get3A_30 = vector.load %arg11[%get3A_28, %get3A_29] : memref<782x128xf32, #tpu.memory_space<vmem>>, vector<782x128xf32>
    %add3A_31 = arith.addf %get3A_27, %get3A_30 : vector<782x128xf32>
    %get3A_32 = arith.constant 0 : index
    %get3A_33 = arith.constant 0 : index
    %get3A_34 = vector.load %arg6[%get3A_32, %get3A_33] : memref<782x128xf32, #tpu.memory_space<vmem>>, vector<782x128xf32>
    %get3A_35 = arith.constant 0 : index
    %get3A_36 = arith.constant 0 : index
    %get3A_37 = vector.load %arg12[%get3A_35, %get3A_36] : memref<782x128xf32, #tpu.memory_space<vmem>>, vector<782x128xf32>
    %add3A_38 = arith.addf %get3A_34, %get3A_37 : vector<782x128xf32>
    %get3A_39 = arith.constant 0 : index
    %get3A_40 = arith.constant 0 : index
    %get3A_41 = vector.load %arg8[%get3A_39, %get3A_40] : memref<782x128xf32, #tpu.memory_space<vmem>>, vector<782x128xf32>
    %get3A_42 = arith.constant 0 : index
    %get3A_43 = arith.constant 0 : index
    %get3A_44 = vector.load %arg14[%get3A_42, %get3A_43] : memref<782x128xf32, #tpu.memory_space<vmem>>, vector<782x128xf32>
    %add3A_45 = arith.addf %get3A_41, %get3A_44 : vector<782x128xf32>
    %get3A_46 = arith.constant 0 : index
    %get3A_47 = arith.constant 0 : index
    %get3A_48 = vector.load %arg9[%get3A_46, %get3A_47] : memref<782x128xf32, #tpu.memory_space<vmem>>, vector<782x128xf32>
    %get3A_49 = arith.constant 0 : index
    %get3A_50 = arith.constant 0 : index
    %get3A_51 = vector.load %arg15[%get3A_49, %get3A_50] : memref<782x128xf32, #tpu.memory_space<vmem>>, vector<782x128xf32>
    %add3A_52 = arith.addf %get3A_48, %get3A_51 : vector<782x128xf32>
    %broadcast_in_dim3A_53 = arith.constant 0.000000e+00 : f32
    %broadcast_in_dim3A_54 = vector.broadcast %broadcast_in_dim3A_53 : f32 to vector<782x128xf32>
    %broadcast_in_dim3A_55 = arith.constant 0.000000e+00 : f32
    %broadcast_in_dim3A_56 = vector.broadcast %broadcast_in_dim3A_55 : f32 to vector<782x128xf32>
    %get3A_57 = arith.constant 0 : index
    %get3A_58 = arith.constant 0 : index
    %get3A_59 = vector.load %arg0[%get3A_57, %get3A_58] : memref<16x2xf32, #tpu.memory_space<vmem>>, vector<1x1xf32>
    %get3A_60 = vector.extract %get3A_59[0, 0] : f32 from vector<1x1xf32>
    %mul3A = vector.broadcast %get3A_60 : f32 to vector<782x128xf32>
    %mul3A_61 = arith.mulf %add3A_31, %mul3A : vector<782x128xf32>
    %get3A_62 = arith.constant 0 : index
    %get3A_63 = arith.constant 1 : index
    %get3A_64 = vector.load %arg0[%get3A_62, %get3A_63] : memref<16x2xf32, #tpu.memory_space<vmem>>, vector<1x1xf32>
    %get3A_65 = vector.extract %get3A_64[0, 0] : f32 from vector<1x1xf32>
    %mul3A_66 = vector.broadcast %get3A_65 : f32 to vector<782x128xf32>
    %mul3A_67 = arith.mulf %add3A_38, %mul3A_66 : vector<782x128xf32>
    %add3A_68 = arith.addf %mul3A_61, %mul3A_67 : vector<782x128xf32>
    %mul3A_69 = arith.mulf %add3A_68, %div3A_15 : vector<782x128xf32>
    %gt3A_70 = arith.constant 0.000000e+00 : f32
    %gt3A_71 = vector.broadcast %gt3A_70 : f32 to vector<782x128xf32>
    %gt3A_72 = arith.cmpf ogt, %mul3A_69, %gt3A_71 : vector<782x128xf32>
    %exp3A = math.exp %mul3A_69 : vector<782x128xf32>
    %sub3A = arith.constant 1.000000e+00 : f32
    %sub3A_73 = vector.broadcast %sub3A : f32 to vector<782x128xf32>
    %sub3A_74 = arith.subf %exp3A, %sub3A_73 : vector<782x128xf32>
    %select_n3A_75 = arith.select %gt3A_72, %mul3A_69, %sub3A_74 : vector<782x128xi1>, vector<782x128xf32>
    %get3A_76 = arith.constant 0 : index
    %get3A_77 = arith.constant 0 : index
    %get3A_78 = vector.load %arg2[%get3A_76, %get3A_77] : memref<2x32xf32, #tpu.memory_space<vmem>>, vector<1x1xf32>
    %get3A_79 = vector.extract %get3A_78[0, 0] : f32 from vector<1x1xf32>
    %mul3A_80 = vector.broadcast %get3A_79 : f32 to vector<782x128xf32>
    %mul3A_81 = arith.mulf %mul3A_80, %select_n3A_75 : vector<782x128xf32>
    %add3A_82 = arith.addf %broadcast_in_dim3A_54, %mul3A_81 : vector<782x128xf32>
    %get3A_83 = arith.constant 1 : index
    %get3A_84 = arith.constant 0 : index
    %get3A_85 = vector.load %arg2[%get3A_83, %get3A_84] : memref<2x32xf32, #tpu.memory_space<vmem>>, vector<1x1xf32>
    %get3A_86 = vector.extract %get3A_85[0, 0] : f32 from vector<1x1xf32>
    %mul3A_87 = vector.broadcast %get3A_86 : f32 to vector<782x128xf32>
    %mul3A_88 = arith.mulf %mul3A_87, %select_n3A_75 : vector<782x128xf32>
    %add3A_89 = arith.addf %broadcast_in_dim3A_56, %mul3A_88 : vector<782x128xf32>
    %get3A_90 = arith.constant 1 : index
    %get3A_91 = arith.constant 0 : index
    %get3A_92 = vector.load %arg0[%get3A_90, %get3A_91] : memref<16x2xf32, #tpu.memory_space<vmem>>, vector<1x1xf32>
    %get3A_93 = vector.extract %get3A_92[0, 0] : f32 from vector<1x1xf32>
    %mul3A_94 = vector.broadcast %get3A_93 : f32 to vector<782x128xf32>
    %mul3A_95 = arith.mulf %add3A_31, %mul3A_94 : vector<782x128xf32>
    %get3A_96 = arith.constant 1 : index
    %get3A_97 = arith.constant 1 : index
    %get3A_98 = vector.load %arg0[%get3A_96, %get3A_97] : memref<16x2xf32, #tpu.memory_space<vmem>>, vector<1x1xf32>
    %get3A_99 = vector.extract %get3A_98[0, 0] : f32 from vector<1x1xf32>
    %mul3A_100 = vector.broadcast %get3A_99 : f32 to vector<782x128xf32>
    %mul3A_101 = arith.mulf %add3A_38, %mul3A_100 : vector<782x128xf32>
    %add3A_102 = arith.addf %mul3A_95, %mul3A_101 : vector<782x128xf32>
    %mul3A_103 = arith.mulf %add3A_102, %div3A_15 : vector<782x128xf32>
    %gt3A_104 = arith.constant 0.000000e+00 : f32
    %gt3A_105 = vector.broadcast %gt3A_104 : f32 to vector<782x128xf32>
    %gt3A_106 = arith.cmpf ogt, %mul3A_103, %gt3A_105 : vector<782x128xf32>
    %exp3A_107 = math.exp %mul3A_103 : vector<782x128xf32>
    %sub3A_108 = arith.constant 1.000000e+00 : f32
    %sub3A_109 = vector.broadcast %sub3A_108 : f32 to vector<782x128xf32>
    %sub3A_110 = arith.subf %exp3A_107, %sub3A_109 : vector<782x128xf32>
    %select_n3A_111 = arith.select %gt3A_106, %mul3A_103, %sub3A_110 : vector<782x128xi1>, vector<782x128xf32>
    %get3A_112 = arith.constant 0 : index
    %get3A_113 = arith.constant 1 : index
    %get3A_114 = vector.load %arg2[%get3A_112, %get3A_113] : memref<2x32xf32, #tpu.memory_space<vmem>>, vector<1x1xf32>
    %get3A_115 = vector.extract %get3A_114[0, 0] : f32 from vector<1x1xf32>
    %mul3A_116 = vector.broadcast %get3A_115 : f32 to vector<782x128xf32>
    %mul3A_117 = arith.mulf %mul3A_116, %select_n3A_111 : vector<782x128xf32>
    %add3A_118 = arith.addf %add3A_82, %mul3A_117 : vector<782x128xf32>
    %get3A_119 = arith.constant 1 : index
    %get3A_120 = arith.constant 1 : index
    %get3A_121 = vector.load %arg2[%get3A_119, %get3A_120] : memref<2x32xf32, #tpu.memory_space<vmem>>, vector<1x1xf32>
    %get3A_122 = vector.extract %get3A_121[0, 0] : f32 from vector<1x1xf32>
    %mul3A_123 = vector.broadcast %get3A_122 : f32 to vector<782x128xf32>
    %mul3A_124 = arith.mulf %mul3A_123, %select_n3A_111 : vector<782x128xf32>
    %add3A_125 = arith.addf %add3A_89, %mul3A_124 : vector<782x128xf32>
    %get3A_126 = arith.constant 2 : index
    %get3A_127 = arith.constant 0 : index
    %get3A_128 = vector.load %arg0[%get3A_126, %get3A_127] : memref<16x2xf32, #tpu.memory_space<vmem>>, vector<1x1xf32>
    %get3A_129 = vector.extract %get3A_128[0, 0] : f32 from vector<1x1xf32>
    %mul3A_130 = vector.broadcast %get3A_129 : f32 to vector<782x128xf32>
    %mul3A_131 = arith.mulf %add3A_31, %mul3A_130 : vector<782x128xf32>
    %get3A_132 = arith.constant 2 : index
    %get3A_133 = arith.constant 1 : index
    %get3A_134 = vector.load %arg0[%get3A_132, %get3A_133] : memref<16x2xf32, #tpu.memory_space<vmem>>, vector<1x1xf32>
    %get3A_135 = vector.extract %get3A_134[0, 0] : f32 from vector<1x1xf32>
    %mul3A_136 = vector.broadcast %get3A_135 : f32 to vector<782x128xf32>
    %mul3A_137 = arith.mulf %add3A_38, %mul3A_136 : vector<782x128xf32>
    %add3A_138 = arith.addf %mul3A_131, %mul3A_137 : vector<782x128xf32>
    %mul3A_139 = arith.mulf %add3A_138, %div3A_15 : vector<782x128xf32>
    %gt3A_140 = arith.constant 0.000000e+00 : f32
    %gt3A_141 = vector.broadcast %gt3A_140 : f32 to vector<782x128xf32>
    %gt3A_142 = arith.cmpf ogt, %mul3A_139, %gt3A_141 : vector<782x128xf32>
    %exp3A_143 = math.exp %mul3A_139 : vector<782x128xf32>
    %sub3A_144 = arith.constant 1.000000e+00 : f32
    %sub3A_145 = vector.broadcast %sub3A_144 : f32 to vector<782x128xf32>
    %sub3A_146 = arith.subf %exp3A_143, %sub3A_145 : vector<782x128xf32>
    %select_n3A_147 = arith.select %gt3A_142, %mul3A_139, %sub3A_146 : vector<782x128xi1>, vector<782x128xf32>
    %get3A_148 = arith.constant 0 : index
    %get3A_149 = arith.constant 2 : index
    %get3A_150 = vector.load %arg2[%get3A_148, %get3A_149] : memref<2x32xf32, #tpu.memory_space<vmem>>, vector<1x1xf32>
    %get3A_151 = vector.extract %get3A_150[0, 0] : f32 from vector<1x1xf32>
    %mul3A_152 = vector.broadcast %get3A_151 : f32 to vector<782x128xf32>
    %mul3A_153 = arith.mulf %mul3A_152, %select_n3A_147 : vector<782x128xf32>
    %add3A_154 = arith.addf %add3A_118, %mul3A_153 : vector<782x128xf32>
    %get3A_155 = arith.constant 1 : index
    %get3A_156 = arith.constant 2 : index
    %get3A_157 = vector.load %arg2[%get3A_155, %get3A_156] : memref<2x32xf32, #tpu.memory_space<vmem>>, vector<1x1xf32>
    %get3A_158 = vector.extract %get3A_157[0, 0] : f32 from vector<1x1xf32>
    %mul3A_159 = vector.broadcast %get3A_158 : f32 to vector<782x128xf32>
    %mul3A_160 = arith.mulf %mul3A_159, %select_n3A_147 : vector<782x128xf32>
    %add3A_161 = arith.addf %add3A_125, %mul3A_160 : vector<782x128xf32>
    %get3A_162 = arith.constant 3 : index
    %get3A_163 = arith.constant 0 : index
    %get3A_164 = vector.load %arg0[%get3A_162, %get3A_163] : memref<16x2xf32, #tpu.memory_space<vmem>>, vector<1x1xf32>
    %get3A_165 = vector.extract %get3A_164[0, 0] : f32 from vector<1x1xf32>
    %mul3A_166 = vector.broadcast %get3A_165 : f32 to vector<782x128xf32>
    %mul3A_167 = arith.mulf %add3A_31, %mul3A_166 : vector<782x128xf32>
    %get3A_168 = arith.constant 3 : index
    %get3A_169 = arith.constant 1 : index
    %get3A_170 = vector.load %arg0[%get3A_168, %get3A_169] : memref<16x2xf32, #tpu.memory_space<vmem>>, vector<1x1xf32>
    %get3A_171 = vector.extract %get3A_170[0, 0] : f32 from vector<1x1xf32>
    %mul3A_172 = vector.broadcast %get3A_171 : f32 to vector<782x128xf32>
    %mul3A_173 = arith.mulf %add3A_38, %mul3A_172 : vector<782x128xf32>
    %add3A_174 = arith.addf %mul3A_167, %mul3A_173 : vector<782x128xf32>
    %mul3A_175 = arith.mulf %add3A_174, %div3A_15 : vector<782x128xf32>
    %gt3A_176 = arith.constant 0.000000e+00 : f32
    %gt3A_177 = vector.broadcast %gt3A_176 : f32 to vector<782x128xf32>
    %gt3A_178 = arith.cmpf ogt, %mul3A_175, %gt3A_177 : vector<782x128xf32>
    %exp3A_179 = math.exp %mul3A_175 : vector<782x128xf32>
    %sub3A_180 = arith.constant 1.000000e+00 : f32
    %sub3A_181 = vector.broadcast %sub3A_180 : f32 to vector<782x128xf32>
    %sub3A_182 = arith.subf %exp3A_179, %sub3A_181 : vector<782x128xf32>
    %select_n3A_183 = arith.select %gt3A_178, %mul3A_175, %sub3A_182 : vector<782x128xi1>, vector<782x128xf32>
    %get3A_184 = arith.constant 0 : index
    %get3A_185 = arith.constant 3 : index
    %get3A_186 = vector.load %arg2[%get3A_184, %get3A_185] : memref<2x32xf32, #tpu.memory_space<vmem>>, vector<1x1xf32>
    %get3A_187 = vector.extract %get3A_186[0, 0] : f32 from vector<1x1xf32>
    %mul3A_188 = vector.broadcast %get3A_187 : f32 to vector<782x128xf32>
    %mul3A_189 = arith.mulf %mul3A_188, %select_n3A_183 : vector<782x128xf32>
    %add3A_190 = arith.addf %add3A_154, %mul3A_189 : vector<782x128xf32>
    %get3A_191 = arith.constant 1 : index
    %get3A_192 = arith.constant 3 : index
    %get3A_193 = vector.load %arg2[%get3A_191, %get3A_192] : memref<2x32xf32, #tpu.memory_space<vmem>>, vector<1x1xf32>
    %get3A_194 = vector.extract %get3A_193[0, 0] : f32 from vector<1x1xf32>
    %mul3A_195 = vector.broadcast %get3A_194 : f32 to vector<782x128xf32>
    %mul3A_196 = arith.mulf %mul3A_195, %select_n3A_183 : vector<782x128xf32>
    %add3A_197 = arith.addf %add3A_161, %mul3A_196 : vector<782x128xf32>
    %get3A_198 = arith.constant 4 : index
    %get3A_199 = arith.constant 0 : index
    %get3A_200 = vector.load %arg0[%get3A_198, %get3A_199] : memref<16x2xf32, #tpu.memory_space<vmem>>, vector<1x1xf32>
    %get3A_201 = vector.extract %get3A_200[0, 0] : f32 from vector<1x1xf32>
    %mul3A_202 = vector.broadcast %get3A_201 : f32 to vector<782x128xf32>
    %mul3A_203 = arith.mulf %add3A_31, %mul3A_202 : vector<782x128xf32>
    %get3A_204 = arith.constant 4 : index
    %get3A_205 = arith.constant 1 : index
    %get3A_206 = vector.load %arg0[%get3A_204, %get3A_205] : memref<16x2xf32, #tpu.memory_space<vmem>>, vector<1x1xf32>
    %get3A_207 = vector.extract %get3A_206[0, 0] : f32 from vector<1x1xf32>
    %mul3A_208 = vector.broadcast %get3A_207 : f32 to vector<782x128xf32>
    %mul3A_209 = arith.mulf %add3A_38, %mul3A_208 : vector<782x128xf32>
    %add3A_210 = arith.addf %mul3A_203, %mul3A_209 : vector<782x128xf32>
    %mul3A_211 = arith.mulf %add3A_210, %div3A_15 : vector<782x128xf32>
    %gt3A_212 = arith.constant 0.000000e+00 : f32
    %gt3A_213 = vector.broadcast %gt3A_212 : f32 to vector<782x128xf32>
    %gt3A_214 = arith.cmpf ogt, %mul3A_211, %gt3A_213 : vector<782x128xf32>
    %exp3A_215 = math.exp %mul3A_211 : vector<782x128xf32>
    %sub3A_216 = arith.constant 1.000000e+00 : f32
    %sub3A_217 = vector.broadcast %sub3A_216 : f32 to vector<782x128xf32>
    %sub3A_218 = arith.subf %exp3A_215, %sub3A_217 : vector<782x128xf32>
    %select_n3A_219 = arith.select %gt3A_214, %mul3A_211, %sub3A_218 : vector<782x128xi1>, vector<782x128xf32>
    %get3A_220 = arith.constant 0 : index
    %get3A_221 = arith.constant 4 : index
    %get3A_222 = vector.load %arg2[%get3A_220, %get3A_221] : memref<2x32xf32, #tpu.memory_space<vmem>>, vector<1x1xf32>
    %get3A_223 = vector.extract %get3A_222[0, 0] : f32 from vector<1x1xf32>
    %mul3A_224 = vector.broadcast %get3A_223 : f32 to vector<782x128xf32>
    %mul3A_225 = arith.mulf %mul3A_224, %select_n3A_219 : vector<782x128xf32>
    %add3A_226 = arith.addf %add3A_190, %mul3A_225 : vector<782x128xf32>
    %get3A_227 = arith.constant 1 : index
    %get3A_228 = arith.constant 4 : index
    %get3A_229 = vector.load %arg2[%get3A_227, %get3A_228] : memref<2x32xf32, #tpu.memory_space<vmem>>, vector<1x1xf32>
    %get3A_230 = vector.extract %get3A_229[0, 0] : f32 from vector<1x1xf32>
    %mul3A_231 = vector.broadcast %get3A_230 : f32 to vector<782x128xf32>
    %mul3A_232 = arith.mulf %mul3A_231, %select_n3A_219 : vector<782x128xf32>
    %add3A_233 = arith.addf %add3A_197, %mul3A_232 : vector<782x128xf32>
    %get3A_234 = arith.constant 5 : index
    %get3A_235 = arith.constant 0 : index
    %get3A_236 = vector.load %arg0[%get3A_234, %get3A_235] : memref<16x2xf32, #tpu.memory_space<vmem>>, vector<1x1xf32>
    %get3A_237 = vector.extract %get3A_236[0, 0] : f32 from vector<1x1xf32>
    %mul3A_238 = vector.broadcast %get3A_237 : f32 to vector<782x128xf32>
    %mul3A_239 = arith.mulf %add3A_31, %mul3A_238 : vector<782x128xf32>
    %get3A_240 = arith.constant 5 : index
    %get3A_241 = arith.constant 1 : index
    %get3A_242 = vector.load %arg0[%get3A_240, %get3A_241] : memref<16x2xf32, #tpu.memory_space<vmem>>, vector<1x1xf32>
    %get3A_243 = vector.extract %get3A_242[0, 0] : f32 from vector<1x1xf32>
    %mul3A_244 = vector.broadcast %get3A_243 : f32 to vector<782x128xf32>
    %mul3A_245 = arith.mulf %add3A_38, %mul3A_244 : vector<782x128xf32>
    %add3A_246 = arith.addf %mul3A_239, %mul3A_245 : vector<782x128xf32>
    %mul3A_247 = arith.mulf %add3A_246, %div3A_15 : vector<782x128xf32>
    %gt3A_248 = arith.constant 0.000000e+00 : f32
    %gt3A_249 = vector.broadcast %gt3A_248 : f32 to vector<782x128xf32>
    %gt3A_250 = arith.cmpf ogt, %mul3A_247, %gt3A_249 : vector<782x128xf32>
    %exp3A_251 = math.exp %mul3A_247 : vector<782x128xf32>
    %sub3A_252 = arith.constant 1.000000e+00 : f32
    %sub3A_253 = vector.broadcast %sub3A_252 : f32 to vector<782x128xf32>
    %sub3A_254 = arith.subf %exp3A_251, %sub3A_253 : vector<782x128xf32>
    %select_n3A_255 = arith.select %gt3A_250, %mul3A_247, %sub3A_254 : vector<782x128xi1>, vector<782x128xf32>
    %get3A_256 = arith.constant 0 : index
    %get3A_257 = arith.constant 5 : index
    %get3A_258 = vector.load %arg2[%get3A_256, %get3A_257] : memref<2x32xf32, #tpu.memory_space<vmem>>, vector<1x1xf32>
    %get3A_259 = vector.extract %get3A_258[0, 0] : f32 from vector<1x1xf32>
    %mul3A_260 = vector.broadcast %get3A_259 : f32 to vector<782x128xf32>
    %mul3A_261 = arith.mulf %mul3A_260, %select_n3A_255 : vector<782x128xf32>
    %add3A_262 = arith.addf %add3A_226, %mul3A_261 : vector<782x128xf32>
    %get3A_263 = arith.constant 1 : index
    %get3A_264 = arith.constant 5 : index
    %get3A_265 = vector.load %arg2[%get3A_263, %get3A_264] : memref<2x32xf32, #tpu.memory_space<vmem>>, vector<1x1xf32>
    %get3A_266 = vector.extract %get3A_265[0, 0] : f32 from vector<1x1xf32>
    %mul3A_267 = vector.broadcast %get3A_266 : f32 to vector<782x128xf32>
    %mul3A_268 = arith.mulf %mul3A_267, %select_n3A_255 : vector<782x128xf32>
    %add3A_269 = arith.addf %add3A_233, %mul3A_268 : vector<782x128xf32>
    %get3A_270 = arith.constant 6 : index
    %get3A_271 = arith.constant 0 : index
    %get3A_272 = vector.load %arg0[%get3A_270, %get3A_271] : memref<16x2xf32, #tpu.memory_space<vmem>>, vector<1x1xf32>
    %get3A_273 = vector.extract %get3A_272[0, 0] : f32 from vector<1x1xf32>
    %mul3A_274 = vector.broadcast %get3A_273 : f32 to vector<782x128xf32>
    %mul3A_275 = arith.mulf %add3A_31, %mul3A_274 : vector<782x128xf32>
    %get3A_276 = arith.constant 6 : index
    %get3A_277 = arith.constant 1 : index
    %get3A_278 = vector.load %arg0[%get3A_276, %get3A_277] : memref<16x2xf32, #tpu.memory_space<vmem>>, vector<1x1xf32>
    %get3A_279 = vector.extract %get3A_278[0, 0] : f32 from vector<1x1xf32>
    %mul3A_280 = vector.broadcast %get3A_279 : f32 to vector<782x128xf32>
    %mul3A_281 = arith.mulf %add3A_38, %mul3A_280 : vector<782x128xf32>
    %add3A_282 = arith.addf %mul3A_275, %mul3A_281 : vector<782x128xf32>
    %mul3A_283 = arith.mulf %add3A_282, %div3A_15 : vector<782x128xf32>
    %gt3A_284 = arith.constant 0.000000e+00 : f32
    %gt3A_285 = vector.broadcast %gt3A_284 : f32 to vector<782x128xf32>
    %gt3A_286 = arith.cmpf ogt, %mul3A_283, %gt3A_285 : vector<782x128xf32>
    %exp3A_287 = math.exp %mul3A_283 : vector<782x128xf32>
    %sub3A_288 = arith.constant 1.000000e+00 : f32
    %sub3A_289 = vector.broadcast %sub3A_288 : f32 to vector<782x128xf32>
    %sub3A_290 = arith.subf %exp3A_287, %sub3A_289 : vector<782x128xf32>
    %select_n3A_291 = arith.select %gt3A_286, %mul3A_283, %sub3A_290 : vector<782x128xi1>, vector<782x128xf32>
    %get3A_292 = arith.constant 0 : index
    %get3A_293 = arith.constant 6 : index
    %get3A_294 = vector.load %arg2[%get3A_292, %get3A_293] : memref<2x32xf32, #tpu.memory_space<vmem>>, vector<1x1xf32>
    %get3A_295 = vector.extract %get3A_294[0, 0] : f32 from vector<1x1xf32>
    %mul3A_296 = vector.broadcast %get3A_295 : f32 to vector<782x128xf32>
    %mul3A_297 = arith.mulf %mul3A_296, %select_n3A_291 : vector<782x128xf32>
    %add3A_298 = arith.addf %add3A_262, %mul3A_297 : vector<782x128xf32>
    %get3A_299 = arith.constant 1 : index
    %get3A_300 = arith.constant 6 : index
    %get3A_301 = vector.load %arg2[%get3A_299, %get3A_300] : memref<2x32xf32, #tpu.memory_space<vmem>>, vector<1x1xf32>
    %get3A_302 = vector.extract %get3A_301[0, 0] : f32 from vector<1x1xf32>
    %mul3A_303 = vector.broadcast %get3A_302 : f32 to vector<782x128xf32>
    %mul3A_304 = arith.mulf %mul3A_303, %select_n3A_291 : vector<782x128xf32>
    %add3A_305 = arith.addf %add3A_269, %mul3A_304 : vector<782x128xf32>
    %get3A_306 = arith.constant 7 : index
    %get3A_307 = arith.constant 0 : index
    %get3A_308 = vector.load %arg0[%get3A_306, %get3A_307] : memref<16x2xf32, #tpu.memory_space<vmem>>, vector<1x1xf32>
    %get3A_309 = vector.extract %get3A_308[0, 0] : f32 from vector<1x1xf32>
    %mul3A_310 = vector.broadcast %get3A_309 : f32 to vector<782x128xf32>
    %mul3A_311 = arith.mulf %add3A_31, %mul3A_310 : vector<782x128xf32>
    %get3A_312 = arith.constant 7 : index
    %get3A_313 = arith.constant 1 : index
    %get3A_314 = vector.load %arg0[%get3A_312, %get3A_313] : memref<16x2xf32, #tpu.memory_space<vmem>>, vector<1x1xf32>
    %get3A_315 = vector.extract %get3A_314[0, 0] : f32 from vector<1x1xf32>
    %mul3A_316 = vector.broadcast %get3A_315 : f32 to vector<782x128xf32>
    %mul3A_317 = arith.mulf %add3A_38, %mul3A_316 : vector<782x128xf32>
    %add3A_318 = arith.addf %mul3A_311, %mul3A_317 : vector<782x128xf32>
    %mul3A_319 = arith.mulf %add3A_318, %div3A_15 : vector<782x128xf32>
    %gt3A_320 = arith.constant 0.000000e+00 : f32
    %gt3A_321 = vector.broadcast %gt3A_320 : f32 to vector<782x128xf32>
    %gt3A_322 = arith.cmpf ogt, %mul3A_319, %gt3A_321 : vector<782x128xf32>
    %exp3A_323 = math.exp %mul3A_319 : vector<782x128xf32>
    %sub3A_324 = arith.constant 1.000000e+00 : f32
    %sub3A_325 = vector.broadcast %sub3A_324 : f32 to vector<782x128xf32>
    %sub3A_326 = arith.subf %exp3A_323, %sub3A_325 : vector<782x128xf32>
    %select_n3A_327 = arith.select %gt3A_322, %mul3A_319, %sub3A_326 : vector<782x128xi1>, vector<782x128xf32>
    %get3A_328 = arith.constant 0 : index
    %get3A_329 = arith.constant 7 : index
    %get3A_330 = vector.load %arg2[%get3A_328, %get3A_329] : memref<2x32xf32, #tpu.memory_space<vmem>>, vector<1x1xf32>
    %get3A_331 = vector.extract %get3A_330[0, 0] : f32 from vector<1x1xf32>
    %mul3A_332 = vector.broadcast %get3A_331 : f32 to vector<782x128xf32>
    %mul3A_333 = arith.mulf %mul3A_332, %select_n3A_327 : vector<782x128xf32>
    %add3A_334 = arith.addf %add3A_298, %mul3A_333 : vector<782x128xf32>
    %get3A_335 = arith.constant 1 : index
    %get3A_336 = arith.constant 7 : index
    %get3A_337 = vector.load %arg2[%get3A_335, %get3A_336] : memref<2x32xf32, #tpu.memory_space<vmem>>, vector<1x1xf32>
    %get3A_338 = vector.extract %get3A_337[0, 0] : f32 from vector<1x1xf32>
    %mul3A_339 = vector.broadcast %get3A_338 : f32 to vector<782x128xf32>
    %mul3A_340 = arith.mulf %mul3A_339, %select_n3A_327 : vector<782x128xf32>
    %add3A_341 = arith.addf %add3A_305, %mul3A_340 : vector<782x128xf32>
    %get3A_342 = arith.constant 8 : index
    %get3A_343 = arith.constant 0 : index
    %get3A_344 = vector.load %arg0[%get3A_342, %get3A_343] : memref<16x2xf32, #tpu.memory_space<vmem>>, vector<1x1xf32>
    %get3A_345 = vector.extract %get3A_344[0, 0] : f32 from vector<1x1xf32>
    %mul3A_346 = vector.broadcast %get3A_345 : f32 to vector<782x128xf32>
    %mul3A_347 = arith.mulf %add3A_31, %mul3A_346 : vector<782x128xf32>
    %get3A_348 = arith.constant 8 : index
    %get3A_349 = arith.constant 1 : index
    %get3A_350 = vector.load %arg0[%get3A_348, %get3A_349] : memref<16x2xf32, #tpu.memory_space<vmem>>, vector<1x1xf32>
    %get3A_351 = vector.extract %get3A_350[0, 0] : f32 from vector<1x1xf32>
    %mul3A_352 = vector.broadcast %get3A_351 : f32 to vector<782x128xf32>
    %mul3A_353 = arith.mulf %add3A_38, %mul3A_352 : vector<782x128xf32>
    %add3A_354 = arith.addf %mul3A_347, %mul3A_353 : vector<782x128xf32>
    %mul3A_355 = arith.mulf %add3A_354, %div3A_15 : vector<782x128xf32>
    %gt3A_356 = arith.constant 0.000000e+00 : f32
    %gt3A_357 = vector.broadcast %gt3A_356 : f32 to vector<782x128xf32>
    %gt3A_358 = arith.cmpf ogt, %mul3A_355, %gt3A_357 : vector<782x128xf32>
    %exp3A_359 = math.exp %mul3A_355 : vector<782x128xf32>
    %sub3A_360 = arith.constant 1.000000e+00 : f32
    %sub3A_361 = vector.broadcast %sub3A_360 : f32 to vector<782x128xf32>
    %sub3A_362 = arith.subf %exp3A_359, %sub3A_361 : vector<782x128xf32>
    %select_n3A_363 = arith.select %gt3A_358, %mul3A_355, %sub3A_362 : vector<782x128xi1>, vector<782x128xf32>
    %get3A_364 = arith.constant 0 : index
    %get3A_365 = arith.constant 8 : index
    %get3A_366 = vector.load %arg2[%get3A_364, %get3A_365] : memref<2x32xf32, #tpu.memory_space<vmem>>, vector<1x1xf32>
    %get3A_367 = vector.extract %get3A_366[0, 0] : f32 from vector<1x1xf32>
    %mul3A_368 = vector.broadcast %get3A_367 : f32 to vector<782x128xf32>
    %mul3A_369 = arith.mulf %mul3A_368, %select_n3A_363 : vector<782x128xf32>
    %add3A_370 = arith.addf %add3A_334, %mul3A_369 : vector<782x128xf32>
    %get3A_371 = arith.constant 1 : index
    %get3A_372 = arith.constant 8 : index
    %get3A_373 = vector.load %arg2[%get3A_371, %get3A_372] : memref<2x32xf32, #tpu.memory_space<vmem>>, vector<1x1xf32>
    %get3A_374 = vector.extract %get3A_373[0, 0] : f32 from vector<1x1xf32>
    %mul3A_375 = vector.broadcast %get3A_374 : f32 to vector<782x128xf32>
    %mul3A_376 = arith.mulf %mul3A_375, %select_n3A_363 : vector<782x128xf32>
    %add3A_377 = arith.addf %add3A_341, %mul3A_376 : vector<782x128xf32>
    %get3A_378 = arith.constant 9 : index
    %get3A_379 = arith.constant 0 : index
    %get3A_380 = vector.load %arg0[%get3A_378, %get3A_379] : memref<16x2xf32, #tpu.memory_space<vmem>>, vector<1x1xf32>
    %get3A_381 = vector.extract %get3A_380[0, 0] : f32 from vector<1x1xf32>
    %mul3A_382 = vector.broadcast %get3A_381 : f32 to vector<782x128xf32>
    %mul3A_383 = arith.mulf %add3A_31, %mul3A_382 : vector<782x128xf32>
    %get3A_384 = arith.constant 9 : index
    %get3A_385 = arith.constant 1 : index
    %get3A_386 = vector.load %arg0[%get3A_384, %get3A_385] : memref<16x2xf32, #tpu.memory_space<vmem>>, vector<1x1xf32>
    %get3A_387 = vector.extract %get3A_386[0, 0] : f32 from vector<1x1xf32>
    %mul3A_388 = vector.broadcast %get3A_387 : f32 to vector<782x128xf32>
    %mul3A_389 = arith.mulf %add3A_38, %mul3A_388 : vector<782x128xf32>
    %add3A_390 = arith.addf %mul3A_383, %mul3A_389 : vector<782x128xf32>
    %mul3A_391 = arith.mulf %add3A_390, %div3A_15 : vector<782x128xf32>
    %gt3A_392 = arith.constant 0.000000e+00 : f32
    %gt3A_393 = vector.broadcast %gt3A_392 : f32 to vector<782x128xf32>
    %gt3A_394 = arith.cmpf ogt, %mul3A_391, %gt3A_393 : vector<782x128xf32>
    %exp3A_395 = math.exp %mul3A_391 : vector<782x128xf32>
    %sub3A_396 = arith.constant 1.000000e+00 : f32
    %sub3A_397 = vector.broadcast %sub3A_396 : f32 to vector<782x128xf32>
    %sub3A_398 = arith.subf %exp3A_395, %sub3A_397 : vector<782x128xf32>
    %select_n3A_399 = arith.select %gt3A_394, %mul3A_391, %sub3A_398 : vector<782x128xi1>, vector<782x128xf32>
    %get3A_400 = arith.constant 0 : index
    %get3A_401 = arith.constant 9 : index
    %get3A_402 = vector.load %arg2[%get3A_400, %get3A_401] : memref<2x32xf32, #tpu.memory_space<vmem>>, vector<1x1xf32>
    %get3A_403 = vector.extract %get3A_402[0, 0] : f32 from vector<1x1xf32>
    %mul3A_404 = vector.broadcast %get3A_403 : f32 to vector<782x128xf32>
    %mul3A_405 = arith.mulf %mul3A_404, %select_n3A_399 : vector<782x128xf32>
    %add3A_406 = arith.addf %add3A_370, %mul3A_405 : vector<782x128xf32>
    %get3A_407 = arith.constant 1 : index
    %get3A_408 = arith.constant 9 : index
    %get3A_409 = vector.load %arg2[%get3A_407, %get3A_408] : memref<2x32xf32, #tpu.memory_space<vmem>>, vector<1x1xf32>
    %get3A_410 = vector.extract %get3A_409[0, 0] : f32 from vector<1x1xf32>
    %mul3A_411 = vector.broadcast %get3A_410 : f32 to vector<782x128xf32>
    %mul3A_412 = arith.mulf %mul3A_411, %select_n3A_399 : vector<782x128xf32>
    %add3A_413 = arith.addf %add3A_377, %mul3A_412 : vector<782x128xf32>
    %get3A_414 = arith.constant 10 : index
    %get3A_415 = arith.constant 0 : index
    %get3A_416 = vector.load %arg0[%get3A_414, %get3A_415] : memref<16x2xf32, #tpu.memory_space<vmem>>, vector<1x1xf32>
    %get3A_417 = vector.extract %get3A_416[0, 0] : f32 from vector<1x1xf32>
    %mul3A_418 = vector.broadcast %get3A_417 : f32 to vector<782x128xf32>
    %mul3A_419 = arith.mulf %add3A_31, %mul3A_418 : vector<782x128xf32>
    %get3A_420 = arith.constant 10 : index
    %get3A_421 = arith.constant 1 : index
    %get3A_422 = vector.load %arg0[%get3A_420, %get3A_421] : memref<16x2xf32, #tpu.memory_space<vmem>>, vector<1x1xf32>
    %get3A_423 = vector.extract %get3A_422[0, 0] : f32 from vector<1x1xf32>
    %mul3A_424 = vector.broadcast %get3A_423 : f32 to vector<782x128xf32>
    %mul3A_425 = arith.mulf %add3A_38, %mul3A_424 : vector<782x128xf32>
    %add3A_426 = arith.addf %mul3A_419, %mul3A_425 : vector<782x128xf32>
    %mul3A_427 = arith.mulf %add3A_426, %div3A_15 : vector<782x128xf32>
    %gt3A_428 = arith.constant 0.000000e+00 : f32
    %gt3A_429 = vector.broadcast %gt3A_428 : f32 to vector<782x128xf32>
    %gt3A_430 = arith.cmpf ogt, %mul3A_427, %gt3A_429 : vector<782x128xf32>
    %exp3A_431 = math.exp %mul3A_427 : vector<782x128xf32>
    %sub3A_432 = arith.constant 1.000000e+00 : f32
    %sub3A_433 = vector.broadcast %sub3A_432 : f32 to vector<782x128xf32>
    %sub3A_434 = arith.subf %exp3A_431, %sub3A_433 : vector<782x128xf32>
    %select_n3A_435 = arith.select %gt3A_430, %mul3A_427, %sub3A_434 : vector<782x128xi1>, vector<782x128xf32>
    %get3A_436 = arith.constant 0 : index
    %get3A_437 = arith.constant 10 : index
    %get3A_438 = vector.load %arg2[%get3A_436, %get3A_437] : memref<2x32xf32, #tpu.memory_space<vmem>>, vector<1x1xf32>
    %get3A_439 = vector.extract %get3A_438[0, 0] : f32 from vector<1x1xf32>
    %mul3A_440 = vector.broadcast %get3A_439 : f32 to vector<782x128xf32>
    %mul3A_441 = arith.mulf %mul3A_440, %select_n3A_435 : vector<782x128xf32>
    %add3A_442 = arith.addf %add3A_406, %mul3A_441 : vector<782x128xf32>
    %get3A_443 = arith.constant 1 : index
    %get3A_444 = arith.constant 10 : index
    %get3A_445 = vector.load %arg2[%get3A_443, %get3A_444] : memref<2x32xf32, #tpu.memory_space<vmem>>, vector<1x1xf32>
    %get3A_446 = vector.extract %get3A_445[0, 0] : f32 from vector<1x1xf32>
    %mul3A_447 = vector.broadcast %get3A_446 : f32 to vector<782x128xf32>
    %mul3A_448 = arith.mulf %mul3A_447, %select_n3A_435 : vector<782x128xf32>
    %add3A_449 = arith.addf %add3A_413, %mul3A_448 : vector<782x128xf32>
    %get3A_450 = arith.constant 11 : index
    %get3A_451 = arith.constant 0 : index
    %get3A_452 = vector.load %arg0[%get3A_450, %get3A_451] : memref<16x2xf32, #tpu.memory_space<vmem>>, vector<1x1xf32>
    %get3A_453 = vector.extract %get3A_452[0, 0] : f32 from vector<1x1xf32>
    %mul3A_454 = vector.broadcast %get3A_453 : f32 to vector<782x128xf32>
    %mul3A_455 = arith.mulf %add3A_31, %mul3A_454 : vector<782x128xf32>
    %get3A_456 = arith.constant 11 : index
    %get3A_457 = arith.constant 1 : index
    %get3A_458 = vector.load %arg0[%get3A_456, %get3A_457] : memref<16x2xf32, #tpu.memory_space<vmem>>, vector<1x1xf32>
    %get3A_459 = vector.extract %get3A_458[0, 0] : f32 from vector<1x1xf32>
    %mul3A_460 = vector.broadcast %get3A_459 : f32 to vector<782x128xf32>
    %mul3A_461 = arith.mulf %add3A_38, %mul3A_460 : vector<782x128xf32>
    %add3A_462 = arith.addf %mul3A_455, %mul3A_461 : vector<782x128xf32>
    %mul3A_463 = arith.mulf %add3A_462, %div3A_15 : vector<782x128xf32>
    %gt3A_464 = arith.constant 0.000000e+00 : f32
    %gt3A_465 = vector.broadcast %gt3A_464 : f32 to vector<782x128xf32>
    %gt3A_466 = arith.cmpf ogt, %mul3A_463, %gt3A_465 : vector<782x128xf32>
    %exp3A_467 = math.exp %mul3A_463 : vector<782x128xf32>
    %sub3A_468 = arith.constant 1.000000e+00 : f32
    %sub3A_469 = vector.broadcast %sub3A_468 : f32 to vector<782x128xf32>
    %sub3A_470 = arith.subf %exp3A_467, %sub3A_469 : vector<782x128xf32>
    %select_n3A_471 = arith.select %gt3A_466, %mul3A_463, %sub3A_470 : vector<782x128xi1>, vector<782x128xf32>
    %get3A_472 = arith.constant 0 : index
    %get3A_473 = arith.constant 11 : index
    %get3A_474 = vector.load %arg2[%get3A_472, %get3A_473] : memref<2x32xf32, #tpu.memory_space<vmem>>, vector<1x1xf32>
    %get3A_475 = vector.extract %get3A_474[0, 0] : f32 from vector<1x1xf32>
    %mul3A_476 = vector.broadcast %get3A_475 : f32 to vector<782x128xf32>
    %mul3A_477 = arith.mulf %mul3A_476, %select_n3A_471 : vector<782x128xf32>
    %add3A_478 = arith.addf %add3A_442, %mul3A_477 : vector<782x128xf32>
    %get3A_479 = arith.constant 1 : index
    %get3A_480 = arith.constant 11 : index
    %get3A_481 = vector.load %arg2[%get3A_479, %get3A_480] : memref<2x32xf32, #tpu.memory_space<vmem>>, vector<1x1xf32>
    %get3A_482 = vector.extract %get3A_481[0, 0] : f32 from vector<1x1xf32>
    %mul3A_483 = vector.broadcast %get3A_482 : f32 to vector<782x128xf32>
    %mul3A_484 = arith.mulf %mul3A_483, %select_n3A_471 : vector<782x128xf32>
    %add3A_485 = arith.addf %add3A_449, %mul3A_484 : vector<782x128xf32>
    %get3A_486 = arith.constant 12 : index
    %get3A_487 = arith.constant 0 : index
    %get3A_488 = vector.load %arg0[%get3A_486, %get3A_487] : memref<16x2xf32, #tpu.memory_space<vmem>>, vector<1x1xf32>
    %get3A_489 = vector.extract %get3A_488[0, 0] : f32 from vector<1x1xf32>
    %mul3A_490 = vector.broadcast %get3A_489 : f32 to vector<782x128xf32>
    %mul3A_491 = arith.mulf %add3A_31, %mul3A_490 : vector<782x128xf32>
    %get3A_492 = arith.constant 12 : index
    %get3A_493 = arith.constant 1 : index
    %get3A_494 = vector.load %arg0[%get3A_492, %get3A_493] : memref<16x2xf32, #tpu.memory_space<vmem>>, vector<1x1xf32>
    %get3A_495 = vector.extract %get3A_494[0, 0] : f32 from vector<1x1xf32>
    %mul3A_496 = vector.broadcast %get3A_495 : f32 to vector<782x128xf32>
    %mul3A_497 = arith.mulf %add3A_38, %mul3A_496 : vector<782x128xf32>
    %add3A_498 = arith.addf %mul3A_491, %mul3A_497 : vector<782x128xf32>
    %mul3A_499 = arith.mulf %add3A_498, %div3A_15 : vector<782x128xf32>
    %gt3A_500 = arith.constant 0.000000e+00 : f32
    %gt3A_501 = vector.broadcast %gt3A_500 : f32 to vector<782x128xf32>
    %gt3A_502 = arith.cmpf ogt, %mul3A_499, %gt3A_501 : vector<782x128xf32>
    %exp3A_503 = math.exp %mul3A_499 : vector<782x128xf32>
    %sub3A_504 = arith.constant 1.000000e+00 : f32
    %sub3A_505 = vector.broadcast %sub3A_504 : f32 to vector<782x128xf32>
    %sub3A_506 = arith.subf %exp3A_503, %sub3A_505 : vector<782x128xf32>
    %select_n3A_507 = arith.select %gt3A_502, %mul3A_499, %sub3A_506 : vector<782x128xi1>, vector<782x128xf32>
    %get3A_508 = arith.constant 0 : index
    %get3A_509 = arith.constant 12 : index
    %get3A_510 = vector.load %arg2[%get3A_508, %get3A_509] : memref<2x32xf32, #tpu.memory_space<vmem>>, vector<1x1xf32>
    %get3A_511 = vector.extract %get3A_510[0, 0] : f32 from vector<1x1xf32>
    %mul3A_512 = vector.broadcast %get3A_511 : f32 to vector<782x128xf32>
    %mul3A_513 = arith.mulf %mul3A_512, %select_n3A_507 : vector<782x128xf32>
    %add3A_514 = arith.addf %add3A_478, %mul3A_513 : vector<782x128xf32>
    %get3A_515 = arith.constant 1 : index
    %get3A_516 = arith.constant 12 : index
    %get3A_517 = vector.load %arg2[%get3A_515, %get3A_516] : memref<2x32xf32, #tpu.memory_space<vmem>>, vector<1x1xf32>
    %get3A_518 = vector.extract %get3A_517[0, 0] : f32 from vector<1x1xf32>
    %mul3A_519 = vector.broadcast %get3A_518 : f32 to vector<782x128xf32>
    %mul3A_520 = arith.mulf %mul3A_519, %select_n3A_507 : vector<782x128xf32>
    %add3A_521 = arith.addf %add3A_485, %mul3A_520 : vector<782x128xf32>
    %get3A_522 = arith.constant 13 : index
    %get3A_523 = arith.constant 0 : index
    %get3A_524 = vector.load %arg0[%get3A_522, %get3A_523] : memref<16x2xf32, #tpu.memory_space<vmem>>, vector<1x1xf32>
    %get3A_525 = vector.extract %get3A_524[0, 0] : f32 from vector<1x1xf32>
    %mul3A_526 = vector.broadcast %get3A_525 : f32 to vector<782x128xf32>
    %mul3A_527 = arith.mulf %add3A_31, %mul3A_526 : vector<782x128xf32>
    %get3A_528 = arith.constant 13 : index
    %get3A_529 = arith.constant 1 : index
    %get3A_530 = vector.load %arg0[%get3A_528, %get3A_529] : memref<16x2xf32, #tpu.memory_space<vmem>>, vector<1x1xf32>
    %get3A_531 = vector.extract %get3A_530[0, 0] : f32 from vector<1x1xf32>
    %mul3A_532 = vector.broadcast %get3A_531 : f32 to vector<782x128xf32>
    %mul3A_533 = arith.mulf %add3A_38, %mul3A_532 : vector<782x128xf32>
    %add3A_534 = arith.addf %mul3A_527, %mul3A_533 : vector<782x128xf32>
    %mul3A_535 = arith.mulf %add3A_534, %div3A_15 : vector<782x128xf32>
    %gt3A_536 = arith.constant 0.000000e+00 : f32
    %gt3A_537 = vector.broadcast %gt3A_536 : f32 to vector<782x128xf32>
    %gt3A_538 = arith.cmpf ogt, %mul3A_535, %gt3A_537 : vector<782x128xf32>
    %exp3A_539 = math.exp %mul3A_535 : vector<782x128xf32>
    %sub3A_540 = arith.constant 1.000000e+00 : f32
    %sub3A_541 = vector.broadcast %sub3A_540 : f32 to vector<782x128xf32>
    %sub3A_542 = arith.subf %exp3A_539, %sub3A_541 : vector<782x128xf32>
    %select_n3A_543 = arith.select %gt3A_538, %mul3A_535, %sub3A_542 : vector<782x128xi1>, vector<782x128xf32>
    %get3A_544 = arith.constant 0 : index
    %get3A_545 = arith.constant 13 : index
    %get3A_546 = vector.load %arg2[%get3A_544, %get3A_545] : memref<2x32xf32, #tpu.memory_space<vmem>>, vector<1x1xf32>
    %get3A_547 = vector.extract %get3A_546[0, 0] : f32 from vector<1x1xf32>
    %mul3A_548 = vector.broadcast %get3A_547 : f32 to vector<782x128xf32>
    %mul3A_549 = arith.mulf %mul3A_548, %select_n3A_543 : vector<782x128xf32>
    %add3A_550 = arith.addf %add3A_514, %mul3A_549 : vector<782x128xf32>
    %get3A_551 = arith.constant 1 : index
    %get3A_552 = arith.constant 13 : index
    %get3A_553 = vector.load %arg2[%get3A_551, %get3A_552] : memref<2x32xf32, #tpu.memory_space<vmem>>, vector<1x1xf32>
    %get3A_554 = vector.extract %get3A_553[0, 0] : f32 from vector<1x1xf32>
    %mul3A_555 = vector.broadcast %get3A_554 : f32 to vector<782x128xf32>
    %mul3A_556 = arith.mulf %mul3A_555, %select_n3A_543 : vector<782x128xf32>
    %add3A_557 = arith.addf %add3A_521, %mul3A_556 : vector<782x128xf32>
    %get3A_558 = arith.constant 14 : index
    %get3A_559 = arith.constant 0 : index
    %get3A_560 = vector.load %arg0[%get3A_558, %get3A_559] : memref<16x2xf32, #tpu.memory_space<vmem>>, vector<1x1xf32>
    %get3A_561 = vector.extract %get3A_560[0, 0] : f32 from vector<1x1xf32>
    %mul3A_562 = vector.broadcast %get3A_561 : f32 to vector<782x128xf32>
    %mul3A_563 = arith.mulf %add3A_31, %mul3A_562 : vector<782x128xf32>
    %get3A_564 = arith.constant 14 : index
    %get3A_565 = arith.constant 1 : index
    %get3A_566 = vector.load %arg0[%get3A_564, %get3A_565] : memref<16x2xf32, #tpu.memory_space<vmem>>, vector<1x1xf32>
    %get3A_567 = vector.extract %get3A_566[0, 0] : f32 from vector<1x1xf32>
    %mul3A_568 = vector.broadcast %get3A_567 : f32 to vector<782x128xf32>
    %mul3A_569 = arith.mulf %add3A_38, %mul3A_568 : vector<782x128xf32>
    %add3A_570 = arith.addf %mul3A_563, %mul3A_569 : vector<782x128xf32>
    %mul3A_571 = arith.mulf %add3A_570, %div3A_15 : vector<782x128xf32>
    %gt3A_572 = arith.constant 0.000000e+00 : f32
    %gt3A_573 = vector.broadcast %gt3A_572 : f32 to vector<782x128xf32>
    %gt3A_574 = arith.cmpf ogt, %mul3A_571, %gt3A_573 : vector<782x128xf32>
    %exp3A_575 = math.exp %mul3A_571 : vector<782x128xf32>
    %sub3A_576 = arith.constant 1.000000e+00 : f32
    %sub3A_577 = vector.broadcast %sub3A_576 : f32 to vector<782x128xf32>
    %sub3A_578 = arith.subf %exp3A_575, %sub3A_577 : vector<782x128xf32>
    %select_n3A_579 = arith.select %gt3A_574, %mul3A_571, %sub3A_578 : vector<782x128xi1>, vector<782x128xf32>
    %get3A_580 = arith.constant 0 : index
    %get3A_581 = arith.constant 14 : index
    %get3A_582 = vector.load %arg2[%get3A_580, %get3A_581] : memref<2x32xf32, #tpu.memory_space<vmem>>, vector<1x1xf32>
    %get3A_583 = vector.extract %get3A_582[0, 0] : f32 from vector<1x1xf32>
    %mul3A_584 = vector.broadcast %get3A_583 : f32 to vector<782x128xf32>
    %mul3A_585 = arith.mulf %mul3A_584, %select_n3A_579 : vector<782x128xf32>
    %add3A_586 = arith.addf %add3A_550, %mul3A_585 : vector<782x128xf32>
    %get3A_587 = arith.constant 1 : index
    %get3A_588 = arith.constant 14 : index
    %get3A_589 = vector.load %arg2[%get3A_587, %get3A_588] : memref<2x32xf32, #tpu.memory_space<vmem>>, vector<1x1xf32>
    %get3A_590 = vector.extract %get3A_589[0, 0] : f32 from vector<1x1xf32>
    %mul3A_591 = vector.broadcast %get3A_590 : f32 to vector<782x128xf32>
    %mul3A_592 = arith.mulf %mul3A_591, %select_n3A_579 : vector<782x128xf32>
    %add3A_593 = arith.addf %add3A_557, %mul3A_592 : vector<782x128xf32>
    %get3A_594 = arith.constant 15 : index
    %get3A_595 = arith.constant 0 : index
    %get3A_596 = vector.load %arg0[%get3A_594, %get3A_595] : memref<16x2xf32, #tpu.memory_space<vmem>>, vector<1x1xf32>
    %get3A_597 = vector.extract %get3A_596[0, 0] : f32 from vector<1x1xf32>
    %mul3A_598 = vector.broadcast %get3A_597 : f32 to vector<782x128xf32>
    %mul3A_599 = arith.mulf %add3A_31, %mul3A_598 : vector<782x128xf32>
    %get3A_600 = arith.constant 15 : index
    %get3A_601 = arith.constant 1 : index
    %get3A_602 = vector.load %arg0[%get3A_600, %get3A_601] : memref<16x2xf32, #tpu.memory_space<vmem>>, vector<1x1xf32>
    %get3A_603 = vector.extract %get3A_602[0, 0] : f32 from vector<1x1xf32>
    %mul3A_604 = vector.broadcast %get3A_603 : f32 to vector<782x128xf32>
    %mul3A_605 = arith.mulf %add3A_38, %mul3A_604 : vector<782x128xf32>
    %add3A_606 = arith.addf %mul3A_599, %mul3A_605 : vector<782x128xf32>
    %mul3A_607 = arith.mulf %add3A_606, %div3A_15 : vector<782x128xf32>
    %gt3A_608 = arith.constant 0.000000e+00 : f32
    %gt3A_609 = vector.broadcast %gt3A_608 : f32 to vector<782x128xf32>
    %gt3A_610 = arith.cmpf ogt, %mul3A_607, %gt3A_609 : vector<782x128xf32>
    %exp3A_611 = math.exp %mul3A_607 : vector<782x128xf32>
    %sub3A_612 = arith.constant 1.000000e+00 : f32
    %sub3A_613 = vector.broadcast %sub3A_612 : f32 to vector<782x128xf32>
    %sub3A_614 = arith.subf %exp3A_611, %sub3A_613 : vector<782x128xf32>
    %select_n3A_615 = arith.select %gt3A_610, %mul3A_607, %sub3A_614 : vector<782x128xi1>, vector<782x128xf32>
    %get3A_616 = arith.constant 0 : index
    %get3A_617 = arith.constant 15 : index
    %get3A_618 = vector.load %arg2[%get3A_616, %get3A_617] : memref<2x32xf32, #tpu.memory_space<vmem>>, vector<1x1xf32>
    %get3A_619 = vector.extract %get3A_618[0, 0] : f32 from vector<1x1xf32>
    %mul3A_620 = vector.broadcast %get3A_619 : f32 to vector<782x128xf32>
    %mul3A_621 = arith.mulf %mul3A_620, %select_n3A_615 : vector<782x128xf32>
    %add3A_622 = arith.addf %add3A_586, %mul3A_621 : vector<782x128xf32>
    %get3A_623 = arith.constant 1 : index
    %get3A_624 = arith.constant 15 : index
    %get3A_625 = vector.load %arg2[%get3A_623, %get3A_624] : memref<2x32xf32, #tpu.memory_space<vmem>>, vector<1x1xf32>
    %get3A_626 = vector.extract %get3A_625[0, 0] : f32 from vector<1x1xf32>
    %mul3A_627 = vector.broadcast %get3A_626 : f32 to vector<782x128xf32>
    %mul3A_628 = arith.mulf %mul3A_627, %select_n3A_615 : vector<782x128xf32>
    %add3A_629 = arith.addf %add3A_593, %mul3A_628 : vector<782x128xf32>
    %get3A_630 = arith.constant 0 : index
    %get3A_631 = arith.constant 0 : index
    %get3A_632 = vector.load %arg1[%get3A_630, %get3A_631] : memref<16x2xf32, #tpu.memory_space<vmem>>, vector<1x1xf32>
    %get3A_633 = vector.extract %get3A_632[0, 0] : f32 from vector<1x1xf32>
    %mul3A_634 = vector.broadcast %get3A_633 : f32 to vector<782x128xf32>
    %mul3A_635 = arith.mulf %add3A_45, %mul3A_634 : vector<782x128xf32>
    %get3A_636 = arith.constant 0 : index
    %get3A_637 = arith.constant 1 : index
    %get3A_638 = vector.load %arg1[%get3A_636, %get3A_637] : memref<16x2xf32, #tpu.memory_space<vmem>>, vector<1x1xf32>
    %get3A_639 = vector.extract %get3A_638[0, 0] : f32 from vector<1x1xf32>
    %mul3A_640 = vector.broadcast %get3A_639 : f32 to vector<782x128xf32>
    %mul3A_641 = arith.mulf %add3A_52, %mul3A_640 : vector<782x128xf32>
    %add3A_642 = arith.addf %mul3A_635, %mul3A_641 : vector<782x128xf32>
    %mul3A_643 = arith.mulf %add3A_642, %div3A_24 : vector<782x128xf32>
    %gt3A_644 = arith.constant 0.000000e+00 : f32
    %gt3A_645 = vector.broadcast %gt3A_644 : f32 to vector<782x128xf32>
    %gt3A_646 = arith.cmpf ogt, %mul3A_643, %gt3A_645 : vector<782x128xf32>
    %exp3A_647 = math.exp %mul3A_643 : vector<782x128xf32>
    %sub3A_648 = arith.constant 1.000000e+00 : f32
    %sub3A_649 = vector.broadcast %sub3A_648 : f32 to vector<782x128xf32>
    %sub3A_650 = arith.subf %exp3A_647, %sub3A_649 : vector<782x128xf32>
    %select_n3A_651 = arith.select %gt3A_646, %mul3A_643, %sub3A_650 : vector<782x128xi1>, vector<782x128xf32>
    %get3A_652 = arith.constant 0 : index
    %get3A_653 = arith.constant 16 : index
    %get3A_654 = vector.load %arg2[%get3A_652, %get3A_653] : memref<2x32xf32, #tpu.memory_space<vmem>>, vector<1x1xf32>
    %get3A_655 = vector.extract %get3A_654[0, 0] : f32 from vector<1x1xf32>
    %mul3A_656 = vector.broadcast %get3A_655 : f32 to vector<782x128xf32>
    %mul3A_657 = arith.mulf %mul3A_656, %select_n3A_651 : vector<782x128xf32>
    %add3A_658 = arith.addf %add3A_622, %mul3A_657 : vector<782x128xf32>
    %get3A_659 = arith.constant 1 : index
    %get3A_660 = arith.constant 16 : index
    %get3A_661 = vector.load %arg2[%get3A_659, %get3A_660] : memref<2x32xf32, #tpu.memory_space<vmem>>, vector<1x1xf32>
    %get3A_662 = vector.extract %get3A_661[0, 0] : f32 from vector<1x1xf32>
    %mul3A_663 = vector.broadcast %get3A_662 : f32 to vector<782x128xf32>
    %mul3A_664 = arith.mulf %mul3A_663, %select_n3A_651 : vector<782x128xf32>
    %add3A_665 = arith.addf %add3A_629, %mul3A_664 : vector<782x128xf32>
    %get3A_666 = arith.constant 1 : index
    %get3A_667 = arith.constant 0 : index
    %get3A_668 = vector.load %arg1[%get3A_666, %get3A_667] : memref<16x2xf32, #tpu.memory_space<vmem>>, vector<1x1xf32>
    %get3A_669 = vector.extract %get3A_668[0, 0] : f32 from vector<1x1xf32>
    %mul3A_670 = vector.broadcast %get3A_669 : f32 to vector<782x128xf32>
    %mul3A_671 = arith.mulf %add3A_45, %mul3A_670 : vector<782x128xf32>
    %get3A_672 = arith.constant 1 : index
    %get3A_673 = arith.constant 1 : index
    %get3A_674 = vector.load %arg1[%get3A_672, %get3A_673] : memref<16x2xf32, #tpu.memory_space<vmem>>, vector<1x1xf32>
    %get3A_675 = vector.extract %get3A_674[0, 0] : f32 from vector<1x1xf32>
    %mul3A_676 = vector.broadcast %get3A_675 : f32 to vector<782x128xf32>
    %mul3A_677 = arith.mulf %add3A_52, %mul3A_676 : vector<782x128xf32>
    %add3A_678 = arith.addf %mul3A_671, %mul3A_677 : vector<782x128xf32>
    %mul3A_679 = arith.mulf %add3A_678, %div3A_24 : vector<782x128xf32>
    %gt3A_680 = arith.constant 0.000000e+00 : f32
    %gt3A_681 = vector.broadcast %gt3A_680 : f32 to vector<782x128xf32>
    %gt3A_682 = arith.cmpf ogt, %mul3A_679, %gt3A_681 : vector<782x128xf32>
    %exp3A_683 = math.exp %mul3A_679 : vector<782x128xf32>
    %sub3A_684 = arith.constant 1.000000e+00 : f32
    %sub3A_685 = vector.broadcast %sub3A_684 : f32 to vector<782x128xf32>
    %sub3A_686 = arith.subf %exp3A_683, %sub3A_685 : vector<782x128xf32>
    %select_n3A_687 = arith.select %gt3A_682, %mul3A_679, %sub3A_686 : vector<782x128xi1>, vector<782x128xf32>
    %get3A_688 = arith.constant 0 : index
    %get3A_689 = arith.constant 17 : index
    %get3A_690 = vector.load %arg2[%get3A_688, %get3A_689] : memref<2x32xf32, #tpu.memory_space<vmem>>, vector<1x1xf32>
    %get3A_691 = vector.extract %get3A_690[0, 0] : f32 from vector<1x1xf32>
    %mul3A_692 = vector.broadcast %get3A_691 : f32 to vector<782x128xf32>
    %mul3A_693 = arith.mulf %mul3A_692, %select_n3A_687 : vector<782x128xf32>
    %add3A_694 = arith.addf %add3A_658, %mul3A_693 : vector<782x128xf32>
    %get3A_695 = arith.constant 1 : index
    %get3A_696 = arith.constant 17 : index
    %get3A_697 = vector.load %arg2[%get3A_695, %get3A_696] : memref<2x32xf32, #tpu.memory_space<vmem>>, vector<1x1xf32>
    %get3A_698 = vector.extract %get3A_697[0, 0] : f32 from vector<1x1xf32>
    %mul3A_699 = vector.broadcast %get3A_698 : f32 to vector<782x128xf32>
    %mul3A_700 = arith.mulf %mul3A_699, %select_n3A_687 : vector<782x128xf32>
    %add3A_701 = arith.addf %add3A_665, %mul3A_700 : vector<782x128xf32>
    %get3A_702 = arith.constant 2 : index
    %get3A_703 = arith.constant 0 : index
    %get3A_704 = vector.load %arg1[%get3A_702, %get3A_703] : memref<16x2xf32, #tpu.memory_space<vmem>>, vector<1x1xf32>
    %get3A_705 = vector.extract %get3A_704[0, 0] : f32 from vector<1x1xf32>
    %mul3A_706 = vector.broadcast %get3A_705 : f32 to vector<782x128xf32>
    %mul3A_707 = arith.mulf %add3A_45, %mul3A_706 : vector<782x128xf32>
    %get3A_708 = arith.constant 2 : index
    %get3A_709 = arith.constant 1 : index
    %get3A_710 = vector.load %arg1[%get3A_708, %get3A_709] : memref<16x2xf32, #tpu.memory_space<vmem>>, vector<1x1xf32>
    %get3A_711 = vector.extract %get3A_710[0, 0] : f32 from vector<1x1xf32>
    %mul3A_712 = vector.broadcast %get3A_711 : f32 to vector<782x128xf32>
    %mul3A_713 = arith.mulf %add3A_52, %mul3A_712 : vector<782x128xf32>
    %add3A_714 = arith.addf %mul3A_707, %mul3A_713 : vector<782x128xf32>
    %mul3A_715 = arith.mulf %add3A_714, %div3A_24 : vector<782x128xf32>
    %gt3A_716 = arith.constant 0.000000e+00 : f32
    %gt3A_717 = vector.broadcast %gt3A_716 : f32 to vector<782x128xf32>
    %gt3A_718 = arith.cmpf ogt, %mul3A_715, %gt3A_717 : vector<782x128xf32>
    %exp3A_719 = math.exp %mul3A_715 : vector<782x128xf32>
    %sub3A_720 = arith.constant 1.000000e+00 : f32
    %sub3A_721 = vector.broadcast %sub3A_720 : f32 to vector<782x128xf32>
    %sub3A_722 = arith.subf %exp3A_719, %sub3A_721 : vector<782x128xf32>
    %select_n3A_723 = arith.select %gt3A_718, %mul3A_715, %sub3A_722 : vector<782x128xi1>, vector<782x128xf32>
    %get3A_724 = arith.constant 0 : index
    %get3A_725 = arith.constant 18 : index
    %get3A_726 = vector.load %arg2[%get3A_724, %get3A_725] : memref<2x32xf32, #tpu.memory_space<vmem>>, vector<1x1xf32>
    %get3A_727 = vector.extract %get3A_726[0, 0] : f32 from vector<1x1xf32>
    %mul3A_728 = vector.broadcast %get3A_727 : f32 to vector<782x128xf32>
    %mul3A_729 = arith.mulf %mul3A_728, %select_n3A_723 : vector<782x128xf32>
    %add3A_730 = arith.addf %add3A_694, %mul3A_729 : vector<782x128xf32>
    %get3A_731 = arith.constant 1 : index
    %get3A_732 = arith.constant 18 : index
    %get3A_733 = vector.load %arg2[%get3A_731, %get3A_732] : memref<2x32xf32, #tpu.memory_space<vmem>>, vector<1x1xf32>
    %get3A_734 = vector.extract %get3A_733[0, 0] : f32 from vector<1x1xf32>
    %mul3A_735 = vector.broadcast %get3A_734 : f32 to vector<782x128xf32>
    %mul3A_736 = arith.mulf %mul3A_735, %select_n3A_723 : vector<782x128xf32>
    %add3A_737 = arith.addf %add3A_701, %mul3A_736 : vector<782x128xf32>
    %get3A_738 = arith.constant 3 : index
    %get3A_739 = arith.constant 0 : index
    %get3A_740 = vector.load %arg1[%get3A_738, %get3A_739] : memref<16x2xf32, #tpu.memory_space<vmem>>, vector<1x1xf32>
    %get3A_741 = vector.extract %get3A_740[0, 0] : f32 from vector<1x1xf32>
    %mul3A_742 = vector.broadcast %get3A_741 : f32 to vector<782x128xf32>
    %mul3A_743 = arith.mulf %add3A_45, %mul3A_742 : vector<782x128xf32>
    %get3A_744 = arith.constant 3 : index
    %get3A_745 = arith.constant 1 : index
    %get3A_746 = vector.load %arg1[%get3A_744, %get3A_745] : memref<16x2xf32, #tpu.memory_space<vmem>>, vector<1x1xf32>
    %get3A_747 = vector.extract %get3A_746[0, 0] : f32 from vector<1x1xf32>
    %mul3A_748 = vector.broadcast %get3A_747 : f32 to vector<782x128xf32>
    %mul3A_749 = arith.mulf %add3A_52, %mul3A_748 : vector<782x128xf32>
    %add3A_750 = arith.addf %mul3A_743, %mul3A_749 : vector<782x128xf32>
    %mul3A_751 = arith.mulf %add3A_750, %div3A_24 : vector<782x128xf32>
    %gt3A_752 = arith.constant 0.000000e+00 : f32
    %gt3A_753 = vector.broadcast %gt3A_752 : f32 to vector<782x128xf32>
    %gt3A_754 = arith.cmpf ogt, %mul3A_751, %gt3A_753 : vector<782x128xf32>
    %exp3A_755 = math.exp %mul3A_751 : vector<782x128xf32>
    %sub3A_756 = arith.constant 1.000000e+00 : f32
    %sub3A_757 = vector.broadcast %sub3A_756 : f32 to vector<782x128xf32>
    %sub3A_758 = arith.subf %exp3A_755, %sub3A_757 : vector<782x128xf32>
    %select_n3A_759 = arith.select %gt3A_754, %mul3A_751, %sub3A_758 : vector<782x128xi1>, vector<782x128xf32>
    %get3A_760 = arith.constant 0 : index
    %get3A_761 = arith.constant 19 : index
    %get3A_762 = vector.load %arg2[%get3A_760, %get3A_761] : memref<2x32xf32, #tpu.memory_space<vmem>>, vector<1x1xf32>
    %get3A_763 = vector.extract %get3A_762[0, 0] : f32 from vector<1x1xf32>
    %mul3A_764 = vector.broadcast %get3A_763 : f32 to vector<782x128xf32>
    %mul3A_765 = arith.mulf %mul3A_764, %select_n3A_759 : vector<782x128xf32>
    %add3A_766 = arith.addf %add3A_730, %mul3A_765 : vector<782x128xf32>
    %get3A_767 = arith.constant 1 : index
    %get3A_768 = arith.constant 19 : index
    %get3A_769 = vector.load %arg2[%get3A_767, %get3A_768] : memref<2x32xf32, #tpu.memory_space<vmem>>, vector<1x1xf32>
    %get3A_770 = vector.extract %get3A_769[0, 0] : f32 from vector<1x1xf32>
    %mul3A_771 = vector.broadcast %get3A_770 : f32 to vector<782x128xf32>
    %mul3A_772 = arith.mulf %mul3A_771, %select_n3A_759 : vector<782x128xf32>
    %add3A_773 = arith.addf %add3A_737, %mul3A_772 : vector<782x128xf32>
    %get3A_774 = arith.constant 4 : index
    %get3A_775 = arith.constant 0 : index
    %get3A_776 = vector.load %arg1[%get3A_774, %get3A_775] : memref<16x2xf32, #tpu.memory_space<vmem>>, vector<1x1xf32>
    %get3A_777 = vector.extract %get3A_776[0, 0] : f32 from vector<1x1xf32>
    %mul3A_778 = vector.broadcast %get3A_777 : f32 to vector<782x128xf32>
    %mul3A_779 = arith.mulf %add3A_45, %mul3A_778 : vector<782x128xf32>
    %get3A_780 = arith.constant 4 : index
    %get3A_781 = arith.constant 1 : index
    %get3A_782 = vector.load %arg1[%get3A_780, %get3A_781] : memref<16x2xf32, #tpu.memory_space<vmem>>, vector<1x1xf32>
    %get3A_783 = vector.extract %get3A_782[0, 0] : f32 from vector<1x1xf32>
    %mul3A_784 = vector.broadcast %get3A_783 : f32 to vector<782x128xf32>
    %mul3A_785 = arith.mulf %add3A_52, %mul3A_784 : vector<782x128xf32>
    %add3A_786 = arith.addf %mul3A_779, %mul3A_785 : vector<782x128xf32>
    %mul3A_787 = arith.mulf %add3A_786, %div3A_24 : vector<782x128xf32>
    %gt3A_788 = arith.constant 0.000000e+00 : f32
    %gt3A_789 = vector.broadcast %gt3A_788 : f32 to vector<782x128xf32>
    %gt3A_790 = arith.cmpf ogt, %mul3A_787, %gt3A_789 : vector<782x128xf32>
    %exp3A_791 = math.exp %mul3A_787 : vector<782x128xf32>
    %sub3A_792 = arith.constant 1.000000e+00 : f32
    %sub3A_793 = vector.broadcast %sub3A_792 : f32 to vector<782x128xf32>
    %sub3A_794 = arith.subf %exp3A_791, %sub3A_793 : vector<782x128xf32>
    %select_n3A_795 = arith.select %gt3A_790, %mul3A_787, %sub3A_794 : vector<782x128xi1>, vector<782x128xf32>
    %get3A_796 = arith.constant 0 : index
    %get3A_797 = arith.constant 20 : index
    %get3A_798 = vector.load %arg2[%get3A_796, %get3A_797] : memref<2x32xf32, #tpu.memory_space<vmem>>, vector<1x1xf32>
    %get3A_799 = vector.extract %get3A_798[0, 0] : f32 from vector<1x1xf32>
    %mul3A_800 = vector.broadcast %get3A_799 : f32 to vector<782x128xf32>
    %mul3A_801 = arith.mulf %mul3A_800, %select_n3A_795 : vector<782x128xf32>
    %add3A_802 = arith.addf %add3A_766, %mul3A_801 : vector<782x128xf32>
    %get3A_803 = arith.constant 1 : index
    %get3A_804 = arith.constant 20 : index
    %get3A_805 = vector.load %arg2[%get3A_803, %get3A_804] : memref<2x32xf32, #tpu.memory_space<vmem>>, vector<1x1xf32>
    %get3A_806 = vector.extract %get3A_805[0, 0] : f32 from vector<1x1xf32>
    %mul3A_807 = vector.broadcast %get3A_806 : f32 to vector<782x128xf32>
    %mul3A_808 = arith.mulf %mul3A_807, %select_n3A_795 : vector<782x128xf32>
    %add3A_809 = arith.addf %add3A_773, %mul3A_808 : vector<782x128xf32>
    %get3A_810 = arith.constant 5 : index
    %get3A_811 = arith.constant 0 : index
    %get3A_812 = vector.load %arg1[%get3A_810, %get3A_811] : memref<16x2xf32, #tpu.memory_space<vmem>>, vector<1x1xf32>
    %get3A_813 = vector.extract %get3A_812[0, 0] : f32 from vector<1x1xf32>
    %mul3A_814 = vector.broadcast %get3A_813 : f32 to vector<782x128xf32>
    %mul3A_815 = arith.mulf %add3A_45, %mul3A_814 : vector<782x128xf32>
    %get3A_816 = arith.constant 5 : index
    %get3A_817 = arith.constant 1 : index
    %get3A_818 = vector.load %arg1[%get3A_816, %get3A_817] : memref<16x2xf32, #tpu.memory_space<vmem>>, vector<1x1xf32>
    %get3A_819 = vector.extract %get3A_818[0, 0] : f32 from vector<1x1xf32>
    %mul3A_820 = vector.broadcast %get3A_819 : f32 to vector<782x128xf32>
    %mul3A_821 = arith.mulf %add3A_52, %mul3A_820 : vector<782x128xf32>
    %add3A_822 = arith.addf %mul3A_815, %mul3A_821 : vector<782x128xf32>
    %mul3A_823 = arith.mulf %add3A_822, %div3A_24 : vector<782x128xf32>
    %gt3A_824 = arith.constant 0.000000e+00 : f32
    %gt3A_825 = vector.broadcast %gt3A_824 : f32 to vector<782x128xf32>
    %gt3A_826 = arith.cmpf ogt, %mul3A_823, %gt3A_825 : vector<782x128xf32>
    %exp3A_827 = math.exp %mul3A_823 : vector<782x128xf32>
    %sub3A_828 = arith.constant 1.000000e+00 : f32
    %sub3A_829 = vector.broadcast %sub3A_828 : f32 to vector<782x128xf32>
    %sub3A_830 = arith.subf %exp3A_827, %sub3A_829 : vector<782x128xf32>
    %select_n3A_831 = arith.select %gt3A_826, %mul3A_823, %sub3A_830 : vector<782x128xi1>, vector<782x128xf32>
    %get3A_832 = arith.constant 0 : index
    %get3A_833 = arith.constant 21 : index
    %get3A_834 = vector.load %arg2[%get3A_832, %get3A_833] : memref<2x32xf32, #tpu.memory_space<vmem>>, vector<1x1xf32>
    %get3A_835 = vector.extract %get3A_834[0, 0] : f32 from vector<1x1xf32>
    %mul3A_836 = vector.broadcast %get3A_835 : f32 to vector<782x128xf32>
    %mul3A_837 = arith.mulf %mul3A_836, %select_n3A_831 : vector<782x128xf32>
    %add3A_838 = arith.addf %add3A_802, %mul3A_837 : vector<782x128xf32>
    %get3A_839 = arith.constant 1 : index
    %get3A_840 = arith.constant 21 : index
    %get3A_841 = vector.load %arg2[%get3A_839, %get3A_840] : memref<2x32xf32, #tpu.memory_space<vmem>>, vector<1x1xf32>
    %get3A_842 = vector.extract %get3A_841[0, 0] : f32 from vector<1x1xf32>
    %mul3A_843 = vector.broadcast %get3A_842 : f32 to vector<782x128xf32>
    %mul3A_844 = arith.mulf %mul3A_843, %select_n3A_831 : vector<782x128xf32>
    %add3A_845 = arith.addf %add3A_809, %mul3A_844 : vector<782x128xf32>
    %get3A_846 = arith.constant 6 : index
    %get3A_847 = arith.constant 0 : index
    %get3A_848 = vector.load %arg1[%get3A_846, %get3A_847] : memref<16x2xf32, #tpu.memory_space<vmem>>, vector<1x1xf32>
    %get3A_849 = vector.extract %get3A_848[0, 0] : f32 from vector<1x1xf32>
    %mul3A_850 = vector.broadcast %get3A_849 : f32 to vector<782x128xf32>
    %mul3A_851 = arith.mulf %add3A_45, %mul3A_850 : vector<782x128xf32>
    %get3A_852 = arith.constant 6 : index
    %get3A_853 = arith.constant 1 : index
    %get3A_854 = vector.load %arg1[%get3A_852, %get3A_853] : memref<16x2xf32, #tpu.memory_space<vmem>>, vector<1x1xf32>
    %get3A_855 = vector.extract %get3A_854[0, 0] : f32 from vector<1x1xf32>
    %mul3A_856 = vector.broadcast %get3A_855 : f32 to vector<782x128xf32>
    %mul3A_857 = arith.mulf %add3A_52, %mul3A_856 : vector<782x128xf32>
    %add3A_858 = arith.addf %mul3A_851, %mul3A_857 : vector<782x128xf32>
    %mul3A_859 = arith.mulf %add3A_858, %div3A_24 : vector<782x128xf32>
    %gt3A_860 = arith.constant 0.000000e+00 : f32
    %gt3A_861 = vector.broadcast %gt3A_860 : f32 to vector<782x128xf32>
    %gt3A_862 = arith.cmpf ogt, %mul3A_859, %gt3A_861 : vector<782x128xf32>
    %exp3A_863 = math.exp %mul3A_859 : vector<782x128xf32>
    %sub3A_864 = arith.constant 1.000000e+00 : f32
    %sub3A_865 = vector.broadcast %sub3A_864 : f32 to vector<782x128xf32>
    %sub3A_866 = arith.subf %exp3A_863, %sub3A_865 : vector<782x128xf32>
    %select_n3A_867 = arith.select %gt3A_862, %mul3A_859, %sub3A_866 : vector<782x128xi1>, vector<782x128xf32>
    %get3A_868 = arith.constant 0 : index
    %get3A_869 = arith.constant 22 : index
    %get3A_870 = vector.load %arg2[%get3A_868, %get3A_869] : memref<2x32xf32, #tpu.memory_space<vmem>>, vector<1x1xf32>
    %get3A_871 = vector.extract %get3A_870[0, 0] : f32 from vector<1x1xf32>
    %mul3A_872 = vector.broadcast %get3A_871 : f32 to vector<782x128xf32>
    %mul3A_873 = arith.mulf %mul3A_872, %select_n3A_867 : vector<782x128xf32>
    %add3A_874 = arith.addf %add3A_838, %mul3A_873 : vector<782x128xf32>
    %get3A_875 = arith.constant 1 : index
    %get3A_876 = arith.constant 22 : index
    %get3A_877 = vector.load %arg2[%get3A_875, %get3A_876] : memref<2x32xf32, #tpu.memory_space<vmem>>, vector<1x1xf32>
    %get3A_878 = vector.extract %get3A_877[0, 0] : f32 from vector<1x1xf32>
    %mul3A_879 = vector.broadcast %get3A_878 : f32 to vector<782x128xf32>
    %mul3A_880 = arith.mulf %mul3A_879, %select_n3A_867 : vector<782x128xf32>
    %add3A_881 = arith.addf %add3A_845, %mul3A_880 : vector<782x128xf32>
    %get3A_882 = arith.constant 7 : index
    %get3A_883 = arith.constant 0 : index
    %get3A_884 = vector.load %arg1[%get3A_882, %get3A_883] : memref<16x2xf32, #tpu.memory_space<vmem>>, vector<1x1xf32>
    %get3A_885 = vector.extract %get3A_884[0, 0] : f32 from vector<1x1xf32>
    %mul3A_886 = vector.broadcast %get3A_885 : f32 to vector<782x128xf32>
    %mul3A_887 = arith.mulf %add3A_45, %mul3A_886 : vector<782x128xf32>
    %get3A_888 = arith.constant 7 : index
    %get3A_889 = arith.constant 1 : index
    %get3A_890 = vector.load %arg1[%get3A_888, %get3A_889] : memref<16x2xf32, #tpu.memory_space<vmem>>, vector<1x1xf32>
    %get3A_891 = vector.extract %get3A_890[0, 0] : f32 from vector<1x1xf32>
    %mul3A_892 = vector.broadcast %get3A_891 : f32 to vector<782x128xf32>
    %mul3A_893 = arith.mulf %add3A_52, %mul3A_892 : vector<782x128xf32>
    %add3A_894 = arith.addf %mul3A_887, %mul3A_893 : vector<782x128xf32>
    %mul3A_895 = arith.mulf %add3A_894, %div3A_24 : vector<782x128xf32>
    %gt3A_896 = arith.constant 0.000000e+00 : f32
    %gt3A_897 = vector.broadcast %gt3A_896 : f32 to vector<782x128xf32>
    %gt3A_898 = arith.cmpf ogt, %mul3A_895, %gt3A_897 : vector<782x128xf32>
    %exp3A_899 = math.exp %mul3A_895 : vector<782x128xf32>
    %sub3A_900 = arith.constant 1.000000e+00 : f32
    %sub3A_901 = vector.broadcast %sub3A_900 : f32 to vector<782x128xf32>
    %sub3A_902 = arith.subf %exp3A_899, %sub3A_901 : vector<782x128xf32>
    %select_n3A_903 = arith.select %gt3A_898, %mul3A_895, %sub3A_902 : vector<782x128xi1>, vector<782x128xf32>
    %get3A_904 = arith.constant 0 : index
    %get3A_905 = arith.constant 23 : index
    %get3A_906 = vector.load %arg2[%get3A_904, %get3A_905] : memref<2x32xf32, #tpu.memory_space<vmem>>, vector<1x1xf32>
    %get3A_907 = vector.extract %get3A_906[0, 0] : f32 from vector<1x1xf32>
    %mul3A_908 = vector.broadcast %get3A_907 : f32 to vector<782x128xf32>
    %mul3A_909 = arith.mulf %mul3A_908, %select_n3A_903 : vector<782x128xf32>
    %add3A_910 = arith.addf %add3A_874, %mul3A_909 : vector<782x128xf32>
    %get3A_911 = arith.constant 1 : index
    %get3A_912 = arith.constant 23 : index
    %get3A_913 = vector.load %arg2[%get3A_911, %get3A_912] : memref<2x32xf32, #tpu.memory_space<vmem>>, vector<1x1xf32>
    %get3A_914 = vector.extract %get3A_913[0, 0] : f32 from vector<1x1xf32>
    %mul3A_915 = vector.broadcast %get3A_914 : f32 to vector<782x128xf32>
    %mul3A_916 = arith.mulf %mul3A_915, %select_n3A_903 : vector<782x128xf32>
    %add3A_917 = arith.addf %add3A_881, %mul3A_916 : vector<782x128xf32>
    %get3A_918 = arith.constant 8 : index
    %get3A_919 = arith.constant 0 : index
    %get3A_920 = vector.load %arg1[%get3A_918, %get3A_919] : memref<16x2xf32, #tpu.memory_space<vmem>>, vector<1x1xf32>
    %get3A_921 = vector.extract %get3A_920[0, 0] : f32 from vector<1x1xf32>
    %mul3A_922 = vector.broadcast %get3A_921 : f32 to vector<782x128xf32>
    %mul3A_923 = arith.mulf %add3A_45, %mul3A_922 : vector<782x128xf32>
    %get3A_924 = arith.constant 8 : index
    %get3A_925 = arith.constant 1 : index
    %get3A_926 = vector.load %arg1[%get3A_924, %get3A_925] : memref<16x2xf32, #tpu.memory_space<vmem>>, vector<1x1xf32>
    %get3A_927 = vector.extract %get3A_926[0, 0] : f32 from vector<1x1xf32>
    %mul3A_928 = vector.broadcast %get3A_927 : f32 to vector<782x128xf32>
    %mul3A_929 = arith.mulf %add3A_52, %mul3A_928 : vector<782x128xf32>
    %add3A_930 = arith.addf %mul3A_923, %mul3A_929 : vector<782x128xf32>
    %mul3A_931 = arith.mulf %add3A_930, %div3A_24 : vector<782x128xf32>
    %gt3A_932 = arith.constant 0.000000e+00 : f32
    %gt3A_933 = vector.broadcast %gt3A_932 : f32 to vector<782x128xf32>
    %gt3A_934 = arith.cmpf ogt, %mul3A_931, %gt3A_933 : vector<782x128xf32>
    %exp3A_935 = math.exp %mul3A_931 : vector<782x128xf32>
    %sub3A_936 = arith.constant 1.000000e+00 : f32
    %sub3A_937 = vector.broadcast %sub3A_936 : f32 to vector<782x128xf32>
    %sub3A_938 = arith.subf %exp3A_935, %sub3A_937 : vector<782x128xf32>
    %select_n3A_939 = arith.select %gt3A_934, %mul3A_931, %sub3A_938 : vector<782x128xi1>, vector<782x128xf32>
    %get3A_940 = arith.constant 0 : index
    %get3A_941 = arith.constant 24 : index
    %get3A_942 = vector.load %arg2[%get3A_940, %get3A_941] : memref<2x32xf32, #tpu.memory_space<vmem>>, vector<1x1xf32>
    %get3A_943 = vector.extract %get3A_942[0, 0] : f32 from vector<1x1xf32>
    %mul3A_944 = vector.broadcast %get3A_943 : f32 to vector<782x128xf32>
    %mul3A_945 = arith.mulf %mul3A_944, %select_n3A_939 : vector<782x128xf32>
    %add3A_946 = arith.addf %add3A_910, %mul3A_945 : vector<782x128xf32>
    %get3A_947 = arith.constant 1 : index
    %get3A_948 = arith.constant 24 : index
    %get3A_949 = vector.load %arg2[%get3A_947, %get3A_948] : memref<2x32xf32, #tpu.memory_space<vmem>>, vector<1x1xf32>
    %get3A_950 = vector.extract %get3A_949[0, 0] : f32 from vector<1x1xf32>
    %mul3A_951 = vector.broadcast %get3A_950 : f32 to vector<782x128xf32>
    %mul3A_952 = arith.mulf %mul3A_951, %select_n3A_939 : vector<782x128xf32>
    %add3A_953 = arith.addf %add3A_917, %mul3A_952 : vector<782x128xf32>
    %get3A_954 = arith.constant 9 : index
    %get3A_955 = arith.constant 0 : index
    %get3A_956 = vector.load %arg1[%get3A_954, %get3A_955] : memref<16x2xf32, #tpu.memory_space<vmem>>, vector<1x1xf32>
    %get3A_957 = vector.extract %get3A_956[0, 0] : f32 from vector<1x1xf32>
    %mul3A_958 = vector.broadcast %get3A_957 : f32 to vector<782x128xf32>
    %mul3A_959 = arith.mulf %add3A_45, %mul3A_958 : vector<782x128xf32>
    %get3A_960 = arith.constant 9 : index
    %get3A_961 = arith.constant 1 : index
    %get3A_962 = vector.load %arg1[%get3A_960, %get3A_961] : memref<16x2xf32, #tpu.memory_space<vmem>>, vector<1x1xf32>
    %get3A_963 = vector.extract %get3A_962[0, 0] : f32 from vector<1x1xf32>
    %mul3A_964 = vector.broadcast %get3A_963 : f32 to vector<782x128xf32>
    %mul3A_965 = arith.mulf %add3A_52, %mul3A_964 : vector<782x128xf32>
    %add3A_966 = arith.addf %mul3A_959, %mul3A_965 : vector<782x128xf32>
    %mul3A_967 = arith.mulf %add3A_966, %div3A_24 : vector<782x128xf32>
    %gt3A_968 = arith.constant 0.000000e+00 : f32
    %gt3A_969 = vector.broadcast %gt3A_968 : f32 to vector<782x128xf32>
    %gt3A_970 = arith.cmpf ogt, %mul3A_967, %gt3A_969 : vector<782x128xf32>
    %exp3A_971 = math.exp %mul3A_967 : vector<782x128xf32>
    %sub3A_972 = arith.constant 1.000000e+00 : f32
    %sub3A_973 = vector.broadcast %sub3A_972 : f32 to vector<782x128xf32>
    %sub3A_974 = arith.subf %exp3A_971, %sub3A_973 : vector<782x128xf32>
    %select_n3A_975 = arith.select %gt3A_970, %mul3A_967, %sub3A_974 : vector<782x128xi1>, vector<782x128xf32>
    %get3A_976 = arith.constant 0 : index
    %get3A_977 = arith.constant 25 : index
    %get3A_978 = vector.load %arg2[%get3A_976, %get3A_977] : memref<2x32xf32, #tpu.memory_space<vmem>>, vector<1x1xf32>
    %get3A_979 = vector.extract %get3A_978[0, 0] : f32 from vector<1x1xf32>
    %mul3A_980 = vector.broadcast %get3A_979 : f32 to vector<782x128xf32>
    %mul3A_981 = arith.mulf %mul3A_980, %select_n3A_975 : vector<782x128xf32>
    %add3A_982 = arith.addf %add3A_946, %mul3A_981 : vector<782x128xf32>
    %get3A_983 = arith.constant 1 : index
    %get3A_984 = arith.constant 25 : index
    %get3A_985 = vector.load %arg2[%get3A_983, %get3A_984] : memref<2x32xf32, #tpu.memory_space<vmem>>, vector<1x1xf32>
    %get3A_986 = vector.extract %get3A_985[0, 0] : f32 from vector<1x1xf32>
    %mul3A_987 = vector.broadcast %get3A_986 : f32 to vector<782x128xf32>
    %mul3A_988 = arith.mulf %mul3A_987, %select_n3A_975 : vector<782x128xf32>
    %add3A_989 = arith.addf %add3A_953, %mul3A_988 : vector<782x128xf32>
    %get3A_990 = arith.constant 10 : index
    %get3A_991 = arith.constant 0 : index
    %get3A_992 = vector.load %arg1[%get3A_990, %get3A_991] : memref<16x2xf32, #tpu.memory_space<vmem>>, vector<1x1xf32>
    %get3A_993 = vector.extract %get3A_992[0, 0] : f32 from vector<1x1xf32>
    %mul3A_994 = vector.broadcast %get3A_993 : f32 to vector<782x128xf32>
    %mul3A_995 = arith.mulf %add3A_45, %mul3A_994 : vector<782x128xf32>
    %get3A_996 = arith.constant 10 : index
    %get3A_997 = arith.constant 1 : index
    %get3A_998 = vector.load %arg1[%get3A_996, %get3A_997] : memref<16x2xf32, #tpu.memory_space<vmem>>, vector<1x1xf32>
    %get3A_999 = vector.extract %get3A_998[0, 0] : f32 from vector<1x1xf32>
    %mul3A_1000 = vector.broadcast %get3A_999 : f32 to vector<782x128xf32>
    %mul3A_1001 = arith.mulf %add3A_52, %mul3A_1000 : vector<782x128xf32>
    %add3A_1002 = arith.addf %mul3A_995, %mul3A_1001 : vector<782x128xf32>
    %mul3A_1003 = arith.mulf %add3A_1002, %div3A_24 : vector<782x128xf32>
    %gt3A_1004 = arith.constant 0.000000e+00 : f32
    %gt3A_1005 = vector.broadcast %gt3A_1004 : f32 to vector<782x128xf32>
    %gt3A_1006 = arith.cmpf ogt, %mul3A_1003, %gt3A_1005 : vector<782x128xf32>
    %exp3A_1007 = math.exp %mul3A_1003 : vector<782x128xf32>
    %sub3A_1008 = arith.constant 1.000000e+00 : f32
    %sub3A_1009 = vector.broadcast %sub3A_1008 : f32 to vector<782x128xf32>
    %sub3A_1010 = arith.subf %exp3A_1007, %sub3A_1009 : vector<782x128xf32>
    %select_n3A_1011 = arith.select %gt3A_1006, %mul3A_1003, %sub3A_1010 : vector<782x128xi1>, vector<782x128xf32>
    %get3A_1012 = arith.constant 0 : index
    %get3A_1013 = arith.constant 26 : index
    %get3A_1014 = vector.load %arg2[%get3A_1012, %get3A_1013] : memref<2x32xf32, #tpu.memory_space<vmem>>, vector<1x1xf32>
    %get3A_1015 = vector.extract %get3A_1014[0, 0] : f32 from vector<1x1xf32>
    %mul3A_1016 = vector.broadcast %get3A_1015 : f32 to vector<782x128xf32>
    %mul3A_1017 = arith.mulf %mul3A_1016, %select_n3A_1011 : vector<782x128xf32>
    %add3A_1018 = arith.addf %add3A_982, %mul3A_1017 : vector<782x128xf32>
    %get3A_1019 = arith.constant 1 : index
    %get3A_1020 = arith.constant 26 : index
    %get3A_1021 = vector.load %arg2[%get3A_1019, %get3A_1020] : memref<2x32xf32, #tpu.memory_space<vmem>>, vector<1x1xf32>
    %get3A_1022 = vector.extract %get3A_1021[0, 0] : f32 from vector<1x1xf32>
    %mul3A_1023 = vector.broadcast %get3A_1022 : f32 to vector<782x128xf32>
    %mul3A_1024 = arith.mulf %mul3A_1023, %select_n3A_1011 : vector<782x128xf32>
    %add3A_1025 = arith.addf %add3A_989, %mul3A_1024 : vector<782x128xf32>
    %get3A_1026 = arith.constant 11 : index
    %get3A_1027 = arith.constant 0 : index
    %get3A_1028 = vector.load %arg1[%get3A_1026, %get3A_1027] : memref<16x2xf32, #tpu.memory_space<vmem>>, vector<1x1xf32>
    %get3A_1029 = vector.extract %get3A_1028[0, 0] : f32 from vector<1x1xf32>
    %mul3A_1030 = vector.broadcast %get3A_1029 : f32 to vector<782x128xf32>
    %mul3A_1031 = arith.mulf %add3A_45, %mul3A_1030 : vector<782x128xf32>
    %get3A_1032 = arith.constant 11 : index
    %get3A_1033 = arith.constant 1 : index
    %get3A_1034 = vector.load %arg1[%get3A_1032, %get3A_1033] : memref<16x2xf32, #tpu.memory_space<vmem>>, vector<1x1xf32>
    %get3A_1035 = vector.extract %get3A_1034[0, 0] : f32 from vector<1x1xf32>
    %mul3A_1036 = vector.broadcast %get3A_1035 : f32 to vector<782x128xf32>
    %mul3A_1037 = arith.mulf %add3A_52, %mul3A_1036 : vector<782x128xf32>
    %add3A_1038 = arith.addf %mul3A_1031, %mul3A_1037 : vector<782x128xf32>
    %mul3A_1039 = arith.mulf %add3A_1038, %div3A_24 : vector<782x128xf32>
    %gt3A_1040 = arith.constant 0.000000e+00 : f32
    %gt3A_1041 = vector.broadcast %gt3A_1040 : f32 to vector<782x128xf32>
    %gt3A_1042 = arith.cmpf ogt, %mul3A_1039, %gt3A_1041 : vector<782x128xf32>
    %exp3A_1043 = math.exp %mul3A_1039 : vector<782x128xf32>
    %sub3A_1044 = arith.constant 1.000000e+00 : f32
    %sub3A_1045 = vector.broadcast %sub3A_1044 : f32 to vector<782x128xf32>
    %sub3A_1046 = arith.subf %exp3A_1043, %sub3A_1045 : vector<782x128xf32>
    %select_n3A_1047 = arith.select %gt3A_1042, %mul3A_1039, %sub3A_1046 : vector<782x128xi1>, vector<782x128xf32>
    %get3A_1048 = arith.constant 0 : index
    %get3A_1049 = arith.constant 27 : index
    %get3A_1050 = vector.load %arg2[%get3A_1048, %get3A_1049] : memref<2x32xf32, #tpu.memory_space<vmem>>, vector<1x1xf32>
    %get3A_1051 = vector.extract %get3A_1050[0, 0] : f32 from vector<1x1xf32>
    %mul3A_1052 = vector.broadcast %get3A_1051 : f32 to vector<782x128xf32>
    %mul3A_1053 = arith.mulf %mul3A_1052, %select_n3A_1047 : vector<782x128xf32>
    %add3A_1054 = arith.addf %add3A_1018, %mul3A_1053 : vector<782x128xf32>
    %get3A_1055 = arith.constant 1 : index
    %get3A_1056 = arith.constant 27 : index
    %get3A_1057 = vector.load %arg2[%get3A_1055, %get3A_1056] : memref<2x32xf32, #tpu.memory_space<vmem>>, vector<1x1xf32>
    %get3A_1058 = vector.extract %get3A_1057[0, 0] : f32 from vector<1x1xf32>
    %mul3A_1059 = vector.broadcast %get3A_1058 : f32 to vector<782x128xf32>
    %mul3A_1060 = arith.mulf %mul3A_1059, %select_n3A_1047 : vector<782x128xf32>
    %add3A_1061 = arith.addf %add3A_1025, %mul3A_1060 : vector<782x128xf32>
    %get3A_1062 = arith.constant 12 : index
    %get3A_1063 = arith.constant 0 : index
    %get3A_1064 = vector.load %arg1[%get3A_1062, %get3A_1063] : memref<16x2xf32, #tpu.memory_space<vmem>>, vector<1x1xf32>
    %get3A_1065 = vector.extract %get3A_1064[0, 0] : f32 from vector<1x1xf32>
    %mul3A_1066 = vector.broadcast %get3A_1065 : f32 to vector<782x128xf32>
    %mul3A_1067 = arith.mulf %add3A_45, %mul3A_1066 : vector<782x128xf32>
    %get3A_1068 = arith.constant 12 : index
    %get3A_1069 = arith.constant 1 : index
    %get3A_1070 = vector.load %arg1[%get3A_1068, %get3A_1069] : memref<16x2xf32, #tpu.memory_space<vmem>>, vector<1x1xf32>
    %get3A_1071 = vector.extract %get3A_1070[0, 0] : f32 from vector<1x1xf32>
    %mul3A_1072 = vector.broadcast %get3A_1071 : f32 to vector<782x128xf32>
    %mul3A_1073 = arith.mulf %add3A_52, %mul3A_1072 : vector<782x128xf32>
    %add3A_1074 = arith.addf %mul3A_1067, %mul3A_1073 : vector<782x128xf32>
    %mul3A_1075 = arith.mulf %add3A_1074, %div3A_24 : vector<782x128xf32>
    %gt3A_1076 = arith.constant 0.000000e+00 : f32
    %gt3A_1077 = vector.broadcast %gt3A_1076 : f32 to vector<782x128xf32>
    %gt3A_1078 = arith.cmpf ogt, %mul3A_1075, %gt3A_1077 : vector<782x128xf32>
    %exp3A_1079 = math.exp %mul3A_1075 : vector<782x128xf32>
    %sub3A_1080 = arith.constant 1.000000e+00 : f32
    %sub3A_1081 = vector.broadcast %sub3A_1080 : f32 to vector<782x128xf32>
    %sub3A_1082 = arith.subf %exp3A_1079, %sub3A_1081 : vector<782x128xf32>
    %select_n3A_1083 = arith.select %gt3A_1078, %mul3A_1075, %sub3A_1082 : vector<782x128xi1>, vector<782x128xf32>
    %get3A_1084 = arith.constant 0 : index
    %get3A_1085 = arith.constant 28 : index
    %get3A_1086 = vector.load %arg2[%get3A_1084, %get3A_1085] : memref<2x32xf32, #tpu.memory_space<vmem>>, vector<1x1xf32>
    %get3A_1087 = vector.extract %get3A_1086[0, 0] : f32 from vector<1x1xf32>
    %mul3A_1088 = vector.broadcast %get3A_1087 : f32 to vector<782x128xf32>
    %mul3A_1089 = arith.mulf %mul3A_1088, %select_n3A_1083 : vector<782x128xf32>
    %add3A_1090 = arith.addf %add3A_1054, %mul3A_1089 : vector<782x128xf32>
    %get3A_1091 = arith.constant 1 : index
    %get3A_1092 = arith.constant 28 : index
    %get3A_1093 = vector.load %arg2[%get3A_1091, %get3A_1092] : memref<2x32xf32, #tpu.memory_space<vmem>>, vector<1x1xf32>
    %get3A_1094 = vector.extract %get3A_1093[0, 0] : f32 from vector<1x1xf32>
    %mul3A_1095 = vector.broadcast %get3A_1094 : f32 to vector<782x128xf32>
    %mul3A_1096 = arith.mulf %mul3A_1095, %select_n3A_1083 : vector<782x128xf32>
    %add3A_1097 = arith.addf %add3A_1061, %mul3A_1096 : vector<782x128xf32>
    %get3A_1098 = arith.constant 13 : index
    %get3A_1099 = arith.constant 0 : index
    %get3A_1100 = vector.load %arg1[%get3A_1098, %get3A_1099] : memref<16x2xf32, #tpu.memory_space<vmem>>, vector<1x1xf32>
    %get3A_1101 = vector.extract %get3A_1100[0, 0] : f32 from vector<1x1xf32>
    %mul3A_1102 = vector.broadcast %get3A_1101 : f32 to vector<782x128xf32>
    %mul3A_1103 = arith.mulf %add3A_45, %mul3A_1102 : vector<782x128xf32>
    %get3A_1104 = arith.constant 13 : index
    %get3A_1105 = arith.constant 1 : index
    %get3A_1106 = vector.load %arg1[%get3A_1104, %get3A_1105] : memref<16x2xf32, #tpu.memory_space<vmem>>, vector<1x1xf32>
    %get3A_1107 = vector.extract %get3A_1106[0, 0] : f32 from vector<1x1xf32>
    %mul3A_1108 = vector.broadcast %get3A_1107 : f32 to vector<782x128xf32>
    %mul3A_1109 = arith.mulf %add3A_52, %mul3A_1108 : vector<782x128xf32>
    %add3A_1110 = arith.addf %mul3A_1103, %mul3A_1109 : vector<782x128xf32>
    %mul3A_1111 = arith.mulf %add3A_1110, %div3A_24 : vector<782x128xf32>
    %gt3A_1112 = arith.constant 0.000000e+00 : f32
    %gt3A_1113 = vector.broadcast %gt3A_1112 : f32 to vector<782x128xf32>
    %gt3A_1114 = arith.cmpf ogt, %mul3A_1111, %gt3A_1113 : vector<782x128xf32>
    %exp3A_1115 = math.exp %mul3A_1111 : vector<782x128xf32>
    %sub3A_1116 = arith.constant 1.000000e+00 : f32
    %sub3A_1117 = vector.broadcast %sub3A_1116 : f32 to vector<782x128xf32>
    %sub3A_1118 = arith.subf %exp3A_1115, %sub3A_1117 : vector<782x128xf32>
    %select_n3A_1119 = arith.select %gt3A_1114, %mul3A_1111, %sub3A_1118 : vector<782x128xi1>, vector<782x128xf32>
    %get3A_1120 = arith.constant 0 : index
    %get3A_1121 = arith.constant 29 : index
    %get3A_1122 = vector.load %arg2[%get3A_1120, %get3A_1121] : memref<2x32xf32, #tpu.memory_space<vmem>>, vector<1x1xf32>
    %get3A_1123 = vector.extract %get3A_1122[0, 0] : f32 from vector<1x1xf32>
    %mul3A_1124 = vector.broadcast %get3A_1123 : f32 to vector<782x128xf32>
    %mul3A_1125 = arith.mulf %mul3A_1124, %select_n3A_1119 : vector<782x128xf32>
    %add3A_1126 = arith.addf %add3A_1090, %mul3A_1125 : vector<782x128xf32>
    %get3A_1127 = arith.constant 1 : index
    %get3A_1128 = arith.constant 29 : index
    %get3A_1129 = vector.load %arg2[%get3A_1127, %get3A_1128] : memref<2x32xf32, #tpu.memory_space<vmem>>, vector<1x1xf32>
    %get3A_1130 = vector.extract %get3A_1129[0, 0] : f32 from vector<1x1xf32>
    %mul3A_1131 = vector.broadcast %get3A_1130 : f32 to vector<782x128xf32>
    %mul3A_1132 = arith.mulf %mul3A_1131, %select_n3A_1119 : vector<782x128xf32>
    %add3A_1133 = arith.addf %add3A_1097, %mul3A_1132 : vector<782x128xf32>
    %get3A_1134 = arith.constant 14 : index
    %get3A_1135 = arith.constant 0 : index
    %get3A_1136 = vector.load %arg1[%get3A_1134, %get3A_1135] : memref<16x2xf32, #tpu.memory_space<vmem>>, vector<1x1xf32>
    %get3A_1137 = vector.extract %get3A_1136[0, 0] : f32 from vector<1x1xf32>
    %mul3A_1138 = vector.broadcast %get3A_1137 : f32 to vector<782x128xf32>
    %mul3A_1139 = arith.mulf %add3A_45, %mul3A_1138 : vector<782x128xf32>
    %get3A_1140 = arith.constant 14 : index
    %get3A_1141 = arith.constant 1 : index
    %get3A_1142 = vector.load %arg1[%get3A_1140, %get3A_1141] : memref<16x2xf32, #tpu.memory_space<vmem>>, vector<1x1xf32>
    %get3A_1143 = vector.extract %get3A_1142[0, 0] : f32 from vector<1x1xf32>
    %mul3A_1144 = vector.broadcast %get3A_1143 : f32 to vector<782x128xf32>
    %mul3A_1145 = arith.mulf %add3A_52, %mul3A_1144 : vector<782x128xf32>
    %add3A_1146 = arith.addf %mul3A_1139, %mul3A_1145 : vector<782x128xf32>
    %mul3A_1147 = arith.mulf %add3A_1146, %div3A_24 : vector<782x128xf32>
    %gt3A_1148 = arith.constant 0.000000e+00 : f32
    %gt3A_1149 = vector.broadcast %gt3A_1148 : f32 to vector<782x128xf32>
    %gt3A_1150 = arith.cmpf ogt, %mul3A_1147, %gt3A_1149 : vector<782x128xf32>
    %exp3A_1151 = math.exp %mul3A_1147 : vector<782x128xf32>
    %sub3A_1152 = arith.constant 1.000000e+00 : f32
    %sub3A_1153 = vector.broadcast %sub3A_1152 : f32 to vector<782x128xf32>
    %sub3A_1154 = arith.subf %exp3A_1151, %sub3A_1153 : vector<782x128xf32>
    %select_n3A_1155 = arith.select %gt3A_1150, %mul3A_1147, %sub3A_1154 : vector<782x128xi1>, vector<782x128xf32>
    %get3A_1156 = arith.constant 0 : index
    %get3A_1157 = arith.constant 30 : index
    %get3A_1158 = vector.load %arg2[%get3A_1156, %get3A_1157] : memref<2x32xf32, #tpu.memory_space<vmem>>, vector<1x1xf32>
    %get3A_1159 = vector.extract %get3A_1158[0, 0] : f32 from vector<1x1xf32>
    %mul3A_1160 = vector.broadcast %get3A_1159 : f32 to vector<782x128xf32>
    %mul3A_1161 = arith.mulf %mul3A_1160, %select_n3A_1155 : vector<782x128xf32>
    %add3A_1162 = arith.addf %add3A_1126, %mul3A_1161 : vector<782x128xf32>
    %get3A_1163 = arith.constant 1 : index
    %get3A_1164 = arith.constant 30 : index
    %get3A_1165 = vector.load %arg2[%get3A_1163, %get3A_1164] : memref<2x32xf32, #tpu.memory_space<vmem>>, vector<1x1xf32>
    %get3A_1166 = vector.extract %get3A_1165[0, 0] : f32 from vector<1x1xf32>
    %mul3A_1167 = vector.broadcast %get3A_1166 : f32 to vector<782x128xf32>
    %mul3A_1168 = arith.mulf %mul3A_1167, %select_n3A_1155 : vector<782x128xf32>
    %add3A_1169 = arith.addf %add3A_1133, %mul3A_1168 : vector<782x128xf32>
    %get3A_1170 = arith.constant 15 : index
    %get3A_1171 = arith.constant 0 : index
    %get3A_1172 = vector.load %arg1[%get3A_1170, %get3A_1171] : memref<16x2xf32, #tpu.memory_space<vmem>>, vector<1x1xf32>
    %get3A_1173 = vector.extract %get3A_1172[0, 0] : f32 from vector<1x1xf32>
    %mul3A_1174 = vector.broadcast %get3A_1173 : f32 to vector<782x128xf32>
    %mul3A_1175 = arith.mulf %add3A_45, %mul3A_1174 : vector<782x128xf32>
    %get3A_1176 = arith.constant 15 : index
    %get3A_1177 = arith.constant 1 : index
    %get3A_1178 = vector.load %arg1[%get3A_1176, %get3A_1177] : memref<16x2xf32, #tpu.memory_space<vmem>>, vector<1x1xf32>
    %get3A_1179 = vector.extract %get3A_1178[0, 0] : f32 from vector<1x1xf32>
    %mul3A_1180 = vector.broadcast %get3A_1179 : f32 to vector<782x128xf32>
    %mul3A_1181 = arith.mulf %add3A_52, %mul3A_1180 : vector<782x128xf32>
    %add3A_1182 = arith.addf %mul3A_1175, %mul3A_1181 : vector<782x128xf32>
    %mul3A_1183 = arith.mulf %add3A_1182, %div3A_24 : vector<782x128xf32>
    %gt3A_1184 = arith.constant 0.000000e+00 : f32
    %gt3A_1185 = vector.broadcast %gt3A_1184 : f32 to vector<782x128xf32>
    %gt3A_1186 = arith.cmpf ogt, %mul3A_1183, %gt3A_1185 : vector<782x128xf32>
    %exp3A_1187 = math.exp %mul3A_1183 : vector<782x128xf32>
    %sub3A_1188 = arith.constant 1.000000e+00 : f32
    %sub3A_1189 = vector.broadcast %sub3A_1188 : f32 to vector<782x128xf32>
    %sub3A_1190 = arith.subf %exp3A_1187, %sub3A_1189 : vector<782x128xf32>
    %select_n3A_1191 = arith.select %gt3A_1186, %mul3A_1183, %sub3A_1190 : vector<782x128xi1>, vector<782x128xf32>
    %get3A_1192 = arith.constant 0 : index
    %get3A_1193 = arith.constant 31 : index
    %get3A_1194 = vector.load %arg2[%get3A_1192, %get3A_1193] : memref<2x32xf32, #tpu.memory_space<vmem>>, vector<1x1xf32>
    %get3A_1195 = vector.extract %get3A_1194[0, 0] : f32 from vector<1x1xf32>
    %mul3A_1196 = vector.broadcast %get3A_1195 : f32 to vector<782x128xf32>
    %mul3A_1197 = arith.mulf %mul3A_1196, %select_n3A_1191 : vector<782x128xf32>
    %add3A_1198 = arith.addf %add3A_1162, %mul3A_1197 : vector<782x128xf32>
    %get3A_1199 = arith.constant 1 : index
    %get3A_1200 = arith.constant 31 : index
    %get3A_1201 = vector.load %arg2[%get3A_1199, %get3A_1200] : memref<2x32xf32, #tpu.memory_space<vmem>>, vector<1x1xf32>
    %get3A_1202 = vector.extract %get3A_1201[0, 0] : f32 from vector<1x1xf32>
    %mul3A_1203 = vector.broadcast %get3A_1202 : f32 to vector<782x128xf32>
    %mul3A_1204 = arith.mulf %mul3A_1203, %select_n3A_1191 : vector<782x128xf32>
    %add3A_1205 = arith.addf %add3A_1169, %mul3A_1204 : vector<782x128xf32>
    %swap3A = arith.constant 0 : index
    %swap3A_1206 = arith.constant 0 : index
    %swap3A_1207 = vector.load %arg16[%swap3A, %swap3A_1206] : memref<782x128xf32, #tpu.memory_space<vmem>>, vector<782x128xf32>
    tpu.vector_store %arg16[%swap3A, %swap3A_1206], %add3A_1198 {strides = array<i32>} : memref<782x128xf32, #tpu.memory_space<vmem>>, vector<782x128xf32>,
    %swap3A_1208 = arith.constant 0 : index
    %swap3A_1209 = arith.constant 0 : index
    %swap3A_1210 = vector.load %arg17[%swap3A_1208, %swap3A_1209] : memref<782x128xf32, #tpu.memory_space<vmem>>, vector<782x128xf32>
    tpu.vector_store %arg17[%swap3A_1208, %swap3A_1209], %add3A_1205 {strides = array<i32>} : memref<782x128xf32, #tpu.memory_space<vmem>>, vector<782x128xf32>,
    %get3A_1211 = arith.constant 0 : index
    %get3A_1212 = arith.constant 2 : index
    %get3A_1213 = vector.load %arg3[%get3A_1211, %get3A_1212] : memref<1x4xf32, #tpu.memory_space<vmem>>, vector<1x1xf32>
    %get3A_1214 = vector.extract %get3A_1213[0, 0] : f32 from vector<1x1xf32>
    %mul3A_1215 = vector.broadcast %get3A_1214 : f32 to vector<782x128xf32>
    %mul3A_1216 = arith.mulf %mul3A_1215, %add3A_1198 : vector<782x128xf32>
    %get3A_1217 = arith.constant 0 : index
    %get3A_1218 = arith.constant 3 : index
    %get3A_1219 = vector.load %arg3[%get3A_1217, %get3A_1218] : memref<1x4xf32, #tpu.memory_space<vmem>>, vector<1x1xf32>
    %get3A_1220 = vector.extract %get3A_1219[0, 0] : f32 from vector<1x1xf32>
    %mul3A_1221 = vector.broadcast %get3A_1220 : f32 to vector<782x128xf32>
    %mul3A_1222 = arith.mulf %mul3A_1221, %add3A_1205 : vector<782x128xf32>
    %add3A_1223 = arith.addf %mul3A_1216, %mul3A_1222 : vector<782x128xf32>
    %swap3A_1224 = arith.constant 0 : index
    %swap3A_1225 = arith.constant 0 : index
    %swap3A_1226 = vector.load %arg18[%swap3A_1224, %swap3A_1225] : memref<782x128xf32, #tpu.memory_space<vmem>>, vector<782x128xf32>
    tpu.vector_store %arg18[%swap3A_1224, %swap3A_1225], %add3A_1223 {strides = array<i32>} : memref<782x128xf32, #tpu.memory_space<vmem>>, vector<782x128xf32>,
    return
  }
}

module attributes {stable_mosaic.version = 14 : i64} {
  func.func @_tck3_body(%arg0: memref<782x128xf32, #tpu.memory_space<vmem>>, %arg1: memref<782x128xf32, #tpu.memory_space<vmem>>, %arg2: memref<782x128xf32, #tpu.memory_space<vmem>>, %arg3: memref<782x128xf32, #tpu.memory_space<vmem>>, %arg4: memref<782x128xf32, #tpu.memory_space<vmem>>, %arg5: memref<782x128xf32, #tpu.memory_space<vmem>>, %arg6: memref<782x128xf32, #tpu.memory_space<vmem>>, %arg7: memref<782x128xf32, #tpu.memory_space<vmem>>, %arg8: memref<1x1xf32, #tpu.memory_space<vmem>>, %arg9: memref<1x1xf32, #tpu.memory_space<vmem>>) attributes {dimension_semantics = [], scalar_prefetch = 0 : i64, scratch_operands = 0 : i64, tpu.core_type = #tpu.core_type<tc>} {
    %get3A = arith.constant 0 : index
    %get3A_0 = arith.constant 0 : index
    %get3A_1 = vector.load %arg0[%get3A, %get3A_0] : memref<782x128xf32, #tpu.memory_space<vmem>>, vector<782x128xf32>
    %get3A_2 = arith.constant 0 : index
    %get3A_3 = arith.constant 0 : index
    %get3A_4 = vector.load %arg1[%get3A_2, %get3A_3] : memref<782x128xf32, #tpu.memory_space<vmem>>, vector<782x128xf32>
    %add3A = arith.addf %get3A_1, %get3A_4 : vector<782x128xf32>
    %gt3A = arith.constant 0.000000e+00 : f32
    %gt3A_5 = vector.broadcast %gt3A : f32 to vector<782x128xf32>
    %gt3A_6 = arith.cmpf ogt, %add3A, %gt3A_5 : vector<782x128xf32>
    %jit3A = arith.constant 1.000000e+00 : f32
    %broadcast_in_dim3A = vector.broadcast %jit3A : f32 to vector<782x128xf32>
    %select_n3A = arith.select %gt3A_6, %add3A, %broadcast_in_dim3A : vector<782x128xi1>, vector<782x128xf32>
    %get3A_7 = arith.constant 0 : index
    %get3A_8 = arith.constant 0 : index
    %get3A_9 = vector.load %arg2[%get3A_7, %get3A_8] : memref<782x128xf32, #tpu.memory_space<vmem>>, vector<782x128xf32>
    %get3A_10 = arith.constant 0 : index
    %get3A_11 = arith.constant 0 : index
    %get3A_12 = vector.load %arg3[%get3A_10, %get3A_11] : memref<782x128xf32, #tpu.memory_space<vmem>>, vector<782x128xf32>
    %add3A_13 = arith.addf %get3A_9, %get3A_12 : vector<782x128xf32>
    %div3A = arith.divf %add3A_13, %select_n3A : vector<782x128xf32>
    %get3A_14 = arith.constant 0 : index
    %get3A_15 = arith.constant 0 : index
    %get3A_16 = vector.load %arg4[%get3A_14, %get3A_15] : memref<782x128xf32, #tpu.memory_space<vmem>>, vector<782x128xf32>
    %get3A_17 = arith.constant 0 : index
    %get3A_18 = arith.constant 0 : index
    %get3A_19 = vector.load %arg5[%get3A_17, %get3A_18] : memref<782x128xf32, #tpu.memory_space<vmem>>, vector<782x128xf32>
    %add3A_20 = arith.addf %get3A_16, %get3A_19 : vector<782x128xf32>
    %div3A_21 = arith.divf %add3A_20, %select_n3A : vector<782x128xf32>
    %get3A_22 = arith.constant 0 : index
    %get3A_23 = arith.constant 0 : index
    %get3A_24 = vector.load %arg6[%get3A_22, %get3A_23] : memref<782x128xf32, #tpu.memory_space<vmem>>, vector<782x128xf32>
    %mul3A = arith.mulf %div3A, %get3A_24 : vector<782x128xf32>
    %get3A_25 = arith.constant 0 : index
    %get3A_26 = arith.constant 0 : index
    %get3A_27 = vector.load %arg7[%get3A_25, %get3A_26] : memref<782x128xf32, #tpu.memory_space<vmem>>, vector<782x128xf32>
    %mul3A_28 = arith.mulf %div3A_21, %get3A_27 : vector<782x128xf32>
    %add3A_29 = arith.addf %mul3A, %mul3A_28 : vector<782x128xf32>
    %reduce_sum3A = vector.shape_cast %add3A_29 : vector<782x128xf32> to vector<1x782x128xf32>
    %reduce_sum3A_30 = arith.constant dense<0.000000e+00> : vector<1xf32>
    %reduce_sum3A_31 = vector.multi_reduction <add>, %reduce_sum3A, %reduce_sum3A_30 [1, 2] : vector<1x782x128xf32> to vector<1xf32>
    %reduce_sum3A_32 = vector.shape_cast %reduce_sum3A_31 : vector<1xf32> to vector<1x1x1xf32>
    %reduce_sum3A_33 = vector.extract %reduce_sum3A_32[0, 0, 0] : f32 from vector<1x1x1xf32>
    %get3A_34 = arith.constant 0 : index
    %get3A_35 = arith.constant 0 : index
    %get3A_36 = vector.load %arg8[%get3A_34, %get3A_35] : memref<1x1xf32, #tpu.memory_space<vmem>>, vector<1x1xf32>
    %add3A_37 = vector.broadcast %reduce_sum3A_33 : f32 to vector<1x1xf32>
    %add3A_38 = arith.addf %add3A_37, %get3A_36 : vector<1x1xf32>
    %logistic3A = arith.negf %add3A_38 : vector<1x1xf32>
    %logistic3A_39 = math.exp %logistic3A : vector<1x1xf32>
    %logistic3A_40 = arith.constant 1.000000e+00 : f32
    %logistic3A_41 = vector.broadcast %logistic3A_40 : f32 to vector<1x1xf32>
    %logistic3A_42 = arith.addf %logistic3A_41, %logistic3A_39 : vector<1x1xf32>
    %logistic3A_43 = arith.divf %logistic3A_41, %logistic3A_42 : vector<1x1xf32>
    %swap3A = arith.constant 0 : index
    %swap3A_44 = arith.constant 0 : index
    %swap3A_45 = vector.load %arg9[%swap3A, %swap3A_44] : memref<1x1xf32, #tpu.memory_space<vmem>>, vector<1x1xf32>
    tpu.vector_store %arg9[%swap3A, %swap3A_44], %logistic3A_43 {strides = array<i32>} : memref<1x1xf32, #tpu.memory_space<vmem>>, vector<1x1xf32>,
    return
  }
}

</mosaic_0001>

<sc_bundles>
// kernel: kernel.6.cloned.1.call-start
scs
__scs_entry_jumppad:
0x0: {  	(pc) =	sbr.rel $0x88, $3  }
0x1: {  	(tag) =	ssettag $0x0;
	lr =	simm.s32 $0x1  }
0x2: {  	[smem:$0x3F97] =	sst lr;
	_ =	strace $0xD0000000  }
0x3: {  	_ = 	snop  }
0x4: {  	_ = 	snop  }
0x5: {  	_ = 	snop  }
0x6: {  	_ = 	snop  }
0x7: {  	_ = 	snop  }
__scs_overlays_trampoline_lowered:
0x8: {  	[smem:$0x3FA6] =	sst s0  }
0x9: {  	[smem:$0x3FA7] =	sst s1  }
0xa: {  	[smem:$0x3FA8] =	sst s2  }
0xb: {  	[smem:$0x3FA9] =	sst s3  }
0xc: {  	[smem:$0x3FAA] =	sst s4  }
0xd: {  	[smem:$0x3FAB] =	sst s5  }
0xe: {  	[smem:$0x3FAC] =	sst s6  }
0xf: {  	[smem:$0x3FAD] =	sst s7  }
0x10: {  	[smem:$0x3FAE] =	sst s8  }
0x11: {  	[smem:$0x3FAF] =	sst s9;
	s0 =	simm.s32 @!p0 $0x0  }
0x12: {  	s1 =	sld [smem:$0x3F95];
	s0 =	simm.s32 @p0 $0x1  }
0x13: {  	[smem:$0x3FB0] =	sst s0;
	s0 =	simm.s32 @!p1 $0x0  }
0x14: {  	s2 =	sld [smem:$0x3F94];
	s0 =	simm.s32 @p1 $0x1  }
0x15: {  	[smem:$0x3FB1] =	sst s0;
	s0 =	simm.s32 @!p2 $0x0  }
0x16: {  	s3 =	sld [smem:$0x3FDB];
	s0 =	simm.s32 @p2 $0x1  }
0x17: {  	s4 =	simm.s32 $0x1BF5;
	[smem:$0x3FB3] =	sst s0  }
0x18: {  	s0 =	sld [smem:$0x3F96];
	_ =	swait.ge [sflag:s4], $0x0  }
0x19: {  	s7 =	sld [smem:$0x3F97]  }
0x1a: {  	s8 =	sadd.s32 $0xFFFFE003, lr  }
0x1b: {  	s9 =	sadd.s32 $0xFFFFFEF7, lr;
	s5 =	simm.s32 $0xFFFFFFFF;
	p2 =	slt.u32 s8, $0xFFFFF086  }
0x1c: {  	p1 =	slt.u32 s9, $0xF7A;
	s5 =	simm.s32 @!p2 $0x0  }
0x1d: {  	s5 =	simm.s32 @p1 $0x1;
	p0 =	seq.s32 s7, s2  }
0x1e: {  	s7 =	smul.u32 @!p0 $0xF7A, s2;
	p2 =	seq.s32 @!p0 s5, $0x0  }
0x1f: {  	s9 =	smul.u32 $0xF7A, s1;
	s8 =	simm.s32 @!p0 $0x1BF5;
	p2 =	por !p2, p0  }
0x20: {  	[sflag:s8] =	ssyncset.s32 @!p0 $0xFFFFF086;
	s6 =	sadd.s32 @!p0 s3, s7;
	s7 =	simm.s32 @!p0 $0x108  }
0x21: {  	s3 =	sadd.s32 s3, s9;
	s6 =	sadd.s32 @!p0 $0x88, s6;
	s7 =	simm.s32 @p2 $0x1082  }
0x22: {  	[simem:s7], [sflag:s8] =	dma.local @!p0 [hbm:s6], $0xF7A  }
0x23: {  	s9 =	sor.u32 $0xD0000000, s2;
	s6 =	simm.s32 $0x108;
	_ =	swait.ge @!p0 [sflag:s8], $0x0  }
0x24: {  	s3 =	sadd.s32 $0x88, s3;
	s6 =	simm.s32 @!p1 $0x1082;
	[sflag:s4] =	ssyncset.s32 $0xFFFFF086  }
0x25: {  	[simem:s6], [sflag:s4] =	dma.local [hbm:s3], $0xF7A  }
0x26: {  	[smem:$0x3F97] =	sst s1;
	(tag) =	ssettag s2;
	_ =	strace s9  }
0x27: {  	s1 =	sld [smem:$0x3FA7]  }
0x28: {  	s2 =	sld [smem:$0x3FA8]  }
0x29: {  	s4 =	sld [smem:$0x3FAA]  }
0x2a: {  	p0 =	seq.s32 s5, $0x0;
	s5 =	sld [smem:$0x3FAB]  }
0x2b: {  	s6 =	sld [smem:$0x3FAC]  }
0x2c: {  	s7 =	sld [smem:$0x3FAD]  }
0x2d: {  	s3 =	simm.s32 $0x108;
	s8 =	sld [smem:$0x3FAE]  }
0x2e: {  	s3 =	simm.s32 @!p0 $0x1082;
	s9 =	sld [smem:$0x3FAF]  }
0x2f: {  	lr =	sadd.s32 s0, s3;
	s0 =	sld [smem:$0x3FA6]  }
0x30: {  	s3 =	sld [smem:$0x3FA9]  }
0x31: {  	[smem:$0x3FB2] =	sst s10  }
0x32: {  	s10 =	sld [smem:$0x3FB0];
	_ =	sdelay $0x3  }
0x33: {  	p0 =	seq.s32 s10, $0x1;
	s10 =	sld [smem:$0x3FB2];
	_ =	sdelay $0x3  }
0x34: {  	[smem:$0x3FB2] =	sst s10  }
0x35: {  	s10 =	sld [smem:$0x3FB1];
	_ =	sdelay $0x3  }
0x36: {  	p1 =	seq.s32 s10, $0x1;
	s10 =	sld [smem:$0x3FB2];
	_ =	sdelay $0x3  }
0x37: {  	[smem:$0x3FB2] =	sst s10  }
0x38: {  	s10 =	sld [smem:$0x3FB3]  }
0x39: {  	_ = 	snop;
	(pc) =	sbr.ind lr, $3  }
0x3a: {  	_ = 	snop  }
0x3b: {  	_ = 	snop  }
0x3c: {  	p2 =	seq.s32 s10, $0x1;
	s10 =	sld [smem:$0x3FB2]  }
0x3d: {  	_ =	shalt  }
0x3e: {  	_ =	shalt  }
0x3f: {  	_ =	shalt  }
0x40: {  	_ =	shalt  }
0x41: {  	_ =	shalt  }
0x42: {  	_ =	shalt  }
0x43: {  	_ =	shalt  }
0x44: {  	_ =	shalt  }
0x45: {  	_ =	shalt  }
0x46: {  	_ =	shalt  }
0x47: {  	_ =	shalt  }
0x48: {  	_ =	shalt  }
0x49: {  	_ =	shalt  }
0x4a: {  	_ =	shalt  }
0x4b: {  	_ =	shalt  }
0x4c: {  	_ =	shalt  }
0x4d: {  	_ =	shalt  }
0x4e: {  	_ =	shalt  }
0x4f: {  	_ =	shalt  }
0x50: {  	_ =	shalt  }
0x51: {  	_ =	shalt  }
0x52: {  	_ =	shalt  }
0x53: {  	_ =	shalt  }
0x54: {  	_ =	shalt  }
0x55: {  	_ =	shalt  }
0x56: {  	_ =	shalt  }
0x57: {  	_ =	shalt  }
0x58: {  	_ =	shalt  }
0x59: {  	_ =	shalt  }
0x5a: {  	_ =	shalt  }
0x5b: {  	_ =	shalt  }
0x5c: {  	_ =	shalt  }
0x5d: {  	_ =	shalt  }
0x5e: {  	_ =	shalt  }
0x5f: {  	_ =	shalt  }
0x60: {  	_ =	shalt  }
0x61: {  	_ =	shalt  }
0x62: {  	_ =	shalt  }
0x63: {  	_ =	shalt  }
0x64: {  	_ =	shalt  }
0x65: {  	_ =	shalt  }
0x66: {  	_ =	shalt  }
0x67: {  	_ =	shalt  }
0x68: {  	_ =	shalt  }
0x69: {  	_ =	shalt  }
0x6a: {  	_ =	shalt  }
0x6b: {  	_ =	shalt  }
0x6c: {  	_ =	shalt  }
0x6d: {  	_ =	shalt  }
0x6e: {  	_ =	shalt  }
0x6f: {  	_ =	shalt  }
0x70: {  	_ =	shalt  }
0x71: {  	_ =	shalt  }
0x72: {  	_ =	shalt  }
0x73: {  	_ =	shalt  }
0x74: {  	_ =	shalt  }
0x75: {  	_ =	shalt  }
0x76: {  	_ =	shalt  }
0x77: {  	_ =	shalt  }
0x78: {  	_ =	shalt  }
0x79: {  	_ =	shalt  }
0x7a: {  	_ =	shalt  }
0x7b: {  	_ =	shalt  }
0x7c: {  	_ =	shalt  }
0x7d: {  	_ =	shalt  }
0x7e: {  	_ =	shalt  }
0x7f: {  	_ =	shalt  }
0x80: {  	_ =	shalt  }
0x81: {  	_ =	shalt  }
0x82: {  	_ =	shalt  }
0x83: {  	_ =	shalt  }
0x84: {  	_ =	shalt  }
0x85: {  	_ =	shalt  }
0x86: {  	_ =	shalt  }
0x87: {  	_ =	shalt  }
.Lfunc_end0:
.L_simem_size_0:
called_computation_lowered:
.L_overlay_start_0:
0x88: {  	s2 =	sld [smem:$0x3FD9]  }
0x89: {  	s3 =	sld [smem:$0x3FFE];
	_ =	sdelay $0x1  }
0x8a: {  	s1 =	srdreg.scid  }
0x8b: {  	s0 =	sand.u32 $0x1, s1  }
0x8c: {  	s17 =	sshll.u32 s0, $0xA;
	s2 =	sadd.s32 s3, s2  }
0x8d: {  	s2 =	sadd.s32 s2, s17  }
0x8e: {  	[smem:$0x3FBE] =	sst s2  }
0x8f: {  	_ = 	snop  }
0x90: {  	s2 =	sld [smem:$0x3FD0];
	(tm) =	ssettm $0x1  }
0x91: {  	s18 =	sld [smem:$0x3FFB];
	_ =	sdelay $0x3  }
0x92: {  	_ =	strace s18  }
0x93: {  	s3 =	sld [smem:$0x3FFC];
	_ =	sdelay $0x3  }
0x94: {  	_ =	strace s3  }
0x95: {  	s3 =	sld [smem:$0x3FFD];
	_ =	sdelay $0x3  }
0x96: {  	_ =	strace s3  }
0x97: {  	_ =	strace $0x8FFFFFFF  }
0x98: {  	s19 =	sld [smem:$0x3FDB];
	_ =	sdelay $0x1  }
0x99: {  	s4 =	simm.s32 $_scs_section_size  }
0x9a: {  	s5 =	simm.s32 $_size__tile_overlayer_lowered;
	s6 =	simm.s32 $_tile_overlayer_lowered  }
0x9b: {  	s22 =	simm.s32 $0x1BFF;
	s21 =	sshll.u32 s6, $0x1;
	s3 =	sadd.s32 s4, s19  }
0x9c: {  	s7 =	simm.s32 $0x0;
	s20 =	sshll.u32 s5, $0x1;
	s5 =	sadd.s32 s21, s3  }
0x9d: {  	[timem:s7], [sflag:s22] =	dma.local [hbm:s5], s20  }
0x9e: {  	_ =	swait.ge [sflag:s22], s20  }
0x9f: {  	s4 =	ssub.s32 $0x0, s20;
	[sflag:s22] =	ssyncset.done $0x0  }
0xa0: {  	[sflag:s22] =	ssyncadd.s32 s4;
	_ =	sdelay $0x1  }
0xa1: {  	s23 =	simm.s32 $0x1B8B  }
0xa2: {  	_ =	swait.ge [sflag:s23], $0x1  }
0xa3: {  	[sflag:s23] =	ssyncset.done $0x0  }
0xa4: {  	s25 =	simm.s32 $0x1B8E;
	s24 =	sld [smem:$0x3FFE];
	[sflag:s23] =	ssyncadd.s32 $0xFFFFFFFF  }
0xa5: {  	s26 =	simm.s32 $execute0_lowered;
	[smem:$0x3FD2] =	sst s25  }
0xa6: {  	s5 =	sshll.u32 s26, $0x1;
	_ =	strace $0x80000046;
	[dreg:$0x1] =	wrdreg $0xFFFFFFFF  }
0xa7: {  	s28 =	simm.s32 $_size_execute0_lowered;
	s3 =	sadd.s32 s3, s5;
	[dreg:$0x0] =	wrdreg $0x0  }
0xa8: {  	s5 =	sshll.u32 s28, $0x1;
	[dreg:$0x2] =	wrdreg s3  }
0xa9: {  	[dreg:$0x3] =	wrdreg s5  }
0xaa: {  	[dreg:$0x4] =	wrdreg $0xC0  }
0xab: {  	_ =	task [dreg:s7], $0x5FFFF  }
0xac: {  	[dreg:$0x1] =	wrdreg $0xFFFFFFFF  }
0xad: {  	[dreg:$0x0] =	wrdreg $0x60  }
0xae: {  	[dreg:$0x2] =	wrdreg s24  }
0xaf: {  	[dreg:$0x3] =	wrdreg s2  }
0xb0: {  	[dreg:$0x4] =	wrdreg $0x0  }
0xb1: {  	[dreg:$0x5] =	wrdreg $0x18700  }
0xb2: {  	[dreg:$0x6] =	wrdreg $0x30E00  }
0xb3: {  	[dreg:$0x7] =	wrdreg $0x49500  }
0xb4: {  	[dreg:$0x8] =	wrdreg $0x61C00  }
0xb5: {  	[dreg:$0x9] =	wrdreg $0x7A300  }
0xb6: {  	[dreg:$0xa] =	wrdreg $0x92A00  }
0xb7: {  	[dreg:$0xb] =	wrdreg $0xAB100  }
0xb8: {  	[dreg:$0xc] =	wrdreg $0x9  }
0xb9: {  	_ =	task.clear_ibuf [dreg:s7], $0xDFFFF;
	_ =	strace $0x90000046  }
0xba: {  	s29 =	simm.s32 $0x9;
	_ =	strace $0x80000048  }
0xbb: {  	_ =	swait.ge [sflag:s29], $0x1  }
0xbc: {  	[sflag:s29] =	ssyncadd.s32 $0xFFFFFFFF  }
0xbd: {  	_ =	strace $0x90000048  }
0xbe: {  	_ =	sfence  }
0xbf: {  	s30 =	sld [smem:$0x0];
	_ =	sdelay $0x2  }
0xc0: {  	s31 =	sshll.u32 s1, $0xD;
	s1 =	sshrl.u32 s1, $0x2  }
0xc1: {  	s3 =	sand.u32 $0x4000, s31;
	s1 =	sadd.s32 s1, s30  }
0xc2: {  	s0 =	sor.u32 s3, s0;
	s1 =	sshll.u32 s1, $0x11  }
0xc3: {  	s0 =	sor.u32 s1, s0  }
0xc4: {  	s0 =	sadd.s32 $0x8F2B, s0  }
0xc5: {  	[sflag:s0] =	ssyncadd.remote.s32 $0x1  }
0xc6: {  	_ =	sfence.sel $0xFFFF  }
0xc7: {  	[dreg:$0x0] =	wrdreg $0xFFFFFFFF;
	(pc) =	sbr.abs _section_cstart, $3  }
0xc8: {  	[dreg:$0x1] =	wrdreg $0xFFFFFFFF  }
0xc9: {  	_ =	task.clear_ibuf [dreg:s7], $0x2FFFF;
	_ =	strace $0x9FFFFFFF  }
0xca: {  	(tm) =	ssettm $0x7FFFFFFF  }
0xcb: {  	_ =	shalt  }
tec
execute0_lowered:
.L_overlay_start_1:
0x0: {  	(tag) =	ssettag $0x1  }
0x1: {  	s10 =	rddreg [dreg:$0x0]  }
0x2: {  	s1 =	rddreg [dreg:$0x2]  }
0x3: {  	s2 =	rddreg [dreg:$0x3]  }
0x4: {  	s4 =	rddreg [dreg:$0x4]  }
0x5: {  	s5 =	rddreg [dreg:$0x5]  }
0x6: {  	s6 =	rddreg [dreg:$0x6]  }
0x7: {  	s7 =	rddreg [dreg:$0x7]  }
0x8: {  	s8 =	rddreg [dreg:$0x8]  }
0x9: {  	s9 =	rddreg [dreg:$0x9];
	s0 =	simm.s32 $0x0;
	s21 =	stileid.u32  }
0xa: {  	s25 =	srdreg.scid;
	[smem:$0x7FF] =	sst s0;
	s12 =	sadd.s32 $0x65C00, s10  }
0xb: {  	s13 =	sadd.s32 $0x4000, s10;
	s3 =	smul.u32 $0x1870, s21;
	s11 =	sadd.s32 $0xCEA00, s10  }
0xc: {  	s14 =	sand.u32 $0x1, s25;
	s15 =	sadd.s32 $0xD1C00, s10;
	s16 =	sadd.s32 $0xD4E00, s10  }
0xd: {  	s17 =	sadd.s32 $0xD8000, s10;
	s18 =	sadd.s32 $0xDB200, s10;
	s22 =	sadd.s32 $0xCE600, s10  }
0xe: {  	s23 =	sadd.s32 $0xCE400, s10;
	_ =	strace $0x80000047;
	[dreg:$0x12] =	wrdreg s22  }
0xf: {  	s26 =	sshll.u32 s21, $0x1;
	s24 =	sadd.s32 $0xCE200, s10;
	[dreg:$0x13] =	wrdreg s23  }
0x10: {  	s21 =	sadd.s32 $0xE1600, s10;
	s25 =	sadd.s32 $0xCE000, s10;
	[dreg:$0x14] =	wrdreg s24  }
0x11: {  	s0 =	ssub.s32 $0x2, s14;
	p0 =	seq.s32 s14, $0x1;
	[dreg:$0x15] =	wrdreg s25  }
0x12: {  	s19 =	sshrl.u32 s0, $0x1;
	s11 =	smov.u32 @p0 s21;
	s28 =	sshrl.u32 s3, $0x3  }
0x13: {  	s23 =	sadd.s32 $0xFA0, s3;
	s0 =	ssub.s32 s0, s19;
	s11 =	sadd.s32 s11, s28  }
0x14: {  	s19 =	sor.u32 s14, s26;
	s26 =	sadd.s32 $0xCDE00, s10;
	[dreg:$0xb] =	wrdreg s11  }
0x15: {  	s21 =	sadd.s32 $0xE7A00, s10;
	s24 =	sadd.s32 s23, s4;
	[dreg:$0x16] =	wrdreg s26  }
0x16: {  	s16 =	smov.u32 @p0 s21;
	s25 =	sadd.s32 s23, s5;
	[smem:$0x7E5] =	sst s24  }
0x17: {  	s21 =	sadd.s32 $0xEDE00, s10;
	s16 =	sadd.s32 s16, s28;
	[smem:$0x7E6] =	sst s25  }
0x18: {  	s18 =	smov.u32 @p0 s21;
	s21 =	sadd.s32 $0xCE800, s10;
	[dreg:$0xd] =	wrdreg s16  }
0x19: {  	s20 =	sadd.s32 $0xDE400, s10;
	s26 =	sadd.s32 s23, s6;
	[dreg:$0x11] =	wrdreg s21  }
0x1a: {  	s14 =	sadd.s32 $0xE4800, s10;
	s0 =	smax.u32 s0, $0x1;
	[smem:$0x7E7] =	sst s26  }
0x1b: {  	s15 =	smov.u32 @p0 s14;
	s25 =	sadd.s32 s3, s6;
	[smem:$0x7F7] =	sst s0  }
0x1c: {  	s14 =	sadd.s32 $0xEAC00, s10;
	s15 =	sadd.s32 s15, s28;
	[smem:$0x7FC] =	sst s25  }
0x1d: {  	s17 =	smov.u32 @p0 s14;
	s18 =	sadd.s32 s18, s28;
	[dreg:$0xc] =	wrdreg s15  }
0x1e: {  	s14 =	sadd.s32 $0xF1000, s10;
	s26 =	sadd.s32 s3, s7;
	[dreg:$0xf] =	wrdreg s18  }
0x1f: {  	s20 =	smov.u32 @p0 s14;
	s17 =	sadd.s32 s17, s28;
	[smem:$0x7FD] =	sst s26  }
0x20: {  	s14 =	sadd.s32 s28, s10;
	s10 =	sadd.s32 $0xCDC00, s10;
	[dreg:$0xe] =	wrdreg s17  }
0x21: {  	s20 =	sadd.s32 s20, s28;
	[dreg:$0x17] =	wrdreg s10  }
0x22: {  	s15 =	sadd.s32 $0xCAA00, s14;
	[dreg:$0x10] =	wrdreg s20  }
0x23: {  	s16 =	sadd.s32 $0xC7800, s14;
	[dreg:$0x18] =	wrdreg s15  }
0x24: {  	s28 =	sadd.s32 $0x7D0, s3;
	s14 =	sadd.s32 s23, s8;
	[dreg:$0x19] =	wrdreg s16  }
0x25: {  	s17 =	sadd.s32 s28, s4;
	[smem:$0x7E9] =	sst s14  }
0x26: {  	s18 =	sadd.s32 s28, s5;
	[dreg:$0x1a] =	wrdreg s17  }
0x27: {  	s20 =	sadd.s32 s28, s6;
	[dreg:$0x1b] =	wrdreg s18  }
0x28: {  	s21 =	sadd.s32 s28, s7;
	[dreg:$0x1c] =	wrdreg s20  }
0x29: {  	s30 =	simm.s32 $0xFA30;
	s22 =	sadd.s32 s28, s8;
	[dreg:$0x1d] =	wrdreg s21  }
0x2a: {  	s31 =	simm.s32 $0x2;
	s10 =	sadd.s32 s28, s9;
	[dreg:$0x1e] =	wrdreg s22  }
0x2b: {  	s29 =	simm.s32 $0x138B0;
	s28 =	sadd.s32 s23, s7;
	[dreg:$0x1f] =	wrdreg s10  }
0x2c: {  	s11 =	sadd.s32 s3, s2;
	s15 =	sadd.s32 s3, s8;
	[smem:$0x7E8] =	sst s28  }
0x2d: {  	s16 =	sadd.s32 s3, s9;
	s14 =	simm.s32 $0x7D0;
	[smem:$0x7EB] =	sst s15  }
0x2e: {  	s10 =	sadd.s32 s23, s9;
	s20 =	sadd.s32 s3, s4;
	[smem:$0x7EC] =	sst s16  }
0x2f: {  	s22 =	sadd.s32 s3, s5;
	s21 =	smul.u32 $0x186A0, s19;
	[smem:$0x7EA] =	sst s10  }
0x30: {  	s10 =	sadd.s32 s3, s1;
	s3 =	sadd.s32 $0x1770, s3;
	[smem:$0x7FA] =	sst s20  }
0x31: {  	v0 =	vimm.s32 $0xFEDCBA98;
	v1 =	vimm.s32 $0x76543210;
	s28 =	smul.u32 $0x30D4, s19;
	[smem:$0x7FB] =	sst s22;
	s17 =	sadd.s32 s3, s4  }
0x32: {  	v2 =	vimm.s32 $0x3210FEDC;
	v3 =	vimm.s32 $0xBA987654;
	s19 =	smul.u32 $0x32, s19;
	s18 =	sadd.s32 s3, s5;
	[smem:$0x7ED] =	sst s17  }
0x33: {  	v4 =	vimm.s32 $0x10FEDCBA;
	v5 =	vimm.s32 $0x98765432;
	s16 =	simm.s32 $0x130E0;
	s23 =	sadd.s32 s3, s6;
	[smem:$0x7EE] =	sst s18  }
0x34: {  	v6 =	vimm.s32 $0xFEDCBA9;
	v7 =	vimm.s32 $0x87654321;
	s24 =	sadd.s32 s3, s7;
	s15 =	sadd.s32 s13, s28;
	[smem:$0x7EF] =	sst s23  }
0x35: {  	v0 =	vunpack.c.l.s4.s8 v0;
	v1 =	vunpack.c.l.s4.s8 v1;
	v2 =	vunpack.c.l.s4.s8 v2;
	[smem:$0x7F0] =	sst s24;
	s17 =	sadd.s32 s3, s8;
	s3 =	sadd.s32 s3, s9  }
0x36: {  	v3 =	vunpack.c.l.s4.s8 v3;
	v4 =	vunpack.c.l.s4.s8 v4;
	v5 =	vunpack.c.l.s4.s8 v5;
	s18 =	sshrl.u32 s21, $0x3;
	s21 =	sadd.s32 s12, s28;
	[smem:$0x7F4] =	sst s15  }
0x37: {  	v6 =	vunpack.c.l.s4.s8 v6;
	v7 =	vunpack.c.l.s4.s8 v7;
	v0 =	vunpack.c.0.s8.s32 v0;
	s24 =	sshrl.u32 s10, $0x3;
	s28 =	sshrl.u32 s11, $0x3;
	[smem:$0x7F1] =	sst s17  }
0x38: {  	v2 =	vunpack.c.0.s8.s32 v2;
	v3 =	vunpack.c.0.s8.s32 v3;
	v4 =	vunpack.c.0.s8.s32 v4;
	s15 =	simm.s32 $0x12910;
	s10 =	simm.s32 $0x5;
	[smem:$0x7F2] =	sst s3  }
0x39: {  	v5 =	vunpack.c.0.s8.s32 v5;
	v6 =	vunpack.c.0.s8.s32 v6;
	v7 =	vunpack.c.0.s8.s32 v7;
	s11 =	simm.s32 $0x0;
	s3 =	sadd.s32 $0xFA, s18;
	[smem:$0x7F3] =	sst s21  }
0x3a: {  	v1 =	vunpack.c.0.s8.s32 v1;
	v2 =	vcombine.low v3, v2;
	s17 =	sadd.s32 $0x2, s19;
	s18 =	sadd.s32 $0x3, s19;
	[smem:$0x7F8] =	sst s24  }
0x3b: {  	v3 =	vcombine.low v5, v4;
	v4 =	vand.u32 $0xF, v0;
	v5 =	vcombine.low v7, v6;
	[smem:$0x7F9] =	sst s28;
	s19 =	simm.s32 $0x4;
	s23 =	sadd.s32 s12, s3  }
0x3c: {  	v0 =	vimm.f32 $0.0e+00;
	v1 =	vcombine.low v4, v1;
	s21 =	simm.s32 $0xD320;
	s3 =	sadd.s32 s13, s3;
	[smem:$0x7F5] =	sst s23  }
0x3d: {  	v2 =	vand.u32 $0xF, v2;
	v3 =	vand.u32 $0xF, v3;
	v4 =	vand.u32 $0xF, v5;
	s24 =	simm.s32 $0x6;
	[smem:$0x7F6] =	sst s3;
	s3 =	simm.s32 $0x1  }
.LBB2_1:
0x3e: {  	[smem:$0x7E4] =	sst s11  }
0x3f: {  	s11 =	simm.s32 $0x0;
	s0 =	rddreg [dreg:$0x11];
	s28 =	simm.s32 $0x18EA0  }
0x40: {  	[tilespmem:s28], [sflag:$0x7] =	stream.linear.gather [hbm4b:s0+s11], $0x10, $0x38;
	[tilespmem:$0x18F20] =	vst v63  }
0x41: {  	s28 =	simm.s32 $0x7  }
0x42: {  	_ =	swait.ge [sflag:s28], $0x10  }
0x43: {  	[sflag:s28] =	ssyncset.done $0x0  }
0x44: {  	[sflag:s28] =	ssyncadd.s32 $0xFFFFFFF0  }
0x45: {  	s23 =	simm.s32 $0x18EB0;
	s0 =	rddreg [dreg:$0x1]  }
0x46: {  	[tilespmem:s23], [sflag:$0x7] =	stream.linear.gather [hbm4b:s0+s11], $0x10, $0x38;
	[tilespmem:$0x18F20] =	vst v63  }
0x47: {  	_ =	swait.ge [sflag:s28], $0x10  }
0x48: {  	[sflag:s28] =	ssyncset.done $0x0  }
0x49: {  	s23 =	simm.s32 $0x18EC0;
	s0 =	rddreg [dreg:$0x12];
	[sflag:s28] =	ssyncadd.s32 $0xFFFFFFF0  }
0x4a: {  	[tilespmem:s23], [sflag:$0x7] =	stream.linear.gather [hbm4b:s0+s11], $0x10, $0x38;
	[tilespmem:$0x18F20] =	vst v63  }
0x4b: {  	_ =	swait.ge [sflag:s28], $0x10  }
0x4c: {  	[sflag:s28] =	ssyncset.done $0x0  }
0x4d: {  	s23 =	simm.s32 $0x18ED0;
	s0 =	rddreg [dreg:$0x13];
	[sflag:s28] =	ssyncadd.s32 $0xFFFFFFF0  }
0x4e: {  	[tilespmem:s23], [sflag:$0x7] =	stream.linear.gather [hbm4b:s0+s11], $0x10, $0x38;
	[tilespmem:$0x18F20] =	vst v63  }
0x4f: {  	_ =	swait.ge [sflag:s28], $0x10  }
0x50: {  	[sflag:s28] =	ssyncset.done $0x0  }
0x51: {  	s23 =	simm.s32 $0x18EE0;
	s0 =	rddreg [dreg:$0x14];
	[sflag:s28] =	ssyncadd.s32 $0xFFFFFFF0  }
0x52: {  	[tilespmem:s23], [sflag:$0x7] =	stream.linear.gather [hbm4b:s0+s11], $0x10, $0x38;
	[tilespmem:$0x18F20] =	vst v63  }
0x53: {  	_ =	swait.ge [sflag:s28], $0x10  }
0x54: {  	[sflag:s28] =	ssyncset.done $0x0  }
0x55: {  	s23 =	simm.s32 $0x18EF0;
	s0 =	rddreg [dreg:$0x15];
	[sflag:s28] =	ssyncadd.s32 $0xFFFFFFF0  }
0x56: {  	[tilespmem:s23], [sflag:$0x7] =	stream.linear.gather [hbm4b:s0+s11], $0x10, $0x38;
	[tilespmem:$0x18F20] =	vst v63  }
0x57: {  	_ =	swait.ge [sflag:s28], $0x10  }
0x58: {  	[sflag:s28] =	ssyncset.done $0x0  }
0x59: {  	s23 =	simm.s32 $0x18F00;
	s0 =	rddreg [dreg:$0x16];
	[sflag:s28] =	ssyncadd.s32 $0xFFFFFFF0  }
0x5a: {  	[tilespmem:s23], [sflag:$0x7] =	stream.linear.gather [hbm4b:s0+s11], $0x10, $0x38;
	[tilespmem:$0x18F20] =	vst v63  }
0x5b: {  	_ =	swait.ge [sflag:s28], $0x10  }
0x5c: {  	[sflag:s28] =	ssyncset.done $0x0  }
0x5d: {  	s23 =	simm.s32 $0x18F10;
	s0 =	rddreg [dreg:$0x17];
	[sflag:s28] =	ssyncadd.s32 $0xFFFFFFF0  }
0x5e: {  	[tilespmem:s23], [sflag:$0x7] =	stream.linear.gather [hbm4b:s0+s11], $0x10, $0x38;
	[tilespmem:$0x18F20] =	vst v63  }
0x5f: {  	_ =	swait.ge [sflag:s28], $0x10  }
0x60: {  	[sflag:s28] =	ssyncset.done $0x0  }
0x61: {  	s0 =	simm.s32 $0x40;
	s11 =	simm.s32 $0x0;
	[sflag:s28] =	ssyncadd.s32 $0xFFFFFFF0  }
.LBB2_2:
0x62: {  	p0 =	sne.s32 s0, $0x1F00;
	[tilespmem:s11+$0xFA30] =	vst v0;
	s11 =	smov.u32 s0;
	s0 =	sadd.s32 $0x40, s0  }
.Ltmp0:
0x63: {  	(pc) =	sbr.rel @p0 .LBB2_2-.Ltmp0, $2  }
0x64: {  	_ =	sdelay $0x2  }
0x65: {  	s11 =	sshra.s32 s11, $0x2  }
0x66: {  	s0 =	stileid.u32;
	s28 =	sld [smem:$0x7F8]  }
0x67: {  	s0 =	sshll.u32 s0, $0x6  }
0x68: {  	[tilespmem:s11+$0xFA30] =	vst v0;
	s11 =	rddreg [dreg:$0x18];
	s23 =	sor.u32 $0x1C02, s0  }
0x69: {  	[spmem:s28], [sflag:s23] =	dma.local [hbm:s11], $0x30E  }
0x6a: {  	s11 =	sld [smem:$0x7F9]  }
0x6b: {  	[smem:$0x7E3] =	sst s23  }
0x6c: {  	s0 =	rddreg [dreg:$0x19]  }
0x6d: {  	[spmem:s11], [sflag:s23] =	dma.local [hbm:s0], $0x30E  }
0x6e: {  	[spmem:s20] =	stream.linear.scatter [tilespmem:s30], [sflag:$0x1], $0x7D0, $0x38;
	[tilespmem:$0x18F20] =	vst v63  }
0x6f: {  	_ = 	snop  }
0x70: {  	[spmem:s22] =	stream.linear.scatter [tilespmem:s30], [sflag:$0x1], $0x7D0, $0x38;
	[tilespmem:$0x18F20] =	vst v63  }
0x71: {  	_ = 	snop  }
0x72: {  	[spmem:s25] =	stream.linear.scatter [tilespmem:s30], [sflag:$0x1], $0x7D0, $0x38;
	[tilespmem:$0x18F20] =	vst v63  }
0x73: {  	s0 =	sld [smem:$0x7EB]  }
0x74: {  	[spmem:s26] =	stream.linear.scatter [tilespmem:s30], [sflag:$0x1], $0x7D0, $0x38;
	[tilespmem:$0x18F20] =	vst v63  }
0x75: {  	s23 =	sld [smem:$0x7EC]  }
0x76: {  	[spmem:s0] =	stream.linear.scatter [tilespmem:s30], [sflag:$0x1], $0x7D0, $0x38;
	[tilespmem:$0x18F20] =	vst v63  }
0x77: {  	s28 =	rddreg [dreg:$0x1c]  }
0x78: {  	[spmem:s23] =	stream.linear.scatter [tilespmem:s30], [sflag:$0x1], $0x7D0, $0x38;
	[tilespmem:$0x18F20] =	vst v63  }
0x79: {  	s25 =	rddreg [dreg:$0x1a]  }
0x7a: {  	[spmem:s25] =	stream.linear.scatter [tilespmem:s30], [sflag:$0x1], $0x7D0, $0x38;
	[tilespmem:$0x18F20] =	vst v63  }
0x7b: {  	s26 =	rddreg [dreg:$0x1b]  }
0x7c: {  	[spmem:s26] =	stream.linear.scatter [tilespmem:s30], [sflag:$0x1], $0x7D0, $0x38;
	[tilespmem:$0x18F20] =	vst v63  }
0x7d: {  	s11 =	rddreg [dreg:$0x1d]  }
0x7e: {  	[spmem:s28] =	stream.linear.scatter [tilespmem:s30], [sflag:$0x1], $0x7D0, $0x38;
	[tilespmem:$0x18F20] =	vst v63  }
0x7f: {  	s20 =	rddreg [dreg:$0x1e]  }
0x80: {  	[spmem:s11] =	stream.linear.scatter [tilespmem:s30], [sflag:$0x1], $0x7D0, $0x38;
	[tilespmem:$0x18F20] =	vst v63  }
0x81: {  	s22 =	rddreg [dreg:$0x1f]  }
0x82: {  	[spmem:s20] =	stream.linear.scatter [tilespmem:s30], [sflag:$0x1], $0x7D0, $0x38;
	[tilespmem:$0x18F20] =	vst v63  }
0x83: {  	s23 =	sld [smem:$0x7E5]  }
0x84: {  	[spmem:s22] =	stream.linear.scatter [tilespmem:s30], [sflag:$0x1], $0x7D0, $0x38;
	[tilespmem:$0x18F20] =	vst v63  }
0x85: {  	s25 =	sld [smem:$0x7E6]  }
0x86: {  	[spmem:s23] =	stream.linear.scatter [tilespmem:s30], [sflag:$0x1], $0x7D0, $0x38;
	[tilespmem:$0x18F20] =	vst v63  }
0x87: {  	s26 =	sld [smem:$0x7E7]  }
0x88: {  	[spmem:s25] =	stream.linear.scatter [tilespmem:s30], [sflag:$0x1], $0x7D0, $0x38;
	[tilespmem:$0x18F20] =	vst v63  }
0x89: {  	s28 =	sld [smem:$0x7E8]  }
0x8a: {  	[spmem:s26] =	stream.linear.scatter [tilespmem:s30], [sflag:$0x1], $0x7D0, $0x38;
	[tilespmem:$0x18F20] =	vst v63  }
0x8b: {  	s11 =	sld [smem:$0x7E9]  }
0x8c: {  	[spmem:s28] =	stream.linear.scatter [tilespmem:s30], [sflag:$0x1], $0x7D0, $0x38;
	[tilespmem:$0x18F20] =	vst v63  }
0x8d: {  	s20 =	sld [smem:$0x7EA]  }
0x8e: {  	[spmem:s11] =	stream.linear.scatter [tilespmem:s30], [sflag:$0x1], $0x7D0, $0x38;
	[tilespmem:$0x18F20] =	vst v63  }
0x8f: {  	s22 =	sld [smem:$0x7ED]  }
0x90: {  	[spmem:s20] =	stream.linear.scatter [tilespmem:s30], [sflag:$0x1], $0x7D0, $0x38;
	[tilespmem:$0x18F20] =	vst v63  }
0x91: {  	s23 =	sld [smem:$0x7EE]  }
0x92: {  	[spmem:s22] =	stream.linear.scatter [tilespmem:s30], [sflag:$0x1], $0x100, $0x38;
	[tilespmem:$0x18F20] =	vst v63  }
0x93: {  	s25 =	sld [smem:$0x7EF]  }
0x94: {  	[spmem:s23] =	stream.linear.scatter [tilespmem:s30], [sflag:$0x1], $0x100, $0x38;
	[tilespmem:$0x18F20] =	vst v63  }
0x95: {  	s26 =	sld [smem:$0x7F0]  }
0x96: {  	[spmem:s25] =	stream.linear.scatter [tilespmem:s30], [sflag:$0x1], $0x100, $0x38;
	[tilespmem:$0x18F20] =	vst v63  }
0x97: {  	s28 =	sld [smem:$0x7F1]  }
0x98: {  	[spmem:s26] =	stream.linear.scatter [tilespmem:s30], [sflag:$0x1], $0x100, $0x38;
	[tilespmem:$0x18F20] =	vst v63  }
0x99: {  	s11 =	sld [smem:$0x7F2]  }
0x9a: {  	[spmem:s28] =	stream.linear.scatter [tilespmem:s30], [sflag:$0x1], $0x100, $0x38;
	[tilespmem:$0x18F20] =	vst v63  }
0x9b: {  	_ = 	snop  }
0x9c: {  	[spmem:s11] =	stream.linear.scatter [tilespmem:s30], [sflag:$0x1], $0x100, $0x38;
	[tilespmem:$0x18F20] =	vst v63  }
0x9d: {  	_ =	swait.ge [sflag:s31], $0x30E  }
0x9e: {  	[sflag:s31] =	ssyncset.done $0x0  }
0x9f: {  	[sflag:s31] =	ssyncadd.s32 $0xFFFFFCF2  }
0xa0: {  	_ =	swait.ge [sflag:s31], $0x30E  }
0xa1: {  	[sflag:s31] =	ssyncset.done $0x0  }
0xa2: {  	[sflag:s31] =	ssyncadd.s32 $0xFFFFFCF2  }
0xa3: {  	_ =	swait.ge [sflag:s3], $0x7D0  }
0xa4: {  	[sflag:s3] =	ssyncset.done $0x0  }
0xa5: {  	[sflag:s3] =	ssyncadd.s32 $0xFFFFF830  }
0xa6: {  	_ =	swait.ge [sflag:s3], $0x7D0  }
0xa7: {  	[sflag:s3] =	ssyncset.done $0x0  }
0xa8: {  	[sflag:s3] =	ssyncadd.s32 $0xFFFFF830  }
0xa9: {  	_ =	swait.ge [sflag:s3], $0x7D0  }
0xaa: {  	[sflag:s3] =	ssyncset.done $0x0  }
0xab: {  	[sflag:s3] =	ssyncadd.s32 $0xFFFFF830  }
0xac: {  	_ =	swait.ge [sflag:s3], $0x7D0  }
0xad: {  	[sflag:s3] =	ssyncset.done $0x0  }
0xae: {  	[sflag:s3] =	ssyncadd.s32 $0xFFFFF830  }
0xaf: {  	_ =	swait.ge [sflag:s3], $0x7D0  }
0xb0: {  	[sflag:s3] =	ssyncset.done $0x0  }
0xb1: {  	[sflag:s3] =	ssyncadd.s32 $0xFFFFF830  }
0xb2: {  	_ =	swait.ge [sflag:s3], $0x7D0  }
0xb3: {  	[sflag:s3] =	ssyncset.done $0x0  }
0xb4: {  	[sflag:s3] =	ssyncadd.s32 $0xFFFFF830  }
0xb5: {  	_ =	swait.ge [sflag:s3], $0x7D0  }
0xb6: {  	[sflag:s3] =	ssyncset.done $0x0  }
0xb7: {  	[sflag:s3] =	ssyncadd.s32 $0xFFFFF830  }
0xb8: {  	_ =	swait.ge [sflag:s3], $0x7D0  }
0xb9: {  	[sflag:s3] =	ssyncset.done $0x0  }
0xba: {  	[sflag:s3] =	ssyncadd.s32 $0xFFFFF830  }
0xbb: {  	_ =	swait.ge [sflag:s3], $0x7D0  }
0xbc: {  	[sflag:s3] =	ssyncset.done $0x0  }
0xbd: {  	[sflag:s3] =	ssyncadd.s32 $0xFFFFF830  }
0xbe: {  	_ =	swait.ge [sflag:s3], $0x7D0  }
0xbf: {  	[sflag:s3] =	ssyncset.done $0x0  }
0xc0: {  	[sflag:s3] =	ssyncadd.s32 $0xFFFFF830  }
0xc1: {  	_ =	swait.ge [sflag:s3], $0x7D0  }
0xc2: {  	[sflag:s3] =	ssyncset.done $0x0  }
0xc3: {  	[sflag:s3] =	ssyncadd.s32 $0xFFFFF830  }
0xc4: {  	_ =	swait.ge [sflag:s3], $0x7D0  }
0xc5: {  	[sflag:s3] =	ssyncset.done $0x0  }
0xc6: {  	[sflag:s3] =	ssyncadd.s32 $0xFFFFF830  }
0xc7: {  	_ =	swait.ge [sflag:s3], $0x7D0  }
0xc8: {  	[sflag:s3] =	ssyncset.done $0x0  }
0xc9: {  	[sflag:s3] =	ssyncadd.s32 $0xFFFFF830  }
0xca: {  	_ =	swait.ge [sflag:s3], $0x7D0  }
0xcb: {  	[sflag:s3] =	ssyncset.done $0x0  }
0xcc: {  	[sflag:s3] =	ssyncadd.s32 $0xFFFFF830  }
0xcd: {  	_ =	swait.ge [sflag:s3], $0x7D0  }
0xce: {  	[sflag:s3] =	ssyncset.done $0x0  }
0xcf: {  	[sflag:s3] =	ssyncadd.s32 $0xFFFFF830  }
0xd0: {  	_ =	swait.ge [sflag:s3], $0x7D0  }
0xd1: {  	[sflag:s3] =	ssyncset.done $0x0  }
0xd2: {  	[sflag:s3] =	ssyncadd.s32 $0xFFFFF830  }
0xd3: {  	_ =	swait.ge [sflag:s3], $0x7D0  }
0xd4: {  	[sflag:s3] =	ssyncset.done $0x0  }
0xd5: {  	[sflag:s3] =	ssyncadd.s32 $0xFFFFF830  }
0xd6: {  	_ =	swait.ge [sflag:s3], $0x7D0  }
0xd7: {  	[sflag:s3] =	ssyncset.done $0x0  }
0xd8: {  	[sflag:s3] =	ssyncadd.s32 $0xFFFFF830  }
0xd9: {  	_ =	swait.ge [sflag:s3], $0x100  }
0xda: {  	[sflag:s3] =	ssyncset.done $0x0  }
0xdb: {  	[sflag:s3] =	ssyncadd.s32 $0xFFFFFF00  }
0xdc: {  	_ =	swait.ge [sflag:s3], $0x100  }
0xdd: {  	[sflag:s3] =	ssyncset.done $0x0  }
0xde: {  	[sflag:s3] =	ssyncadd.s32 $0xFFFFFF00  }
0xdf: {  	_ =	swait.ge [sflag:s3], $0x100  }
0xe0: {  	[sflag:s3] =	ssyncset.done $0x0  }
0xe1: {  	[sflag:s3] =	ssyncadd.s32 $0xFFFFFF00  }
0xe2: {  	_ =	swait.ge [sflag:s3], $0x100  }
0xe3: {  	[sflag:s3] =	ssyncset.done $0x0  }
0xe4: {  	[sflag:s3] =	ssyncadd.s32 $0xFFFFFF00  }
0xe5: {  	_ =	swait.ge [sflag:s3], $0x100  }
0xe6: {  	[sflag:s3] =	ssyncset.done $0x0  }
0xe7: {  	[sflag:s3] =	ssyncadd.s32 $0xFFFFFF00  }
0xe8: {  	_ =	swait.ge [sflag:s3], $0x100  }
0xe9: {  	[sflag:s3] =	ssyncset.done $0x0  }
0xea: {  	[sflag:s3] =	ssyncadd.s32 $0xFFFFFF00  }
0xeb: {  	[bflag:$0x0] =	sbarrier.arrive $0xFFFF  }
0xec: {  	v5 =	vld [tilespmem:$0x18EA0]  }
0xed: {  	v6 =	vld [tilespmem:$0x18EC0]  }
0xee: {  	v7 =	vld [tilespmem:$0x18EB0];
	_ =	sdelay $0x3  }
0xef: {  	v8 =	vmul.f32 v6, v5  }
0xf0: {  	v6 =	vmul.f32 v7, v6  }
0xf1: {  	v9 =	vperm.xlane v8, v1  }
0xf2: {  	v10 =	vperm.xlane v6, v1  }
0xf3: {  	v8 =	vadd.f32 v9, v8  }
0xf4: {  	v6 =	vadd.f32 v10, v6  }
0xf5: {  	v9 =	vperm.xlane v8, v2  }
0xf6: {  	v11 =	vld [tilespmem:$0x18ED0];
	v10 =	vperm.xlane v6, v2  }
0xf7: {  	v8 =	vadd.f32 v9, v8  }
0xf8: {  	v14 =	vld [tilespmem:$0x18EF0];
	v6 =	vadd.f32 v10, v6  }
0xf9: {  	v9 =	vld [tilespmem:$0x18EE0];
	v12 =	vperm.xlane v8, v3  }
0xfa: {  	s20 =	sld [smem:$0x7F3];
	v10 =	vld [tilespmem:$0x18F00];
	v13 =	vperm.xlane v6, v3  }
0xfb: {  	v15 =	vld [tilespmem:$0x18F10];
	v7 =	vmul.f32 v11, v7;
	v8 =	vadd.f32 v12, v8  }
0xfc: {  	s22 =	simm.s32 $0xC380;
	s25 =	simm.s32 $0x0;
	s23 =	sld [smem:$0x7F4];
	v6 =	vadd.f32 v13, v6;
	v12 =	vmul.f32 v11, v5  }
0xfd: {  	v16 =	vperm.xlane v7, v1;
	[tilespmem:s22], [sflag:$0x1] =	stream.linear.gather [hbm4b:s20+s25], $0x7D0, $0x38;
	v5 =	vperm.xlane v8, v4;
	[tilespmem:$0x18F20] =	vst v63  }
0xfe: {  	s20 =	simm.s32 $0xCB50;
	v11 =	vperm.xlane v6, v4;
	v13 =	vperm.xlane v12, v1  }
0xff: {  	[tilespmem:s20], [sflag:$0x1] =	stream.linear.gather [hbm4b:s23+s25], $0x7D0, $0x38;
	v5 =	vadd.f32 v5, v8;
	v8 =	vmul.f32 v10, v9;
	v10 =	vmul.f32 v14, v10;
	[tilespmem:$0x18F20] =	vst v63  }
0x100: {  	_ =	swait.ge [sflag:s3], $0x7D0;
	v6 =	vadd.f32 v11, v6;
	v9 =	vmul.f32 v15, v9;
	v11 =	vmul.f32 v15, v14  }
0x101: {  	[sflag:s3] =	ssyncset.done $0x0;
	v12 =	vadd.f32 v13, v12;
	v13 =	vperm.xlane v8, v1;
	v14 =	vperm.xlane v10, v1  }
0x102: {  	v7 =	vadd.f32 v16, v7;
	[sflag:s3] =	ssyncadd.s32 $0xFFFFF830;
	v15 =	vperm.xlane v9, v1;
	v63 =	vperm.xlane v11, v1  }
0x103: {  	_ =	swait.ge [sflag:s3], $0x7D0;
	v8 =	vadd.f32 v13, v8;
	v13 =	vperm.xlane v12, v2;
	v10 =	vadd.f32 v14, v10  }
0x104: {  	[sflag:s3] =	ssyncset.done $0x0;
	v14 =	vperm.xlane v7, v2;
	v9 =	vadd.f32 v15, v9;
	v11 =	vadd.f32 v63, v11  }
0x105: {  	s26 =	simm.s32 $0xDAF0;
	[sflag:s3] =	ssyncadd.s32 $0xFFFFF830;
	v12 =	vadd.f32 v13, v12;
	v13 =	vperm.xlane v8, v2;
	v15 =	vperm.xlane v10, v2  }
0x106: {  	[tilespmem:s26], [sflag:$0x2] =	stream.indirect.gather [spmem:s1], $0x1, s22, s14, $0xb8;
	v7 =	vadd.f32 v14, v7;
	v14 =	vperm.xlane v9, v2;
	v16 =	vperm.xlane v11, v2;
	[tilespmem:$0x18F20] =	vst v63  }
0x107: {  	s28 =	simm.s32 $0xE2C0;
	v8 =	vadd.f32 v13, v8;
	v13 =	vperm.xlane v12, v3;
	v10 =	vadd.f32 v15, v10  }
0x108: {  	[tilespmem:s28], [sflag:$0x2] =	stream.indirect.gather [spmem:s2], $0x1, s22, s14, $0xb8;
	v15 =	vperm.xlane v7, v3;
	v9 =	vadd.f32 v14, v9;
	v11 =	vadd.f32 v16, v11;
	[tilespmem:$0x18F20] =	vst v63  }
0x109: {  	s22 =	simm.s32 $0xEA90;
	v12 =	vadd.f32 v13, v12;
	v13 =	vperm.xlane v8, v3;
	v14 =	vperm.xlane v10, v3  }
0x10a: {  	[tilespmem:s22], [sflag:$0x2] =	stream.indirect.gather [spmem:s1], $0x1, s20, s14, $0xb8;
	v15 =	vadd.f32 v15, v7;
	v7 =	vperm.xlane v9, v3;
	v16 =	vperm.xlane v11, v3;
	[tilespmem:$0x18F20] =	vst v63  }
0x10b: {  	s23 =	simm.s32 $0xF260;
	s26 =	sld [smem:$0x7F5];
	v13 =	vadd.f32 v13, v8;
	v8 =	vperm.xlane v12, v4;
	v10 =	vadd.f32 v14, v10  }
0x10c: {  	[tilespmem:s23], [sflag:$0x2] =	stream.indirect.gather [spmem:s2], $0x1, s20, s14, $0xb8;
	v14 =	vperm.xlane v15, v4;
	v17 =	vadd.f32 v7, v9;
	v16 =	vadd.f32 v16, v11;
	[tilespmem:$0x18F20] =	vst v63  }
0x10d: {  	s28 =	sld [smem:$0x7F6];
	v7 =	vadd.f32 v8, v12;
	v9 =	vperm.xlane v13, v4;
	v11 =	vperm.xlane v10, v4  }
0x10e: {  	[tilespmem:s15], [sflag:$0x4] =	stream.linear.gather [hbm4b:s26+s25], $0x7D0, $0x38;
	v8 =	vadd.f32 v14, v15;
	v12 =	vperm.xlane v17, v4;
	v14 =	vperm.xlane v16, v4;
	[tilespmem:$0x18F20] =	vst v63  }
0x10f: {  	s23 =	simm.s32 $0x14080;
	v9 =	vadd.f32 v9, v13;
	v10 =	vadd.f32 v11, v10  }
0x110: {  	[tilespmem:s16], [sflag:$0x4] =	stream.linear.gather [hbm4b:s28+s25], $0x7D0, $0x38;
	v11 =	vadd.f32 v12, v17;
	v12 =	vadd.f32 v14, v16;
	[tilespmem:$0x18F20] =	vst v63  }
.LBB2_4:
0x111: {  	_ =	swait.ge [sflag:s19], $0x7D0  }
0x112: {  	[sflag:s19] =	ssyncset.done $0x0  }
0x113: {  	[sflag:s19] =	ssyncadd.s32 $0xFFFFF830  }
0x114: {  	_ =	swait.ge [sflag:s19], $0x7D0  }
0x115: {  	[sflag:s19] =	ssyncset.done $0x0  }
0x116: {  	[sflag:s19] =	ssyncadd.s32 $0xFFFFF830  }
0x117: {  	[tilespmem:s23], [sflag:$0x5] =	stream.indirect.gather [spmem:s1], $0x1, s15, s14, $0xb8;
	[tilespmem:$0x18F20] =	vst v63  }
0x118: {  	s0 =	simm.s32 $0x14850  }
0x119: {  	[tilespmem:s0], [sflag:$0x5] =	stream.indirect.gather [spmem:s2], $0x1, s15, s14, $0xb8;
	[tilespmem:$0x18F20] =	vst v63  }
0x11a: {  	s26 =	simm.s32 $0x15020;
	p0 =	seq.s32 s25, $0x0  }
0x11b: {  	[tilespmem:s26], [sflag:$0x5] =	stream.indirect.gather [spmem:s1], $0x1, s16, s14, $0xb8;
	[tilespmem:$0x18F20] =	vst v63  }
0x11c: {  	s28 =	simm.s32 $0x157F0;
	s0 =	simm.s32 @!p0 $0x3  }
0x11d: {  	[tilespmem:s28], [sflag:$0x5] =	stream.indirect.gather [spmem:s2], $0x1, s16, s14, $0xb8;
	[tilespmem:$0x18F20] =	vst v63  }
0x11e: {  	_ =	swait.ge @!p0 [sflag:s0], $0x7D0  }
0x11f: {  	[sflag:s0] =	ssyncset.done @!p0 $0x0  }
0x120: {  	[sflag:s0] =	ssyncadd.s32 @!p0 $0xFFFFF830  }
0x121: {  	_ =	swait.ge @!p0 [sflag:s0], $0x7D0  }
0x122: {  	[sflag:s0] =	ssyncset.done @!p0 $0x0  }
0x123: {  	[sflag:s0] =	ssyncadd.s32 @!p0 $0xFFFFF830  }
0x124: {  	_ =	swait.ge @!p0 [sflag:s0], $0x7D0  }
0x125: {  	[sflag:s0] =	ssyncset.done @!p0 $0x0  }
0x126: {  	[sflag:s0] =	ssyncadd.s32 @!p0 $0xFFFFF830  }
0x127: {  	_ =	swait.ge @!p0 [sflag:s0], $0x7D0  }
0x128: {  	[sflag:s0] =	ssyncset.done @!p0 $0x0  }
0x129: {  	[sflag:s0] =	ssyncadd.s32 @!p0 $0xFFFFF830  }
0x12a: {  	_ =	swait.ge @!p0 [sflag:s0], $0x7D0  }
0x12b: {  	[sflag:s0] =	ssyncset.done @!p0 $0x0  }
0x12c: {  	[sflag:s0] =	ssyncadd.s32 @!p0 $0xFFFFF830  }
0x12d: {  	_ =	swait.ge @!p0 [sflag:s0], $0x7D0  }
0x12e: {  	[sflag:s0] =	ssyncset.done @!p0 $0x0  }
0x12f: {  	[sflag:s0] =	ssyncadd.s32 @!p0 $0xFFFFF830  }
0x130: {  	_ =	swait.ge [sflag:s31], $0x7D0  }
0x131: {  	[sflag:s31] =	ssyncset.done $0x0  }
0x132: {  	[sflag:s31] =	ssyncadd.s32 $0xFFFFF830  }
0x133: {  	_ =	swait.ge [sflag:s31], $0x7D0  }
0x134: {  	[sflag:s31] =	ssyncset.done $0x0  }
0x135: {  	[sflag:s31] =	ssyncadd.s32 $0xFFFFF830  }
0x136: {  	_ =	swait.ge [sflag:s31], $0x7D0  }
0x137: {  	[sflag:s31] =	ssyncset.done $0x0  }
0x138: {  	[sflag:s31] =	ssyncadd.s32 $0xFFFFF830  }
0x139: {  	_ =	swait.ge [sflag:s31], $0x7D0  }
0x13a: {  	[sflag:s31] =	ssyncset.done $0x0  }
0x13b: {  	s0 =	simm.s32 $0x0;
	[sflag:s31] =	ssyncadd.s32 $0xFFFFF830  }
0x13c: {  	s11 =	simm.s32 $0x40;
	s26 =	sshll.u32 s25, $0x1;
	v13 =	vld [tilespmem:s0+$0xCB50]  }
.LBB2_5:
0x13d: {  	p0 =	sne.s32 s11, $0x1F00  }
.Ltmp1:
0x13e: {  	_ = 	snop;
	(pc) =	sbr.rel @p0 .LBB2_5-.Ltmp1, $3  }
0x13f: {  	_ =	sdelay $0x1  }
0x140: {  	[tilespmem:s0+$0xD320] =	vst v13;
	s0 =	sshra.s32 s11, $0x2;
	s11 =	sadd.s32 $0x40, s11  }
0x141: {  	v13 =	vld [tilespmem:s0+$0xCB50]  }
0x142: {  	p0 =	seq.s32 s25, $0x18  }
0x143: {  	s11 =	sadd.s32 @!p0 s26, s17  }
0x144: {  	s11 =	smul.u32 @!p0 $0xFA, s11;
	_ =	sdelay $0x1  }
0x145: {  	s20 =	simm.s32 @!p0 $0x0;
	s28 =	simm.s32 @!p0 $0xC380;
	[tilespmem:s0+$0xD320] =	vst v13;
	s0 =	sadd.s32 @!p0 s12, s11  }
0x146: {  	[tilespmem:s28], [sflag:$0x1] =	stream.linear.gather @!p0 [hbm4b:s0+s20], $0x7D0, $0x38;
	[tilespmem:$0x18F20] =	vst v63  }
0x147: {  	s0 =	sadd.s32 @!p0 s13, s11;
	s11 =	simm.s32 @!p0 $0xCB50  }
0x148: {  	[tilespmem:s11], [sflag:$0x1] =	stream.linear.gather @!p0 [hbm4b:s0+s20], $0x7D0, $0x38;
	[tilespmem:$0x18F20] =	vst v63  }
0x149: {  	s20 =	simm.s32 $0x0  }
0x14a: {  	v13 =	vld [tilespmem:s20+$0xEA90]  }
0x14b: {  	v16 =	vld [tilespmem:s20+$0xF260]  }
0x14c: {  	v14 =	vld [tilespmem:s20+$0xDAF0]  }
0x14d: {  	v15 =	vld [tilespmem:s20+$0xE2C0];
	_ =	sdelay $0x2  }
0x14e: {  	v17 =	vmul.f32 v13, v11;
	v13 =	vmul.f32 v13, v7  }
0x14f: {  	v18 =	vmul.f32 v16, v8;
	v19 =	vmul.f32 v14, v9  }
0x150: {  	s28 =	simm.s32 $0x10;
	v20 =	vmul.f32 v15, v10;
	v16 =	vmul.f32 v16, v12  }
0x151: {  	v23 =	vld [tilespmem:s28+$0xEA90];
	v21 =	vmul.f32 v14, v5;
	v22 =	vmul.f32 v15, v6  }
0x152: {  	v19 =	vadd.f32 v20, v19;
	v16 =	vadd.f32 v16, v17  }
0x153: {  	v17 =	vld [tilespmem:s28+$0xF260];
	v18 =	vadd.f32 v18, v13;
	v20 =	vadd.f32 v22, v21  }
0x154: {  	v13 =	vld [tilespmem:s28+$0xDAF0]  }
0x155: {  	v19 =	vadd.f32 v16, v19;
	v16 =	vld [tilespmem:s28+$0xE2C0];
	v18 =	vadd.f32 v18, v20  }
0x156: {  	v21 =	vmul.f32 v23, v11;
	v23 =	vmul.f32 v23, v7  }
0x157: {  	v20 =	vmul.f32 $9.999999770e-03, v19;
	v22 =	vmul.f32 $9.999999770e-03, v18  }
0x158: {  	vm0 =	vgt.f32 v19, $0.0e+00;
	vm1 =	vgt.f32 v18, $0.0e+00;
	v24 =	vmul.f32 v17, v8  }
0x159: {  	s0 =	simm.s32 $0x20;
	v25 =	vmul.f32 v13, v9;
	v17 =	vmul.f32 v17, v12;
	v19 =	vsel vm0, v19, v20  }
0x15a: {  	v20 =	vmul.f32 v13, v5;
	v18 =	vsel vm1, v18, v22;
	v22 =	vld [tilespmem:s0+$0xEA90];
	v26 =	vmul.f32 v16, v10  }
0x15b: {  	v17 =	vadd.f32 v17, v21;
	v21 =	vadd.f32 v24, v23;
	v23 =	vmul.f32 $1.442695020e+00, v18;
	v18 =	vld [tilespmem:s0+$0xDAF0]  }
0x15c: {  	v27 =	vmul.f32 v16, v6;
	v19 =	vmul.f32 $1.442695020e+00, v19  }
0x15d: {  	v25 =	vadd.f32 v26, v25;
	v26 =	vld [tilespmem:s0+$0xF260];
	(erf) = vpow2.f32 v23  }
0x15e: {  	v20 =	vadd.f32 v27, v20;
	(erf) = vpow2.f32 v19  }
0x15f: {  	v24 =	vadd.f32 v17, v25;
	v17 =	vld [tilespmem:s0+$0xE2C0];
	v19 =	vmul.f32 v22, v11  }
0x160: {  	v20 =	vadd.f32 v21, v20;
	v27 =	vmul.f32 v22, v7;
	v22 =	vmul.f32 v18, v5  }
0x161: {  	v23 =	vmul.f32 v18, v9;
	v21 =	vmul.f32 $9.999999770e-03, v24  }
0x162: {  	vm14 =	vgt.f32 v24, $0.0e+00;
	v25 =	vmul.f32 $9.999999770e-03, v20;
	v28 =	vmul.f32 v26, v8  }
0x163: {  	vm15 =	vgt.f32 v20, $0.0e+00;
	v26 =	vmul.f32 v26, v12;
	v21 =	vsel vm14, v24, v21  }
0x164: {  	s11 =	simm.s32 $0xC0;
	v24 =	vsel vm15, v20, v25;
	v20 =	vadd.f32 v28, v27;
	v25 =	vmul.f32 v17, v10  }
.LBB2_7:
0x165: {  	s22 =	sshra.s32 s11, $0x2;
	p1 =	sne.s32 s11, $0x1F00;
	s11 =	sadd.s32 $0x40, s11;
	v29 =	vmul.f32 v17, v6;
	v24 =	vmul.f32 $1.442695020e+00, v24  }
0x166: {  	v21 =	vmul.f32 $1.442695020e+00, v21;
	v28 =	vld [tilespmem:s22+$0xEA90];
	v23 =	vadd.f32 v25, v23;
	v19 =	vadd.f32 v26, v19;
	v25 =	vpop (erf)  }
0x167: {  	v26 =	vld [tilespmem:s22+$0xF260];
	v22 =	vadd.f32 v29, v22;
	(erf) = vpow2.f32 v24;
	[tilespmem:s20+$0xFA30] =	vst v25;
	v24 =	vmul.f32 v25, v14;
	v27 =	vpop (erf)  }
0x168: {  	v29 =	vld [tilespmem:s22+$0xDAF0];
	v23 =	vadd.f32 v19, v23;
	(erf) = vpow2.f32 v21;
	[tilespmem:s20+$0x111A0] =	vst v27;
	v19 =	vmul.f32 v27, v15  }
0x169: {  	v21 =	vmul.f32 v27, v14;
	v30 =	vld [tilespmem:s22+$0xE2C0];
	v20 =	vadd.f32 v20, v22;
	[tilespmem:s20+$0x10200] =	vst v24;
	v22 =	vmul.f32 v25, v15  }
.Ltmp2:
0x16a: {  	v14 =	vmovc v13;
	v13 =	vmovc v18;
	v15 =	vmov v16;
	vm0 =	vgt.f32 v23, $0.0e+00;
	v24 =	vmul.f32 $9.999999770e-03, v23;
	[tilespmem:s20+$0x12140] =	vst v19;
	(pc) =	sbr.rel @p1 .LBB2_7-.Ltmp2, $4  }
0x16b: {  	v16 =	vmovc v17;
	v19 =	vmul.f32 v28, v11;
	vm1 =	vgt.f32 v20, $0.0e+00;
	v27 =	vmul.f32 $9.999999770e-03, v20;
	[tilespmem:s20+$0x11970] =	vst v21  }
0x16c: {  	v28 =	vmul.f32 v28, v7;
	v25 =	vmul.f32 v26, v8;
	v21 =	vsel vm0, v23, v24;
	[tilespmem:s20+$0x109D0] =	vst v22;
	s20 =	smov.u32 s28;
	s28 =	smov.u32 s0;
	s0 =	smov.u32 s22  }
0x16d: {  	v22 =	vmul.f32 v29, v5;
	v23 =	vmul.f32 v29, v9;
	v24 =	vsel vm1, v20, v27;
	v18 =	vmovc v29  }
0x16e: {  	v26 =	vmul.f32 v26, v12;
	v20 =	vadd.f32 v25, v28;
	v25 =	vmul.f32 v30, v10;
	v17 =	vmovc v30  }
0x16f: {  	v27 =	vmul.f32 v17, v6;
	_ =	sdelay $0x1  }
0x170: {  	v22 =	vadd.f32 v27, v22  }
0x171: {  	v24 =	vmul.f32 $1.442695020e+00, v24;
	v23 =	vadd.f32 v25, v23;
	v19 =	vadd.f32 v26, v19  }
0x172: {  	v21 =	vmul.f32 $1.442695020e+00, v21;
	v20 =	vadd.f32 v20, v22  }
0x173: {  	(erf) = vpow2.f32 v24;
	v19 =	vadd.f32 v19, v23  }
0x174: {  	(erf) = vpow2.f32 v21;
	v55 =	vmul.f32 $9.999999770e-03, v20  }
0x175: {  	v57 =	vpop (erf);
	v56 =	vmul.f32 $9.999999770e-03, v19;
	vm0 =	vgt.f32 v20, $0.0e+00  }
0x176: {  	v58 =	vmul.f32 v57, v14;
	v59 =	vpop (erf);
	vm1 =	vgt.f32 v19, $0.0e+00;
	v20 =	vsel vm0, v20, v55  }
0x177: {  	[tilespmem:s20+$0xFA30] =	vst v57;
	v60 =	vmul.f32 v59, v15;
	v19 =	vsel vm1, v19, v56;
	v20 =	vmul.f32 $1.442695020e+00, v20  }
0x178: {  	[tilespmem:s20+$0x111A0] =	vst v59;
	v14 =	vmul.f32 v59, v14;
	v19 =	vmul.f32 $1.442695020e+00, v19  }
0x179: {  	v15 =	vmul.f32 v57, v15;
	[tilespmem:s20+$0x10200] =	vst v58;
	(erf) = vpow2.f32 v20  }
0x17a: {  	[tilespmem:s20+$0x12140] =	vst v60;
	(erf) = vpow2.f32 v19  }
0x17b: {  	[tilespmem:s20+$0x11970] =	vst v14  }
0x17c: {  	[tilespmem:s20+$0x109D0] =	vst v15;
	v14 =	vpop (erf)  }
0x17d: {  	v15 =	vpop (erf);
	[tilespmem:s28+$0xFA30] =	vst v14;
	v61 =	vmul.f32 v14, v13  }
0x17e: {  	v14 =	vmul.f32 v14, v16;
	[tilespmem:s28+$0x111A0] =	vst v15;
	v13 =	vmul.f32 v15, v13  }
0x17f: {  	v62 =	vmul.f32 v15, v16;
	[tilespmem:s28+$0x10200] =	vst v61  }
0x180: {  	[tilespmem:s28+$0x109D0] =	vst v14  }
0x181: {  	[tilespmem:s28+$0x12140] =	vst v62  }
0x182: {  	[tilespmem:s28+$0x11970] =	vst v13;
	v13 =	vpop (erf)  }
0x183: {  	[tilespmem:s0+$0xFA30] =	vst v13;
	v14 =	vmul.f32 v13, v18;
	v15 =	vpop (erf)  }
0x184: {  	v13 =	vmul.f32 v13, v17;
	[tilespmem:s0+$0x111A0] =	vst v15  }
0x185: {  	v63 =	vmul.f32 v15, v17;
	[tilespmem:s0+$0x10200] =	vst v14  }
0x186: {  	v14 =	vmul.f32 v15, v18;
	[tilespmem:s0+$0x109D0] =	vst v13  }
0x187: {  	[tilespmem:s0+$0x12140] =	vst v63  }
0x188: {  	[tilespmem:s0+$0x11970] =	vst v14  }
0x189: {  	[spmem:s4] =	stream.indirect.scatter.add.f32 [tilespmem:s30], [sflag:$0x3], $0x1, s21, s14, $0xb8;
	[tilespmem:$0x18F20] =	vst v63  }
0x18a: {  	s28 =	simm.s32 $0x10200  }
0x18b: {  	[spmem:s5] =	stream.indirect.scatter.add.f32 [tilespmem:s28], [sflag:$0x3], $0x1, s21, s14, $0xb8;
	[tilespmem:$0x18F20] =	vst v63  }
0x18c: {  	s11 =	simm.s32 $0x109D0  }
0x18d: {  	[spmem:s6] =	stream.indirect.scatter.add.f32 [tilespmem:s11], [sflag:$0x3], $0x1, s21, s14, $0xb8;
	[tilespmem:$0x18F20] =	vst v63  }
0x18e: {  	s20 =	simm.s32 $0x111A0  }
0x18f: {  	[spmem:s7] =	stream.indirect.scatter.add.f32 [tilespmem:s20], [sflag:$0x3], $0x1, s21, s14, $0xb8;
	[tilespmem:$0x18F20] =	vst v63  }
0x190: {  	s22 =	simm.s32 $0x11970  }
0x191: {  	[spmem:s8] =	stream.indirect.scatter.add.f32 [tilespmem:s22], [sflag:$0x3], $0x1, s21, s14, $0xb8;
	[tilespmem:$0x18F20] =	vst v63  }
0x192: {  	s0 =	simm.s32 @!p0 $0x1;
	s28 =	simm.s32 $0x12140  }
0x193: {  	[spmem:s9] =	stream.indirect.scatter.add.f32 [tilespmem:s28], [sflag:$0x3], $0x1, s21, s14, $0xb8;
	[tilespmem:$0x18F20] =	vst v63  }
0x194: {  	_ =	swait.ge @!p0 [sflag:s0], $0x7D0  }
0x195: {  	[sflag:s0] =	ssyncset.done @!p0 $0x0  }
0x196: {  	[sflag:s0] =	ssyncadd.s32 @!p0 $0xFFFFF830  }
0x197: {  	_ =	swait.ge @!p0 [sflag:s0], $0x7D0  }
0x198: {  	s11 =	simm.s32 @!p0 $0xC380;
	[sflag:s0] =	ssyncset.done @!p0 $0x0  }
0x199: {  	s20 =	simm.s32 @!p0 $0xDAF0;
	[sflag:s0] =	ssyncadd.s32 @!p0 $0xFFFFF830;
	s0 =	simm.s32 @!p0 $0x7D0  }
0x19a: {  	[tilespmem:s20], [sflag:$0x2] =	stream.indirect.gather @!p0 [spmem:s1], $0x1, s11, s0, $0xb8;
	[tilespmem:$0x18F20] =	vst v63  }
0x19b: {  	s20 =	simm.s32 @!p0 $0xE2C0  }
0x19c: {  	[tilespmem:s20], [sflag:$0x2] =	stream.indirect.gather @!p0 [spmem:s2], $0x1, s11, s0, $0xb8;
	[tilespmem:$0x18F20] =	vst v63  }
0x19d: {  	p1 =	seq.s32 @!p0 s25, $0x0;
	s11 =	simm.s32 @!p0 $0xCB50;
	s20 =	simm.s32 @!p0 $0xEA90  }
0x19e: {  	[tilespmem:s20], [sflag:$0x2] =	stream.indirect.gather @!p0 [spmem:s1], $0x1, s11, s0, $0xb8;
	[tilespmem:$0x18F20] =	vst v63  }
0x19f: {  	p1 =	por p0, !p1;
	s20 =	simm.s32 @!p0 $0xF260  }
0x1a0: {  	[tilespmem:s20], [sflag:$0x2] =	stream.indirect.gather @!p0 [spmem:s2], $0x1, s11, s0, $0xb8;
	[tilespmem:$0x18F20] =	vst v63  }
0x1a1: {  	_ =	swait.ge @p1 [sflag:s24], $0x7D0  }
0x1a2: {  	[sflag:s24] =	ssyncset.done @p1 $0x0  }
0x1a3: {  	[sflag:s24] =	ssyncadd.s32 @p1 $0xFFFFF830  }
0x1a4: {  	_ =	swait.ge @p1 [sflag:s24], $0x7D0  }
0x1a5: {  	[sflag:s24] =	ssyncset.done @p1 $0x0  }
0x1a6: {  	[sflag:s24] =	ssyncadd.s32 @p1 $0xFFFFF830  }
0x1a7: {  	_ =	swait.ge @p1 [sflag:s24], $0x7D0  }
0x1a8: {  	[sflag:s24] =	ssyncset.done @p1 $0x0  }
0x1a9: {  	[sflag:s24] =	ssyncadd.s32 @p1 $0xFFFFF830  }
0x1aa: {  	_ =	swait.ge @p1 [sflag:s24], $0x7D0  }
0x1ab: {  	[sflag:s24] =	ssyncset.done @p1 $0x0  }
0x1ac: {  	[sflag:s24] =	ssyncadd.s32 @p1 $0xFFFFF830  }
0x1ad: {  	_ =	swait.ge @p1 [sflag:s24], $0x7D0  }
0x1ae: {  	[sflag:s24] =	ssyncset.done @p1 $0x0  }
0x1af: {  	[sflag:s24] =	ssyncadd.s32 @p1 $0xFFFFF830  }
0x1b0: {  	_ =	swait.ge @p1 [sflag:s24], $0x7D0  }
0x1b1: {  	[sflag:s24] =	ssyncset.done @p1 $0x0  }
0x1b2: {  	[sflag:s24] =	ssyncadd.s32 @p1 $0xFFFFF830  }
0x1b3: {  	_ =	swait.ge [sflag:s10], $0x7D0  }
0x1b4: {  	[sflag:s10] =	ssyncset.done $0x0  }
0x1b5: {  	[sflag:s10] =	ssyncadd.s32 $0xFFFFF830  }
0x1b6: {  	_ =	swait.ge [sflag:s10], $0x7D0  }
0x1b7: {  	[sflag:s10] =	ssyncset.done $0x0  }
0x1b8: {  	[sflag:s10] =	ssyncadd.s32 $0xFFFFF830  }
0x1b9: {  	_ =	swait.ge [sflag:s10], $0x7D0  }
0x1ba: {  	[sflag:s10] =	ssyncset.done $0x0  }
0x1bb: {  	[sflag:s10] =	ssyncadd.s32 $0xFFFFF830  }
0x1bc: {  	_ =	swait.ge [sflag:s10], $0x7D0  }
0x1bd: {  	[sflag:s10] =	ssyncset.done $0x0  }
0x1be: {  	s0 =	simm.s32 $0x0;
	[sflag:s10] =	ssyncadd.s32 $0xFFFFF830  }
0x1bf: {  	s11 =	simm.s32 $0x40;
	v13 =	vld [tilespmem:s0+$0x130E0]  }
.LBB2_9:
0x1c0: {  	p1 =	sne.s32 s11, $0x1F00  }
.Ltmp3:
0x1c1: {  	_ = 	snop;
	(pc) =	sbr.rel @p1 .LBB2_9-.Ltmp3, $3  }
0x1c2: {  	_ =	sdelay $0x1  }
0x1c3: {  	[tilespmem:s0+$0x138B0] =	vst v13;
	s0 =	sshra.s32 s11, $0x2;
	s11 =	sadd.s32 $0x40, s11  }
0x1c4: {  	v13 =	vld [tilespmem:s0+$0x130E0]  }
0x1c5: {  	_ = 	snop  }
0x1c6: {  	s11 =	sadd.s32 @!p0 s26, s18  }
0x1c7: {  	s11 =	smul.u32 @!p0 $0xFA, s11;
	_ =	sdelay $0x1  }
0x1c8: {  	s20 =	simm.s32 @!p0 $0x0;
	s22 =	simm.s32 @!p0 $0x12910;
	[tilespmem:s0+$0x138B0] =	vst v13;
	s0 =	sadd.s32 @!p0 s12, s11  }
0x1c9: {  	[tilespmem:s22], [sflag:$0x4] =	stream.linear.gather @!p0 [hbm4b:s0+s20], $0x7D0, $0x38;
	[tilespmem:$0x18F20] =	vst v63  }
0x1ca: {  	s0 =	sadd.s32 @!p0 s13, s11;
	s11 =	simm.s32 @!p0 $0x130E0  }
0x1cb: {  	[tilespmem:s11], [sflag:$0x4] =	stream.linear.gather @!p0 [hbm4b:s0+s20], $0x7D0, $0x38;
	[tilespmem:$0x18F20] =	vst v63  }
0x1cc: {  	s20 =	simm.s32 $0x0  }
0x1cd: {  	v13 =	vld [tilespmem:s20+$0x15020]  }
0x1ce: {  	v16 =	vld [tilespmem:s20+$0x157F0]  }
0x1cf: {  	v14 =	vld [tilespmem:s20+$0x14080]  }
0x1d0: {  	v15 =	vld [tilespmem:s20+$0x14850];
	_ =	sdelay $0x2  }
0x1d1: {  	v17 =	vmul.f32 v13, v11;
	v13 =	vmul.f32 v13, v7  }
0x1d2: {  	v18 =	vmul.f32 v16, v8;
	v19 =	vmul.f32 v14, v9  }
0x1d3: {  	s26 =	simm.s32 $0x10;
	v20 =	vmul.f32 v15, v10;
	v16 =	vmul.f32 v16, v12  }
0x1d4: {  	v23 =	vld [tilespmem:s26+$0x15020];
	v21 =	vmul.f32 v14, v5;
	v22 =	vmul.f32 v15, v6  }
0x1d5: {  	v19 =	vadd.f32 v20, v19;
	v16 =	vadd.f32 v16, v17  }
0x1d6: {  	v17 =	vld [tilespmem:s26+$0x157F0];
	v18 =	vadd.f32 v18, v13;
	v20 =	vadd.f32 v22, v21  }
0x1d7: {  	v13 =	vld [tilespmem:s26+$0x14080]  }
0x1d8: {  	v19 =	vadd.f32 v16, v19;
	v16 =	vld [tilespmem:s26+$0x14850];
	v18 =	vadd.f32 v18, v20  }
0x1d9: {  	v21 =	vmul.f32 v23, v11;
	v23 =	vmul.f32 v23, v7  }
0x1da: {  	v20 =	vmul.f32 $9.999999770e-03, v19;
	v22 =	vmul.f32 $9.999999770e-03, v18  }
0x1db: {  	vm0 =	vgt.f32 v19, $0.0e+00;
	vm1 =	vgt.f32 v18, $0.0e+00;
	v24 =	vmul.f32 v17, v8  }
0x1dc: {  	s0 =	simm.s32 $0x20;
	v25 =	vmul.f32 v13, v9;
	v17 =	vmul.f32 v17, v12;
	v19 =	vsel vm0, v19, v20  }
0x1dd: {  	v20 =	vmul.f32 v13, v5;
	v18 =	vsel vm1, v18, v22;
	v22 =	vld [tilespmem:s0+$0x15020];
	v26 =	vmul.f32 v16, v10  }
0x1de: {  	v17 =	vadd.f32 v17, v21;
	v21 =	vadd.f32 v24, v23;
	v23 =	vmul.f32 $1.442695020e+00, v18;
	v18 =	vld [tilespmem:s0+$0x14080]  }
0x1df: {  	v27 =	vmul.f32 v16, v6;
	v19 =	vmul.f32 $1.442695020e+00, v19  }
0x1e0: {  	v25 =	vadd.f32 v26, v25;
	v26 =	vld [tilespmem:s0+$0x157F0];
	(erf) = vpow2.f32 v23  }
0x1e1: {  	v20 =	vadd.f32 v27, v20;
	(erf) = vpow2.f32 v19  }
0x1e2: {  	v24 =	vadd.f32 v17, v25;
	v17 =	vld [tilespmem:s0+$0x14850];
	v19 =	vmul.f32 v22, v11  }
0x1e3: {  	v20 =	vadd.f32 v21, v20;
	v27 =	vmul.f32 v22, v7;
	v22 =	vmul.f32 v18, v5  }
0x1e4: {  	v23 =	vmul.f32 v18, v9;
	v21 =	vmul.f32 $9.999999770e-03, v24  }
0x1e5: {  	vm14 =	vgt.f32 v24, $0.0e+00;
	v25 =	vmul.f32 $9.999999770e-03, v20;
	v28 =	vmul.f32 v26, v8  }
0x1e6: {  	vm15 =	vgt.f32 v20, $0.0e+00;
	v26 =	vmul.f32 v26, v12;
	v21 =	vsel vm14, v24, v21  }
0x1e7: {  	s11 =	simm.s32 $0xC0;
	v24 =	vsel vm15, v20, v25;
	v20 =	vadd.f32 v28, v27;
	v25 =	vmul.f32 v17, v10  }
.LBB2_11:
0x1e8: {  	s22 =	sshra.s32 s11, $0x2;
	p0 =	sne.s32 s11, $0x1F00;
	s11 =	sadd.s32 $0x40, s11;
	v29 =	vmul.f32 v17, v6;
	v24 =	vmul.f32 $1.442695020e+00, v24  }
0x1e9: {  	v21 =	vmul.f32 $1.442695020e+00, v21;
	v28 =	vld [tilespmem:s22+$0x15020];
	v23 =	vadd.f32 v25, v23;
	v19 =	vadd.f32 v26, v19;
	v25 =	vpop (erf)  }
0x1ea: {  	v26 =	vld [tilespmem:s22+$0x157F0];
	v22 =	vadd.f32 v29, v22;
	(erf) = vpow2.f32 v24;
	[tilespmem:s20+$0x15FC0] =	vst v25;
	v24 =	vmul.f32 v25, v14;
	v27 =	vpop (erf)  }
0x1eb: {  	v29 =	vld [tilespmem:s22+$0x14080];
	v23 =	vadd.f32 v19, v23;
	(erf) = vpow2.f32 v21;
	[tilespmem:s20+$0x17730] =	vst v27;
	v19 =	vmul.f32 v27, v15  }
0x1ec: {  	v21 =	vmul.f32 v27, v14;
	v30 =	vld [tilespmem:s22+$0x14850];
	v20 =	vadd.f32 v20, v22;
	[tilespmem:s20+$0x16790] =	vst v24;
	v22 =	vmul.f32 v25, v15  }
.Ltmp4:
0x1ed: {  	v14 =	vmovc v13;
	v13 =	vmovc v18;
	v15 =	vmov v16;
	vm0 =	vgt.f32 v23, $0.0e+00;
	v24 =	vmul.f32 $9.999999770e-03, v23;
	[tilespmem:s20+$0x186D0] =	vst v19;
	(pc) =	sbr.rel @p0 .LBB2_11-.Ltmp4, $4  }
0x1ee: {  	v16 =	vmovc v17;
	v19 =	vmul.f32 v28, v11;
	vm1 =	vgt.f32 v20, $0.0e+00;
	v27 =	vmul.f32 $9.999999770e-03, v20;
	[tilespmem:s20+$0x17F00] =	vst v21  }
0x1ef: {  	v28 =	vmul.f32 v28, v7;
	v25 =	vmul.f32 v26, v8;
	v21 =	vsel vm0, v23, v24;
	[tilespmem:s20+$0x16F60] =	vst v22;
	s20 =	smov.u32 s26;
	s26 =	smov.u32 s0;
	s0 =	smov.u32 s22  }
0x1f0: {  	v22 =	vmul.f32 v29, v5;
	v23 =	vmul.f32 v29, v9;
	v24 =	vsel vm1, v20, v27;
	v18 =	vmovc v29  }
0x1f1: {  	v26 =	vmul.f32 v26, v12;
	v20 =	vadd.f32 v25, v28;
	v25 =	vmul.f32 v30, v10;
	v17 =	vmovc v30  }
0x1f2: {  	v27 =	vmul.f32 v17, v6;
	_ =	sdelay $0x1  }
0x1f3: {  	v22 =	vadd.f32 v27, v22  }
0x1f4: {  	v24 =	vmul.f32 $1.442695020e+00, v24;
	v23 =	vadd.f32 v25, v23;
	v19 =	vadd.f32 v26, v19  }
0x1f5: {  	v21 =	vmul.f32 $1.442695020e+00, v21;
	v20 =	vadd.f32 v20, v22  }
0x1f6: {  	(erf) = vpow2.f32 v24;
	v19 =	vadd.f32 v19, v23  }
0x1f7: {  	(erf) = vpow2.f32 v21;
	v55 =	vmul.f32 $9.999999770e-03, v20  }
0x1f8: {  	v57 =	vpop (erf);
	v56 =	vmul.f32 $9.999999770e-03, v19;
	vm0 =	vgt.f32 v20, $0.0e+00  }
0x1f9: {  	v58 =	vmul.f32 v57, v14;
	v59 =	vpop (erf);
	vm1 =	vgt.f32 v19, $0.0e+00;
	v20 =	vsel vm0, v20, v55  }
0x1fa: {  	[tilespmem:s20+$0x15FC0] =	vst v57;
	v60 =	vmul.f32 v59, v15;
	v19 =	vsel vm1, v19, v56;
	v20 =	vmul.f32 $1.442695020e+00, v20  }
0x1fb: {  	[tilespmem:s20+$0x17730] =	vst v59;
	v14 =	vmul.f32 v59, v14;
	v19 =	vmul.f32 $1.442695020e+00, v19  }
0x1fc: {  	v15 =	vmul.f32 v57, v15;
	[tilespmem:s20+$0x16790] =	vst v58;
	(erf) = vpow2.f32 v20  }
0x1fd: {  	[tilespmem:s20+$0x186D0] =	vst v60;
	(erf) = vpow2.f32 v19  }
0x1fe: {  	[tilespmem:s20+$0x17F00] =	vst v14  }
0x1ff: {  	[tilespmem:s20+$0x16F60] =	vst v15;
	v14 =	vpop (erf)  }
0x200: {  	v15 =	vpop (erf);
	[tilespmem:s26+$0x15FC0] =	vst v14;
	v61 =	vmul.f32 v14, v13  }
0x201: {  	v14 =	vmul.f32 v14, v16;
	[tilespmem:s26+$0x17730] =	vst v15;
	v13 =	vmul.f32 v15, v13  }
0x202: {  	v62 =	vmul.f32 v15, v16;
	[tilespmem:s26+$0x16790] =	vst v61  }
0x203: {  	[tilespmem:s26+$0x16F60] =	vst v14  }
0x204: {  	[tilespmem:s26+$0x186D0] =	vst v62  }
0x205: {  	[tilespmem:s26+$0x17F00] =	vst v13;
	v13 =	vpop (erf)  }
0x206: {  	[tilespmem:s0+$0x15FC0] =	vst v13;
	v14 =	vmul.f32 v13, v18;
	v15 =	vpop (erf)  }
0x207: {  	v13 =	vmul.f32 v13, v17;
	[tilespmem:s0+$0x17730] =	vst v15  }
0x208: {  	v63 =	vmul.f32 v15, v17;
	[tilespmem:s0+$0x16790] =	vst v14  }
0x209: {  	v14 =	vmul.f32 v15, v18;
	[tilespmem:s0+$0x16F60] =	vst v13  }
0x20a: {  	[tilespmem:s0+$0x186D0] =	vst v63  }
0x20b: {  	s28 =	simm.s32 $0x15FC0;
	[tilespmem:s0+$0x17F00] =	vst v14  }
0x20c: {  	[spmem:s4] =	stream.indirect.scatter.add.f32 [tilespmem:s28], [sflag:$0x6], $0x1, s29, s14, $0xb8;
	[tilespmem:$0x18F20] =	vst v63  }
0x20d: {  	s11 =	simm.s32 $0x16790  }
0x20e: {  	[spmem:s5] =	stream.indirect.scatter.add.f32 [tilespmem:s11], [sflag:$0x6], $0x1, s29, s14, $0xb8;
	[tilespmem:$0x18F20] =	vst v63  }
0x20f: {  	s25 =	sadd.s32 $0x1, s25;
	s20 =	simm.s32 $0x16F60  }
0x210: {  	[spmem:s6] =	stream.indirect.scatter.add.f32 [tilespmem:s20], [sflag:$0x6], $0x1, s29, s14, $0xb8;
	[tilespmem:$0x18F20] =	vst v63  }
0x211: {  	s22 =	simm.s32 $0x17730;
	p0 =	sne.s32 s25, $0x19  }
0x212: {  	[spmem:s7] =	stream.indirect.scatter.add.f32 [tilespmem:s22], [sflag:$0x6], $0x1, s29, s14, $0xb8;
	[tilespmem:$0x18F20] =	vst v63  }
.Ltmp5:
0x213: {  	_ = 	snop;
	(pc) =	sbr.rel @p0 .LBB2_4-.Ltmp5, $4  }
0x214: {  	s26 =	simm.s32 $0x17F00  }
0x215: {  	[spmem:s8] =	stream.indirect.scatter.add.f32 [tilespmem:s26], [sflag:$0x6], $0x1, s29, s14, $0xb8;
	[tilespmem:$0x18F20] =	vst v63  }
0x216: {  	s28 =	simm.s32 $0x186D0  }
0x217: {  	[spmem:s9] =	stream.indirect.scatter.add.f32 [tilespmem:s28], [sflag:$0x6], $0x1, s29, s14, $0xb8;
	[tilespmem:$0x18F20] =	vst v63  }
0x218: {  	s0 =	simm.s32 $0x3  }
0x219: {  	_ =	swait.ge [sflag:s0], $0x7D0  }
0x21a: {  	[sflag:s0] =	ssyncset.done $0x0  }
0x21b: {  	[sflag:s0] =	ssyncadd.s32 $0xFFFFF830  }
0x21c: {  	_ =	swait.ge [sflag:s0], $0x7D0  }
0x21d: {  	[sflag:s0] =	ssyncset.done $0x0  }
0x21e: {  	[sflag:s0] =	ssyncadd.s32 $0xFFFFF830  }
0x21f: {  	_ =	swait.ge [sflag:s0], $0x7D0  }
0x220: {  	[sflag:s0] =	ssyncset.done $0x0  }
0x221: {  	[sflag:s0] =	ssyncadd.s32 $0xFFFFF830  }
0x222: {  	_ =	swait.ge [sflag:s0], $0x7D0  }
0x223: {  	[sflag:s0] =	ssyncset.done $0x0  }
0x224: {  	[sflag:s0] =	ssyncadd.s32 $0xFFFFF830  }
0x225: {  	_ =	swait.ge [sflag:s0], $0x7D0  }
0x226: {  	[sflag:s0] =	ssyncset.done $0x0  }
0x227: {  	[sflag:s0] =	ssyncadd.s32 $0xFFFFF830  }
0x228: {  	_ =	swait.ge [sflag:s0], $0x7D0  }
0x229: {  	[sflag:s0] =	ssyncset.done $0x0  }
0x22a: {  	[sflag:s0] =	ssyncadd.s32 $0xFFFFF830  }
0x22b: {  	_ =	swait.ge [sflag:s24], $0x7D0  }
0x22c: {  	[sflag:s24] =	ssyncset.done $0x0  }
0x22d: {  	[sflag:s24] =	ssyncadd.s32 $0xFFFFF830  }
0x22e: {  	_ =	swait.ge [sflag:s24], $0x7D0  }
0x22f: {  	[sflag:s24] =	ssyncset.done $0x0  }
0x230: {  	[sflag:s24] =	ssyncadd.s32 $0xFFFFF830  }
0x231: {  	_ =	swait.ge [sflag:s24], $0x7D0  }
0x232: {  	[sflag:s24] =	ssyncset.done $0x0  }
0x233: {  	[sflag:s24] =	ssyncadd.s32 $0xFFFFF830  }
0x234: {  	_ =	swait.ge [sflag:s24], $0x7D0  }
0x235: {  	[sflag:s24] =	ssyncset.done $0x0  }
0x236: {  	[sflag:s24] =	ssyncadd.s32 $0xFFFFF830  }
0x237: {  	_ =	swait.ge [sflag:s24], $0x7D0  }
0x238: {  	[sflag:s24] =	ssyncset.done $0x0  }
0x239: {  	[sflag:s24] =	ssyncadd.s32 $0xFFFFF830  }
0x23a: {  	_ =	swait.ge [sflag:s24], $0x7D0  }
0x23b: {  	[sflag:s24] =	ssyncset.done $0x0  }
0x23c: {  	[sflag:s24] =	ssyncadd.s32 $0xFFFFF830  }
0x23d: {  	[bflag:$0x0] =	sbarrier.arrive $0xFFFF  }
0x23e: {  	s20 =	sld [smem:$0x7FA]  }
0x23f: {  	s23 =	sld [smem:$0x7E3];
	_ =	sdelay $0x1  }
0x240: {  	s11 =	rddreg [dreg:$0xb];
	s22 =	sshrl.u32 s20, $0x3  }
0x241: {  	[hbm:s11], [sflag:s23] =	dma.local [spmem:s22], $0x30E  }
0x242: {  	s22 =	sld [smem:$0x7FB];
	_ =	sdelay $0x2  }
0x243: {  	s11 =	rddreg [dreg:$0xc];
	s25 =	sshrl.u32 s22, $0x3  }
0x244: {  	[hbm:s11], [sflag:s23] =	dma.local [spmem:s25], $0x30E  }
0x245: {  	s25 =	sld [smem:$0x7FC];
	_ =	sdelay $0x2  }
0x246: {  	s11 =	rddreg [dreg:$0xd];
	s26 =	sshrl.u32 s25, $0x3  }
0x247: {  	[hbm:s11], [sflag:s23] =	dma.local [spmem:s26], $0x30E  }
0x248: {  	s26 =	sld [smem:$0x7FD];
	_ =	sdelay $0x2  }
0x249: {  	s11 =	rddreg [dreg:$0xe];
	s28 =	sshrl.u32 s26, $0x3  }
0x24a: {  	[hbm:s11], [sflag:s23] =	dma.local [spmem:s28], $0x30E  }
0x24b: {  	s0 =	sld [smem:$0x7EB];
	_ =	sdelay $0x2  }
0x24c: {  	s11 =	rddreg [dreg:$0xf];
	s0 =	sshrl.u32 s0, $0x3  }
0x24d: {  	[hbm:s11], [sflag:s23] =	dma.local [spmem:s0], $0x30E  }
0x24e: {  	s0 =	sld [smem:$0x7EC];
	_ =	sdelay $0x2  }
0x24f: {  	s11 =	rddreg [dreg:$0x10];
	s0 =	sshrl.u32 s0, $0x3  }
0x250: {  	[hbm:s11], [sflag:s23] =	dma.local [spmem:s0], $0x30E  }
0x251: {  	_ =	swait.ge [sflag:s31], $0x30E  }
0x252: {  	[sflag:s31] =	ssyncset.done $0x0  }
0x253: {  	[sflag:s31] =	ssyncadd.s32 $0xFFFFFCF2  }
0x254: {  	_ =	swait.ge [sflag:s31], $0x30E  }
0x255: {  	[sflag:s31] =	ssyncset.done $0x0  }
0x256: {  	[sflag:s31] =	ssyncadd.s32 $0xFFFFFCF2  }
0x257: {  	_ =	swait.ge [sflag:s31], $0x30E  }
0x258: {  	[sflag:s31] =	ssyncset.done $0x0  }
0x259: {  	[sflag:s31] =	ssyncadd.s32 $0xFFFFFCF2  }
0x25a: {  	_ =	swait.ge [sflag:s31], $0x30E  }
0x25b: {  	[sflag:s31] =	ssyncset.done $0x0  }
0x25c: {  	[sflag:s31] =	ssyncadd.s32 $0xFFFFFCF2  }
0x25d: {  	_ =	swait.ge [sflag:s31], $0x30E  }
0x25e: {  	[sflag:s31] =	ssyncset.done $0x0  }
0x25f: {  	[sflag:s31] =	ssyncadd.s32 $0xFFFFFCF2  }
0x260: {  	_ =	swait.ge [sflag:s31], $0x30E  }
0x261: {  	s23 =	sld [smem:$0x7E4]  }
0x262: {  	s28 =	sld [smem:$0x7F7];
	_ =	sdelay $0x1  }
0x263: {  	s11 =	sadd.s32 $0x1, s23  }
0x264: {  	p0 =	sne.s32 s11, s28  }
.Ltmp6:
0x265: {  	_ = 	snop;
	(pc) =	sbr.rel @p0 .LBB2_1-.Ltmp6, $3  }
0x266: {  	_ =	sdelay $0x1  }
0x267: {  	[sflag:s31] =	ssyncset.done $0x0  }
0x268: {  	[sflag:s31] =	ssyncadd.s32 $0xFFFFFCF2  }
0x269: {  	_ =	sfence.sel $0x180000  }
0x26a: {  	[bflag:$0x0] =	sbarrier.arrive $0xFFFF  }
0x26b: {  	_ =	strace $0x90000047  }
0x26c: {  	s0 =	stileid.u32;
	[bflag:$0x2] =	sbarrier.arrive $0xFFFF  }
0x26d: {  	p0 =	sne.s32 s0, $0x0;
	s0 =	rddreg [dreg:$0xa]  }
0x26e: {  	s0 =	sadd.s32 @!p0 $0x100000, s0  }
0x26f: {  	[sflag:s0] =	ssyncadd.tile.s32 @!p0 $0x1;
	_ =	shalt  }
.Lfunc_end2:
_tile_overlayer_lowered:
.L_overlay_start_2:
0x270: {  	(tag) =	ssettag $0x2  }
0x271: {  	s0 =	rddreg [dreg:$0x0];
	s2 =	stileid.u32  }
0x272: {  	s1 =	rddreg [dreg:$0x1];
	p0 =	sne.s32 s2, $0x0  }
0x273: {  	s3 =	rddreg [dreg:$0x2];
	[bflag:$0x3] =	sbarrier.arrive $0xFFFF;
	s2 =	simm.s32 @!p0 $0x1C07  }
0x274: {  	[timem:s3], [sflag:s2] =	dma.local @!p0 [hbm:s0], s1  }
0x275: {  	s0 =	simm.s32 @!p0 $0x7  }
0x276: {  	_ =	swait.ge @!p0 [sflag:s0], s1  }
0x277: {  	s1 =	ssub.s32 @!p0 $0x0, s1;
	[sflag:s0] =	ssyncset.done @!p0 $0x0  }
0x278: {  	[sflag:s0] =	ssyncadd.s32 @!p0 s1  }
0x279: {  	[bflag:$0x3] =	sbarrier.arrive $0xFFFF  }
0x27a: {  	_ =	shalt  }

// kernel: kernel.9.cloned.1.call-start
scs
__scs_entry_jumppad:
0x0: {  	(pc) =	sbr.rel $0x88, $3  }
0x1: {  	(tag) =	ssettag $0x0;
	lr =	simm.s32 $0x1  }
0x2: {  	[smem:$0x3F97] =	sst lr;
	_ =	strace $0xD0000000  }
0x3: {  	_ = 	snop  }
0x4: {  	_ = 	snop  }
0x5: {  	_ = 	snop  }
0x6: {  	_ = 	snop  }
0x7: {  	_ = 	snop  }
__scs_overlays_trampoline_lowered:
0x8: {  	[smem:$0x3FA6] =	sst s0  }
0x9: {  	[smem:$0x3FA7] =	sst s1  }
0xa: {  	[smem:$0x3FA8] =	sst s2  }
0xb: {  	[smem:$0x3FA9] =	sst s3  }
0xc: {  	[smem:$0x3FAA] =	sst s4  }
0xd: {  	[smem:$0x3FAB] =	sst s5  }
0xe: {  	[smem:$0x3FAC] =	sst s6  }
0xf: {  	[smem:$0x3FAD] =	sst s7  }
0x10: {  	[smem:$0x3FAE] =	sst s8  }
0x11: {  	[smem:$0x3FAF] =	sst s9;
	s0 =	simm.s32 @!p0 $0x0  }
0x12: {  	s1 =	sld [smem:$0x3F95];
	s0 =	simm.s32 @p0 $0x1  }
0x13: {  	[smem:$0x3FB0] =	sst s0;
	s0 =	simm.s32 @!p1 $0x0  }
0x14: {  	s2 =	sld [smem:$0x3F94];
	s0 =	simm.s32 @p1 $0x1  }
0x15: {  	[smem:$0x3FB1] =	sst s0;
	s0 =	simm.s32 @!p2 $0x0  }
0x16: {  	s3 =	sld [smem:$0x3FDB];
	s0 =	simm.s32 @p2 $0x1  }
0x17: {  	s4 =	simm.s32 $0x1BF5;
	[smem:$0x3FB3] =	sst s0  }
0x18: {  	s0 =	sld [smem:$0x3F96];
	_ =	swait.ge [sflag:s4], $0x0  }
0x19: {  	s7 =	sld [smem:$0x3F97]  }
0x1a: {  	s8 =	sadd.s32 $0xFFFFE003, lr  }
0x1b: {  	s9 =	sadd.s32 $0xFFFFFEF7, lr;
	s5 =	simm.s32 $0xFFFFFFFF;
	p2 =	slt.u32 s8, $0xFFFFF086  }
0x1c: {  	p1 =	slt.u32 s9, $0xF7A;
	s5 =	simm.s32 @!p2 $0x0  }
0x1d: {  	s5 =	simm.s32 @p1 $0x1;
	p0 =	seq.s32 s7, s2  }
0x1e: {  	s7 =	smul.u32 @!p0 $0xF7A, s2;
	p2 =	seq.s32 @!p0 s5, $0x0  }
0x1f: {  	s9 =	smul.u32 $0xF7A, s1;
	s8 =	simm.s32 @!p0 $0x1BF5;
	p2 =	por !p2, p0  }
0x20: {  	[sflag:s8] =	ssyncset.s32 @!p0 $0xFFFFF086;
	s6 =	sadd.s32 @!p0 s3, s7;
	s7 =	simm.s32 @!p0 $0x108  }
0x21: {  	s3 =	sadd.s32 s3, s9;
	s6 =	sadd.s32 @!p0 $0x88, s6;
	s7 =	simm.s32 @p2 $0x1082  }
0x22: {  	[simem:s7], [sflag:s8] =	dma.local @!p0 [hbm:s6], $0xF7A  }
0x23: {  	s9 =	sor.u32 $0xD0000000, s2;
	s6 =	simm.s32 $0x108;
	_ =	swait.ge @!p0 [sflag:s8], $0x0  }
0x24: {  	s3 =	sadd.s32 $0x88, s3;
	s6 =	simm.s32 @!p1 $0x1082;
	[sflag:s4] =	ssyncset.s32 $0xFFFFF086  }
0x25: {  	[simem:s6], [sflag:s4] =	dma.local [hbm:s3], $0xF7A  }
0x26: {  	[smem:$0x3F97] =	sst s1;
	(tag) =	ssettag s2;
	_ =	strace s9  }
0x27: {  	s1 =	sld [smem:$0x3FA7]  }
0x28: {  	s2 =	sld [smem:$0x3FA8]  }
0x29: {  	s4 =	sld [smem:$0x3FAA]  }
0x2a: {  	p0 =	seq.s32 s5, $0x0;
	s5 =	sld [smem:$0x3FAB]  }
0x2b: {  	s6 =	sld [smem:$0x3FAC]  }
0x2c: {  	s7 =	sld [smem:$0x3FAD]  }
0x2d: {  	s3 =	simm.s32 $0x108;
	s8 =	sld [smem:$0x3FAE]  }
0x2e: {  	s3 =	simm.s32 @!p0 $0x1082;
	s9 =	sld [smem:$0x3FAF]  }
0x2f: {  	lr =	sadd.s32 s0, s3;
	s0 =	sld [smem:$0x3FA6]  }
0x30: {  	s3 =	sld [smem:$0x3FA9]  }
0x31: {  	[smem:$0x3FB2] =	sst s10  }
0x32: {  	s10 =	sld [smem:$0x3FB0];
	_ =	sdelay $0x3  }
0x33: {  	p0 =	seq.s32 s10, $0x1;
	s10 =	sld [smem:$0x3FB2];
	_ =	sdelay $0x3  }
0x34: {  	[smem:$0x3FB2] =	sst s10  }
0x35: {  	s10 =	sld [smem:$0x3FB1];
	_ =	sdelay $0x3  }
0x36: {  	p1 =	seq.s32 s10, $0x1;
	s10 =	sld [smem:$0x3FB2];
	_ =	sdelay $0x3  }
0x37: {  	[smem:$0x3FB2] =	sst s10  }
0x38: {  	s10 =	sld [smem:$0x3FB3]  }
0x39: {  	_ = 	snop;
	(pc) =	sbr.ind lr, $3  }
0x3a: {  	_ = 	snop  }
0x3b: {  	_ = 	snop  }
0x3c: {  	p2 =	seq.s32 s10, $0x1;
	s10 =	sld [smem:$0x3FB2]  }
0x3d: {  	_ =	shalt  }
0x3e: {  	_ =	shalt  }
0x3f: {  	_ =	shalt  }
0x40: {  	_ =	shalt  }
0x41: {  	_ =	shalt  }
0x42: {  	_ =	shalt  }
0x43: {  	_ =	shalt  }
0x44: {  	_ =	shalt  }
0x45: {  	_ =	shalt  }
0x46: {  	_ =	shalt  }
0x47: {  	_ =	shalt  }
0x48: {  	_ =	shalt  }
0x49: {  	_ =	shalt  }
0x4a: {  	_ =	shalt  }
0x4b: {  	_ =	shalt  }
0x4c: {  	_ =	shalt  }
0x4d: {  	_ =	shalt  }
0x4e: {  	_ =	shalt  }
0x4f: {  	_ =	shalt  }
0x50: {  	_ =	shalt  }
0x51: {  	_ =	shalt  }
0x52: {  	_ =	shalt  }
0x53: {  	_ =	shalt  }
0x54: {  	_ =	shalt  }
0x55: {  	_ =	shalt  }
0x56: {  	_ =	shalt  }
0x57: {  	_ =	shalt  }
0x58: {  	_ =	shalt  }
0x59: {  	_ =	shalt  }
0x5a: {  	_ =	shalt  }
0x5b: {  	_ =	shalt  }
0x5c: {  	_ =	shalt  }
0x5d: {  	_ =	shalt  }
0x5e: {  	_ =	shalt  }
0x5f: {  	_ =	shalt  }
0x60: {  	_ =	shalt  }
0x61: {  	_ =	shalt  }
0x62: {  	_ =	shalt  }
0x63: {  	_ =	shalt  }
0x64: {  	_ =	shalt  }
0x65: {  	_ =	shalt  }
0x66: {  	_ =	shalt  }
0x67: {  	_ =	shalt  }
0x68: {  	_ =	shalt  }
0x69: {  	_ =	shalt  }
0x6a: {  	_ =	shalt  }
0x6b: {  	_ =	shalt  }
0x6c: {  	_ =	shalt  }
0x6d: {  	_ =	shalt  }
0x6e: {  	_ =	shalt  }
0x6f: {  	_ =	shalt  }
0x70: {  	_ =	shalt  }
0x71: {  	_ =	shalt  }
0x72: {  	_ =	shalt  }
0x73: {  	_ =	shalt  }
0x74: {  	_ =	shalt  }
0x75: {  	_ =	shalt  }
0x76: {  	_ =	shalt  }
0x77: {  	_ =	shalt  }
0x78: {  	_ =	shalt  }
0x79: {  	_ =	shalt  }
0x7a: {  	_ =	shalt  }
0x7b: {  	_ =	shalt  }
0x7c: {  	_ =	shalt  }
0x7d: {  	_ =	shalt  }
0x7e: {  	_ =	shalt  }
0x7f: {  	_ =	shalt  }
0x80: {  	_ =	shalt  }
0x81: {  	_ =	shalt  }
0x82: {  	_ =	shalt  }
0x83: {  	_ =	shalt  }
0x84: {  	_ =	shalt  }
0x85: {  	_ =	shalt  }
0x86: {  	_ =	shalt  }
0x87: {  	_ =	shalt  }
.Lfunc_end0:
.L_simem_size_0:
called_computation.1_lowered:
.L_overlay_start_0:
0x88: {  	s2 =	sld [smem:$0x3FD9]  }
0x89: {  	s3 =	sld [smem:$0x3FFE];
	_ =	sdelay $0x1  }
0x8a: {  	s1 =	srdreg.scid  }
0x8b: {  	s0 =	sand.u32 $0x1, s1  }
0x8c: {  	s16 =	sshll.u32 s0, $0xA;
	s2 =	sadd.s32 s3, s2  }
0x8d: {  	s2 =	sadd.s32 s2, s16  }
0x8e: {  	[smem:$0x3FBE] =	sst s2  }
0x8f: {  	_ = 	snop  }
0x90: {  	(tm) =	ssettm $0x1  }
0x91: {  	s17 =	sld [smem:$0x3FFB];
	_ =	sdelay $0x3  }
0x92: {  	_ =	strace s17  }
0x93: {  	s2 =	sld [smem:$0x3FFC];
	_ =	sdelay $0x3  }
0x94: {  	_ =	strace s2  }
0x95: {  	s2 =	sld [smem:$0x3FFD];
	_ =	sdelay $0x3  }
0x96: {  	_ =	strace s2  }
0x97: {  	_ =	strace $0x8FFFFFFF  }
0x98: {  	s18 =	sld [smem:$0x3FDB];
	_ =	sdelay $0x1  }
0x99: {  	s19 =	simm.s32 $_scs_section_size  }
0x9a: {  	s4 =	simm.s32 $_size__tile_overlayer_lowered;
	s5 =	simm.s32 $_tile_overlayer_lowered  }
0x9b: {  	s22 =	simm.s32 $0x1BFF;
	s21 =	sshll.u32 s5, $0x1;
	s2 =	sadd.s32 s19, s18  }
0x9c: {  	s6 =	simm.s32 $0x0;
	s20 =	sshll.u32 s4, $0x1;
	s4 =	sadd.s32 s21, s2  }
0x9d: {  	[timem:s6], [sflag:s22] =	dma.local [hbm:s4], s20  }
0x9e: {  	_ =	swait.ge [sflag:s22], s20  }
0x9f: {  	s3 =	ssub.s32 $0x0, s20;
	[sflag:s22] =	ssyncset.done $0x0  }
0xa0: {  	[sflag:s22] =	ssyncadd.s32 s3;
	_ =	sdelay $0x1  }
0xa1: {  	s23 =	simm.s32 $0x1B8B  }
0xa2: {  	_ =	swait.ge [sflag:s23], $0x1  }
0xa3: {  	[sflag:s23] =	ssyncset.done $0x0  }
0xa4: {  	s25 =	simm.s32 $0x1B8E;
	s24 =	sld [smem:$0x3FFE];
	[sflag:s23] =	ssyncadd.s32 $0xFFFFFFFF  }
0xa5: {  	s26 =	simm.s32 $execute0_lowered;
	[smem:$0x3FD2] =	sst s25  }
0xa6: {  	s4 =	sshll.u32 s26, $0x1;
	_ =	strace $0x80000049;
	[dreg:$0x1] =	wrdreg $0xFFFFFFFF  }
0xa7: {  	s28 =	simm.s32 $_size_execute0_lowered;
	s2 =	sadd.s32 s2, s4;
	[dreg:$0x0] =	wrdreg $0x0  }
0xa8: {  	s4 =	sshll.u32 s28, $0x1;
	[dreg:$0x2] =	wrdreg s2  }
0xa9: {  	[dreg:$0x3] =	wrdreg s4  }
0xaa: {  	[dreg:$0x4] =	wrdreg $0xC0  }
0xab: {  	_ =	task [dreg:s6], $0x5FFFF  }
0xac: {  	[dreg:$0x1] =	wrdreg $0xFFFFFFFF  }
0xad: {  	[dreg:$0x0] =	wrdreg $0x60  }
0xae: {  	[dreg:$0x2] =	wrdreg s24  }
0xaf: {  	[dreg:$0x3] =	wrdreg $0x0  }
0xb0: {  	[dreg:$0x4] =	wrdreg $0x18700  }
0xb1: {  	[dreg:$0x5] =	wrdreg $0x30E00  }
0xb2: {  	[dreg:$0x6] =	wrdreg $0x49500  }
0xb3: {  	[dreg:$0x7] =	wrdreg $0x61C00  }
0xb4: {  	[dreg:$0x8] =	wrdreg $0x7A300  }
0xb5: {  	[dreg:$0x9] =	wrdreg $0x9  }
0xb6: {  	_ =	task.clear_ibuf [dreg:s6], $0xAFFFF;
	_ =	strace $0x90000049  }
0xb7: {  	s29 =	simm.s32 $0x9;
	_ =	strace $0x8000004B  }
0xb8: {  	_ =	swait.ge [sflag:s29], $0x1  }
0xb9: {  	[sflag:s29] =	ssyncadd.s32 $0xFFFFFFFF  }
0xba: {  	_ =	strace $0x9000004B  }
0xbb: {  	_ =	sfence  }
0xbc: {  	s30 =	sld [smem:$0x0];
	_ =	sdelay $0x2  }
0xbd: {  	s31 =	sshll.u32 s1, $0xD;
	s1 =	sshrl.u32 s1, $0x2  }
0xbe: {  	s3 =	sand.u32 $0x4000, s31;
	s1 =	sadd.s32 s1, s30  }
0xbf: {  	s0 =	sor.u32 s3, s0;
	s1 =	sshll.u32 s1, $0x11  }
0xc0: {  	s0 =	sor.u32 s1, s0  }
0xc1: {  	s0 =	sadd.s32 $0x8F2B, s0  }
0xc2: {  	[sflag:s0] =	ssyncadd.remote.s32 $0x1  }
0xc3: {  	_ =	sfence.sel $0xFFFF  }
0xc4: {  	[dreg:$0x0] =	wrdreg $0xFFFFFFFF;
	(pc) =	sbr.abs _section_cstart, $3  }
0xc5: {  	[dreg:$0x1] =	wrdreg $0xFFFFFFFF  }
0xc6: {  	_ =	task.clear_ibuf [dreg:s6], $0x2FFFF;
	_ =	strace $0x9FFFFFFF  }
0xc7: {  	(tm) =	ssettm $0x7FFFFFFF  }
tec
execute0_lowered:
.L_overlay_start_1:
0x0: {  	(tag) =	ssettag $0x1  }
0x1: {  	s1 =	rddreg [dreg:$0x0]  }
0x2: {  	s0 =	rddreg [dreg:$0x1]  }
0x3: {  	s2 =	rddreg [dreg:$0x2]  }
0x4: {  	s4 =	rddreg [dreg:$0x3]  }
0x5: {  	s5 =	rddreg [dreg:$0x4]  }
0x6: {  	s6 =	rddreg [dreg:$0x5]  }
0x7: {  	s7 =	rddreg [dreg:$0x6];
	s20 =	stileid.u32  }
0x8: {  	s8 =	simm.s32 $0x0;
	s12 =	srdreg.scid;
	s3 =	smul.u32 $0x1870, s20  }
0x9: {  	[smem:$0x7FF] =	sst s8;
	s9 =	sadd.s32 $0x65C00, s1;
	s10 =	sadd.s32 $0x4000, s1  }
0xa: {  	s13 =	sadd.s32 $0xF4200, s1;
	s12 =	sand.u32 $0x1, s12;
	s14 =	sadd.s32 $0xD4000, s1  }
0xb: {  	s15 =	sadd.s32 $0xD7200, s1;
	s17 =	sadd.s32 $0xDA400, s1;
	s18 =	sadd.s32 $0xDD600, s1  }
0xc: {  	_ =	strace $0x8000004A;
	[dreg:$0x8] =	wrdreg s13;
	s13 =	sadd.s32 $0xD0E00, s1  }
0xd: {  	s16 =	ssub.s32 $0x2, s12;
	p0 =	seq.s32 s12, $0x1;
	s8 =	sshrl.u32 s3, $0x3  }
0xe: {  	s26 =	sadd.s32 $0x7D0, s3;
	s13 =	smov.u32 @p0 s17;
	s17 =	sadd.s32 s3, s5  }
0xf: {  	s19 =	sshrl.u32 s16, $0x1;
	s31 =	sadd.s32 s26, s5;
	[dreg:$0x15] =	wrdreg s17  }
0x10: {  	s16 =	ssub.s32 s16, s19;
	s19 =	sadd.s32 s26, s6;
	[dreg:$0xc] =	wrdreg s31  }
0x11: {  	s14 =	smov.u32 @p0 s18;
	s21 =	sadd.s32 s13, s8;
	[dreg:$0xd] =	wrdreg s19  }
0x12: {  	s11 =	sadd.s32 s8, s1;
	s22 =	sadd.s32 s14, s8;
	[dreg:$0xf] =	wrdreg s21  }
0x13: {  	s25 =	sshll.u32 s20, $0x1;
	s23 =	sadd.s32 $0xC7800, s11;
	[dreg:$0x10] =	wrdreg s22  }
0x14: {  	s20 =	sadd.s32 $0xFA0, s3;
	s24 =	sadd.s32 $0xCAA00, s11;
	[dreg:$0x9] =	wrdreg s23  }
0x15: {  	s1 =	sadd.s32 $0xE0800, s1;
	s11 =	sadd.s32 $0xCDC00, s11;
	[dreg:$0xa] =	wrdreg s24  }
0x16: {  	s15 =	smov.u32 @p0 s1;
	s1 =	sadd.s32 s20, s7;
	[dreg:$0xb] =	wrdreg s11  }
0x17: {  	s28 =	simm.s32 $0xD8F0;
	s22 =	sadd.s32 s3, s6;
	[dreg:$0x14] =	wrdreg s1  }
0x18: {  	s11 =	sor.u32 s12, s25;
	s12 =	sadd.s32 s26, s7;
	[dreg:$0x16] =	wrdreg s22  }
0x19: {  	s29 =	simm.s32 $0xE0C0;
	s8 =	sadd.s32 s15, s8;
	[dreg:$0xe] =	wrdreg s12  }
0x1a: {  	s13 =	sadd.s32 s3, s4;
	s23 =	sadd.s32 s20, s5;
	[dreg:$0x11] =	wrdreg s8  }
0x1b: {  	s24 =	sadd.s32 s20, s6;
	s1 =	sadd.s32 s3, s0;
	[dreg:$0x12] =	wrdreg s23  }
0x1c: {  	[dreg:$0x13] =	wrdreg s24;
	s8 =	sadd.s32 s3, s2;
	s1 =	sshrl.u32 s1, $0x3  }
0x1d: {  	s24 =	sadd.s32 s3, s7;
	s3 =	sadd.s32 $0x1770, s3;
	[smem:$0x7FB] =	sst s1  }
0x1e: {  	s30 =	simm.s32 $0x4;
	s26 =	sadd.s32 s3, s5;
	[dreg:$0x17] =	wrdreg s24  }
0x1f: {  	s25 =	smul.u32 $0x186A0, s11;
	s31 =	sadd.s32 s3, s6;
	[dreg:$0x18] =	wrdreg s26  }
0x20: {  	s15 =	smul.u32 $0x30D4, s11;
	s3 =	sadd.s32 s3, s7;
	[dreg:$0x19] =	wrdreg s31  }
0x21: {  	s14 =	simm.s32 $0x5;
	s18 =	smul.u32 $0x32, s11;
	[dreg:$0x1a] =	wrdreg s3  }
0x22: {  	s19 =	sshrl.u32 s25, $0x3;
	s20 =	sadd.s32 s9, s15;
	s21 =	sadd.s32 s10, s15  }
0x23: {  	s12 =	sadd.s32 $0x3, s18;
	s25 =	smax.u32 s16, $0x1;
	[dreg:$0x1b] =	wrdreg s20  }
0x24: {  	s26 =	sshrl.u32 s8, $0x3;
	s31 =	sshrl.u32 s13, $0x3;
	[dreg:$0x1c] =	wrdreg s21  }
0x25: {  	s3 =	simm.s32 $0xA240;
	s15 =	simm.s32 $0xE890;
	[dreg:$0x1f] =	wrdreg s25  }
0x26: {  	s8 =	simm.s32 $0x0;
	s11 =	sadd.s32 $0xFA, s19;
	[smem:$0x7FC] =	sst s26  }
0x27: {  	[smem:$0x7FD] =	sst s31;
	s19 =	simm.s32 $0x2;
	s23 =	sadd.s32 s9, s11  }
0x28: {  	s20 =	simm.s32 $0x1;
	s11 =	sadd.s32 s10, s11;
	[dreg:$0x1d] =	wrdreg s23  }
0x29: {  	s21 =	simm.s32 $0x11770;
	s25 =	simm.s32 $0x6;
	[dreg:$0x1e] =	wrdreg s11  }
0x2a: {  	v0 =	vimm.f32 $0.0e+00;
	v1 =	vimm.s32 $0x0;
	v2 =	vimm.s32 $0x1;
	s11 =	sadd.s32 $0x2, s18;
	s18 =	simm.s32 $0xC180;
	s23 =	simm.s32 $0x7D0  }
.LBB2_1:
0x2b: {  	[smem:$0x7FA] =	sst s8;
	s1 =	simm.s32 $0x0  }
0x2c: {  	s26 =	rddreg [dreg:$0x8];
	s13 =	simm.s32 $0x11F40;
	s31 =	simm.s32 $0x7  }
0x2d: {  	[tilespmem:s13], [sflag:$0x7] =	stream.linear.gather [hbm4b:s26+s1], $0x10, $0x38;
	[tilespmem:$0x11FC0] =	vst v63  }
0x2e: {  	_ =	swait.ge [sflag:s31], $0x10  }
0x2f: {  	[sflag:s31] =	ssyncset.done $0x0  }
0x30: {  	s8 =	simm.s32 $0x0;
	s1 =	simm.s32 $0x40;
	[sflag:s31] =	ssyncadd.s32 $0xFFFFFFF0  }
.LBB2_2:
0x31: {  	p0 =	sne.s32 s1, $0x1F00;
	[tilespmem:s8+$0xC180] =	vst v0;
	s8 =	smov.u32 s1;
	s1 =	sadd.s32 $0x40, s1  }
.Ltmp0:
0x32: {  	(pc) =	sbr.rel @p0 .LBB2_2-.Ltmp0, $2  }
0x33: {  	_ =	sdelay $0x2  }
0x34: {  	s8 =	sshra.s32 s8, $0x2  }
0x35: {  	s1 =	stileid.u32;
	s16 =	sld [smem:$0x7FB]  }
0x36: {  	s1 =	sshll.u32 s1, $0x6  }
0x37: {  	[tilespmem:s8+$0xC180] =	vst v0;
	s8 =	rddreg [dreg:$0x9];
	s13 =	sor.u32 $0x1C02, s1  }
0x38: {  	[spmem:s16], [sflag:s13] =	dma.local [hbm:s8], $0x30E  }
0x39: {  	s8 =	sld [smem:$0x7FC];
	_ =	sdelay $0x1  }
0x3a: {  	s1 =	rddreg [dreg:$0xa]  }
0x3b: {  	[spmem:s8], [sflag:s13] =	dma.local [hbm:s1], $0x30E  }
0x3c: {  	s8 =	sld [smem:$0x7FD]  }
0x3d: {  	[smem:$0x7F9] =	sst s13  }
0x3e: {  	s1 =	rddreg [dreg:$0xb]  }
0x3f: {  	[spmem:s8], [sflag:s13] =	dma.local [hbm:s1], $0x30E  }
0x40: {  	[spmem:s17] =	stream.linear.scatter [tilespmem:s18], [sflag:$0x1], $0x7D0, $0x38;
	[tilespmem:$0x11FC0] =	vst v63  }
0x41: {  	_ = 	snop  }
0x42: {  	[spmem:s22] =	stream.linear.scatter [tilespmem:s18], [sflag:$0x1], $0x7D0, $0x38;
	[tilespmem:$0x11FC0] =	vst v63  }
0x43: {  	_ = 	snop  }
0x44: {  	[spmem:s24] =	stream.linear.scatter [tilespmem:s18], [sflag:$0x1], $0x7D0, $0x38;
	[tilespmem:$0x11FC0] =	vst v63  }
0x45: {  	s1 =	rddreg [dreg:$0xc]  }
0x46: {  	[spmem:s1] =	stream.linear.scatter [tilespmem:s18], [sflag:$0x1], $0x7D0, $0x38;
	[tilespmem:$0x11FC0] =	vst v63  }
0x47: {  	s17 =	rddreg [dreg:$0xd]  }
0x48: {  	[spmem:s17] =	stream.linear.scatter [tilespmem:s18], [sflag:$0x1], $0x7D0, $0x38;
	[tilespmem:$0x11FC0] =	vst v63  }
0x49: {  	s22 =	rddreg [dreg:$0xe]  }
0x4a: {  	[spmem:s22] =	stream.linear.scatter [tilespmem:s18], [sflag:$0x1], $0x7D0, $0x38;
	[tilespmem:$0x11FC0] =	vst v63  }
0x4b: {  	s24 =	rddreg [dreg:$0x12]  }
0x4c: {  	[spmem:s24] =	stream.linear.scatter [tilespmem:s18], [sflag:$0x1], $0x7D0, $0x38;
	[tilespmem:$0x11FC0] =	vst v63  }
0x4d: {  	s26 =	rddreg [dreg:$0x13]  }
0x4e: {  	[spmem:s26] =	stream.linear.scatter [tilespmem:s18], [sflag:$0x1], $0x7D0, $0x38;
	[tilespmem:$0x11FC0] =	vst v63  }
0x4f: {  	s31 =	rddreg [dreg:$0x14]  }
0x50: {  	[spmem:s31] =	stream.linear.scatter [tilespmem:s18], [sflag:$0x1], $0x7D0, $0x38;
	[tilespmem:$0x11FC0] =	vst v63  }
0x51: {  	s8 =	rddreg [dreg:$0x18]  }
0x52: {  	[spmem:s8] =	stream.linear.scatter [tilespmem:s18], [sflag:$0x1], $0x100, $0x38;
	[tilespmem:$0x11FC0] =	vst v63  }
0x53: {  	s13 =	rddreg [dreg:$0x19]  }
0x54: {  	[spmem:s13] =	stream.linear.scatter [tilespmem:s18], [sflag:$0x1], $0x100, $0x38;
	[tilespmem:$0x11FC0] =	vst v63  }
0x55: {  	s16 =	rddreg [dreg:$0x1a]  }
0x56: {  	[spmem:s16] =	stream.linear.scatter [tilespmem:s18], [sflag:$0x1], $0x100, $0x38;
	[tilespmem:$0x11FC0] =	vst v63  }
0x57: {  	_ =	swait.ge [sflag:s19], $0x30E  }
0x58: {  	[sflag:s19] =	ssyncset.done $0x0  }
0x59: {  	[sflag:s19] =	ssyncadd.s32 $0xFFFFFCF2  }
0x5a: {  	_ =	swait.ge [sflag:s19], $0x30E  }
0x5b: {  	[sflag:s19] =	ssyncset.done $0x0  }
0x5c: {  	[sflag:s19] =	ssyncadd.s32 $0xFFFFFCF2  }
0x5d: {  	_ =	swait.ge [sflag:s19], $0x30E  }
0x5e: {  	[sflag:s19] =	ssyncset.done $0x0  }
0x5f: {  	[sflag:s19] =	ssyncadd.s32 $0xFFFFFCF2  }
0x60: {  	_ =	swait.ge [sflag:s20], $0x7D0  }
0x61: {  	[sflag:s20] =	ssyncset.done $0x0  }
0x62: {  	[sflag:s20] =	ssyncadd.s32 $0xFFFFF830  }
0x63: {  	_ =	swait.ge [sflag:s20], $0x7D0  }
0x64: {  	[sflag:s20] =	ssyncset.done $0x0  }
0x65: {  	[sflag:s20] =	ssyncadd.s32 $0xFFFFF830  }
0x66: {  	_ =	swait.ge [sflag:s20], $0x7D0  }
0x67: {  	[sflag:s20] =	ssyncset.done $0x0  }
0x68: {  	[sflag:s20] =	ssyncadd.s32 $0xFFFFF830  }
0x69: {  	_ =	swait.ge [sflag:s20], $0x7D0  }
0x6a: {  	[sflag:s20] =	ssyncset.done $0x0  }
0x6b: {  	[sflag:s20] =	ssyncadd.s32 $0xFFFFF830  }
0x6c: {  	_ =	swait.ge [sflag:s20], $0x7D0  }
0x6d: {  	[sflag:s20] =	ssyncset.done $0x0  }
0x6e: {  	[sflag:s20] =	ssyncadd.s32 $0xFFFFF830  }
0x6f: {  	_ =	swait.ge [sflag:s20], $0x7D0  }
0x70: {  	[sflag:s20] =	ssyncset.done $0x0  }
0x71: {  	[sflag:s20] =	ssyncadd.s32 $0xFFFFF830  }
0x72: {  	_ =	swait.ge [sflag:s20], $0x7D0  }
0x73: {  	[sflag:s20] =	ssyncset.done $0x0  }
0x74: {  	[sflag:s20] =	ssyncadd.s32 $0xFFFFF830  }
0x75: {  	_ =	swait.ge [sflag:s20], $0x7D0  }
0x76: {  	[sflag:s20] =	ssyncset.done $0x0  }
0x77: {  	[sflag:s20] =	ssyncadd.s32 $0xFFFFF830  }
0x78: {  	_ =	swait.ge [sflag:s20], $0x7D0  }
0x79: {  	[sflag:s20] =	ssyncset.done $0x0  }
0x7a: {  	[sflag:s20] =	ssyncadd.s32 $0xFFFFF830  }
0x7b: {  	_ =	swait.ge [sflag:s20], $0x100  }
0x7c: {  	[sflag:s20] =	ssyncset.done $0x0  }
0x7d: {  	[sflag:s20] =	ssyncadd.s32 $0xFFFFFF00  }
0x7e: {  	_ =	swait.ge [sflag:s20], $0x100  }
0x7f: {  	[sflag:s20] =	ssyncset.done $0x0  }
0x80: {  	[sflag:s20] =	ssyncadd.s32 $0xFFFFFF00  }
0x81: {  	_ =	swait.ge [sflag:s20], $0x100  }
0x82: {  	[sflag:s20] =	ssyncset.done $0x0  }
0x83: {  	[sflag:s20] =	ssyncadd.s32 $0xFFFFFF00  }
0x84: {  	[bflag:$0x0] =	sbarrier.arrive $0xFFFF  }
0x85: {  	s22 =	simm.s32 $0x92A0;
	s26 =	simm.s32 $0x0;
	s17 =	rddreg [dreg:$0x1b]  }
0x86: {  	v4 =	vld [tilespmem:$0x11F40];
	[tilespmem:s22], [sflag:$0x1] =	stream.linear.gather [hbm4b:s17+s26], $0x7D0, $0x38  }
0x87: {  	s31 =	simm.s32 $0x9A70;
	s24 =	rddreg [dreg:$0x1c]  }
0x88: {  	[tilespmem:s31], [sflag:$0x1] =	stream.linear.gather [hbm4b:s24+s26], $0x7D0, $0x38;
	[tilespmem:$0x11FC0] =	vst v63  }
0x89: {  	_ =	swait.ge [sflag:s20], $0x7D0  }
0x8a: {  	[sflag:s20] =	ssyncset.done $0x0  }
0x8b: {  	[sflag:s20] =	ssyncadd.s32 $0xFFFFF830  }
0x8c: {  	_ =	swait.ge [sflag:s20], $0x7D0  }
0x8d: {  	[sflag:s20] =	ssyncset.done $0x0  }
0x8e: {  	s16 =	simm.s32 $0xAA10;
	[sflag:s20] =	ssyncadd.s32 $0xFFFFF830  }
0x8f: {  	[tilespmem:s16], [sflag:$0x2] =	stream.indirect.gather [spmem:s0], $0x1, s22, s23, $0xb8;
	[tilespmem:$0x11FC0] =	vst v63  }
0x90: {  	s17 =	simm.s32 $0xB1E0  }
0x91: {  	[tilespmem:s17], [sflag:$0x2] =	stream.indirect.gather [spmem:s2], $0x1, s22, s23, $0xb8;
	[tilespmem:$0x11FC0] =	vst v63  }
0x92: {  	s22 =	simm.s32 $0xB9B0  }
0x93: {  	[tilespmem:s22], [sflag:$0x2] =	stream.indirect.gather [spmem:s4], $0x1, s31, s23, $0xb8;
	[tilespmem:$0x11FC0] =	vst v63  }
0x94: {  	s24 =	rddreg [dreg:$0x1d]  }
0x95: {  	[tilespmem:s28], [sflag:$0x4] =	stream.linear.gather [hbm4b:s24+s26], $0x7D0, $0x38;
	[tilespmem:$0x11FC0] =	vst v63  }
0x96: {  	v3 =	vperm.xlane v4, v1;
	s31 =	rddreg [dreg:$0x1e]  }
0x97: {  	v4 =	vperm.xlane v4, v2;
	[tilespmem:s29], [sflag:$0x4] =	stream.linear.gather [hbm4b:s31+s26], $0x7D0, $0x38;
	[tilespmem:$0x11FC0] =	vst v63  }
.LBB2_4:
0x98: {  	_ =	swait.ge [sflag:s30], $0x7D0  }
0x99: {  	[sflag:s30] =	ssyncset.done $0x0  }
0x9a: {  	[sflag:s30] =	ssyncadd.s32 $0xFFFFF830  }
0x9b: {  	_ =	swait.ge [sflag:s30], $0x7D0  }
0x9c: {  	[sflag:s30] =	ssyncset.done $0x0  }
0x9d: {  	s1 =	simm.s32 $0xF060;
	[sflag:s30] =	ssyncadd.s32 $0xFFFFF830  }
0x9e: {  	[tilespmem:s1], [sflag:$0x5] =	stream.indirect.gather [spmem:s0], $0x1, s28, s23, $0xb8;
	[tilespmem:$0x11FC0] =	vst v63  }
0x9f: {  	s24 =	simm.s32 $0xF830;
	p0 =	seq.s32 s26, $0x0  }
0xa0: {  	[tilespmem:s24], [sflag:$0x5] =	stream.indirect.gather [spmem:s2], $0x1, s28, s23, $0xb8;
	[tilespmem:$0x11FC0] =	vst v63  }
0xa1: {  	s31 =	simm.s32 $0x10000;
	s1 =	simm.s32 @!p0 $0x3  }
0xa2: {  	[tilespmem:s31], [sflag:$0x5] =	stream.indirect.gather [spmem:s4], $0x1, s29, s23, $0xb8;
	[tilespmem:$0x11FC0] =	vst v63  }
0xa3: {  	_ =	swait.ge @!p0 [sflag:s1], $0x7D0  }
0xa4: {  	[sflag:s1] =	ssyncset.done @!p0 $0x0  }
0xa5: {  	[sflag:s1] =	ssyncadd.s32 @!p0 $0xFFFFF830  }
0xa6: {  	_ =	swait.ge @!p0 [sflag:s1], $0x7D0  }
0xa7: {  	[sflag:s1] =	ssyncset.done @!p0 $0x0  }
0xa8: {  	[sflag:s1] =	ssyncadd.s32 @!p0 $0xFFFFF830  }
0xa9: {  	_ =	swait.ge @!p0 [sflag:s1], $0x7D0  }
0xaa: {  	[sflag:s1] =	ssyncset.done @!p0 $0x0  }
0xab: {  	[sflag:s1] =	ssyncadd.s32 @!p0 $0xFFFFF830  }
0xac: {  	_ =	swait.ge [sflag:s19], $0x7D0  }
0xad: {  	[sflag:s19] =	ssyncset.done $0x0  }
0xae: {  	[sflag:s19] =	ssyncadd.s32 $0xFFFFF830  }
0xaf: {  	_ =	swait.ge [sflag:s19], $0x7D0  }
0xb0: {  	[sflag:s19] =	ssyncset.done $0x0  }
0xb1: {  	[sflag:s19] =	ssyncadd.s32 $0xFFFFF830  }
0xb2: {  	_ =	swait.ge [sflag:s19], $0x7D0  }
0xb3: {  	[sflag:s19] =	ssyncset.done $0x0  }
0xb4: {  	s1 =	simm.s32 $0x0;
	[sflag:s19] =	ssyncadd.s32 $0xFFFFF830  }
0xb5: {  	s8 =	simm.s32 $0x40;
	s24 =	sshll.u32 s26, $0x1;
	v5 =	vld [tilespmem:s1+$0x9A70]  }
.LBB2_5:
0xb6: {  	p0 =	sne.s32 s8, $0x1F00  }
.Ltmp1:
0xb7: {  	_ = 	snop;
	(pc) =	sbr.rel @p0 .LBB2_5-.Ltmp1, $3  }
0xb8: {  	_ =	sdelay $0x1  }
0xb9: {  	[tilespmem:s1+$0xA240] =	vst v5;
	s1 =	sshra.s32 s8, $0x2;
	s8 =	sadd.s32 $0x40, s8  }
0xba: {  	v5 =	vld [tilespmem:s1+$0x9A70]  }
0xbb: {  	p0 =	seq.s32 s26, $0x18  }
0xbc: {  	s8 =	sadd.s32 @!p0 s24, s11  }
0xbd: {  	s8 =	smul.u32 @!p0 $0xFA, s8;
	_ =	sdelay $0x1  }
0xbe: {  	s13 =	simm.s32 @!p0 $0x0;
	s16 =	simm.s32 @!p0 $0x92A0;
	[tilespmem:s1+$0xA240] =	vst v5;
	s1 =	sadd.s32 @!p0 s9, s8  }
0xbf: {  	[tilespmem:s16], [sflag:$0x1] =	stream.linear.gather @!p0 [hbm4b:s1+s13], $0x7D0, $0x38;
	[tilespmem:$0x11FC0] =	vst v63  }
0xc0: {  	s1 =	sadd.s32 @!p0 s10, s8;
	s8 =	simm.s32 @!p0 $0x9A70  }
0xc1: {  	[tilespmem:s8], [sflag:$0x1] =	stream.linear.gather @!p0 [hbm4b:s1+s13], $0x7D0, $0x38;
	[tilespmem:$0x11FC0] =	vst v63  }
0xc2: {  	s8 =	simm.s32 $0x0  }
0xc3: {  	v14 =	vld [tilespmem:s8+$0xAA10]  }
0xc4: {  	v13 =	vld [tilespmem:s8+$0xB1E0];
	_ =	sdelay $0x3  }
0xc5: {  	v5 =	vld [tilespmem:s8+$0xB9B0]  }
0xc6: {  	v6 =	vmul.f32 v14, v3;
	v7 =	vmul.f32 v13, v4  }
0xc7: {  	s1 =	simm.s32 $0x10  }
0xc8: {  	v8 =	vld [tilespmem:s1+$0xB1E0];
	v7 =	vadd.f32 v7, v6  }
0xc9: {  	v6 =	vld [tilespmem:s1+$0xAA10]  }
0xca: {  	v9 =	vadd.f32 v7, v5  }
0xcb: {  	s31 =	simm.s32 $0x20;
	v12 =	vld [tilespmem:s1+$0xB9B0]  }
0xcc: {  	v5 =	vld [tilespmem:s31+$0xAA10];
	v10 =	vmul.f32 $9.999999770e-03, v9  }
0xcd: {  	v7 =	vld [tilespmem:s31+$0xB1E0];
	vm0 =	vgt.f32 v9, $0.0e+00  }
0xce: {  	v11 =	vmul.f32 v6, v3;
	v9 =	vsel vm0, v9, v10;
	v10 =	vmul.f32 v8, v4;
	_ =	sdelay $0x1  }
0xcf: {  	v11 =	vadd.f32 v10, v11  }
0xd0: {  	v16 =	vld [tilespmem:s31+$0xB9B0];
	v9 =	vmul.f32 $1.442695020e+00, v9  }
0xd1: {  	s13 =	simm.s32 $0x30;
	v15 =	vmul.f32 v5, v3;
	v17 =	vmul.f32 v7, v4;
	v11 =	vadd.f32 v11, v12  }
0xd2: {  	(erf) = vpow2.f32 v9;
	v9 =	vld [tilespmem:s13+$0xAA10]  }
0xd3: {  	v10 =	vld [tilespmem:s13+$0xB1E0];
	v12 =	vadd.f32 v17, v15;
	v15 =	vmul.f32 $9.999999770e-03, v11  }
0xd4: {  	vm14 =	vgt.f32 v11, $0.0e+00  }
0xd5: {  	v12 =	vadd.f32 v12, v16;
	v11 =	vsel vm14, v11, v15  }
0xd6: {  	v19 =	vmul.f32 $1.442695020e+00, v11  }
0xd7: {  	v16 =	vmul.f32 v9, v3;
	v18 =	vmul.f32 $9.999999770e-03, v12  }
0xd8: {  	s22 =	simm.s32 $0x40;
	v17 =	vld [tilespmem:s13+$0xB9B0];
	v15 =	vmul.f32 v10, v4;
	(erf) = vpow2.f32 v19  }
0xd9: {  	vm15 =	vgt.f32 v12, $0.0e+00;
	v11 =	vld [tilespmem:s22+$0xAA10]  }
0xda: {  	v20 =	vadd.f32 v15, v16;
	v15 =	vsel vm15, v12, v18;
	v12 =	vld [tilespmem:s22+$0xB1E0]  }
0xdb: {  	v18 =	vpop (erf)  }
0xdc: {  	v16 =	vmul.f32 $1.442695020e+00, v15;
	v15 =	vmul.f32 v18, v13  }
0xdd: {  	s16 =	simm.s32 $0x140;
	[tilespmem:s8+$0xC180] =	vst v18;
	v13 =	vadd.f32 v20, v17;
	v14 =	vmul.f32 v18, v14  }
.LBB2_7:
0xde: {  	s17 =	sshra.s32 s16, $0x2;
	v17 =	vmul.f32 v11, v3;
	v18 =	vld [tilespmem:s22+$0xB9B0];
	(erf) = vpow2.f32 v16;
	[tilespmem:s8+$0xD120] =	vst v15;
	v19 =	vmov v11;
	p1 =	sne.s32 s16, $0x1F00  }
.Ltmp2:
0xdf: {  	s16 =	sadd.s32 $0x40, s16;
	v11 =	vld [tilespmem:s17+$0xAA10];
	v15 =	vmul.f32 v12, v4;
	v16 =	vmul.f32 $9.999999770e-03, v13;
	[tilespmem:s8+$0xC950] =	vst v14;
	v14 =	vmov v12;
	(pc) =	sbr.rel @p1 .LBB2_7-.Ltmp2, $4  }
0xe0: {  	vm0 =	vgt.f32 v13, $0.0e+00;
	s8 =	smov.u32 s1;
	s1 =	smov.u32 s31;
	s31 =	smov.u32 s13;
	v12 =	vld [tilespmem:s17+$0xB1E0]  }
0xe1: {  	s13 =	smov.u32 s22;
	s22 =	smov.u32 s17;
	v17 =	vadd.f32 v15, v17;
	v13 =	vsel vm0, v13, v16;
	v20 =	vpop (erf)  }
0xe2: {  	v16 =	vmul.f32 $1.442695020e+00, v13;
	[tilespmem:s8+$0xC180] =	vst v20;
	v15 =	vmul.f32 v20, v8;
	v8 =	vmovc v7;
	v7 =	vmovc v10;
	v10 =	vmov v14  }
0xe3: {  	v14 =	vmul.f32 v20, v6;
	v6 =	vmovc v5;
	v5 =	vmovc v9;
	v9 =	vmov v19;
	v13 =	vadd.f32 v17, v18  }
0xe4: {  	v17 =	vld [tilespmem:s22+$0xB9B0]  }
0xe5: {  	v18 =	vmul.f32 v11, v3;
	v19 =	vmul.f32 v12, v4  }
0xe6: {  	(erf) = vpow2.f32 v16;
	v59 =	vmul.f32 $9.999999770e-03, v13  }
0xe7: {  	vm0 =	vgt.f32 v13, $0.0e+00;
	v18 =	vadd.f32 v19, v18  }
0xe8: {  	v13 =	vsel vm0, v13, v59  }
0xe9: {  	v13 =	vmul.f32 $1.442695020e+00, v13;
	v17 =	vadd.f32 v18, v17;
	_ =	sdelay $0x1  }
0xea: {  	(erf) = vpow2.f32 v13;
	v60 =	vmul.f32 $9.999999770e-03, v17  }
0xeb: {  	vm15 =	vgt.f32 v17, $0.0e+00  }
0xec: {  	v62 =	vpop (erf);
	v61 =	vsel vm15, v17, v60  }
0xed: {  	[tilespmem:s8+$0xD120] =	vst v15;
	v6 =	vmul.f32 v62, v6;
	v13 =	vmul.f32 $1.442695020e+00, v61  }
0xee: {  	[tilespmem:s8+$0xC950] =	vst v14;
	v63 =	vpop (erf)  }
0xef: {  	[tilespmem:s1+$0xC950] =	vst v6;
	v6 =	vmul.f32 v63, v7;
	(erf) = vpow2.f32 v13  }
0xf0: {  	v8 =	vmul.f32 v62, v8  }
0xf1: {  	[tilespmem:s1+$0xC180] =	vst v62  }
0xf2: {  	[tilespmem:s1+$0xD120] =	vst v8;
	v5 =	vmul.f32 v63, v5  }
0xf3: {  	[tilespmem:s31+$0xD120] =	vst v6;
	v6 =	vpop (erf)  }
0xf4: {  	[tilespmem:s31+$0xC950] =	vst v5;
	v5 =	vmul.f32 v6, v10;
	_ =	sdelay $0x1  }
0xf5: {  	[tilespmem:s31+$0xC180] =	vst v63  }
0xf6: {  	[tilespmem:s13+$0xC180] =	vst v6;
	v6 =	vmul.f32 v6, v9  }
0xf7: {  	[tilespmem:s13+$0xD120] =	vst v5;
	v5 =	vpop (erf)  }
0xf8: {  	[tilespmem:s13+$0xC950] =	vst v6;
	v6 =	vmul.f32 v5, v12  }
0xf9: {  	[tilespmem:s22+$0xC180] =	vst v5;
	v5 =	vmul.f32 v5, v11  }
0xfa: {  	[tilespmem:s22+$0xD120] =	vst v6  }
0xfb: {  	[tilespmem:s22+$0xC950] =	vst v5  }
0xfc: {  	[spmem:s5] =	stream.indirect.scatter.add.f32 [tilespmem:s18], [sflag:$0x3], $0x1, s3, s23, $0xb8;
	[tilespmem:$0x11FC0] =	vst v63  }
0xfd: {  	s22 =	simm.s32 $0xC950  }
0xfe: {  	[spmem:s6] =	stream.indirect.scatter.add.f32 [tilespmem:s22], [sflag:$0x3], $0x1, s3, s23, $0xb8;
	[tilespmem:$0x11FC0] =	vst v63  }
0xff: {  	s1 =	simm.s32 @!p0 $0x1;
	s31 =	simm.s32 $0xD120  }
0x100: {  	[spmem:s7] =	stream.indirect.scatter.add.f32 [tilespmem:s31], [sflag:$0x3], $0x1, s3, s23, $0xb8;
	[tilespmem:$0x11FC0] =	vst v63  }
0x101: {  	_ =	swait.ge @!p0 [sflag:s1], $0x7D0  }
0x102: {  	[sflag:s1] =	ssyncset.done @!p0 $0x0  }
0x103: {  	[sflag:s1] =	ssyncadd.s32 @!p0 $0xFFFFF830  }
0x104: {  	_ =	swait.ge @!p0 [sflag:s1], $0x7D0  }
0x105: {  	s8 =	simm.s32 @!p0 $0x92A0;
	[sflag:s1] =	ssyncset.done @!p0 $0x0  }
0x106: {  	s13 =	simm.s32 @!p0 $0xAA10;
	[sflag:s1] =	ssyncadd.s32 @!p0 $0xFFFFF830;
	s1 =	simm.s32 @!p0 $0x7D0  }
0x107: {  	[tilespmem:s13], [sflag:$0x2] =	stream.indirect.gather @!p0 [spmem:s0], $0x1, s8, s1, $0xb8;
	[tilespmem:$0x11FC0] =	vst v63  }
0x108: {  	p1 =	seq.s32 @!p0 s26, $0x0;
	s13 =	simm.s32 @!p0 $0xB1E0  }
0x109: {  	[tilespmem:s13], [sflag:$0x2] =	stream.indirect.gather @!p0 [spmem:s2], $0x1, s8, s1, $0xb8;
	[tilespmem:$0x11FC0] =	vst v63  }
0x10a: {  	p1 =	por p0, !p1;
	s8 =	simm.s32 @!p0 $0x9A70;
	s13 =	simm.s32 @!p0 $0xB9B0  }
0x10b: {  	[tilespmem:s13], [sflag:$0x2] =	stream.indirect.gather @!p0 [spmem:s4], $0x1, s8, s1, $0xb8;
	[tilespmem:$0x11FC0] =	vst v63  }
0x10c: {  	_ =	swait.ge @p1 [sflag:s25], $0x7D0  }
0x10d: {  	[sflag:s25] =	ssyncset.done @p1 $0x0  }
0x10e: {  	[sflag:s25] =	ssyncadd.s32 @p1 $0xFFFFF830  }
0x10f: {  	_ =	swait.ge @p1 [sflag:s25], $0x7D0  }
0x110: {  	[sflag:s25] =	ssyncset.done @p1 $0x0  }
0x111: {  	[sflag:s25] =	ssyncadd.s32 @p1 $0xFFFFF830  }
0x112: {  	_ =	swait.ge @p1 [sflag:s25], $0x7D0  }
0x113: {  	[sflag:s25] =	ssyncset.done @p1 $0x0  }
0x114: {  	[sflag:s25] =	ssyncadd.s32 @p1 $0xFFFFF830  }
0x115: {  	_ =	swait.ge [sflag:s14], $0x7D0  }
0x116: {  	[sflag:s14] =	ssyncset.done $0x0  }
0x117: {  	[sflag:s14] =	ssyncadd.s32 $0xFFFFF830  }
0x118: {  	_ =	swait.ge [sflag:s14], $0x7D0  }
0x119: {  	[sflag:s14] =	ssyncset.done $0x0  }
0x11a: {  	[sflag:s14] =	ssyncadd.s32 $0xFFFFF830  }
0x11b: {  	_ =	swait.ge [sflag:s14], $0x7D0  }
0x11c: {  	[sflag:s14] =	ssyncset.done $0x0  }
0x11d: {  	s1 =	simm.s32 $0x0;
	[sflag:s14] =	ssyncadd.s32 $0xFFFFF830  }
0x11e: {  	s8 =	simm.s32 $0x40;
	v5 =	vld [tilespmem:s1+$0xE0C0]  }
.LBB2_9:
0x11f: {  	p1 =	sne.s32 s8, $0x1F00  }
.Ltmp3:
0x120: {  	_ = 	snop;
	(pc) =	sbr.rel @p1 .LBB2_9-.Ltmp3, $3  }
0x121: {  	_ =	sdelay $0x1  }
0x122: {  	[tilespmem:s1+$0xE890] =	vst v5;
	s1 =	sshra.s32 s8, $0x2;
	s8 =	sadd.s32 $0x40, s8  }
0x123: {  	v5 =	vld [tilespmem:s1+$0xE0C0]  }
0x124: {  	_ = 	snop  }
0x125: {  	s8 =	sadd.s32 @!p0 s24, s12  }
0x126: {  	s8 =	smul.u32 @!p0 $0xFA, s8;
	_ =	sdelay $0x1  }
0x127: {  	s13 =	simm.s32 @!p0 $0x0;
	s16 =	simm.s32 @!p0 $0xD8F0;
	[tilespmem:s1+$0xE890] =	vst v5;
	s1 =	sadd.s32 @!p0 s9, s8  }
0x128: {  	[tilespmem:s16], [sflag:$0x4] =	stream.linear.gather @!p0 [hbm4b:s1+s13], $0x7D0, $0x38;
	[tilespmem:$0x11FC0] =	vst v63  }
0x129: {  	s1 =	sadd.s32 @!p0 s10, s8;
	s8 =	simm.s32 @!p0 $0xE0C0  }
0x12a: {  	[tilespmem:s8], [sflag:$0x4] =	stream.linear.gather @!p0 [hbm4b:s1+s13], $0x7D0, $0x38;
	[tilespmem:$0x11FC0] =	vst v63  }
0x12b: {  	s8 =	simm.s32 $0x0  }
0x12c: {  	v14 =	vld [tilespmem:s8+$0xF060]  }
0x12d: {  	v13 =	vld [tilespmem:s8+$0xF830];
	_ =	sdelay $0x3  }
0x12e: {  	v5 =	vld [tilespmem:s8+$0x10000]  }
0x12f: {  	v6 =	vmul.f32 v14, v3;
	v7 =	vmul.f32 v13, v4  }
0x130: {  	s1 =	simm.s32 $0x10  }
0x131: {  	v8 =	vld [tilespmem:s1+$0xF830];
	v7 =	vadd.f32 v7, v6  }
0x132: {  	v6 =	vld [tilespmem:s1+$0xF060]  }
0x133: {  	v9 =	vadd.f32 v7, v5  }
0x134: {  	s24 =	simm.s32 $0x20;
	v12 =	vld [tilespmem:s1+$0x10000]  }
0x135: {  	v5 =	vld [tilespmem:s24+$0xF060];
	v10 =	vmul.f32 $9.999999770e-03, v9  }
0x136: {  	v7 =	vld [tilespmem:s24+$0xF830];
	vm0 =	vgt.f32 v9, $0.0e+00  }
0x137: {  	v11 =	vmul.f32 v6, v3;
	v9 =	vsel vm0, v9, v10;
	v10 =	vmul.f32 v8, v4;
	_ =	sdelay $0x1  }
0x138: {  	v11 =	vadd.f32 v10, v11  }
0x139: {  	v16 =	vld [tilespmem:s24+$0x10000];
	v9 =	vmul.f32 $1.442695020e+00, v9  }
0x13a: {  	s13 =	simm.s32 $0x30;
	v15 =	vmul.f32 v5, v3;
	v17 =	vmul.f32 v7, v4;
	v11 =	vadd.f32 v11, v12  }
0x13b: {  	(erf) = vpow2.f32 v9;
	v9 =	vld [tilespmem:s13+$0xF060]  }
0x13c: {  	v10 =	vld [tilespmem:s13+$0xF830];
	v12 =	vadd.f32 v17, v15;
	v15 =	vmul.f32 $9.999999770e-03, v11  }
0x13d: {  	vm14 =	vgt.f32 v11, $0.0e+00  }
0x13e: {  	v12 =	vadd.f32 v12, v16;
	v11 =	vsel vm14, v11, v15  }
0x13f: {  	v19 =	vmul.f32 $1.442695020e+00, v11  }
0x140: {  	v16 =	vmul.f32 v9, v3;
	v18 =	vmul.f32 $9.999999770e-03, v12  }
0x141: {  	s22 =	simm.s32 $0x40;
	v17 =	vld [tilespmem:s13+$0x10000];
	v15 =	vmul.f32 v10, v4;
	(erf) = vpow2.f32 v19  }
0x142: {  	vm15 =	vgt.f32 v12, $0.0e+00;
	v11 =	vld [tilespmem:s22+$0xF060]  }
0x143: {  	v20 =	vadd.f32 v15, v16;
	v15 =	vsel vm15, v12, v18;
	v12 =	vld [tilespmem:s22+$0xF830]  }
0x144: {  	v18 =	vpop (erf)  }
0x145: {  	v16 =	vmul.f32 $1.442695020e+00, v15;
	v15 =	vmul.f32 v18, v13  }
0x146: {  	s16 =	simm.s32 $0x140;
	[tilespmem:s8+$0x107D0] =	vst v18;
	v13 =	vadd.f32 v20, v17;
	v14 =	vmul.f32 v18, v14  }
.LBB2_11:
0x147: {  	s17 =	sshra.s32 s16, $0x2;
	v17 =	vmul.f32 v11, v3;
	v18 =	vld [tilespmem:s22+$0x10000];
	(erf) = vpow2.f32 v16;
	[tilespmem:s8+$0x11770] =	vst v15;
	v19 =	vmov v11;
	p0 =	sne.s32 s16, $0x1F00  }
.Ltmp4:
0x148: {  	s16 =	sadd.s32 $0x40, s16;
	v11 =	vld [tilespmem:s17+$0xF060];
	v15 =	vmul.f32 v12, v4;
	v16 =	vmul.f32 $9.999999770e-03, v13;
	[tilespmem:s8+$0x10FA0] =	vst v14;
	v14 =	vmov v12;
	(pc) =	sbr.rel @p0 .LBB2_11-.Ltmp4, $4  }
0x149: {  	vm0 =	vgt.f32 v13, $0.0e+00;
	s8 =	smov.u32 s1;
	s1 =	smov.u32 s24;
	s24 =	smov.u32 s13;
	v12 =	vld [tilespmem:s17+$0xF830]  }
0x14a: {  	s13 =	smov.u32 s22;
	s22 =	smov.u32 s17;
	v17 =	vadd.f32 v15, v17;
	v13 =	vsel vm0, v13, v16;
	v20 =	vpop (erf)  }
0x14b: {  	v16 =	vmul.f32 $1.442695020e+00, v13;
	[tilespmem:s8+$0x107D0] =	vst v20;
	v15 =	vmul.f32 v20, v8;
	v8 =	vmovc v7;
	v7 =	vmovc v10;
	v10 =	vmov v14  }
0x14c: {  	v14 =	vmul.f32 v20, v6;
	v6 =	vmovc v5;
	v5 =	vmovc v9;
	v9 =	vmov v19;
	v13 =	vadd.f32 v17, v18  }
0x14d: {  	v17 =	vld [tilespmem:s22+$0x10000]  }
0x14e: {  	v18 =	vmul.f32 v11, v3;
	v19 =	vmul.f32 v12, v4  }
0x14f: {  	(erf) = vpow2.f32 v16;
	v59 =	vmul.f32 $9.999999770e-03, v13  }
0x150: {  	vm0 =	vgt.f32 v13, $0.0e+00;
	v18 =	vadd.f32 v19, v18  }
0x151: {  	v13 =	vsel vm0, v13, v59  }
0x152: {  	v13 =	vmul.f32 $1.442695020e+00, v13;
	v17 =	vadd.f32 v18, v17;
	_ =	sdelay $0x1  }
0x153: {  	(erf) = vpow2.f32 v13;
	v60 =	vmul.f32 $9.999999770e-03, v17  }
0x154: {  	vm15 =	vgt.f32 v17, $0.0e+00  }
0x155: {  	v62 =	vpop (erf);
	v61 =	vsel vm15, v17, v60  }
0x156: {  	[tilespmem:s8+$0x11770] =	vst v15;
	v6 =	vmul.f32 v62, v6;
	v13 =	vmul.f32 $1.442695020e+00, v61  }
0x157: {  	[tilespmem:s8+$0x10FA0] =	vst v14;
	v63 =	vpop (erf)  }
0x158: {  	[tilespmem:s1+$0x10FA0] =	vst v6;
	v6 =	vmul.f32 v63, v7;
	(erf) = vpow2.f32 v13  }
0x159: {  	v8 =	vmul.f32 v62, v8  }
0x15a: {  	[tilespmem:s1+$0x107D0] =	vst v62  }
0x15b: {  	[tilespmem:s1+$0x11770] =	vst v8;
	v5 =	vmul.f32 v63, v5  }
0x15c: {  	[tilespmem:s24+$0x11770] =	vst v6;
	v6 =	vpop (erf)  }
0x15d: {  	[tilespmem:s24+$0x10FA0] =	vst v5;
	v5 =	vmul.f32 v6, v10;
	_ =	sdelay $0x1  }
0x15e: {  	[tilespmem:s24+$0x107D0] =	vst v63  }
0x15f: {  	[tilespmem:s13+$0x107D0] =	vst v6;
	v6 =	vmul.f32 v6, v9  }
0x160: {  	[tilespmem:s13+$0x11770] =	vst v5;
	v5 =	vpop (erf)  }
0x161: {  	[tilespmem:s13+$0x10FA0] =	vst v6;
	v6 =	vmul.f32 v5, v12  }
0x162: {  	[tilespmem:s22+$0x107D0] =	vst v5;
	v5 =	vmul.f32 v5, v11  }
0x163: {  	s26 =	sadd.s32 $0x1, s26;
	[tilespmem:s22+$0x11770] =	vst v6  }
0x164: {  	p0 =	sne.s32 s26, $0x19;
	s24 =	simm.s32 $0x107D0;
	[tilespmem:s22+$0x10FA0] =	vst v5  }
0x165: {  	[spmem:s5] =	stream.indirect.scatter.add.f32 [tilespmem:s24], [sflag:$0x6], $0x1, s15, s23, $0xb8;
	[tilespmem:$0x11FC0] =	vst v63  }
.Ltmp5:
0x166: {  	_ = 	snop;
	(pc) =	sbr.rel @p0 .LBB2_4-.Ltmp5, $4  }
0x167: {  	s31 =	simm.s32 $0x10FA0  }
0x168: {  	[spmem:s6] =	stream.indirect.scatter.add.f32 [tilespmem:s31], [sflag:$0x6], $0x1, s15, s23, $0xb8;
	[tilespmem:$0x11FC0] =	vst v63  }
0x169: {  	_ = 	snop  }
0x16a: {  	[spmem:s7] =	stream.indirect.scatter.add.f32 [tilespmem:s21], [sflag:$0x6], $0x1, s15, s23, $0xb8;
	[tilespmem:$0x11FC0] =	vst v63  }
0x16b: {  	s1 =	simm.s32 $0x3  }
0x16c: {  	_ =	swait.ge [sflag:s1], $0x7D0  }
0x16d: {  	[sflag:s1] =	ssyncset.done $0x0  }
0x16e: {  	[sflag:s1] =	ssyncadd.s32 $0xFFFFF830  }
0x16f: {  	_ =	swait.ge [sflag:s1], $0x7D0  }
0x170: {  	[sflag:s1] =	ssyncset.done $0x0  }
0x171: {  	[sflag:s1] =	ssyncadd.s32 $0xFFFFF830  }
0x172: {  	_ =	swait.ge [sflag:s1], $0x7D0  }
0x173: {  	[sflag:s1] =	ssyncset.done $0x0  }
0x174: {  	[sflag:s1] =	ssyncadd.s32 $0xFFFFF830  }
0x175: {  	_ =	swait.ge [sflag:s25], $0x7D0  }
0x176: {  	[sflag:s25] =	ssyncset.done $0x0  }
0x177: {  	[sflag:s25] =	ssyncadd.s32 $0xFFFFF830  }
0x178: {  	_ =	swait.ge [sflag:s25], $0x7D0  }
0x179: {  	[sflag:s25] =	ssyncset.done $0x0  }
0x17a: {  	[sflag:s25] =	ssyncadd.s32 $0xFFFFF830  }
0x17b: {  	_ =	swait.ge [sflag:s25], $0x7D0  }
0x17c: {  	[sflag:s25] =	ssyncset.done $0x0  }
0x17d: {  	[sflag:s25] =	ssyncadd.s32 $0xFFFFF830  }
0x17e: {  	[bflag:$0x0] =	sbarrier.arrive $0xFFFF  }
0x17f: {  	s13 =	sld [smem:$0x7F9]  }
0x180: {  	s17 =	rddreg [dreg:$0x15]  }
0x181: {  	s8 =	rddreg [dreg:$0xf];
	s26 =	sshrl.u32 s17, $0x3  }
0x182: {  	[hbm:s8], [sflag:s13] =	dma.local [spmem:s26], $0x30E  }
0x183: {  	s22 =	rddreg [dreg:$0x16]  }
0x184: {  	s8 =	rddreg [dreg:$0x10];
	s31 =	sshrl.u32 s22, $0x3  }
0x185: {  	[hbm:s8], [sflag:s13] =	dma.local [spmem:s31], $0x30E  }
0x186: {  	s24 =	rddreg [dreg:$0x17]  }
0x187: {  	s8 =	rddreg [dreg:$0x11];
	s16 =	sshrl.u32 s24, $0x3  }
0x188: {  	[hbm:s8], [sflag:s13] =	dma.local [spmem:s16], $0x30E  }
0x189: {  	_ =	swait.ge [sflag:s19], $0x30E  }
0x18a: {  	[sflag:s19] =	ssyncset.done $0x0  }
0x18b: {  	[sflag:s19] =	ssyncadd.s32 $0xFFFFFCF2  }
0x18c: {  	_ =	swait.ge [sflag:s19], $0x30E  }
0x18d: {  	[sflag:s19] =	ssyncset.done $0x0  }
0x18e: {  	[sflag:s19] =	ssyncadd.s32 $0xFFFFFCF2  }
0x18f: {  	_ =	swait.ge [sflag:s19], $0x30E  }
0x190: {  	s26 =	sld [smem:$0x7FA];
	_ =	sdelay $0x2  }
0x191: {  	s31 =	rddreg [dreg:$0x1f];
	s8 =	sadd.s32 $0x1, s26  }
0x192: {  	p0 =	sne.s32 s8, s31  }
.Ltmp6:
0x193: {  	_ = 	snop;
	(pc) =	sbr.rel @p0 .LBB2_1-.Ltmp6, $3  }
0x194: {  	_ =	sdelay $0x1  }
0x195: {  	[sflag:s19] =	ssyncset.done $0x0  }
0x196: {  	[sflag:s19] =	ssyncadd.s32 $0xFFFFFCF2  }
0x197: {  	_ =	sfence.sel $0x180000  }
0x198: {  	[bflag:$0x0] =	sbarrier.arrive $0xFFFF  }
0x199: {  	_ =	strace $0x9000004A  }
0x19a: {  	s0 =	stileid.u32;
	[bflag:$0x2] =	sbarrier.arrive $0xFFFF  }
0x19b: {  	p0 =	sne.s32 s0, $0x0;
	s0 =	rddreg [dreg:$0x7]  }
0x19c: {  	s0 =	sadd.s32 @!p0 $0x100000, s0  }
0x19d: {  	[sflag:s0] =	ssyncadd.tile.s32 @!p0 $0x1;
	_ =	shalt  }
.Lfunc_end2:
_tile_overlayer_lowered:
.L_overlay_start_2:
0x19e: {  	(tag) =	ssettag $0x2  }
0x19f: {  	s0 =	rddreg [dreg:$0x0];
	s2 =	stileid.u32  }
0x1a0: {  	s1 =	rddreg [dreg:$0x1];
	p0 =	sne.s32 s2, $0x0  }
0x1a1: {  	s3 =	rddreg [dreg:$0x2];
	[bflag:$0x3] =	sbarrier.arrive $0xFFFF;
	s2 =	simm.s32 @!p0 $0x1C07  }
0x1a2: {  	[timem:s3], [sflag:s2] =	dma.local @!p0 [hbm:s0], s1  }
0x1a3: {  	s0 =	simm.s32 @!p0 $0x7  }
0x1a4: {  	_ =	swait.ge @!p0 [sflag:s0], s1  }
0x1a5: {  	s1 =	ssub.s32 @!p0 $0x0, s1;
	[sflag:s0] =	ssyncset.done @!p0 $0x0  }
0x1a6: {  	[sflag:s0] =	ssyncadd.s32 @!p0 s1  }
0x1a7: {  	[bflag:$0x3] =	sbarrier.arrive $0xFFFF  }
0x1a8: {  	_ =	shalt  }

</sc_bundles>
